<compile_context>
chip_gen: v7x
topology: tpu7x:2x2x1
jax: 0.10.2.dev20260603
libtpu: 0.0.44.dev20260713+nightly
codegen_flags: <defaults>
</compile_context>

<pallas_src>
import functools

import jax
import jax.numpy as jnp
from jax import lax
from jax.experimental import pallas as pl
from jax.experimental.pallas import tpu as pltpu
from jax.experimental.pallas import tpu_sc as plsc

N = 10000
E = 320000
H = 128
G = 64
NEG = 0.2
EPS = 1e-30

NBLK = 2000
NW = 32
EC = E // NW
BB = 80
NBATCH = EC // BB
RS = 632
RSL = N - 15 * RS


def _node_tail(h, as_ref, ad_ref, asrc_ref, adst_ref, M_ref, mx_ref, i):
    a_s = jnp.sum(h * as_ref[...], axis=1, keepdims=True)
    a_d = jnp.sum(h * ad_ref[...], axis=1, keepdims=True)
    asrc_ref[...] = a_s
    adst_ref[...] = a_d

    @pl.when(i == 0)
    def _():
        mx_ref[0] = jnp.max(a_s)
        mx_ref[1] = jnp.max(a_d)

    mx_ref[0] = jnp.maximum(mx_ref[0], jnp.max(a_s))
    mx_ref[1] = jnp.maximum(mx_ref[1], jnp.max(a_d))

    @pl.when(i == pl.num_programs(0) - 1)
    def _():
        M_ref[0] = jnp.maximum(mx_ref[0] + mx_ref[1], 0.0)


def _tca_body(x_ref, W_ref, as_ref, ad_ref,
              h_ref, asrc_ref, adst_ref, M_ref, mx_ref):
    i = pl.program_id(0)
    h = jnp.dot(x_ref[...], W_ref[...], preferred_element_type=jnp.float32)
    h_ref[...] = h
    _node_tail(h, as_ref, ad_ref, asrc_ref, adst_ref, M_ref, mx_ref, i)


def _tcb_body(U_ref, den_ref, b_ref, W_ref, as_ref, ad_ref,
              h_ref, asrc_ref, adst_ref, M_ref, mx_ref):
    i = pl.program_id(0)
    u = U_ref[0] + U_ref[1]
    den = den_ref[0] + den_ref[1]
    out = jnp.maximum(u / (den + EPS) + b_ref[...], 0.0)
    h = jnp.dot(out, W_ref[...], preferred_element_type=jnp.float32)
    h_ref[...] = h
    _node_tail(h, as_ref, ad_ref, asrc_ref, adst_ref, M_ref, mx_ref, i)


def _tcc_body(U_ref, den_ref, b_ref, batch_ref, Wf_ref, bf_ref,
              y_ref, acc_ref):
    i = pl.program_id(0)
    u = U_ref[0] + U_ref[1]
    den = den_ref[0] + den_ref[1]
    out = jnp.maximum(u / (den + EPS) + b_ref[...], 0.0)
    gids = lax.broadcasted_iota(jnp.int32, (NBLK, G), 1)
    mask = (batch_ref[...] == gids).astype(jnp.float32)

    @pl.when(i == 0)
    def _():
        acc_ref[...] = jnp.zeros_like(acc_ref)

    acc_ref[...] += lax.dot_general(mask, out, (((0,), (0,)), ((), ())),
                                    preferred_element_type=jnp.float32)

    @pl.when(i == pl.num_programs(0) - 1)
    def _():
        y_ref[...] = jnp.dot(acc_ref[...], Wf_ref[...],
                             preferred_element_type=jnp.float32) + bf_ref[0]


def _tc_node_first(x, W, a_s, a_d):
    return pl.pallas_call(
        _tca_body,
        grid=(N // NBLK,),
        in_specs=[
            pl.BlockSpec((NBLK, H), lambda i: (i, 0)),
            pl.BlockSpec((H, H), lambda i: (0, 0)),
            pl.BlockSpec((1, H), lambda i: (0, 0)),
            pl.BlockSpec((1, H), lambda i: (0, 0)),
        ],
        out_specs=[
            pl.BlockSpec((NBLK, H), lambda i: (i, 0)),
            pl.BlockSpec((NBLK, 1), lambda i: (i, 0)),
            pl.BlockSpec((NBLK, 1), lambda i: (i, 0)),
            pl.BlockSpec(memory_space=pltpu.SMEM),
        ],
        out_shape=[
            jax.ShapeDtypeStruct((N, H), jnp.float32),
            jax.ShapeDtypeStruct((N, 1), jnp.float32),
            jax.ShapeDtypeStruct((N, 1), jnp.float32),
            jax.ShapeDtypeStruct((1,), jnp.float32),
        ],
        scratch_shapes=[pltpu.SMEM((2,), jnp.float32)],
    )(x, W, a_s.reshape(1, H), a_d.reshape(1, H))


def _tc_node_mid(U, den, b, W, a_s, a_d):
    return pl.pallas_call(
        _tcb_body,
        grid=(N // NBLK,),
        in_specs=[
            pl.BlockSpec((2, NBLK, H), lambda i: (0, i, 0)),
            pl.BlockSpec((2, NBLK, 1), lambda i: (0, i, 0)),
            pl.BlockSpec((1, H), lambda i: (0, 0)),
            pl.BlockSpec((H, H), lambda i: (0, 0)),
            pl.BlockSpec((1, H), lambda i: (0, 0)),
            pl.BlockSpec((1, H), lambda i: (0, 0)),
        ],
        out_specs=[
            pl.BlockSpec((NBLK, H), lambda i: (i, 0)),
            pl.BlockSpec((NBLK, 1), lambda i: (i, 0)),
            pl.BlockSpec((NBLK, 1), lambda i: (i, 0)),
            pl.BlockSpec(memory_space=pltpu.SMEM),
        ],
        out_shape=[
            jax.ShapeDtypeStruct((N, H), jnp.float32),
            jax.ShapeDtypeStruct((N, 1), jnp.float32),
            jax.ShapeDtypeStruct((N, 1), jnp.float32),
            jax.ShapeDtypeStruct((1,), jnp.float32),
        ],
        scratch_shapes=[pltpu.SMEM((2,), jnp.float32)],
    )(U, den.reshape(2, N, 1), b.reshape(1, H), W,
      a_s.reshape(1, H), a_d.reshape(1, H))


def _tc_pool(U, den, b, batch, Wf, bf):
    return pl.pallas_call(
        _tcc_body,
        grid=(N // NBLK,),
        in_specs=[
            pl.BlockSpec((2, NBLK, H), lambda i: (0, i, 0)),
            pl.BlockSpec((2, NBLK, 1), lambda i: (0, i, 0)),
            pl.BlockSpec((1, H), lambda i: (0, 0)),
            pl.BlockSpec((NBLK, 1), lambda i: (i, 0)),
            pl.BlockSpec((H, 1), lambda i: (0, 0)),
            pl.BlockSpec(memory_space=pltpu.SMEM),
        ],
        out_specs=pl.BlockSpec((G, 1), lambda i: (0, 0)),
        out_shape=jax.ShapeDtypeStruct((G, 1), jnp.float32),
        scratch_shapes=[pltpu.VMEM((G, H), jnp.float32)],
    )(U, den.reshape(2, N, 1), b.reshape(1, H),
      batch.reshape(N, 1), Wf, bf)


@functools.partial(
    pl.kernel,
    out_type=(jax.ShapeDtypeStruct((2, N, H), jnp.float32),
              jax.ShapeDtypeStruct((2, N), jnp.float32)),
    mesh=plsc.VectorSubcoreMesh(core_axis_name="c", subcore_axis_name="s"),
    compiler_params=pltpu.CompilerParams(needs_layout_passes=False),
    scratch_types=[
        pltpu.VMEM_SHARED((N, H), jnp.float32),
        pltpu.VMEM_SHARED((N,), jnp.float32),
        pltpu.VMEM((N,), jnp.float32),
        pltpu.VMEM((N,), jnp.float32),
        pltpu.VMEM((2 * BB,), jnp.int32),
        pltpu.VMEM((2 * BB,), jnp.int32),
        pltpu.VMEM((BB,), jnp.int32),
        pltpu.VMEM((BB,), jnp.int32),
        pltpu.VMEM((BB,), jnp.float32),
        pltpu.VMEM((BB,), jnp.float32),
        pltpu.VMEM((BB, H), jnp.float32),
        pltpu.VMEM((BB, H), jnp.float32),
        pltpu.VMEM((16,), jnp.float32),
        pltpu.SemaphoreType.DMA,
        pltpu.SemaphoreType.DMA,
        pltpu.SemaphoreType.DMA,
        pltpu.SemaphoreType.DMA,
        pltpu.SemaphoreType.DMA,
        pltpu.SemaphoreType.DMA,
    ],
)
def _sc_edge(h_hbm, asrc_hbm, adst_hbm, m_hbm,
             sd2_hbm, zr_hbm, zd_hbm,
             U_out, den_out,
             U_sh, den_sh, asv, adv,
             sdb0, sdb1, dstb0, dstb1, exb0, exb1, rows0, rows1, m_v,
             gs0, gs1, us0, us1, dn0, dn1):
    cid = lax.axis_index("c")
    sid = lax.axis_index("s")
    wid = sid * 2 + cid

    @pl.when(sid < 15)
    def _():
        off = pl.multiple_of(sid * RS, 8)
        pltpu.sync_copy(zr_hbm.at[pl.ds(off, RS)], U_sh.at[pl.ds(off, RS)])

    @pl.when(sid == 15)
    def _():
        pltpu.sync_copy(zr_hbm.at[pl.ds(15 * RS, RSL)],
                        U_sh.at[pl.ds(15 * RS, RSL)])

    @pl.when(sid == 0)
    def _():
        pltpu.sync_copy(zd_hbm, den_sh)

    pltpu.sync_copy(asrc_hbm, asv)
    pltpu.sync_copy(adst_hbm, adv)
    pltpu.sync_copy(m_hbm, m_v)
    plsc.subcore_barrier()

    m = m_v[...]
    bufs = ((sdb0, dstb0, exb0, rows0, gs0, us0, dn0),
            (sdb1, dstb1, exb1, rows1, gs1, us1, dn1))

    def _prefetch(bn, buf, do_waits):
        sdb, dstb, exb, rows, gs, us, dn = buf

        @pl.when(do_waits)
        def _():
            pltpu.make_async_copy(rows, U_sh.at[dstb], us).wait()
            pltpu.make_async_copy(exb, den_sh.at[dstb], dn).wait()

        pltpu.sync_copy(sd2_hbm.at[wid * NBATCH + bn], sdb)
        for k in range(BB // 16):
            dstb[pl.ds(k * 16, 16)] = sdb[pl.ds(BB + k * 16, 16)]
        pltpu.async_copy(h_hbm.at[sdb.at[pl.ds(0, BB)]], rows, gs)

        @plsc.parallel_loop(0, BB // 16)
        def _(g):
            sidx = sdb[pl.ds(g * 16, 16)]
            didx = dstb[pl.ds(g * 16, 16)]
            a = plsc.load_gather(asv, [sidx]) + plsc.load_gather(adv, [didx])
            a = jnp.maximum(a, a * NEG)
            exb[pl.ds(g * 16, 16)] = jnp.exp(a - m)

        pltpu.async_copy(exb, den_sh.at[dstb], dn, add=True)

    def _process(buf):
        sdb, dstb, exb, rows, gs, us, dn = buf
        pltpu.make_async_copy(h_hbm.at[sdb.at[pl.ds(0, BB)]], rows, gs).wait()

        @plsc.parallel_loop(0, BB, unroll=8)
        def _(e):
            ev = plsc.load_gather(exb, [jnp.full((16,), e, jnp.int32)])
            for k in range(H // 16):
                rows[e, pl.ds(k * 16, 16)] = rows[e, pl.ds(k * 16, 16)] * ev

        pltpu.async_copy(rows, U_sh.at[dstb], us, add=True)

    _prefetch(0, bufs[0], False)

    @pl.loop(0, NBATCH)
    def _(b):
        even = b % 2 == 0
        more = b + 1 < NBATCH

        @pl.when(jnp.logical_and(even, more))
        def _():
            _prefetch(b + 1, bufs[1], b >= 1)

        @pl.when(jnp.logical_and(jnp.logical_not(even), more))
        def _():
            _prefetch(b + 1, bufs[0], b >= 1)

        @pl.when(even)
        def _():
            _process(bufs[0])

        @pl.when(jnp.logical_not(even))
        def _():
            _process(bufs[1])

    pltpu.make_async_copy(rows0, U_sh.at[dstb0], us0).wait()
    pltpu.make_async_copy(exb0, den_sh.at[dstb0], dn0).wait()
    pltpu.make_async_copy(rows1, U_sh.at[dstb1], us1).wait()
    pltpu.make_async_copy(exb1, den_sh.at[dstb1], dn1).wait()

    plsc.subcore_barrier()

    @pl.when(sid < 15)
    def _():
        off = pl.multiple_of(sid * RS, 8)
        pltpu.sync_copy(U_sh.at[pl.ds(off, RS)],
                        U_out.at[cid, pl.ds(off, RS)])

    @pl.when(sid == 15)
    def _():
        pltpu.sync_copy(U_sh.at[pl.ds(15 * RS, RSL)],
                        U_out.at[cid, pl.ds(15 * RS, RSL)])

    @pl.when(sid == 0)
    def _():
        pltpu.sync_copy(den_sh, den_out.at[cid])


def kernel(x, edge_index, batch, dense_edge_idx, W1, a_src1, a_dst1, b1,
           W2, a_src2, a_dst2, b2, Wf, bf):
    src2 = edge_index[0].reshape(E // BB, BB)
    dst2 = edge_index[1].reshape(E // BB, BB)
    sd2 = jnp.concatenate([src2, dst2], axis=1)
    zr = jnp.zeros((N, H), jnp.float32)
    zd = jnp.zeros((N,), jnp.float32)

    h1, asrc1, adst1, M1 = _tc_node_first(x, W1, a_src1, a_dst1)
    U1, den1 = _sc_edge(h1, asrc1.reshape(N), adst1.reshape(N),
                        jnp.broadcast_to(M1, (16,)), sd2, zr, zd)
    h2, asrc2, adst2, M2 = _tc_node_mid(U1, den1, b1, W2, a_src2, a_dst2)
    U2, den2 = _sc_edge(h2, asrc2.reshape(N), adst2.reshape(N),
                        jnp.broadcast_to(M2, (16,)), sd2, zr, zd)
    y = _tc_pool(U2, den2, b2, batch, Wf, bf.reshape(1))
    return y[:, 0]

# --- scband reference (transcript-rebuilt; emitter-appended) ---
"""Pipeline reference for scband-gnn-83047487635729 (READ-ONLY COPY).

The authoritative reference and input builder live on the scoring server;
editing this copy changes nothing except your own understanding.
"""

import jax, jax.numpy as jnp
import numpy as np

N = 10000
E = 320000
D = 128
H = 128
G = 64
NEG_SLOPE = 0.2


def setup_inputs(seed: int = 0) -> dict:
    key = jax.random.key(seed)
    ks = jax.random.split(key, 16)
    x = jax.random.normal(ks[0], (N, D), dtype=jnp.float32)
    edge_index = jax.random.randint(ks[1], (2, E), 0, N)
    batch = jnp.sort(jax.random.randint(ks[2], (N,), 0, G))
    dense_edge_idx = jax.random.randint(ks[3], (2, 128), 0, N)
    s1 = 1.0 / np.sqrt(D)
    s2 = 1.0 / np.sqrt(H)
    W1 = jax.random.normal(ks[4], (D, H), dtype=jnp.float32) * s1
    a_src1 = jax.random.normal(ks[5], (H,), dtype=jnp.float32) * s2
    a_dst1 = jax.random.normal(ks[6], (H,), dtype=jnp.float32) * s2
    b1 = jnp.zeros((H,), dtype=jnp.float32)
    W2 = jax.random.normal(ks[7], (H, H), dtype=jnp.float32) * s2
    a_src2 = jax.random.normal(ks[8], (H,), dtype=jnp.float32) * s2
    a_dst2 = jax.random.normal(ks[9], (H,), dtype=jnp.float32) * s2
    b2 = jnp.zeros((H,), dtype=jnp.float32)
    Wf = jax.random.normal(ks[10], (H, 1), dtype=jnp.float32) * s2
    bf = jnp.zeros((1,), dtype=jnp.float32)
    return {"x": x, "edge_index": edge_index, "batch": batch,
            "dense_edge_idx": dense_edge_idx,
            "W1": W1, "a_src1": a_src1, "a_dst1": a_dst1, "b1": b1,
            "W2": W2, "a_src2": a_src2, "a_dst2": a_dst2, "b2": b2,
            "Wf": Wf, "bf": bf}


def gat_conv(x, edge_index, W, a_src, a_dst, bias):
    # PyG GATConv, heads=1, concat=True, negative_slope=0.2
    h = x @ W                                  # [N, H]
    alpha_src = (h * a_src).sum(-1)            # [N]
    alpha_dst = (h * a_dst).sum(-1)            # [N]
    src = edge_index[0]
    dst = edge_index[1]
    alpha = alpha_src[src] + alpha_dst[dst]    # [E]
    alpha = jax.nn.leaky_relu(alpha, NEG_SLOPE)
    # softmax over incoming edges of each dst node
    amax = jax.ops.segment_max(alpha, dst, num_segments=N)
    amax = jnp.where(jnp.isfinite(amax), amax, 0.0)
    ex = jnp.exp(alpha - jax.lax.stop_gradient(amax)[dst])
    denom = jax.ops.segment_sum(ex, dst, num_segments=N)
    coef = ex / (denom[dst] + 1e-16)           # [E]
    msg = h[src] * coef[:, None]               # [E, H]
    out = jax.ops.segment_sum(msg, dst, num_segments=N)  # [N, H]
    return out + bias


def reference(x, edge_index, batch, dense_edge_idx,
              W1, a_src1, a_dst1, b1,
              W2, a_src2, a_dst2, b2,
              Wf, bf):
    h = gat_conv(x, edge_index, W1, a_src1, a_dst1, b1)
    h = jax.nn.relu(h)
    h = gat_conv(h, edge_index, W2, a_src2, a_dst2, b2)
    h = jax.nn.relu(h)
    pooled = jax.ops.segment_sum(h, batch, num_segments=G)  # [G, H]
    y = pooled @ Wf + bf                                    # [G, 1]
    return jnp.squeeze(y, axis=-1)                          # [G]

if __name__ == "__main__":
    import jax
    _d = setup_inputs()
    print(jax.jit(kernel)(*tuple(_d.values())))

</pallas_src>

<mosaic_0001>
#map = affine_map<(d0, d1) -> (0, 0)>
#map1 = affine_map<(d0, d1) -> (0)>
#map2 = affine_map<(d0, d1) -> (0, 0, 0)>
module attributes {stable_mosaic.version = 14 : i64} {
  func.func @_sc_edge(%arg0: i32, %arg1: i32, %arg2: memref<10000x128xf32, #tpu.memory_space<hbm>>, %arg3: memref<10000xf32, #tpu.memory_space<hbm>>, %arg4: memref<10000xf32, #tpu.memory_space<hbm>>, %arg5: memref<16xf32, #tpu.memory_space<hbm>>, %arg6: memref<4000x160xi32, #tpu.memory_space<hbm>>, %arg7: memref<10000x128xf32, #tpu.memory_space<hbm>>, %arg8: memref<10000xf32, #tpu.memory_space<hbm>>, %arg9: memref<2x10000x128xf32, #tpu.memory_space<hbm>>, %arg10: memref<2x10000xf32, #tpu.memory_space<hbm>>, %arg11: memref<10000x128xf32, #tpu.memory_space<vmem_shared>>, %arg12: memref<10000xf32, #tpu.memory_space<vmem_shared>>, %arg13: memref<10000xf32, #tpu.memory_space<vmem>>, %arg14: memref<10000xf32, #tpu.memory_space<vmem>>, %arg15: memref<160xi32, #tpu.memory_space<vmem>>, %arg16: memref<160xi32, #tpu.memory_space<vmem>>, %arg17: memref<80xi32, #tpu.memory_space<vmem>>, %arg18: memref<80xi32, #tpu.memory_space<vmem>>, %arg19: memref<80xf32, #tpu.memory_space<vmem>>, %arg20: memref<80xf32, #tpu.memory_space<vmem>>, %arg21: memref<80x128xf32, #tpu.memory_space<vmem>>, %arg22: memref<80x128xf32, #tpu.memory_space<vmem>>, %arg23: memref<16xf32, #tpu.memory_space<vmem>>, %arg24: memref<!tpu.dma_semaphore, #tpu.memory_space<semaphore_mem>>, %arg25: memref<!tpu.dma_semaphore, #tpu.memory_space<semaphore_mem>>, %arg26: memref<!tpu.dma_semaphore, #tpu.memory_space<semaphore_mem>>, %arg27: memref<!tpu.dma_semaphore, #tpu.memory_space<semaphore_mem>>, %arg28: memref<!tpu.dma_semaphore, #tpu.memory_space<semaphore_mem>>, %arg29: memref<!tpu.dma_semaphore, #tpu.memory_space<semaphore_mem>>) attributes {dimension_semantics = [#tpu.dimension_semantics<core_parallel>, #tpu.dimension_semantics<subcore_parallel>], iteration_bounds = array<i64: 2, 16>, scalar_prefetch = 0 : i64, scratch_operands = 19 : i64, tpu.core_type = #tpu.core_type<sc_vector_subcore>, window_params = [{transform_indices = #map}, {transform_indices = #map1}, {transform_indices = #map1}, {transform_indices = #map1}, {transform_indices = #map}, {transform_indices = #map}, {transform_indices = #map1}, {transform_indices = #map2}, {transform_indices = #map}]} {
    %mul3A = arith.constant 2 : i32
    %mul3A_0 = arith.muli %arg1, %mul3A : i32
    %add3A = arith.addi %mul3A_0, %arg0 : i32
    %lt3A = arith.constant 15 : i32
    %lt3A_1 = arith.cmpi slt, %arg1, %lt3A : i32
    %convert_element_type3A = arith.extui %lt3A_1 : i1 to i32
    %cond3A = arith.constant 0 : i32
    %cond3A_2 = arith.cmpi ne, %convert_element_type3A, %cond3A : i32
    scf.if %cond3A_2 {
      %mul3A_73 = arith.constant 632 : i32
      %mul3A_74 = arith.muli %arg1, %mul3A_73 : i32
      %multiple_of3A = tpu.assume_multiple %mul3A_74, 8 : i32
      "tpu.region"() ({
        %run_scoped3A = tpu.sem_alloc : memref<!tpu.dma_semaphore, #tpu.memory_space<semaphore_mem>>
        %dma_start3A_75 = arith.constant 0 : i32
        %dma_start3A_76 = tpu.memref_slice %arg11[%multiple_of3A, %dma_start3A_75] : memref<10000x128xf32, #tpu.memory_space<vmem_shared>> -> memref<632x128xf32, #tpu.memory_space<vmem_shared>>
        %dma_start3A_77 = arith.constant 0 : i32
        %dma_start3A_78 = tpu.memref_slice %arg7[%multiple_of3A, %dma_start3A_77] : memref<10000x128xf32, #tpu.memory_space<hbm>> -> memref<632x128xf32, #tpu.memory_space<hbm>>
        tpu.enqueue_dma source(%dma_start3A_78 : memref<632x128xf32, #tpu.memory_space<hbm>>) target(%dma_start3A_76 : memref<632x128xf32, #tpu.memory_space<vmem_shared>>) target_semaphore(%run_scoped3A : memref<!tpu.dma_semaphore, #tpu.memory_space<semaphore_mem>>)
        %dma_wait3A_79 = arith.constant 0 : i32
        %dma_wait3A_80 = tpu.memref_slice %arg11[%multiple_of3A, %dma_wait3A_79] : memref<10000x128xf32, #tpu.memory_space<vmem_shared>> -> memref<632x128xf32, #tpu.memory_space<vmem_shared>>
        %dma_wait3A_81 = arith.constant 0 : i32
        %dma_wait3A_82 = tpu.memref_slice %arg7[%multiple_of3A, %dma_wait3A_81] : memref<10000x128xf32, #tpu.memory_space<hbm>> -> memref<632x128xf32, #tpu.memory_space<hbm>>
        tpu.wait_dma2 semaphore(%run_scoped3A : memref<!tpu.dma_semaphore, #tpu.memory_space<semaphore_mem>>) src(%dma_wait3A_82 : memref<632x128xf32, #tpu.memory_space<hbm>>) dst(%dma_wait3A_80 : memref<632x128xf32, #tpu.memory_space<vmem_shared>>)
        tpu.yield
      }) : () -> ()
    } else {
    }
    %eq3A = arith.constant 15 : i32
    %eq3A_3 = arith.cmpi eq, %arg1, %eq3A : i32
    %convert_element_type3A_4 = arith.extui %eq3A_3 : i1 to i32
    %cond3A_5 = arith.constant 0 : i32
    %cond3A_6 = arith.cmpi ne, %convert_element_type3A_4, %cond3A_5 : i32
    scf.if %cond3A_6 {
      "tpu.region"() ({
        %run_scoped3A = tpu.sem_alloc : memref<!tpu.dma_semaphore, #tpu.memory_space<semaphore_mem>>
        %dma_start3A_73 = arith.constant 9480 : i32
        %dma_start3A_74 = arith.constant 0 : i32
        %dma_start3A_75 = tpu.memref_slice %arg11[%dma_start3A_73, %dma_start3A_74] : memref<10000x128xf32, #tpu.memory_space<vmem_shared>> -> memref<520x128xf32, #tpu.memory_space<vmem_shared>>
        %dma_start3A_76 = arith.constant 9480 : i32
        %dma_start3A_77 = arith.constant 0 : i32
        %dma_start3A_78 = tpu.memref_slice %arg7[%dma_start3A_76, %dma_start3A_77] : memref<10000x128xf32, #tpu.memory_space<hbm>> -> memref<520x128xf32, #tpu.memory_space<hbm>>
        tpu.enqueue_dma source(%dma_start3A_78 : memref<520x128xf32, #tpu.memory_space<hbm>>) target(%dma_start3A_75 : memref<520x128xf32, #tpu.memory_space<vmem_shared>>) target_semaphore(%run_scoped3A : memref<!tpu.dma_semaphore, #tpu.memory_space<semaphore_mem>>)
        %dma_wait3A_79 = arith.constant 9480 : i32
        %dma_wait3A_80 = arith.constant 0 : i32
        %dma_wait3A_81 = tpu.memref_slice %arg11[%dma_wait3A_79, %dma_wait3A_80] : memref<10000x128xf32, #tpu.memory_space<vmem_shared>> -> memref<520x128xf32, #tpu.memory_space<vmem_shared>>
        %dma_wait3A_82 = arith.constant 9480 : i32
        %dma_wait3A_83 = arith.constant 0 : i32
        %dma_wait3A_84 = tpu.memref_slice %arg7[%dma_wait3A_82, %dma_wait3A_83] : memref<10000x128xf32, #tpu.memory_space<hbm>> -> memref<520x128xf32, #tpu.memory_space<hbm>>
        tpu.wait_dma2 semaphore(%run_scoped3A : memref<!tpu.dma_semaphore, #tpu.memory_space<semaphore_mem>>) src(%dma_wait3A_84 : memref<520x128xf32, #tpu.memory_space<hbm>>) dst(%dma_wait3A_81 : memref<520x128xf32, #tpu.memory_space<vmem_shared>>)
        tpu.yield
      }) : () -> ()
    } else {
    }
    %eq3A_7 = arith.constant 0 : i32
    %eq3A_8 = arith.cmpi eq, %arg1, %eq3A_7 : i32
    %convert_element_type3A_9 = arith.extui %eq3A_8 : i1 to i32
    %cond3A_10 = arith.constant 0 : i32
    %cond3A_11 = arith.cmpi ne, %convert_element_type3A_9, %cond3A_10 : i32
    scf.if %cond3A_11 {
      "tpu.region"() ({
        %run_scoped3A = tpu.sem_alloc : memref<!tpu.dma_semaphore, #tpu.memory_space<semaphore_mem>>
        tpu.enqueue_dma source(%arg8 : memref<10000xf32, #tpu.memory_space<hbm>>) target(%arg12 : memref<10000xf32, #tpu.memory_space<vmem_shared>>) target_semaphore(%run_scoped3A : memref<!tpu.dma_semaphore, #tpu.memory_space<semaphore_mem>>)
        tpu.wait_dma2 semaphore(%run_scoped3A : memref<!tpu.dma_semaphore, #tpu.memory_space<semaphore_mem>>) src(%arg8 : memref<10000xf32, #tpu.memory_space<hbm>>) dst(%arg12 : memref<10000xf32, #tpu.memory_space<vmem_shared>>)
        tpu.yield
      }) : () -> ()
    } else {
    }
    "tpu.region"() ({
      %run_scoped3A = tpu.sem_alloc : memref<!tpu.dma_semaphore, #tpu.memory_space<semaphore_mem>>
      tpu.enqueue_dma source(%arg3 : memref<10000xf32, #tpu.memory_space<hbm>>) target(%arg13 : memref<10000xf32, #tpu.memory_space<vmem>>) target_semaphore(%run_scoped3A : memref<!tpu.dma_semaphore, #tpu.memory_space<semaphore_mem>>)
      tpu.wait_dma2 semaphore(%run_scoped3A : memref<!tpu.dma_semaphore, #tpu.memory_space<semaphore_mem>>) src(%arg3 : memref<10000xf32, #tpu.memory_space<hbm>>) dst(%arg13 : memref<10000xf32, #tpu.memory_space<vmem>>)
      tpu.yield
    }) : () -> ()
    "tpu.region"() ({
      %run_scoped3A = tpu.sem_alloc : memref<!tpu.dma_semaphore, #tpu.memory_space<semaphore_mem>>
      tpu.enqueue_dma source(%arg4 : memref<10000xf32, #tpu.memory_space<hbm>>) target(%arg14 : memref<10000xf32, #tpu.memory_space<vmem>>) target_semaphore(%run_scoped3A : memref<!tpu.dma_semaphore, #tpu.memory_space<semaphore_mem>>)
      tpu.wait_dma2 semaphore(%run_scoped3A : memref<!tpu.dma_semaphore, #tpu.memory_space<semaphore_mem>>) src(%arg4 : memref<10000xf32, #tpu.memory_space<hbm>>) dst(%arg14 : memref<10000xf32, #tpu.memory_space<vmem>>)
      tpu.yield
    }) : () -> ()
    "tpu.region"() ({
      %run_scoped3A = tpu.sem_alloc : memref<!tpu.dma_semaphore, #tpu.memory_space<semaphore_mem>>
      tpu.enqueue_dma source(%arg5 : memref<16xf32, #tpu.memory_space<hbm>>) target(%arg23 : memref<16xf32, #tpu.memory_space<vmem>>) target_semaphore(%run_scoped3A : memref<!tpu.dma_semaphore, #tpu.memory_space<semaphore_mem>>)
      tpu.wait_dma2 semaphore(%run_scoped3A : memref<!tpu.dma_semaphore, #tpu.memory_space<semaphore_mem>>) src(%arg5 : memref<16xf32, #tpu.memory_space<hbm>>) dst(%arg23 : memref<16xf32, #tpu.memory_space<vmem>>)
      tpu.yield
    }) : () -> ()
    %barrier3A = arith.constant 0 : index
    tpu.barrier barrier_id(%barrier3A)
    %get3A = arith.constant 0 : index
    %get3A_12 = tpu.vector_load %arg23[%get3A] {strides = array<i32>} : memref<16xf32, #tpu.memory_space<vmem>>, vector<16xf32>,
    %mul3A_13 = arith.constant 125 : i32
    %mul3A_14 = arith.muli %add3A, %mul3A_13 : i32
    %add3A_15 = arith.constant 0 : i32
    %add3A_16 = arith.addi %mul3A_14, %add3A_15 : i32
    "tpu.region"() ({
      %run_scoped3A = tpu.sem_alloc : memref<!tpu.dma_semaphore, #tpu.memory_space<semaphore_mem>>
      %dma_start3A_73 = arith.constant 0 : i32
      %dma_start3A_74 = tpu.memref_slice %arg6[%add3A_16, %dma_start3A_73] : memref<4000x160xi32, #tpu.memory_space<hbm>> -> memref<1x160xi32, #tpu.memory_space<hbm>>
      %dma_start3A_75 = tpu.memref_squeeze %dma_start3A_74 : memref<1x160xi32, #tpu.memory_space<hbm>> -> memref<160xi32, #tpu.memory_space<hbm>>
      %dma_start3A_76 = arith.constant 0 : i32
      %dma_start3A_77 = tpu.memref_slice %arg6[%add3A_16, %dma_start3A_76] : memref<4000x160xi32, #tpu.memory_space<hbm>> -> memref<1x160xi32, #tpu.memory_space<hbm>>
      %dma_start3A_78 = tpu.memref_squeeze %dma_start3A_77 : memref<1x160xi32, #tpu.memory_space<hbm>> -> memref<160xi32, #tpu.memory_space<hbm>>
      tpu.enqueue_dma source(%dma_start3A_78 : memref<160xi32, #tpu.memory_space<hbm>>) target(%arg15 : memref<160xi32, #tpu.memory_space<vmem>>) target_semaphore(%run_scoped3A : memref<!tpu.dma_semaphore, #tpu.memory_space<semaphore_mem>>)
      %dma_wait3A_79 = arith.constant 0 : i32
      %dma_wait3A_80 = tpu.memref_slice %arg6[%add3A_16, %dma_wait3A_79] : memref<4000x160xi32, #tpu.memory_space<hbm>> -> memref<1x160xi32, #tpu.memory_space<hbm>>
      %dma_wait3A_81 = tpu.memref_squeeze %dma_wait3A_80 : memref<1x160xi32, #tpu.memory_space<hbm>> -> memref<160xi32, #tpu.memory_space<hbm>>
      %dma_wait3A_82 = arith.constant 0 : i32
      %dma_wait3A_83 = tpu.memref_slice %arg6[%add3A_16, %dma_wait3A_82] : memref<4000x160xi32, #tpu.memory_space<hbm>> -> memref<1x160xi32, #tpu.memory_space<hbm>>
      %dma_wait3A_84 = tpu.memref_squeeze %dma_wait3A_83 : memref<1x160xi32, #tpu.memory_space<hbm>> -> memref<160xi32, #tpu.memory_space<hbm>>
      tpu.wait_dma2 semaphore(%run_scoped3A : memref<!tpu.dma_semaphore, #tpu.memory_space<semaphore_mem>>) src(%dma_wait3A_84 : memref<160xi32, #tpu.memory_space<hbm>>) dst(%arg15 : memref<160xi32, #tpu.memory_space<vmem>>)
      tpu.yield
    }) : () -> ()
    %get3A_17 = arith.constant 80 : index
    %get3A_18 = tpu.vector_load %arg15[%get3A_17] {strides = array<i32>} : memref<160xi32, #tpu.memory_space<vmem>>, vector<16xi32>,
    %swap3A = arith.constant 0 : index
    %swap3A_19 = tpu.vector_load %arg17[%swap3A] {strides = array<i32>} : memref<80xi32, #tpu.memory_space<vmem>>, vector<16xi32>,
    tpu.vector_store %arg17[%swap3A], %get3A_18 {strides = array<i32>} : memref<80xi32, #tpu.memory_space<vmem>>, vector<16xi32>,
    %get3A_20 = arith.constant 96 : index
    %get3A_21 = tpu.vector_load %arg15[%get3A_20] {strides = array<i32>} : memref<160xi32, #tpu.memory_space<vmem>>, vector<16xi32>,
    %swap3A_22 = arith.constant 16 : index
    %swap3A_23 = tpu.vector_load %arg17[%swap3A_22] {strides = array<i32>} : memref<80xi32, #tpu.memory_space<vmem>>, vector<16xi32>,
    tpu.vector_store %arg17[%swap3A_22], %get3A_21 {strides = array<i32>} : memref<80xi32, #tpu.memory_space<vmem>>, vector<16xi32>,
    %get3A_24 = arith.constant 112 : index
    %get3A_25 = tpu.vector_load %arg15[%get3A_24] {strides = array<i32>} : memref<160xi32, #tpu.memory_space<vmem>>, vector<16xi32>,
    %swap3A_26 = arith.constant 32 : index
    %swap3A_27 = tpu.vector_load %arg17[%swap3A_26] {strides = array<i32>} : memref<80xi32, #tpu.memory_space<vmem>>, vector<16xi32>,
    tpu.vector_store %arg17[%swap3A_26], %get3A_25 {strides = array<i32>} : memref<80xi32, #tpu.memory_space<vmem>>, vector<16xi32>,
    %get3A_28 = arith.constant 128 : index
    %get3A_29 = tpu.vector_load %arg15[%get3A_28] {strides = array<i32>} : memref<160xi32, #tpu.memory_space<vmem>>, vector<16xi32>,
    %swap3A_30 = arith.constant 48 : index
    %swap3A_31 = tpu.vector_load %arg17[%swap3A_30] {strides = array<i32>} : memref<80xi32, #tpu.memory_space<vmem>>, vector<16xi32>,
    tpu.vector_store %arg17[%swap3A_30], %get3A_29 {strides = array<i32>} : memref<80xi32, #tpu.memory_space<vmem>>, vector<16xi32>,
    %get3A_32 = arith.constant 144 : index
    %get3A_33 = tpu.vector_load %arg15[%get3A_32] {strides = array<i32>} : memref<160xi32, #tpu.memory_space<vmem>>, vector<16xi32>,
    %swap3A_34 = arith.constant 64 : index
    %swap3A_35 = tpu.vector_load %arg17[%swap3A_34] {strides = array<i32>} : memref<80xi32, #tpu.memory_space<vmem>>, vector<16xi32>,
    tpu.vector_store %arg17[%swap3A_34], %get3A_33 {strides = array<i32>} : memref<80xi32, #tpu.memory_space<vmem>>, vector<16xi32>,
    %dma_start3A = arith.constant 0 : i32
    %dma_start3A_36 = tpu.memref_slice %arg15[%dma_start3A] : memref<160xi32, #tpu.memory_space<vmem>> -> memref<80xi32, #tpu.memory_space<vmem>>
    %dma_start3A_37 = arith.constant 0 : i32
    %dma_start3A_38 = arith.constant 0 : i32
    %dma_start3A_39 = tpu.memref_slice %arg2[%dma_start3A_37, %dma_start3A_38] : memref<10000x128xf32, #tpu.memory_space<hbm>> -> memref<10000x128xf32, #tpu.memory_space<hbm>>
    tpu.enqueue_indirect_dma source(%dma_start3A_39 : memref<10000x128xf32, #tpu.memory_space<hbm>>) target(%arg21 : memref<80x128xf32, #tpu.memory_space<vmem>>) offsets(%dma_start3A_36 : memref<80xi32, #tpu.memory_space<vmem>>) semaphore(%arg24 : memref<!tpu.dma_semaphore, #tpu.memory_space<semaphore_mem>>)
    %parallel_loop3A = arith.constant 0 : i32
    %parallel_loop3A_40 = arith.constant 5 : i32
    %parallel_loop3A_41 = arith.constant 1 : i32
    scf.for %parallel_loop3A_73 = %parallel_loop3A to %parallel_loop3A_40 step %parallel_loop3A_41  : i32 {
      %parallel_loop3A_74 = arith.constant 16 : i32
      %parallel_loop3A_75 = arith.muli %parallel_loop3A_73, %parallel_loop3A_74 : i32
      %parallel_loop3A_76 = arith.index_cast %parallel_loop3A_75 : i32 to index
      %parallel_loop3A_77 = tpu.vector_load %arg15[%parallel_loop3A_76] {strides = array<i32>} : memref<160xi32, #tpu.memory_space<vmem>>, vector<16xi32>,
      %parallel_loop3A_78 = arith.constant 16 : i32
      %parallel_loop3A_79 = arith.muli %parallel_loop3A_73, %parallel_loop3A_78 : i32
      %parallel_loop3A_80 = arith.index_cast %parallel_loop3A_79 : i32 to index
      %parallel_loop3A_81 = tpu.vector_load %arg17[%parallel_loop3A_80] {strides = array<i32>} : memref<80xi32, #tpu.memory_space<vmem>>, vector<16xi32>,
      %parallel_loop3A_82 = tpu.vector_load_idx %arg13[%parallel_loop3A_77] : memref<10000xf32, #tpu.memory_space<vmem>>[vector<16xi32>], vector<16xf32>,
      %parallel_loop3A_83 = tpu.vector_load_idx %arg14[%parallel_loop3A_81] : memref<10000xf32, #tpu.memory_space<vmem>>[vector<16xi32>], vector<16xf32>,
      %parallel_loop3A_84 = arith.addf %parallel_loop3A_82, %parallel_loop3A_83 : vector<16xf32>
      %parallel_loop3A_85 = arith.constant 2.000000e-01 : f32
      %parallel_loop3A_86 = vector.broadcast %parallel_loop3A_85 : f32 to vector<16xf32>
      %parallel_loop3A_87 = arith.mulf %parallel_loop3A_84, %parallel_loop3A_86 : vector<16xf32>
      %parallel_loop3A_88 = arith.maximumf %parallel_loop3A_84, %parallel_loop3A_87 : vector<16xf32>
      %parallel_loop3A_89 = arith.subf %parallel_loop3A_88, %get3A_12 : vector<16xf32>
      %parallel_loop3A_90 = math.exp %parallel_loop3A_89 : vector<16xf32>
      %parallel_loop3A_91 = arith.constant 16 : i32
      %parallel_loop3A_92 = arith.muli %parallel_loop3A_73, %parallel_loop3A_91 : i32
      %parallel_loop3A_93 = arith.index_cast %parallel_loop3A_92 : i32 to index
      %parallel_loop3A_94 = tpu.vector_load %arg19[%parallel_loop3A_93] {strides = array<i32>} : memref<80xf32, #tpu.memory_space<vmem>>, vector<16xf32>,
      tpu.vector_store %arg19[%parallel_loop3A_93], %parallel_loop3A_90 {strides = array<i32>} : memref<80xf32, #tpu.memory_space<vmem>>, vector<16xf32>,
    } {sc.loop_unroll_factor = 1 : i64, sc.parallel_access}
    %dma_start3A_42 = arith.constant 0 : i32
    %dma_start3A_43 = tpu.memref_slice %arg12[%dma_start3A_42] : memref<10000xf32, #tpu.memory_space<vmem_shared>> -> memref<10000xf32, #tpu.memory_space<vmem_shared>>
    tpu.enqueue_indirect_dma source(%arg19 : memref<80xf32, #tpu.memory_space<vmem>>) target(%dma_start3A_43 : memref<10000xf32, #tpu.memory_space<vmem_shared>>) offsets(%arg17 : memref<80xi32, #tpu.memory_space<vmem>>) semaphore(%arg28 : memref<!tpu.dma_semaphore, #tpu.memory_space<semaphore_mem>>) {add = true}
    %scan3A = arith.constant 0 : i32
    %scan3A_44 = arith.constant 125 : i32
    %scan3A_45 = arith.addi %scan3A, %scan3A_44 : i32
    %scan3A_46 = arith.constant 1 : i32
    scf.for %scan3A_73 = %scan3A to %scan3A_45 step %scan3A_46  : i32 {
      %mul3A_74 = arith.constant 1 : i32
      %mul3A_75 = arith.muli %scan3A_73, %mul3A_74 : i32
      %add3A_76 = arith.constant 0 : i32
      %add3A_77 = arith.addi %add3A_76, %mul3A_75 : i32
      %jit3A = arith.constant 2 : i32
      %eq3A_78 = arith.constant 0 : i32
      %eq3A_79 = arith.cmpi eq, %jit3A, %eq3A_78 : i32
      %jit3A_80 = arith.constant 1 : i32
      %select_n3A = arith.select %eq3A_79, %jit3A_80, %jit3A : i32
      %rem3A = arith.remsi %add3A_77, %select_n3A : i32
      %ne3A = arith.constant 0 : i32
      %ne3A_81 = arith.cmpi ne, %rem3A, %ne3A : i32
      %lt3A_82 = arith.constant 0 : i32
      %lt3A_83 = arith.cmpi slt, %rem3A, %lt3A_82 : i32
      %lt3A_84 = arith.constant 0 : i32
      %lt3A_85 = arith.cmpi slt, %select_n3A, %lt3A_84 : i32
      %ne3A_86 = arith.xori %lt3A_83, %lt3A_85 : i1
      %and3A = arith.andi %ne3A_86, %ne3A_81 : i1
      %add3A_87 = arith.addi %rem3A, %select_n3A : i32
      %select_n3A_88 = arith.select %and3A, %add3A_87, %rem3A : i32
      %eq3A_89 = arith.constant 0 : i32
      %eq3A_90 = arith.cmpi eq, %select_n3A_88, %eq3A_89 : i32
      %add3A_91 = arith.constant 1 : i32
      %add3A_92 = arith.addi %add3A_77, %add3A_91 : i32
      %lt3A_93 = arith.constant 125 : i32
      %lt3A_94 = arith.cmpi slt, %add3A_92, %lt3A_93 : i32
      %and3A_95 = arith.andi %eq3A_90, %lt3A_94 : i1
      %convert_element_type3A_96 = arith.extui %and3A_95 : i1 to i32
      %cond3A_97 = arith.constant 0 : i32
      %cond3A_98 = arith.cmpi ne, %convert_element_type3A_96, %cond3A_97 : i32
      scf.if %cond3A_98 {
        %add3A_112 = arith.constant 1 : i32
        %add3A_113 = arith.addi %add3A_77, %add3A_112 : i32
        %ge3A = arith.constant 1 : i32
        %ge3A_114 = arith.cmpi sge, %add3A_77, %ge3A : i32
        %convert_element_type3A_115 = arith.extui %ge3A_114 : i1 to i32
        %cond3A_116 = arith.constant 0 : i32
        %cond3A_117 = arith.cmpi ne, %convert_element_type3A_115, %cond3A_116 : i32
        scf.if %cond3A_117 {
          %dma_wait3A_151 = arith.constant 0 : i32
          %dma_wait3A_152 = arith.constant 0 : i32
          %dma_wait3A_153 = tpu.memref_slice %arg11[%dma_wait3A_151, %dma_wait3A_152] : memref<10000x128xf32, #tpu.memory_space<vmem_shared>> -> memref<10000x128xf32, #tpu.memory_space<vmem_shared>>
          tpu.wait_indirect_dma semaphore(%arg27 : memref<!tpu.dma_semaphore, #tpu.memory_space<semaphore_mem>>) src(%arg22 : memref<80x128xf32, #tpu.memory_space<vmem>>) dst(%dma_wait3A_153 : memref<10000x128xf32, #tpu.memory_space<vmem_shared>>)
          %dma_wait3A_154 = arith.constant 0 : i32
          %dma_wait3A_155 = tpu.memref_slice %arg12[%dma_wait3A_154] : memref<10000xf32, #tpu.memory_space<vmem_shared>> -> memref<10000xf32, #tpu.memory_space<vmem_shared>>
          tpu.wait_indirect_dma semaphore(%arg29 : memref<!tpu.dma_semaphore, #tpu.memory_space<semaphore_mem>>) src(%arg20 : memref<80xf32, #tpu.memory_space<vmem>>) dst(%dma_wait3A_155 : memref<10000xf32, #tpu.memory_space<vmem_shared>>)
        } else {
        }
        %mul3A_118 = arith.constant 125 : i32
        %mul3A_119 = arith.muli %add3A, %mul3A_118 : i32
        %add3A_120 = arith.addi %mul3A_119, %add3A_113 : i32
        "tpu.region"() ({
          %run_scoped3A = tpu.sem_alloc : memref<!tpu.dma_semaphore, #tpu.memory_space<semaphore_mem>>
          %dma_start3A_151 = arith.constant 0 : i32
          %dma_start3A_152 = tpu.memref_slice %arg6[%add3A_120, %dma_start3A_151] : memref<4000x160xi32, #tpu.memory_space<hbm>> -> memref<1x160xi32, #tpu.memory_space<hbm>>
          %dma_start3A_153 = tpu.memref_squeeze %dma_start3A_152 : memref<1x160xi32, #tpu.memory_space<hbm>> -> memref<160xi32, #tpu.memory_space<hbm>>
          %dma_start3A_154 = arith.constant 0 : i32
          %dma_start3A_155 = tpu.memref_slice %arg6[%add3A_120, %dma_start3A_154] : memref<4000x160xi32, #tpu.memory_space<hbm>> -> memref<1x160xi32, #tpu.memory_space<hbm>>
          %dma_start3A_156 = tpu.memref_squeeze %dma_start3A_155 : memref<1x160xi32, #tpu.memory_space<hbm>> -> memref<160xi32, #tpu.memory_space<hbm>>
          tpu.enqueue_dma source(%dma_start3A_156 : memref<160xi32, #tpu.memory_space<hbm>>) target(%arg16 : memref<160xi32, #tpu.memory_space<vmem>>) target_semaphore(%run_scoped3A : memref<!tpu.dma_semaphore, #tpu.memory_space<semaphore_mem>>)
          %dma_wait3A_157 = arith.constant 0 : i32
          %dma_wait3A_158 = tpu.memref_slice %arg6[%add3A_120, %dma_wait3A_157] : memref<4000x160xi32, #tpu.memory_space<hbm>> -> memref<1x160xi32, #tpu.memory_space<hbm>>
          %dma_wait3A_159 = tpu.memref_squeeze %dma_wait3A_158 : memref<1x160xi32, #tpu.memory_space<hbm>> -> memref<160xi32, #tpu.memory_space<hbm>>
          %dma_wait3A_160 = arith.constant 0 : i32
          %dma_wait3A_161 = tpu.memref_slice %arg6[%add3A_120, %dma_wait3A_160] : memref<4000x160xi32, #tpu.memory_space<hbm>> -> memref<1x160xi32, #tpu.memory_space<hbm>>
          %dma_wait3A_162 = tpu.memref_squeeze %dma_wait3A_161 : memref<1x160xi32, #tpu.memory_space<hbm>> -> memref<160xi32, #tpu.memory_space<hbm>>
          tpu.wait_dma2 semaphore(%run_scoped3A : memref<!tpu.dma_semaphore, #tpu.memory_space<semaphore_mem>>) src(%dma_wait3A_162 : memref<160xi32, #tpu.memory_space<hbm>>) dst(%arg16 : memref<160xi32, #tpu.memory_space<vmem>>)
          tpu.yield
        }) : () -> ()
        %get3A_121 = arith.constant 80 : index
        %get3A_122 = tpu.vector_load %arg16[%get3A_121] {strides = array<i32>} : memref<160xi32, #tpu.memory_space<vmem>>, vector<16xi32>,
        %swap3A_123 = arith.constant 0 : index
        %swap3A_124 = tpu.vector_load %arg18[%swap3A_123] {strides = array<i32>} : memref<80xi32, #tpu.memory_space<vmem>>, vector<16xi32>,
        tpu.vector_store %arg18[%swap3A_123], %get3A_122 {strides = array<i32>} : memref<80xi32, #tpu.memory_space<vmem>>, vector<16xi32>,
        %get3A_125 = arith.constant 96 : index
        %get3A_126 = tpu.vector_load %arg16[%get3A_125] {strides = array<i32>} : memref<160xi32, #tpu.memory_space<vmem>>, vector<16xi32>,
        %swap3A_127 = arith.constant 16 : index
        %swap3A_128 = tpu.vector_load %arg18[%swap3A_127] {strides = array<i32>} : memref<80xi32, #tpu.memory_space<vmem>>, vector<16xi32>,
        tpu.vector_store %arg18[%swap3A_127], %get3A_126 {strides = array<i32>} : memref<80xi32, #tpu.memory_space<vmem>>, vector<16xi32>,
        %get3A_129 = arith.constant 112 : index
        %get3A_130 = tpu.vector_load %arg16[%get3A_129] {strides = array<i32>} : memref<160xi32, #tpu.memory_space<vmem>>, vector<16xi32>,
        %swap3A_131 = arith.constant 32 : index
        %swap3A_132 = tpu.vector_load %arg18[%swap3A_131] {strides = array<i32>} : memref<80xi32, #tpu.memory_space<vmem>>, vector<16xi32>,
        tpu.vector_store %arg18[%swap3A_131], %get3A_130 {strides = array<i32>} : memref<80xi32, #tpu.memory_space<vmem>>, vector<16xi32>,
        %get3A_133 = arith.constant 128 : index
        %get3A_134 = tpu.vector_load %arg16[%get3A_133] {strides = array<i32>} : memref<160xi32, #tpu.memory_space<vmem>>, vector<16xi32>,
        %swap3A_135 = arith.constant 48 : index
        %swap3A_136 = tpu.vector_load %arg18[%swap3A_135] {strides = array<i32>} : memref<80xi32, #tpu.memory_space<vmem>>, vector<16xi32>,
        tpu.vector_store %arg18[%swap3A_135], %get3A_134 {strides = array<i32>} : memref<80xi32, #tpu.memory_space<vmem>>, vector<16xi32>,
        %get3A_137 = arith.constant 144 : index
        %get3A_138 = tpu.vector_load %arg16[%get3A_137] {strides = array<i32>} : memref<160xi32, #tpu.memory_space<vmem>>, vector<16xi32>,
        %swap3A_139 = arith.constant 64 : index
        %swap3A_140 = tpu.vector_load %arg18[%swap3A_139] {strides = array<i32>} : memref<80xi32, #tpu.memory_space<vmem>>, vector<16xi32>,
        tpu.vector_store %arg18[%swap3A_139], %get3A_138 {strides = array<i32>} : memref<80xi32, #tpu.memory_space<vmem>>, vector<16xi32>,
        %dma_start3A_141 = arith.constant 0 : i32
        %dma_start3A_142 = tpu.memref_slice %arg16[%dma_start3A_141] : memref<160xi32, #tpu.memory_space<vmem>> -> memref<80xi32, #tpu.memory_space<vmem>>
        %dma_start3A_143 = arith.constant 0 : i32
        %dma_start3A_144 = arith.constant 0 : i32
        %dma_start3A_145 = tpu.memref_slice %arg2[%dma_start3A_143, %dma_start3A_144] : memref<10000x128xf32, #tpu.memory_space<hbm>> -> memref<10000x128xf32, #tpu.memory_space<hbm>>
        tpu.enqueue_indirect_dma source(%dma_start3A_145 : memref<10000x128xf32, #tpu.memory_space<hbm>>) target(%arg22 : memref<80x128xf32, #tpu.memory_space<vmem>>) offsets(%dma_start3A_142 : memref<80xi32, #tpu.memory_space<vmem>>) semaphore(%arg25 : memref<!tpu.dma_semaphore, #tpu.memory_space<semaphore_mem>>)
        %parallel_loop3A_146 = arith.constant 0 : i32
        %parallel_loop3A_147 = arith.constant 5 : i32
        %parallel_loop3A_148 = arith.constant 1 : i32
        scf.for %parallel_loop3A_151 = %parallel_loop3A_146 to %parallel_loop3A_147 step %parallel_loop3A_148  : i32 {
          %parallel_loop3A_152 = arith.constant 16 : i32
          %parallel_loop3A_153 = arith.muli %parallel_loop3A_151, %parallel_loop3A_152 : i32
          %parallel_loop3A_154 = arith.index_cast %parallel_loop3A_153 : i32 to index
          %parallel_loop3A_155 = tpu.vector_load %arg16[%parallel_loop3A_154] {strides = array<i32>} : memref<160xi32, #tpu.memory_space<vmem>>, vector<16xi32>,
          %parallel_loop3A_156 = arith.constant 16 : i32
          %parallel_loop3A_157 = arith.muli %parallel_loop3A_151, %parallel_loop3A_156 : i32
          %parallel_loop3A_158 = arith.index_cast %parallel_loop3A_157 : i32 to index
          %parallel_loop3A_159 = tpu.vector_load %arg18[%parallel_loop3A_158] {strides = array<i32>} : memref<80xi32, #tpu.memory_space<vmem>>, vector<16xi32>,
          %parallel_loop3A_160 = tpu.vector_load_idx %arg13[%parallel_loop3A_155] : memref<10000xf32, #tpu.memory_space<vmem>>[vector<16xi32>], vector<16xf32>,
          %parallel_loop3A_161 = tpu.vector_load_idx %arg14[%parallel_loop3A_159] : memref<10000xf32, #tpu.memory_space<vmem>>[vector<16xi32>], vector<16xf32>,
          %parallel_loop3A_162 = arith.addf %parallel_loop3A_160, %parallel_loop3A_161 : vector<16xf32>
          %parallel_loop3A_163 = arith.constant 2.000000e-01 : f32
          %parallel_loop3A_164 = vector.broadcast %parallel_loop3A_163 : f32 to vector<16xf32>
          %parallel_loop3A_165 = arith.mulf %parallel_loop3A_162, %parallel_loop3A_164 : vector<16xf32>
          %parallel_loop3A_166 = arith.maximumf %parallel_loop3A_162, %parallel_loop3A_165 : vector<16xf32>
          %parallel_loop3A_167 = arith.subf %parallel_loop3A_166, %get3A_12 : vector<16xf32>
          %parallel_loop3A_168 = math.exp %parallel_loop3A_167 : vector<16xf32>
          %parallel_loop3A_169 = arith.constant 16 : i32
          %parallel_loop3A_170 = arith.muli %parallel_loop3A_151, %parallel_loop3A_169 : i32
          %parallel_loop3A_171 = arith.index_cast %parallel_loop3A_170 : i32 to index
          %parallel_loop3A_172 = tpu.vector_load %arg20[%parallel_loop3A_171] {strides = array<i32>} : memref<80xf32, #tpu.memory_space<vmem>>, vector<16xf32>,
          tpu.vector_store %arg20[%parallel_loop3A_171], %parallel_loop3A_168 {strides = array<i32>} : memref<80xf32, #tpu.memory_space<vmem>>, vector<16xf32>,
        } {sc.loop_unroll_factor = 1 : i64, sc.parallel_access}
        %dma_start3A_149 = arith.constant 0 : i32
        %dma_start3A_150 = tpu.memref_slice %arg12[%dma_start3A_149] : memref<10000xf32, #tpu.memory_space<vmem_shared>> -> memref<10000xf32, #tpu.memory_space<vmem_shared>>
        tpu.enqueue_indirect_dma source(%arg20 : memref<80xf32, #tpu.memory_space<vmem>>) target(%dma_start3A_150 : memref<10000xf32, #tpu.memory_space<vmem_shared>>) offsets(%arg18 : memref<80xi32, #tpu.memory_space<vmem>>) semaphore(%arg29 : memref<!tpu.dma_semaphore, #tpu.memory_space<semaphore_mem>>) {add = true}
      } else {
      }
      %not3A = arith.constant true
      %not3A_99 = arith.xori %eq3A_90, %not3A : i1
      %and3A_100 = arith.andi %not3A_99, %lt3A_94 : i1
      %convert_element_type3A_101 = arith.extui %and3A_100 : i1 to i32
      %cond3A_102 = arith.constant 0 : i32
      %cond3A_103 = arith.cmpi ne, %convert_element_type3A_101, %cond3A_102 : i32
      scf.if %cond3A_103 {
        %add3A_112 = arith.constant 1 : i32
        %add3A_113 = arith.addi %add3A_77, %add3A_112 : i32
        %ge3A = arith.constant 1 : i32
        %ge3A_114 = arith.cmpi sge, %add3A_77, %ge3A : i32
        %convert_element_type3A_115 = arith.extui %ge3A_114 : i1 to i32
        %cond3A_116 = arith.constant 0 : i32
        %cond3A_117 = arith.cmpi ne, %convert_element_type3A_115, %cond3A_116 : i32
        scf.if %cond3A_117 {
          %dma_wait3A_151 = arith.constant 0 : i32
          %dma_wait3A_152 = arith.constant 0 : i32
          %dma_wait3A_153 = tpu.memref_slice %arg11[%dma_wait3A_151, %dma_wait3A_152] : memref<10000x128xf32, #tpu.memory_space<vmem_shared>> -> memref<10000x128xf32, #tpu.memory_space<vmem_shared>>
          tpu.wait_indirect_dma semaphore(%arg26 : memref<!tpu.dma_semaphore, #tpu.memory_space<semaphore_mem>>) src(%arg21 : memref<80x128xf32, #tpu.memory_space<vmem>>) dst(%dma_wait3A_153 : memref<10000x128xf32, #tpu.memory_space<vmem_shared>>)
          %dma_wait3A_154 = arith.constant 0 : i32
          %dma_wait3A_155 = tpu.memref_slice %arg12[%dma_wait3A_154] : memref<10000xf32, #tpu.memory_space<vmem_shared>> -> memref<10000xf32, #tpu.memory_space<vmem_shared>>
          tpu.wait_indirect_dma semaphore(%arg28 : memref<!tpu.dma_semaphore, #tpu.memory_space<semaphore_mem>>) src(%arg19 : memref<80xf32, #tpu.memory_space<vmem>>) dst(%dma_wait3A_155 : memref<10000xf32, #tpu.memory_space<vmem_shared>>)
        } else {
        }
        %mul3A_118 = arith.constant 125 : i32
        %mul3A_119 = arith.muli %add3A, %mul3A_118 : i32
        %add3A_120 = arith.addi %mul3A_119, %add3A_113 : i32
        "tpu.region"() ({
          %run_scoped3A = tpu.sem_alloc : memref<!tpu.dma_semaphore, #tpu.memory_space<semaphore_mem>>
          %dma_start3A_151 = arith.constant 0 : i32
          %dma_start3A_152 = tpu.memref_slice %arg6[%add3A_120, %dma_start3A_151] : memref<4000x160xi32, #tpu.memory_space<hbm>> -> memref<1x160xi32, #tpu.memory_space<hbm>>
          %dma_start3A_153 = tpu.memref_squeeze %dma_start3A_152 : memref<1x160xi32, #tpu.memory_space<hbm>> -> memref<160xi32, #tpu.memory_space<hbm>>
          %dma_start3A_154 = arith.constant 0 : i32
          %dma_start3A_155 = tpu.memref_slice %arg6[%add3A_120, %dma_start3A_154] : memref<4000x160xi32, #tpu.memory_space<hbm>> -> memref<1x160xi32, #tpu.memory_space<hbm>>
          %dma_start3A_156 = tpu.memref_squeeze %dma_start3A_155 : memref<1x160xi32, #tpu.memory_space<hbm>> -> memref<160xi32, #tpu.memory_space<hbm>>
          tpu.enqueue_dma source(%dma_start3A_156 : memref<160xi32, #tpu.memory_space<hbm>>) target(%arg15 : memref<160xi32, #tpu.memory_space<vmem>>) target_semaphore(%run_scoped3A : memref<!tpu.dma_semaphore, #tpu.memory_space<semaphore_mem>>)
          %dma_wait3A_157 = arith.constant 0 : i32
          %dma_wait3A_158 = tpu.memref_slice %arg6[%add3A_120, %dma_wait3A_157] : memref<4000x160xi32, #tpu.memory_space<hbm>> -> memref<1x160xi32, #tpu.memory_space<hbm>>
          %dma_wait3A_159 = tpu.memref_squeeze %dma_wait3A_158 : memref<1x160xi32, #tpu.memory_space<hbm>> -> memref<160xi32, #tpu.memory_space<hbm>>
          %dma_wait3A_160 = arith.constant 0 : i32
          %dma_wait3A_161 = tpu.memref_slice %arg6[%add3A_120, %dma_wait3A_160] : memref<4000x160xi32, #tpu.memory_space<hbm>> -> memref<1x160xi32, #tpu.memory_space<hbm>>
          %dma_wait3A_162 = tpu.memref_squeeze %dma_wait3A_161 : memref<1x160xi32, #tpu.memory_space<hbm>> -> memref<160xi32, #tpu.memory_space<hbm>>
          tpu.wait_dma2 semaphore(%run_scoped3A : memref<!tpu.dma_semaphore, #tpu.memory_space<semaphore_mem>>) src(%dma_wait3A_162 : memref<160xi32, #tpu.memory_space<hbm>>) dst(%arg15 : memref<160xi32, #tpu.memory_space<vmem>>)
          tpu.yield
        }) : () -> ()
        %get3A_121 = arith.constant 80 : index
        %get3A_122 = tpu.vector_load %arg15[%get3A_121] {strides = array<i32>} : memref<160xi32, #tpu.memory_space<vmem>>, vector<16xi32>,
        %swap3A_123 = arith.constant 0 : index
        %swap3A_124 = tpu.vector_load %arg17[%swap3A_123] {strides = array<i32>} : memref<80xi32, #tpu.memory_space<vmem>>, vector<16xi32>,
        tpu.vector_store %arg17[%swap3A_123], %get3A_122 {strides = array<i32>} : memref<80xi32, #tpu.memory_space<vmem>>, vector<16xi32>,
        %get3A_125 = arith.constant 96 : index
        %get3A_126 = tpu.vector_load %arg15[%get3A_125] {strides = array<i32>} : memref<160xi32, #tpu.memory_space<vmem>>, vector<16xi32>,
        %swap3A_127 = arith.constant 16 : index
        %swap3A_128 = tpu.vector_load %arg17[%swap3A_127] {strides = array<i32>} : memref<80xi32, #tpu.memory_space<vmem>>, vector<16xi32>,
        tpu.vector_store %arg17[%swap3A_127], %get3A_126 {strides = array<i32>} : memref<80xi32, #tpu.memory_space<vmem>>, vector<16xi32>,
        %get3A_129 = arith.constant 112 : index
        %get3A_130 = tpu.vector_load %arg15[%get3A_129] {strides = array<i32>} : memref<160xi32, #tpu.memory_space<vmem>>, vector<16xi32>,
        %swap3A_131 = arith.constant 32 : index
        %swap3A_132 = tpu.vector_load %arg17[%swap3A_131] {strides = array<i32>} : memref<80xi32, #tpu.memory_space<vmem>>, vector<16xi32>,
        tpu.vector_store %arg17[%swap3A_131], %get3A_130 {strides = array<i32>} : memref<80xi32, #tpu.memory_space<vmem>>, vector<16xi32>,
        %get3A_133 = arith.constant 128 : index
        %get3A_134 = tpu.vector_load %arg15[%get3A_133] {strides = array<i32>} : memref<160xi32, #tpu.memory_space<vmem>>, vector<16xi32>,
        %swap3A_135 = arith.constant 48 : index
        %swap3A_136 = tpu.vector_load %arg17[%swap3A_135] {strides = array<i32>} : memref<80xi32, #tpu.memory_space<vmem>>, vector<16xi32>,
        tpu.vector_store %arg17[%swap3A_135], %get3A_134 {strides = array<i32>} : memref<80xi32, #tpu.memory_space<vmem>>, vector<16xi32>,
        %get3A_137 = arith.constant 144 : index
        %get3A_138 = tpu.vector_load %arg15[%get3A_137] {strides = array<i32>} : memref<160xi32, #tpu.memory_space<vmem>>, vector<16xi32>,
        %swap3A_139 = arith.constant 64 : index
        %swap3A_140 = tpu.vector_load %arg17[%swap3A_139] {strides = array<i32>} : memref<80xi32, #tpu.memory_space<vmem>>, vector<16xi32>,
        tpu.vector_store %arg17[%swap3A_139], %get3A_138 {strides = array<i32>} : memref<80xi32, #tpu.memory_space<vmem>>, vector<16xi32>,
        %dma_start3A_141 = arith.constant 0 : i32
        %dma_start3A_142 = tpu.memref_slice %arg15[%dma_start3A_141] : memref<160xi32, #tpu.memory_space<vmem>> -> memref<80xi32, #tpu.memory_space<vmem>>
        %dma_start3A_143 = arith.constant 0 : i32
        %dma_start3A_144 = arith.constant 0 : i32
        %dma_start3A_145 = tpu.memref_slice %arg2[%dma_start3A_143, %dma_start3A_144] : memref<10000x128xf32, #tpu.memory_space<hbm>> -> memref<10000x128xf32, #tpu.memory_space<hbm>>
        tpu.enqueue_indirect_dma source(%dma_start3A_145 : memref<10000x128xf32, #tpu.memory_space<hbm>>) target(%arg21 : memref<80x128xf32, #tpu.memory_space<vmem>>) offsets(%dma_start3A_142 : memref<80xi32, #tpu.memory_space<vmem>>) semaphore(%arg24 : memref<!tpu.dma_semaphore, #tpu.memory_space<semaphore_mem>>)
        %parallel_loop3A_146 = arith.constant 0 : i32
        %parallel_loop3A_147 = arith.constant 5 : i32
        %parallel_loop3A_148 = arith.constant 1 : i32
        scf.for %parallel_loop3A_151 = %parallel_loop3A_146 to %parallel_loop3A_147 step %parallel_loop3A_148  : i32 {
          %parallel_loop3A_152 = arith.constant 16 : i32
          %parallel_loop3A_153 = arith.muli %parallel_loop3A_151, %parallel_loop3A_152 : i32
          %parallel_loop3A_154 = arith.index_cast %parallel_loop3A_153 : i32 to index
          %parallel_loop3A_155 = tpu.vector_load %arg15[%parallel_loop3A_154] {strides = array<i32>} : memref<160xi32, #tpu.memory_space<vmem>>, vector<16xi32>,
          %parallel_loop3A_156 = arith.constant 16 : i32
          %parallel_loop3A_157 = arith.muli %parallel_loop3A_151, %parallel_loop3A_156 : i32
          %parallel_loop3A_158 = arith.index_cast %parallel_loop3A_157 : i32 to index
          %parallel_loop3A_159 = tpu.vector_load %arg17[%parallel_loop3A_158] {strides = array<i32>} : memref<80xi32, #tpu.memory_space<vmem>>, vector<16xi32>,
          %parallel_loop3A_160 = tpu.vector_load_idx %arg13[%parallel_loop3A_155] : memref<10000xf32, #tpu.memory_space<vmem>>[vector<16xi32>], vector<16xf32>,
          %parallel_loop3A_161 = tpu.vector_load_idx %arg14[%parallel_loop3A_159] : memref<10000xf32, #tpu.memory_space<vmem>>[vector<16xi32>], vector<16xf32>,
          %parallel_loop3A_162 = arith.addf %parallel_loop3A_160, %parallel_loop3A_161 : vector<16xf32>
          %parallel_loop3A_163 = arith.constant 2.000000e-01 : f32
          %parallel_loop3A_164 = vector.broadcast %parallel_loop3A_163 : f32 to vector<16xf32>
          %parallel_loop3A_165 = arith.mulf %parallel_loop3A_162, %parallel_loop3A_164 : vector<16xf32>
          %parallel_loop3A_166 = arith.maximumf %parallel_loop3A_162, %parallel_loop3A_165 : vector<16xf32>
          %parallel_loop3A_167 = arith.subf %parallel_loop3A_166, %get3A_12 : vector<16xf32>
          %parallel_loop3A_168 = math.exp %parallel_loop3A_167 : vector<16xf32>
          %parallel_loop3A_169 = arith.constant 16 : i32
          %parallel_loop3A_170 = arith.muli %parallel_loop3A_151, %parallel_loop3A_169 : i32
          %parallel_loop3A_171 = arith.index_cast %parallel_loop3A_170 : i32 to index
          %parallel_loop3A_172 = tpu.vector_load %arg19[%parallel_loop3A_171] {strides = array<i32>} : memref<80xf32, #tpu.memory_space<vmem>>, vector<16xf32>,
          tpu.vector_store %arg19[%parallel_loop3A_171], %parallel_loop3A_168 {strides = array<i32>} : memref<80xf32, #tpu.memory_space<vmem>>, vector<16xf32>,
        } {sc.loop_unroll_factor = 1 : i64, sc.parallel_access}
        %dma_start3A_149 = arith.constant 0 : i32
        %dma_start3A_150 = tpu.memref_slice %arg12[%dma_start3A_149] : memref<10000xf32, #tpu.memory_space<vmem_shared>> -> memref<10000xf32, #tpu.memory_space<vmem_shared>>
        tpu.enqueue_indirect_dma source(%arg19 : memref<80xf32, #tpu.memory_space<vmem>>) target(%dma_start3A_150 : memref<10000xf32, #tpu.memory_space<vmem_shared>>) offsets(%arg17 : memref<80xi32, #tpu.memory_space<vmem>>) semaphore(%arg28 : memref<!tpu.dma_semaphore, #tpu.memory_space<semaphore_mem>>) {add = true}
      } else {
      }
      %convert_element_type3A_104 = arith.extui %eq3A_90 : i1 to i32
      %cond3A_105 = arith.constant 0 : i32
      %cond3A_106 = arith.cmpi ne, %convert_element_type3A_104, %cond3A_105 : i32
      scf.if %cond3A_106 {
        %dma_wait3A_112 = arith.constant 0 : i32
        %dma_wait3A_113 = tpu.memref_slice %arg15[%dma_wait3A_112] : memref<160xi32, #tpu.memory_space<vmem>> -> memref<80xi32, #tpu.memory_space<vmem>>
        %dma_wait3A_114 = arith.constant 0 : i32
        %dma_wait3A_115 = arith.constant 0 : i32
        %dma_wait3A_116 = tpu.memref_slice %arg2[%dma_wait3A_114, %dma_wait3A_115] : memref<10000x128xf32, #tpu.memory_space<hbm>> -> memref<10000x128xf32, #tpu.memory_space<hbm>>
        tpu.wait_indirect_dma semaphore(%arg24 : memref<!tpu.dma_semaphore, #tpu.memory_space<semaphore_mem>>) src(%dma_wait3A_116 : memref<10000x128xf32, #tpu.memory_space<hbm>>) dst(%arg21 : memref<80x128xf32, #tpu.memory_space<vmem>>)
        %parallel_loop3A_117 = arith.constant 0 : i32
        %parallel_loop3A_118 = arith.constant 80 : i32
        %parallel_loop3A_119 = arith.constant 1 : i32
        scf.for %parallel_loop3A_123 = %parallel_loop3A_117 to %parallel_loop3A_118 step %parallel_loop3A_119  : i32 {
          %parallel_loop3A_124 = vector.broadcast %parallel_loop3A_123 : i32 to vector<16xi32>
          %parallel_loop3A_125 = tpu.vector_load_idx %arg19[%parallel_loop3A_124] : memref<80xf32, #tpu.memory_space<vmem>>[vector<16xi32>], vector<16xf32>,
          %parallel_loop3A_126 = arith.index_cast %parallel_loop3A_123 : i32 to index
          %parallel_loop3A_127 = arith.constant 0 : index
          %parallel_loop3A_128 = tpu.vector_load %arg21[%parallel_loop3A_126, %parallel_loop3A_127] {strides = array<i32>} : memref<80x128xf32, #tpu.memory_space<vmem>>, vector<16xf32>,
          %parallel_loop3A_129 = arith.mulf %parallel_loop3A_128, %parallel_loop3A_125 : vector<16xf32>
          %parallel_loop3A_130 = arith.index_cast %parallel_loop3A_123 : i32 to index
          %parallel_loop3A_131 = arith.constant 0 : index
          %parallel_loop3A_132 = tpu.vector_load %arg21[%parallel_loop3A_130, %parallel_loop3A_131] {strides = array<i32>} : memref<80x128xf32, #tpu.memory_space<vmem>>, vector<16xf32>,
          tpu.vector_store %arg21[%parallel_loop3A_130, %parallel_loop3A_131], %parallel_loop3A_129 {strides = array<i32>} : memref<80x128xf32, #tpu.memory_space<vmem>>, vector<16xf32>,
          %parallel_loop3A_133 = arith.index_cast %parallel_loop3A_123 : i32 to index
          %parallel_loop3A_134 = arith.constant 16 : index
          %parallel_loop3A_135 = tpu.vector_load %arg21[%parallel_loop3A_133, %parallel_loop3A_134] {strides = array<i32>} : memref<80x128xf32, #tpu.memory_space<vmem>>, vector<16xf32>,
          %parallel_loop3A_136 = arith.mulf %parallel_loop3A_135, %parallel_loop3A_125 : vector<16xf32>
          %parallel_loop3A_137 = arith.index_cast %parallel_loop3A_123 : i32 to index
          %parallel_loop3A_138 = arith.constant 16 : index
          %parallel_loop3A_139 = tpu.vector_load %arg21[%parallel_loop3A_137, %parallel_loop3A_138] {strides = array<i32>} : memref<80x128xf32, #tpu.memory_space<vmem>>, vector<16xf32>,
          tpu.vector_store %arg21[%parallel_loop3A_137, %parallel_loop3A_138], %parallel_loop3A_136 {strides = array<i32>} : memref<80x128xf32, #tpu.memory_space<vmem>>, vector<16xf32>,
          %parallel_loop3A_140 = arith.index_cast %parallel_loop3A_123 : i32 to index
          %parallel_loop3A_141 = arith.constant 32 : index
          %parallel_loop3A_142 = tpu.vector_load %arg21[%parallel_loop3A_140, %parallel_loop3A_141] {strides = array<i32>} : memref<80x128xf32, #tpu.memory_space<vmem>>, vector<16xf32>,
          %parallel_loop3A_143 = arith.mulf %parallel_loop3A_142, %parallel_loop3A_125 : vector<16xf32>
          %parallel_loop3A_144 = arith.index_cast %parallel_loop3A_123 : i32 to index
          %parallel_loop3A_145 = arith.constant 32 : index
          %parallel_loop3A_146 = tpu.vector_load %arg21[%parallel_loop3A_144, %parallel_loop3A_145] {strides = array<i32>} : memref<80x128xf32, #tpu.memory_space<vmem>>, vector<16xf32>,
          tpu.vector_store %arg21[%parallel_loop3A_144, %parallel_loop3A_145], %parallel_loop3A_143 {strides = array<i32>} : memref<80x128xf32, #tpu.memory_space<vmem>>, vector<16xf32>,
          %parallel_loop3A_147 = arith.index_cast %parallel_loop3A_123 : i32 to index
          %parallel_loop3A_148 = arith.constant 48 : index
          %parallel_loop3A_149 = tpu.vector_load %arg21[%parallel_loop3A_147, %parallel_loop3A_148] {strides = array<i32>} : memref<80x128xf32, #tpu.memory_space<vmem>>, vector<16xf32>,
          %parallel_loop3A_150 = arith.mulf %parallel_loop3A_149, %parallel_loop3A_125 : vector<16xf32>
          %parallel_loop3A_151 = arith.index_cast %parallel_loop3A_123 : i32 to index
          %parallel_loop3A_152 = arith.constant 48 : index
          %parallel_loop3A_153 = tpu.vector_load %arg21[%parallel_loop3A_151, %parallel_loop3A_152] {strides = array<i32>} : memref<80x128xf32, #tpu.memory_space<vmem>>, vector<16xf32>,
          tpu.vector_store %arg21[%parallel_loop3A_151, %parallel_loop3A_152], %parallel_loop3A_150 {strides = array<i32>} : memref<80x128xf32, #tpu.memory_space<vmem>>, vector<16xf32>,
          %parallel_loop3A_154 = arith.index_cast %parallel_loop3A_123 : i32 to index
          %parallel_loop3A_155 = arith.constant 64 : index
          %parallel_loop3A_156 = tpu.vector_load %arg21[%parallel_loop3A_154, %parallel_loop3A_155] {strides = array<i32>} : memref<80x128xf32, #tpu.memory_space<vmem>>, vector<16xf32>,
          %parallel_loop3A_157 = arith.mulf %parallel_loop3A_156, %parallel_loop3A_125 : vector<16xf32>
          %parallel_loop3A_158 = arith.index_cast %parallel_loop3A_123 : i32 to index
          %parallel_loop3A_159 = arith.constant 64 : index
          %parallel_loop3A_160 = tpu.vector_load %arg21[%parallel_loop3A_158, %parallel_loop3A_159] {strides = array<i32>} : memref<80x128xf32, #tpu.memory_space<vmem>>, vector<16xf32>,
          tpu.vector_store %arg21[%parallel_loop3A_158, %parallel_loop3A_159], %parallel_loop3A_157 {strides = array<i32>} : memref<80x128xf32, #tpu.memory_space<vmem>>, vector<16xf32>,
          %parallel_loop3A_161 = arith.index_cast %parallel_loop3A_123 : i32 to index
          %parallel_loop3A_162 = arith.constant 80 : index
          %parallel_loop3A_163 = tpu.vector_load %arg21[%parallel_loop3A_161, %parallel_loop3A_162] {strides = array<i32>} : memref<80x128xf32, #tpu.memory_space<vmem>>, vector<16xf32>,
          %parallel_loop3A_164 = arith.mulf %parallel_loop3A_163, %parallel_loop3A_125 : vector<16xf32>
          %parallel_loop3A_165 = arith.index_cast %parallel_loop3A_123 : i32 to index
          %parallel_loop3A_166 = arith.constant 80 : index
          %parallel_loop3A_167 = tpu.vector_load %arg21[%parallel_loop3A_165, %parallel_loop3A_166] {strides = array<i32>} : memref<80x128xf32, #tpu.memory_space<vmem>>, vector<16xf32>,
          tpu.vector_store %arg21[%parallel_loop3A_165, %parallel_loop3A_166], %parallel_loop3A_164 {strides = array<i32>} : memref<80x128xf32, #tpu.memory_space<vmem>>, vector<16xf32>,
          %parallel_loop3A_168 = arith.index_cast %parallel_loop3A_123 : i32 to index
          %parallel_loop3A_169 = arith.constant 96 : index
          %parallel_loop3A_170 = tpu.vector_load %arg21[%parallel_loop3A_168, %parallel_loop3A_169] {strides = array<i32>} : memref<80x128xf32, #tpu.memory_space<vmem>>, vector<16xf32>,
          %parallel_loop3A_171 = arith.mulf %parallel_loop3A_170, %parallel_loop3A_125 : vector<16xf32>
          %parallel_loop3A_172 = arith.index_cast %parallel_loop3A_123 : i32 to index
          %parallel_loop3A_173 = arith.constant 96 : index
          %parallel_loop3A_174 = tpu.vector_load %arg21[%parallel_loop3A_172, %parallel_loop3A_173] {strides = array<i32>} : memref<80x128xf32, #tpu.memory_space<vmem>>, vector<16xf32>,
          tpu.vector_store %arg21[%parallel_loop3A_172, %parallel_loop3A_173], %parallel_loop3A_171 {strides = array<i32>} : memref<80x128xf32, #tpu.memory_space<vmem>>, vector<16xf32>,
          %parallel_loop3A_175 = arith.index_cast %parallel_loop3A_123 : i32 to index
          %parallel_loop3A_176 = arith.constant 112 : index
          %parallel_loop3A_177 = tpu.vector_load %arg21[%parallel_loop3A_175, %parallel_loop3A_176] {strides = array<i32>} : memref<80x128xf32, #tpu.memory_space<vmem>>, vector<16xf32>,
          %parallel_loop3A_178 = arith.mulf %parallel_loop3A_177, %parallel_loop3A_125 : vector<16xf32>
          %parallel_loop3A_179 = arith.index_cast %parallel_loop3A_123 : i32 to index
          %parallel_loop3A_180 = arith.constant 112 : index
          %parallel_loop3A_181 = tpu.vector_load %arg21[%parallel_loop3A_179, %parallel_loop3A_180] {strides = array<i32>} : memref<80x128xf32, #tpu.memory_space<vmem>>, vector<16xf32>,
          tpu.vector_store %arg21[%parallel_loop3A_179, %parallel_loop3A_180], %parallel_loop3A_178 {strides = array<i32>} : memref<80x128xf32, #tpu.memory_space<vmem>>, vector<16xf32>,
        } {sc.loop_unroll_factor = 8 : i64, sc.parallel_access}
        %dma_start3A_120 = arith.constant 0 : i32
        %dma_start3A_121 = arith.constant 0 : i32
        %dma_start3A_122 = tpu.memref_slice %arg11[%dma_start3A_120, %dma_start3A_121] : memref<10000x128xf32, #tpu.memory_space<vmem_shared>> -> memref<10000x128xf32, #tpu.memory_space<vmem_shared>>
        tpu.enqueue_indirect_dma source(%arg21 : memref<80x128xf32, #tpu.memory_space<vmem>>) target(%dma_start3A_122 : memref<10000x128xf32, #tpu.memory_space<vmem_shared>>) offsets(%arg17 : memref<80xi32, #tpu.memory_space<vmem>>) semaphore(%arg26 : memref<!tpu.dma_semaphore, #tpu.memory_space<semaphore_mem>>) {add = true}
      } else {
      }
      %not3A_107 = arith.constant true
      %not3A_108 = arith.xori %eq3A_90, %not3A_107 : i1
      %convert_element_type3A_109 = arith.extui %not3A_108 : i1 to i32
      %cond3A_110 = arith.constant 0 : i32
      %cond3A_111 = arith.cmpi ne, %convert_element_type3A_109, %cond3A_110 : i32
      scf.if %cond3A_111 {
        %dma_wait3A_112 = arith.constant 0 : i32
        %dma_wait3A_113 = tpu.memref_slice %arg16[%dma_wait3A_112] : memref<160xi32, #tpu.memory_space<vmem>> -> memref<80xi32, #tpu.memory_space<vmem>>
        %dma_wait3A_114 = arith.constant 0 : i32
        %dma_wait3A_115 = arith.constant 0 : i32
        %dma_wait3A_116 = tpu.memref_slice %arg2[%dma_wait3A_114, %dma_wait3A_115] : memref<10000x128xf32, #tpu.memory_space<hbm>> -> memref<10000x128xf32, #tpu.memory_space<hbm>>
        tpu.wait_indirect_dma semaphore(%arg25 : memref<!tpu.dma_semaphore, #tpu.memory_space<semaphore_mem>>) src(%dma_wait3A_116 : memref<10000x128xf32, #tpu.memory_space<hbm>>) dst(%arg22 : memref<80x128xf32, #tpu.memory_space<vmem>>)
        %parallel_loop3A_117 = arith.constant 0 : i32
        %parallel_loop3A_118 = arith.constant 80 : i32
        %parallel_loop3A_119 = arith.constant 1 : i32
        scf.for %parallel_loop3A_123 = %parallel_loop3A_117 to %parallel_loop3A_118 step %parallel_loop3A_119  : i32 {
          %parallel_loop3A_124 = vector.broadcast %parallel_loop3A_123 : i32 to vector<16xi32>
          %parallel_loop3A_125 = tpu.vector_load_idx %arg20[%parallel_loop3A_124] : memref<80xf32, #tpu.memory_space<vmem>>[vector<16xi32>], vector<16xf32>,
          %parallel_loop3A_126 = arith.index_cast %parallel_loop3A_123 : i32 to index
          %parallel_loop3A_127 = arith.constant 0 : index
          %parallel_loop3A_128 = tpu.vector_load %arg22[%parallel_loop3A_126, %parallel_loop3A_127] {strides = array<i32>} : memref<80x128xf32, #tpu.memory_space<vmem>>, vector<16xf32>,
          %parallel_loop3A_129 = arith.mulf %parallel_loop3A_128, %parallel_loop3A_125 : vector<16xf32>
          %parallel_loop3A_130 = arith.index_cast %parallel_loop3A_123 : i32 to index
          %parallel_loop3A_131 = arith.constant 0 : index
          %parallel_loop3A_132 = tpu.vector_load %arg22[%parallel_loop3A_130, %parallel_loop3A_131] {strides = array<i32>} : memref<80x128xf32, #tpu.memory_space<vmem>>, vector<16xf32>,
          tpu.vector_store %arg22[%parallel_loop3A_130, %parallel_loop3A_131], %parallel_loop3A_129 {strides = array<i32>} : memref<80x128xf32, #tpu.memory_space<vmem>>, vector<16xf32>,
          %parallel_loop3A_133 = arith.index_cast %parallel_loop3A_123 : i32 to index
          %parallel_loop3A_134 = arith.constant 16 : index
          %parallel_loop3A_135 = tpu.vector_load %arg22[%parallel_loop3A_133, %parallel_loop3A_134] {strides = array<i32>} : memref<80x128xf32, #tpu.memory_space<vmem>>, vector<16xf32>,
          %parallel_loop3A_136 = arith.mulf %parallel_loop3A_135, %parallel_loop3A_125 : vector<16xf32>
          %parallel_loop3A_137 = arith.index_cast %parallel_loop3A_123 : i32 to index
          %parallel_loop3A_138 = arith.constant 16 : index
          %parallel_loop3A_139 = tpu.vector_load %arg22[%parallel_loop3A_137, %parallel_loop3A_138] {strides = array<i32>} : memref<80x128xf32, #tpu.memory_space<vmem>>, vector<16xf32>,
          tpu.vector_store %arg22[%parallel_loop3A_137, %parallel_loop3A_138], %parallel_loop3A_136 {strides = array<i32>} : memref<80x128xf32, #tpu.memory_space<vmem>>, vector<16xf32>,
          %parallel_loop3A_140 = arith.index_cast %parallel_loop3A_123 : i32 to index
          %parallel_loop3A_141 = arith.constant 32 : index
          %parallel_loop3A_142 = tpu.vector_load %arg22[%parallel_loop3A_140, %parallel_loop3A_141] {strides = array<i32>} : memref<80x128xf32, #tpu.memory_space<vmem>>, vector<16xf32>,
          %parallel_loop3A_143 = arith.mulf %parallel_loop3A_142, %parallel_loop3A_125 : vector<16xf32>
          %parallel_loop3A_144 = arith.index_cast %parallel_loop3A_123 : i32 to index
          %parallel_loop3A_145 = arith.constant 32 : index
          %parallel_loop3A_146 = tpu.vector_load %arg22[%parallel_loop3A_144, %parallel_loop3A_145] {strides = array<i32>} : memref<80x128xf32, #tpu.memory_space<vmem>>, vector<16xf32>,
          tpu.vector_store %arg22[%parallel_loop3A_144, %parallel_loop3A_145], %parallel_loop3A_143 {strides = array<i32>} : memref<80x128xf32, #tpu.memory_space<vmem>>, vector<16xf32>,
          %parallel_loop3A_147 = arith.index_cast %parallel_loop3A_123 : i32 to index
          %parallel_loop3A_148 = arith.constant 48 : index
          %parallel_loop3A_149 = tpu.vector_load %arg22[%parallel_loop3A_147, %parallel_loop3A_148] {strides = array<i32>} : memref<80x128xf32, #tpu.memory_space<vmem>>, vector<16xf32>,
          %parallel_loop3A_150 = arith.mulf %parallel_loop3A_149, %parallel_loop3A_125 : vector<16xf32>
          %parallel_loop3A_151 = arith.index_cast %parallel_loop3A_123 : i32 to index
          %parallel_loop3A_152 = arith.constant 48 : index
          %parallel_loop3A_153 = tpu.vector_load %arg22[%parallel_loop3A_151, %parallel_loop3A_152] {strides = array<i32>} : memref<80x128xf32, #tpu.memory_space<vmem>>, vector<16xf32>,
          tpu.vector_store %arg22[%parallel_loop3A_151, %parallel_loop3A_152], %parallel_loop3A_150 {strides = array<i32>} : memref<80x128xf32, #tpu.memory_space<vmem>>, vector<16xf32>,
          %parallel_loop3A_154 = arith.index_cast %parallel_loop3A_123 : i32 to index
          %parallel_loop3A_155 = arith.constant 64 : index
          %parallel_loop3A_156 = tpu.vector_load %arg22[%parallel_loop3A_154, %parallel_loop3A_155] {strides = array<i32>} : memref<80x128xf32, #tpu.memory_space<vmem>>, vector<16xf32>,
          %parallel_loop3A_157 = arith.mulf %parallel_loop3A_156, %parallel_loop3A_125 : vector<16xf32>
          %parallel_loop3A_158 = arith.index_cast %parallel_loop3A_123 : i32 to index
          %parallel_loop3A_159 = arith.constant 64 : index
          %parallel_loop3A_160 = tpu.vector_load %arg22[%parallel_loop3A_158, %parallel_loop3A_159] {strides = array<i32>} : memref<80x128xf32, #tpu.memory_space<vmem>>, vector<16xf32>,
          tpu.vector_store %arg22[%parallel_loop3A_158, %parallel_loop3A_159], %parallel_loop3A_157 {strides = array<i32>} : memref<80x128xf32, #tpu.memory_space<vmem>>, vector<16xf32>,
          %parallel_loop3A_161 = arith.index_cast %parallel_loop3A_123 : i32 to index
          %parallel_loop3A_162 = arith.constant 80 : index
          %parallel_loop3A_163 = tpu.vector_load %arg22[%parallel_loop3A_161, %parallel_loop3A_162] {strides = array<i32>} : memref<80x128xf32, #tpu.memory_space<vmem>>, vector<16xf32>,
          %parallel_loop3A_164 = arith.mulf %parallel_loop3A_163, %parallel_loop3A_125 : vector<16xf32>
          %parallel_loop3A_165 = arith.index_cast %parallel_loop3A_123 : i32 to index
          %parallel_loop3A_166 = arith.constant 80 : index
          %parallel_loop3A_167 = tpu.vector_load %arg22[%parallel_loop3A_165, %parallel_loop3A_166] {strides = array<i32>} : memref<80x128xf32, #tpu.memory_space<vmem>>, vector<16xf32>,
          tpu.vector_store %arg22[%parallel_loop3A_165, %parallel_loop3A_166], %parallel_loop3A_164 {strides = array<i32>} : memref<80x128xf32, #tpu.memory_space<vmem>>, vector<16xf32>,
          %parallel_loop3A_168 = arith.index_cast %parallel_loop3A_123 : i32 to index
          %parallel_loop3A_169 = arith.constant 96 : index
          %parallel_loop3A_170 = tpu.vector_load %arg22[%parallel_loop3A_168, %parallel_loop3A_169] {strides = array<i32>} : memref<80x128xf32, #tpu.memory_space<vmem>>, vector<16xf32>,
          %parallel_loop3A_171 = arith.mulf %parallel_loop3A_170, %parallel_loop3A_125 : vector<16xf32>
          %parallel_loop3A_172 = arith.index_cast %parallel_loop3A_123 : i32 to index
          %parallel_loop3A_173 = arith.constant 96 : index
          %parallel_loop3A_174 = tpu.vector_load %arg22[%parallel_loop3A_172, %parallel_loop3A_173] {strides = array<i32>} : memref<80x128xf32, #tpu.memory_space<vmem>>, vector<16xf32>,
          tpu.vector_store %arg22[%parallel_loop3A_172, %parallel_loop3A_173], %parallel_loop3A_171 {strides = array<i32>} : memref<80x128xf32, #tpu.memory_space<vmem>>, vector<16xf32>,
          %parallel_loop3A_175 = arith.index_cast %parallel_loop3A_123 : i32 to index
          %parallel_loop3A_176 = arith.constant 112 : index
          %parallel_loop3A_177 = tpu.vector_load %arg22[%parallel_loop3A_175, %parallel_loop3A_176] {strides = array<i32>} : memref<80x128xf32, #tpu.memory_space<vmem>>, vector<16xf32>,
          %parallel_loop3A_178 = arith.mulf %parallel_loop3A_177, %parallel_loop3A_125 : vector<16xf32>
          %parallel_loop3A_179 = arith.index_cast %parallel_loop3A_123 : i32 to index
          %parallel_loop3A_180 = arith.constant 112 : index
          %parallel_loop3A_181 = tpu.vector_load %arg22[%parallel_loop3A_179, %parallel_loop3A_180] {strides = array<i32>} : memref<80x128xf32, #tpu.memory_space<vmem>>, vector<16xf32>,
          tpu.vector_store %arg22[%parallel_loop3A_179, %parallel_loop3A_180], %parallel_loop3A_178 {strides = array<i32>} : memref<80x128xf32, #tpu.memory_space<vmem>>, vector<16xf32>,
        } {sc.loop_unroll_factor = 8 : i64, sc.parallel_access}
        %dma_start3A_120 = arith.constant 0 : i32
        %dma_start3A_121 = arith.constant 0 : i32
        %dma_start3A_122 = tpu.memref_slice %arg11[%dma_start3A_120, %dma_start3A_121] : memref<10000x128xf32, #tpu.memory_space<vmem_shared>> -> memref<10000x128xf32, #tpu.memory_space<vmem_shared>>
        tpu.enqueue_indirect_dma source(%arg22 : memref<80x128xf32, #tpu.memory_space<vmem>>) target(%dma_start3A_122 : memref<10000x128xf32, #tpu.memory_space<vmem_shared>>) offsets(%arg18 : memref<80xi32, #tpu.memory_space<vmem>>) semaphore(%arg27 : memref<!tpu.dma_semaphore, #tpu.memory_space<semaphore_mem>>) {add = true}
      } else {
      }
    }
    %scan3A_47 = arith.constant 125 : i32
    %dma_wait3A = arith.constant 0 : i32
    %dma_wait3A_48 = arith.constant 0 : i32
    %dma_wait3A_49 = tpu.memref_slice %arg11[%dma_wait3A, %dma_wait3A_48] : memref<10000x128xf32, #tpu.memory_space<vmem_shared>> -> memref<10000x128xf32, #tpu.memory_space<vmem_shared>>
    tpu.wait_indirect_dma semaphore(%arg26 : memref<!tpu.dma_semaphore, #tpu.memory_space<semaphore_mem>>) src(%arg21 : memref<80x128xf32, #tpu.memory_space<vmem>>) dst(%dma_wait3A_49 : memref<10000x128xf32, #tpu.memory_space<vmem_shared>>)
    %dma_wait3A_50 = arith.constant 0 : i32
    %dma_wait3A_51 = tpu.memref_slice %arg12[%dma_wait3A_50] : memref<10000xf32, #tpu.memory_space<vmem_shared>> -> memref<10000xf32, #tpu.memory_space<vmem_shared>>
    tpu.wait_indirect_dma semaphore(%arg28 : memref<!tpu.dma_semaphore, #tpu.memory_space<semaphore_mem>>) src(%arg19 : memref<80xf32, #tpu.memory_space<vmem>>) dst(%dma_wait3A_51 : memref<10000xf32, #tpu.memory_space<vmem_shared>>)
    %dma_wait3A_52 = arith.constant 0 : i32
    %dma_wait3A_53 = arith.constant 0 : i32
    %dma_wait3A_54 = tpu.memref_slice %arg11[%dma_wait3A_52, %dma_wait3A_53] : memref<10000x128xf32, #tpu.memory_space<vmem_shared>> -> memref<10000x128xf32, #tpu.memory_space<vmem_shared>>
    tpu.wait_indirect_dma semaphore(%arg27 : memref<!tpu.dma_semaphore, #tpu.memory_space<semaphore_mem>>) src(%arg22 : memref<80x128xf32, #tpu.memory_space<vmem>>) dst(%dma_wait3A_54 : memref<10000x128xf32, #tpu.memory_space<vmem_shared>>)
    %dma_wait3A_55 = arith.constant 0 : i32
    %dma_wait3A_56 = tpu.memref_slice %arg12[%dma_wait3A_55] : memref<10000xf32, #tpu.memory_space<vmem_shared>> -> memref<10000xf32, #tpu.memory_space<vmem_shared>>
    tpu.wait_indirect_dma semaphore(%arg29 : memref<!tpu.dma_semaphore, #tpu.memory_space<semaphore_mem>>) src(%arg20 : memref<80xf32, #tpu.memory_space<vmem>>) dst(%dma_wait3A_56 : memref<10000xf32, #tpu.memory_space<vmem_shared>>)
    %barrier3A_57 = arith.constant 0 : index
    tpu.barrier barrier_id(%barrier3A_57)
    %lt3A_58 = arith.constant 15 : i32
    %lt3A_59 = arith.cmpi slt, %arg1, %lt3A_58 : i32
    %convert_element_type3A_60 = arith.extui %lt3A_59 : i1 to i32
    %cond3A_61 = arith.constant 0 : i32
    %cond3A_62 = arith.cmpi ne, %convert_element_type3A_60, %cond3A_61 : i32
    scf.if %cond3A_62 {
      %mul3A_73 = arith.constant 632 : i32
      %mul3A_74 = arith.muli %arg1, %mul3A_73 : i32
      %multiple_of3A = tpu.assume_multiple %mul3A_74, 8 : i32
      "tpu.region"() ({
        %run_scoped3A = tpu.sem_alloc : memref<!tpu.dma_semaphore, #tpu.memory_space<semaphore_mem>>
        %dma_start3A_75 = arith.constant 0 : i32
        %dma_start3A_76 = tpu.memref_slice %arg9[%arg0, %multiple_of3A, %dma_start3A_75] : memref<2x10000x128xf32, #tpu.memory_space<hbm>> -> memref<1x632x128xf32, #tpu.memory_space<hbm>>
        %dma_start3A_77 = tpu.memref_squeeze %dma_start3A_76 : memref<1x632x128xf32, #tpu.memory_space<hbm>> -> memref<632x128xf32, #tpu.memory_space<hbm>>
        %dma_start3A_78 = arith.constant 0 : i32
        %dma_start3A_79 = tpu.memref_slice %arg11[%multiple_of3A, %dma_start3A_78] : memref<10000x128xf32, #tpu.memory_space<vmem_shared>> -> memref<632x128xf32, #tpu.memory_space<vmem_shared>>
        tpu.enqueue_dma source(%dma_start3A_79 : memref<632x128xf32, #tpu.memory_space<vmem_shared>>) target(%dma_start3A_77 : memref<632x128xf32, #tpu.memory_space<hbm>>) target_semaphore(%run_scoped3A : memref<!tpu.dma_semaphore, #tpu.memory_space<semaphore_mem>>)
        %dma_wait3A_80 = arith.constant 0 : i32
        %dma_wait3A_81 = tpu.memref_slice %arg9[%arg0, %multiple_of3A, %dma_wait3A_80] : memref<2x10000x128xf32, #tpu.memory_space<hbm>> -> memref<1x632x128xf32, #tpu.memory_space<hbm>>
        %dma_wait3A_82 = tpu.memref_squeeze %dma_wait3A_81 : memref<1x632x128xf32, #tpu.memory_space<hbm>> -> memref<632x128xf32, #tpu.memory_space<hbm>>
        %dma_wait3A_83 = arith.constant 0 : i32
        %dma_wait3A_84 = tpu.memref_slice %arg11[%multiple_of3A, %dma_wait3A_83] : memref<10000x128xf32, #tpu.memory_space<vmem_shared>> -> memref<632x128xf32, #tpu.memory_space<vmem_shared>>
        tpu.wait_dma2 semaphore(%run_scoped3A : memref<!tpu.dma_semaphore, #tpu.memory_space<semaphore_mem>>) src(%dma_wait3A_84 : memref<632x128xf32, #tpu.memory_space<vmem_shared>>) dst(%dma_wait3A_82 : memref<632x128xf32, #tpu.memory_space<hbm>>)
        tpu.yield
      }) : () -> ()
    } else {
    }
    %eq3A_63 = arith.constant 15 : i32
    %eq3A_64 = arith.cmpi eq, %arg1, %eq3A_63 : i32
    %convert_element_type3A_65 = arith.extui %eq3A_64 : i1 to i32
    %cond3A_66 = arith.constant 0 : i32
    %cond3A_67 = arith.cmpi ne, %convert_element_type3A_65, %cond3A_66 : i32
    scf.if %cond3A_67 {
      "tpu.region"() ({
        %run_scoped3A = tpu.sem_alloc : memref<!tpu.dma_semaphore, #tpu.memory_space<semaphore_mem>>
        %dma_start3A_73 = arith.constant 9480 : i32
        %dma_start3A_74 = arith.constant 0 : i32
        %dma_start3A_75 = tpu.memref_slice %arg9[%arg0, %dma_start3A_73, %dma_start3A_74] : memref<2x10000x128xf32, #tpu.memory_space<hbm>> -> memref<1x520x128xf32, #tpu.memory_space<hbm>>
        %dma_start3A_76 = tpu.memref_squeeze %dma_start3A_75 : memref<1x520x128xf32, #tpu.memory_space<hbm>> -> memref<520x128xf32, #tpu.memory_space<hbm>>
        %dma_start3A_77 = arith.constant 9480 : i32
        %dma_start3A_78 = arith.constant 0 : i32
        %dma_start3A_79 = tpu.memref_slice %arg11[%dma_start3A_77, %dma_start3A_78] : memref<10000x128xf32, #tpu.memory_space<vmem_shared>> -> memref<520x128xf32, #tpu.memory_space<vmem_shared>>
        tpu.enqueue_dma source(%dma_start3A_79 : memref<520x128xf32, #tpu.memory_space<vmem_shared>>) target(%dma_start3A_76 : memref<520x128xf32, #tpu.memory_space<hbm>>) target_semaphore(%run_scoped3A : memref<!tpu.dma_semaphore, #tpu.memory_space<semaphore_mem>>)
        %dma_wait3A_80 = arith.constant 9480 : i32
        %dma_wait3A_81 = arith.constant 0 : i32
        %dma_wait3A_82 = tpu.memref_slice %arg9[%arg0, %dma_wait3A_80, %dma_wait3A_81] : memref<2x10000x128xf32, #tpu.memory_space<hbm>> -> memref<1x520x128xf32, #tpu.memory_space<hbm>>
        %dma_wait3A_83 = tpu.memref_squeeze %dma_wait3A_82 : memref<1x520x128xf32, #tpu.memory_space<hbm>> -> memref<520x128xf32, #tpu.memory_space<hbm>>
        %dma_wait3A_84 = arith.constant 9480 : i32
        %dma_wait3A_85 = arith.constant 0 : i32
        %dma_wait3A_86 = tpu.memref_slice %arg11[%dma_wait3A_84, %dma_wait3A_85] : memref<10000x128xf32, #tpu.memory_space<vmem_shared>> -> memref<520x128xf32, #tpu.memory_space<vmem_shared>>
        tpu.wait_dma2 semaphore(%run_scoped3A : memref<!tpu.dma_semaphore, #tpu.memory_space<semaphore_mem>>) src(%dma_wait3A_86 : memref<520x128xf32, #tpu.memory_space<vmem_shared>>) dst(%dma_wait3A_83 : memref<520x128xf32, #tpu.memory_space<hbm>>)
        tpu.yield
      }) : () -> ()
    } else {
    }
    %eq3A_68 = arith.constant 0 : i32
    %eq3A_69 = arith.cmpi eq, %arg1, %eq3A_68 : i32
    %convert_element_type3A_70 = arith.extui %eq3A_69 : i1 to i32
    %cond3A_71 = arith.constant 0 : i32
    %cond3A_72 = arith.cmpi ne, %convert_element_type3A_70, %cond3A_71 : i32
    scf.if %cond3A_72 {
      "tpu.region"() ({
        %run_scoped3A = tpu.sem_alloc : memref<!tpu.dma_semaphore, #tpu.memory_space<semaphore_mem>>
        %dma_start3A_73 = arith.constant 0 : i32
        %dma_start3A_74 = tpu.memref_slice %arg10[%arg0, %dma_start3A_73] : memref<2x10000xf32, #tpu.memory_space<hbm>> -> memref<1x10000xf32, #tpu.memory_space<hbm>>
        %dma_start3A_75 = tpu.memref_squeeze %dma_start3A_74 : memref<1x10000xf32, #tpu.memory_space<hbm>> -> memref<10000xf32, #tpu.memory_space<hbm>>
        tpu.enqueue_dma source(%arg12 : memref<10000xf32, #tpu.memory_space<vmem_shared>>) target(%dma_start3A_75 : memref<10000xf32, #tpu.memory_space<hbm>>) target_semaphore(%run_scoped3A : memref<!tpu.dma_semaphore, #tpu.memory_space<semaphore_mem>>)
        %dma_wait3A_76 = arith.constant 0 : i32
        %dma_wait3A_77 = tpu.memref_slice %arg10[%arg0, %dma_wait3A_76] : memref<2x10000xf32, #tpu.memory_space<hbm>> -> memref<1x10000xf32, #tpu.memory_space<hbm>>
        %dma_wait3A_78 = tpu.memref_squeeze %dma_wait3A_77 : memref<1x10000xf32, #tpu.memory_space<hbm>> -> memref<10000xf32, #tpu.memory_space<hbm>>
        tpu.wait_dma2 semaphore(%run_scoped3A : memref<!tpu.dma_semaphore, #tpu.memory_space<semaphore_mem>>) src(%arg12 : memref<10000xf32, #tpu.memory_space<vmem_shared>>) dst(%dma_wait3A_78 : memref<10000xf32, #tpu.memory_space<hbm>>)
        tpu.yield
      }) : () -> ()
    } else {
    }
    return
  }
}

#map = affine_map<(d0, d1) -> (0, 0)>
#map1 = affine_map<(d0, d1) -> (0)>
#map2 = affine_map<(d0, d1) -> (0, 0, 0)>
module attributes {stable_mosaic.version = 14 : i64} {
  func.func @_sc_edge(%arg0: i32, %arg1: i32, %arg2: memref<10000x128xf32, #tpu.memory_space<hbm>>, %arg3: memref<10000xf32, #tpu.memory_space<hbm>>, %arg4: memref<10000xf32, #tpu.memory_space<hbm>>, %arg5: memref<16xf32, #tpu.memory_space<hbm>>, %arg6: memref<4000x160xi32, #tpu.memory_space<hbm>>, %arg7: memref<10000x128xf32, #tpu.memory_space<hbm>>, %arg8: memref<10000xf32, #tpu.memory_space<hbm>>, %arg9: memref<2x10000x128xf32, #tpu.memory_space<hbm>>, %arg10: memref<2x10000xf32, #tpu.memory_space<hbm>>, %arg11: memref<10000x128xf32, #tpu.memory_space<vmem_shared>>, %arg12: memref<10000xf32, #tpu.memory_space<vmem_shared>>, %arg13: memref<10000xf32, #tpu.memory_space<vmem>>, %arg14: memref<10000xf32, #tpu.memory_space<vmem>>, %arg15: memref<160xi32, #tpu.memory_space<vmem>>, %arg16: memref<160xi32, #tpu.memory_space<vmem>>, %arg17: memref<80xi32, #tpu.memory_space<vmem>>, %arg18: memref<80xi32, #tpu.memory_space<vmem>>, %arg19: memref<80xf32, #tpu.memory_space<vmem>>, %arg20: memref<80xf32, #tpu.memory_space<vmem>>, %arg21: memref<80x128xf32, #tpu.memory_space<vmem>>, %arg22: memref<80x128xf32, #tpu.memory_space<vmem>>, %arg23: memref<16xf32, #tpu.memory_space<vmem>>, %arg24: memref<!tpu.dma_semaphore, #tpu.memory_space<semaphore_mem>>, %arg25: memref<!tpu.dma_semaphore, #tpu.memory_space<semaphore_mem>>, %arg26: memref<!tpu.dma_semaphore, #tpu.memory_space<semaphore_mem>>, %arg27: memref<!tpu.dma_semaphore, #tpu.memory_space<semaphore_mem>>, %arg28: memref<!tpu.dma_semaphore, #tpu.memory_space<semaphore_mem>>, %arg29: memref<!tpu.dma_semaphore, #tpu.memory_space<semaphore_mem>>) attributes {dimension_semantics = [#tpu.dimension_semantics<core_parallel>, #tpu.dimension_semantics<subcore_parallel>], iteration_bounds = array<i64: 2, 16>, scalar_prefetch = 0 : i64, scratch_operands = 19 : i64, tpu.core_type = #tpu.core_type<sc_vector_subcore>, window_params = [{transform_indices = #map}, {transform_indices = #map1}, {transform_indices = #map1}, {transform_indices = #map1}, {transform_indices = #map}, {transform_indices = #map}, {transform_indices = #map1}, {transform_indices = #map2}, {transform_indices = #map}]} {
    %mul3A = arith.constant 2 : i32
    %mul3A_0 = arith.muli %arg1, %mul3A : i32
    %add3A = arith.addi %mul3A_0, %arg0 : i32
    %lt3A = arith.constant 15 : i32
    %lt3A_1 = arith.cmpi slt, %arg1, %lt3A : i32
    %convert_element_type3A = arith.extui %lt3A_1 : i1 to i32
    %cond3A = arith.constant 0 : i32
    %cond3A_2 = arith.cmpi ne, %convert_element_type3A, %cond3A : i32
    scf.if %cond3A_2 {
      %mul3A_73 = arith.constant 632 : i32
      %mul3A_74 = arith.muli %arg1, %mul3A_73 : i32
      %multiple_of3A = tpu.assume_multiple %mul3A_74, 8 : i32
      "tpu.region"() ({
        %run_scoped3A = tpu.sem_alloc : memref<!tpu.dma_semaphore, #tpu.memory_space<semaphore_mem>>
        %dma_start3A_75 = arith.constant 0 : i32
        %dma_start3A_76 = tpu.memref_slice %arg11[%multiple_of3A, %dma_start3A_75] : memref<10000x128xf32, #tpu.memory_space<vmem_shared>> -> memref<632x128xf32, #tpu.memory_space<vmem_shared>>
        %dma_start3A_77 = arith.constant 0 : i32
        %dma_start3A_78 = tpu.memref_slice %arg7[%multiple_of3A, %dma_start3A_77] : memref<10000x128xf32, #tpu.memory_space<hbm>> -> memref<632x128xf32, #tpu.memory_space<hbm>>
        tpu.enqueue_dma source(%dma_start3A_78 : memref<632x128xf32, #tpu.memory_space<hbm>>) target(%dma_start3A_76 : memref<632x128xf32, #tpu.memory_space<vmem_shared>>) target_semaphore(%run_scoped3A : memref<!tpu.dma_semaphore, #tpu.memory_space<semaphore_mem>>)
        %dma_wait3A_79 = arith.constant 0 : i32
        %dma_wait3A_80 = tpu.memref_slice %arg11[%multiple_of3A, %dma_wait3A_79] : memref<10000x128xf32, #tpu.memory_space<vmem_shared>> -> memref<632x128xf32, #tpu.memory_space<vmem_shared>>
        %dma_wait3A_81 = arith.constant 0 : i32
        %dma_wait3A_82 = tpu.memref_slice %arg7[%multiple_of3A, %dma_wait3A_81] : memref<10000x128xf32, #tpu.memory_space<hbm>> -> memref<632x128xf32, #tpu.memory_space<hbm>>
        tpu.wait_dma2 semaphore(%run_scoped3A : memref<!tpu.dma_semaphore, #tpu.memory_space<semaphore_mem>>) src(%dma_wait3A_82 : memref<632x128xf32, #tpu.memory_space<hbm>>) dst(%dma_wait3A_80 : memref<632x128xf32, #tpu.memory_space<vmem_shared>>)
        tpu.yield
      }) : () -> ()
    } else {
    }
    %eq3A = arith.constant 15 : i32
    %eq3A_3 = arith.cmpi eq, %arg1, %eq3A : i32
    %convert_element_type3A_4 = arith.extui %eq3A_3 : i1 to i32
    %cond3A_5 = arith.constant 0 : i32
    %cond3A_6 = arith.cmpi ne, %convert_element_type3A_4, %cond3A_5 : i32
    scf.if %cond3A_6 {
      "tpu.region"() ({
        %run_scoped3A = tpu.sem_alloc : memref<!tpu.dma_semaphore, #tpu.memory_space<semaphore_mem>>
        %dma_start3A_73 = arith.constant 9480 : i32
        %dma_start3A_74 = arith.constant 0 : i32
        %dma_start3A_75 = tpu.memref_slice %arg11[%dma_start3A_73, %dma_start3A_74] : memref<10000x128xf32, #tpu.memory_space<vmem_shared>> -> memref<520x128xf32, #tpu.memory_space<vmem_shared>>
        %dma_start3A_76 = arith.constant 9480 : i32
        %dma_start3A_77 = arith.constant 0 : i32
        %dma_start3A_78 = tpu.memref_slice %arg7[%dma_start3A_76, %dma_start3A_77] : memref<10000x128xf32, #tpu.memory_space<hbm>> -> memref<520x128xf32, #tpu.memory_space<hbm>>
        tpu.enqueue_dma source(%dma_start3A_78 : memref<520x128xf32, #tpu.memory_space<hbm>>) target(%dma_start3A_75 : memref<520x128xf32, #tpu.memory_space<vmem_shared>>) target_semaphore(%run_scoped3A : memref<!tpu.dma_semaphore, #tpu.memory_space<semaphore_mem>>)
        %dma_wait3A_79 = arith.constant 9480 : i32
        %dma_wait3A_80 = arith.constant 0 : i32
        %dma_wait3A_81 = tpu.memref_slice %arg11[%dma_wait3A_79, %dma_wait3A_80] : memref<10000x128xf32, #tpu.memory_space<vmem_shared>> -> memref<520x128xf32, #tpu.memory_space<vmem_shared>>
        %dma_wait3A_82 = arith.constant 9480 : i32
        %dma_wait3A_83 = arith.constant 0 : i32
        %dma_wait3A_84 = tpu.memref_slice %arg7[%dma_wait3A_82, %dma_wait3A_83] : memref<10000x128xf32, #tpu.memory_space<hbm>> -> memref<520x128xf32, #tpu.memory_space<hbm>>
        tpu.wait_dma2 semaphore(%run_scoped3A : memref<!tpu.dma_semaphore, #tpu.memory_space<semaphore_mem>>) src(%dma_wait3A_84 : memref<520x128xf32, #tpu.memory_space<hbm>>) dst(%dma_wait3A_81 : memref<520x128xf32, #tpu.memory_space<vmem_shared>>)
        tpu.yield
      }) : () -> ()
    } else {
    }
    %eq3A_7 = arith.constant 0 : i32
    %eq3A_8 = arith.cmpi eq, %arg1, %eq3A_7 : i32
    %convert_element_type3A_9 = arith.extui %eq3A_8 : i1 to i32
    %cond3A_10 = arith.constant 0 : i32
    %cond3A_11 = arith.cmpi ne, %convert_element_type3A_9, %cond3A_10 : i32
    scf.if %cond3A_11 {
      "tpu.region"() ({
        %run_scoped3A = tpu.sem_alloc : memref<!tpu.dma_semaphore, #tpu.memory_space<semaphore_mem>>
        tpu.enqueue_dma source(%arg8 : memref<10000xf32, #tpu.memory_space<hbm>>) target(%arg12 : memref<10000xf32, #tpu.memory_space<vmem_shared>>) target_semaphore(%run_scoped3A : memref<!tpu.dma_semaphore, #tpu.memory_space<semaphore_mem>>)
        tpu.wait_dma2 semaphore(%run_scoped3A : memref<!tpu.dma_semaphore, #tpu.memory_space<semaphore_mem>>) src(%arg8 : memref<10000xf32, #tpu.memory_space<hbm>>) dst(%arg12 : memref<10000xf32, #tpu.memory_space<vmem_shared>>)
        tpu.yield
      }) : () -> ()
    } else {
    }
    "tpu.region"() ({
      %run_scoped3A = tpu.sem_alloc : memref<!tpu.dma_semaphore, #tpu.memory_space<semaphore_mem>>
      tpu.enqueue_dma source(%arg3 : memref<10000xf32, #tpu.memory_space<hbm>>) target(%arg13 : memref<10000xf32, #tpu.memory_space<vmem>>) target_semaphore(%run_scoped3A : memref<!tpu.dma_semaphore, #tpu.memory_space<semaphore_mem>>)
      tpu.wait_dma2 semaphore(%run_scoped3A : memref<!tpu.dma_semaphore, #tpu.memory_space<semaphore_mem>>) src(%arg3 : memref<10000xf32, #tpu.memory_space<hbm>>) dst(%arg13 : memref<10000xf32, #tpu.memory_space<vmem>>)
      tpu.yield
    }) : () -> ()
    "tpu.region"() ({
      %run_scoped3A = tpu.sem_alloc : memref<!tpu.dma_semaphore, #tpu.memory_space<semaphore_mem>>
      tpu.enqueue_dma source(%arg4 : memref<10000xf32, #tpu.memory_space<hbm>>) target(%arg14 : memref<10000xf32, #tpu.memory_space<vmem>>) target_semaphore(%run_scoped3A : memref<!tpu.dma_semaphore, #tpu.memory_space<semaphore_mem>>)
      tpu.wait_dma2 semaphore(%run_scoped3A : memref<!tpu.dma_semaphore, #tpu.memory_space<semaphore_mem>>) src(%arg4 : memref<10000xf32, #tpu.memory_space<hbm>>) dst(%arg14 : memref<10000xf32, #tpu.memory_space<vmem>>)
      tpu.yield
    }) : () -> ()
    "tpu.region"() ({
      %run_scoped3A = tpu.sem_alloc : memref<!tpu.dma_semaphore, #tpu.memory_space<semaphore_mem>>
      tpu.enqueue_dma source(%arg5 : memref<16xf32, #tpu.memory_space<hbm>>) target(%arg23 : memref<16xf32, #tpu.memory_space<vmem>>) target_semaphore(%run_scoped3A : memref<!tpu.dma_semaphore, #tpu.memory_space<semaphore_mem>>)
      tpu.wait_dma2 semaphore(%run_scoped3A : memref<!tpu.dma_semaphore, #tpu.memory_space<semaphore_mem>>) src(%arg5 : memref<16xf32, #tpu.memory_space<hbm>>) dst(%arg23 : memref<16xf32, #tpu.memory_space<vmem>>)
      tpu.yield
    }) : () -> ()
    %barrier3A = arith.constant 0 : index
    tpu.barrier barrier_id(%barrier3A)
    %get3A = arith.constant 0 : index
    %get3A_12 = tpu.vector_load %arg23[%get3A] {strides = array<i32>} : memref<16xf32, #tpu.memory_space<vmem>>, vector<16xf32>,
    %mul3A_13 = arith.constant 125 : i32
    %mul3A_14 = arith.muli %add3A, %mul3A_13 : i32
    %add3A_15 = arith.constant 0 : i32
    %add3A_16 = arith.addi %mul3A_14, %add3A_15 : i32
    "tpu.region"() ({
      %run_scoped3A = tpu.sem_alloc : memref<!tpu.dma_semaphore, #tpu.memory_space<semaphore_mem>>
      %dma_start3A_73 = arith.constant 0 : i32
      %dma_start3A_74 = tpu.memref_slice %arg6[%add3A_16, %dma_start3A_73] : memref<4000x160xi32, #tpu.memory_space<hbm>> -> memref<1x160xi32, #tpu.memory_space<hbm>>
      %dma_start3A_75 = tpu.memref_squeeze %dma_start3A_74 : memref<1x160xi32, #tpu.memory_space<hbm>> -> memref<160xi32, #tpu.memory_space<hbm>>
      %dma_start3A_76 = arith.constant 0 : i32
      %dma_start3A_77 = tpu.memref_slice %arg6[%add3A_16, %dma_start3A_76] : memref<4000x160xi32, #tpu.memory_space<hbm>> -> memref<1x160xi32, #tpu.memory_space<hbm>>
      %dma_start3A_78 = tpu.memref_squeeze %dma_start3A_77 : memref<1x160xi32, #tpu.memory_space<hbm>> -> memref<160xi32, #tpu.memory_space<hbm>>
      tpu.enqueue_dma source(%dma_start3A_78 : memref<160xi32, #tpu.memory_space<hbm>>) target(%arg15 : memref<160xi32, #tpu.memory_space<vmem>>) target_semaphore(%run_scoped3A : memref<!tpu.dma_semaphore, #tpu.memory_space<semaphore_mem>>)
      %dma_wait3A_79 = arith.constant 0 : i32
      %dma_wait3A_80 = tpu.memref_slice %arg6[%add3A_16, %dma_wait3A_79] : memref<4000x160xi32, #tpu.memory_space<hbm>> -> memref<1x160xi32, #tpu.memory_space<hbm>>
      %dma_wait3A_81 = tpu.memref_squeeze %dma_wait3A_80 : memref<1x160xi32, #tpu.memory_space<hbm>> -> memref<160xi32, #tpu.memory_space<hbm>>
      %dma_wait3A_82 = arith.constant 0 : i32
      %dma_wait3A_83 = tpu.memref_slice %arg6[%add3A_16, %dma_wait3A_82] : memref<4000x160xi32, #tpu.memory_space<hbm>> -> memref<1x160xi32, #tpu.memory_space<hbm>>
      %dma_wait3A_84 = tpu.memref_squeeze %dma_wait3A_83 : memref<1x160xi32, #tpu.memory_space<hbm>> -> memref<160xi32, #tpu.memory_space<hbm>>
      tpu.wait_dma2 semaphore(%run_scoped3A : memref<!tpu.dma_semaphore, #tpu.memory_space<semaphore_mem>>) src(%dma_wait3A_84 : memref<160xi32, #tpu.memory_space<hbm>>) dst(%arg15 : memref<160xi32, #tpu.memory_space<vmem>>)
      tpu.yield
    }) : () -> ()
    %get3A_17 = arith.constant 80 : index
    %get3A_18 = tpu.vector_load %arg15[%get3A_17] {strides = array<i32>} : memref<160xi32, #tpu.memory_space<vmem>>, vector<16xi32>,
    %swap3A = arith.constant 0 : index
    %swap3A_19 = tpu.vector_load %arg17[%swap3A] {strides = array<i32>} : memref<80xi32, #tpu.memory_space<vmem>>, vector<16xi32>,
    tpu.vector_store %arg17[%swap3A], %get3A_18 {strides = array<i32>} : memref<80xi32, #tpu.memory_space<vmem>>, vector<16xi32>,
    %get3A_20 = arith.constant 96 : index
    %get3A_21 = tpu.vector_load %arg15[%get3A_20] {strides = array<i32>} : memref<160xi32, #tpu.memory_space<vmem>>, vector<16xi32>,
    %swap3A_22 = arith.constant 16 : index
    %swap3A_23 = tpu.vector_load %arg17[%swap3A_22] {strides = array<i32>} : memref<80xi32, #tpu.memory_space<vmem>>, vector<16xi32>,
    tpu.vector_store %arg17[%swap3A_22], %get3A_21 {strides = array<i32>} : memref<80xi32, #tpu.memory_space<vmem>>, vector<16xi32>,
    %get3A_24 = arith.constant 112 : index
    %get3A_25 = tpu.vector_load %arg15[%get3A_24] {strides = array<i32>} : memref<160xi32, #tpu.memory_space<vmem>>, vector<16xi32>,
    %swap3A_26 = arith.constant 32 : index
    %swap3A_27 = tpu.vector_load %arg17[%swap3A_26] {strides = array<i32>} : memref<80xi32, #tpu.memory_space<vmem>>, vector<16xi32>,
    tpu.vector_store %arg17[%swap3A_26], %get3A_25 {strides = array<i32>} : memref<80xi32, #tpu.memory_space<vmem>>, vector<16xi32>,
    %get3A_28 = arith.constant 128 : index
    %get3A_29 = tpu.vector_load %arg15[%get3A_28] {strides = array<i32>} : memref<160xi32, #tpu.memory_space<vmem>>, vector<16xi32>,
    %swap3A_30 = arith.constant 48 : index
    %swap3A_31 = tpu.vector_load %arg17[%swap3A_30] {strides = array<i32>} : memref<80xi32, #tpu.memory_space<vmem>>, vector<16xi32>,
    tpu.vector_store %arg17[%swap3A_30], %get3A_29 {strides = array<i32>} : memref<80xi32, #tpu.memory_space<vmem>>, vector<16xi32>,
    %get3A_32 = arith.constant 144 : index
    %get3A_33 = tpu.vector_load %arg15[%get3A_32] {strides = array<i32>} : memref<160xi32, #tpu.memory_space<vmem>>, vector<16xi32>,
    %swap3A_34 = arith.constant 64 : index
    %swap3A_35 = tpu.vector_load %arg17[%swap3A_34] {strides = array<i32>} : memref<80xi32, #tpu.memory_space<vmem>>, vector<16xi32>,
    tpu.vector_store %arg17[%swap3A_34], %get3A_33 {strides = array<i32>} : memref<80xi32, #tpu.memory_space<vmem>>, vector<16xi32>,
    %dma_start3A = arith.constant 0 : i32
    %dma_start3A_36 = tpu.memref_slice %arg15[%dma_start3A] : memref<160xi32, #tpu.memory_space<vmem>> -> memref<80xi32, #tpu.memory_space<vmem>>
    %dma_start3A_37 = arith.constant 0 : i32
    %dma_start3A_38 = arith.constant 0 : i32
    %dma_start3A_39 = tpu.memref_slice %arg2[%dma_start3A_37, %dma_start3A_38] : memref<10000x128xf32, #tpu.memory_space<hbm>> -> memref<10000x128xf32, #tpu.memory_space<hbm>>
    tpu.enqueue_indirect_dma source(%dma_start3A_39 : memref<10000x128xf32, #tpu.memory_space<hbm>>) target(%arg21 : memref<80x128xf32, #tpu.memory_space<vmem>>) offsets(%dma_start3A_36 : memref<80xi32, #tpu.memory_space<vmem>>) semaphore(%arg24 : memref<!tpu.dma_semaphore, #tpu.memory_space<semaphore_mem>>)
    %parallel_loop3A = arith.constant 0 : i32
    %parallel_loop3A_40 = arith.constant 5 : i32
    %parallel_loop3A_41 = arith.constant 1 : i32
    scf.for %parallel_loop3A_73 = %parallel_loop3A to %parallel_loop3A_40 step %parallel_loop3A_41  : i32 {
      %parallel_loop3A_74 = arith.constant 16 : i32
      %parallel_loop3A_75 = arith.muli %parallel_loop3A_73, %parallel_loop3A_74 : i32
      %parallel_loop3A_76 = arith.index_cast %parallel_loop3A_75 : i32 to index
      %parallel_loop3A_77 = tpu.vector_load %arg15[%parallel_loop3A_76] {strides = array<i32>} : memref<160xi32, #tpu.memory_space<vmem>>, vector<16xi32>,
      %parallel_loop3A_78 = arith.constant 16 : i32
      %parallel_loop3A_79 = arith.muli %parallel_loop3A_73, %parallel_loop3A_78 : i32
      %parallel_loop3A_80 = arith.index_cast %parallel_loop3A_79 : i32 to index
      %parallel_loop3A_81 = tpu.vector_load %arg17[%parallel_loop3A_80] {strides = array<i32>} : memref<80xi32, #tpu.memory_space<vmem>>, vector<16xi32>,
      %parallel_loop3A_82 = tpu.vector_load_idx %arg13[%parallel_loop3A_77] : memref<10000xf32, #tpu.memory_space<vmem>>[vector<16xi32>], vector<16xf32>,
      %parallel_loop3A_83 = tpu.vector_load_idx %arg14[%parallel_loop3A_81] : memref<10000xf32, #tpu.memory_space<vmem>>[vector<16xi32>], vector<16xf32>,
      %parallel_loop3A_84 = arith.addf %parallel_loop3A_82, %parallel_loop3A_83 : vector<16xf32>
      %parallel_loop3A_85 = arith.constant 2.000000e-01 : f32
      %parallel_loop3A_86 = vector.broadcast %parallel_loop3A_85 : f32 to vector<16xf32>
      %parallel_loop3A_87 = arith.mulf %parallel_loop3A_84, %parallel_loop3A_86 : vector<16xf32>
      %parallel_loop3A_88 = arith.maximumf %parallel_loop3A_84, %parallel_loop3A_87 : vector<16xf32>
      %parallel_loop3A_89 = arith.subf %parallel_loop3A_88, %get3A_12 : vector<16xf32>
      %parallel_loop3A_90 = math.exp %parallel_loop3A_89 : vector<16xf32>
      %parallel_loop3A_91 = arith.constant 16 : i32
      %parallel_loop3A_92 = arith.muli %parallel_loop3A_73, %parallel_loop3A_91 : i32
      %parallel_loop3A_93 = arith.index_cast %parallel_loop3A_92 : i32 to index
      %parallel_loop3A_94 = tpu.vector_load %arg19[%parallel_loop3A_93] {strides = array<i32>} : memref<80xf32, #tpu.memory_space<vmem>>, vector<16xf32>,
      tpu.vector_store %arg19[%parallel_loop3A_93], %parallel_loop3A_90 {strides = array<i32>} : memref<80xf32, #tpu.memory_space<vmem>>, vector<16xf32>,
    } {sc.loop_unroll_factor = 1 : i64, sc.parallel_access}
    %dma_start3A_42 = arith.constant 0 : i32
    %dma_start3A_43 = tpu.memref_slice %arg12[%dma_start3A_42] : memref<10000xf32, #tpu.memory_space<vmem_shared>> -> memref<10000xf32, #tpu.memory_space<vmem_shared>>
    tpu.enqueue_indirect_dma source(%arg19 : memref<80xf32, #tpu.memory_space<vmem>>) target(%dma_start3A_43 : memref<10000xf32, #tpu.memory_space<vmem_shared>>) offsets(%arg17 : memref<80xi32, #tpu.memory_space<vmem>>) semaphore(%arg28 : memref<!tpu.dma_semaphore, #tpu.memory_space<semaphore_mem>>) {add = true}
    %scan3A = arith.constant 0 : i32
    %scan3A_44 = arith.constant 125 : i32
    %scan3A_45 = arith.addi %scan3A, %scan3A_44 : i32
    %scan3A_46 = arith.constant 1 : i32
    scf.for %scan3A_73 = %scan3A to %scan3A_45 step %scan3A_46  : i32 {
      %mul3A_74 = arith.constant 1 : i32
      %mul3A_75 = arith.muli %scan3A_73, %mul3A_74 : i32
      %add3A_76 = arith.constant 0 : i32
      %add3A_77 = arith.addi %add3A_76, %mul3A_75 : i32
      %jit3A = arith.constant 2 : i32
      %eq3A_78 = arith.constant 0 : i32
      %eq3A_79 = arith.cmpi eq, %jit3A, %eq3A_78 : i32
      %jit3A_80 = arith.constant 1 : i32
      %select_n3A = arith.select %eq3A_79, %jit3A_80, %jit3A : i32
      %rem3A = arith.remsi %add3A_77, %select_n3A : i32
      %ne3A = arith.constant 0 : i32
      %ne3A_81 = arith.cmpi ne, %rem3A, %ne3A : i32
      %lt3A_82 = arith.constant 0 : i32
      %lt3A_83 = arith.cmpi slt, %rem3A, %lt3A_82 : i32
      %lt3A_84 = arith.constant 0 : i32
      %lt3A_85 = arith.cmpi slt, %select_n3A, %lt3A_84 : i32
      %ne3A_86 = arith.xori %lt3A_83, %lt3A_85 : i1
      %and3A = arith.andi %ne3A_86, %ne3A_81 : i1
      %add3A_87 = arith.addi %rem3A, %select_n3A : i32
      %select_n3A_88 = arith.select %and3A, %add3A_87, %rem3A : i32
      %eq3A_89 = arith.constant 0 : i32
      %eq3A_90 = arith.cmpi eq, %select_n3A_88, %eq3A_89 : i32
      %add3A_91 = arith.constant 1 : i32
      %add3A_92 = arith.addi %add3A_77, %add3A_91 : i32
      %lt3A_93 = arith.constant 125 : i32
      %lt3A_94 = arith.cmpi slt, %add3A_92, %lt3A_93 : i32
      %and3A_95 = arith.andi %eq3A_90, %lt3A_94 : i1
      %convert_element_type3A_96 = arith.extui %and3A_95 : i1 to i32
      %cond3A_97 = arith.constant 0 : i32
      %cond3A_98 = arith.cmpi ne, %convert_element_type3A_96, %cond3A_97 : i32
      scf.if %cond3A_98 {
        %add3A_112 = arith.constant 1 : i32
        %add3A_113 = arith.addi %add3A_77, %add3A_112 : i32
        %ge3A = arith.constant 1 : i32
        %ge3A_114 = arith.cmpi sge, %add3A_77, %ge3A : i32
        %convert_element_type3A_115 = arith.extui %ge3A_114 : i1 to i32
        %cond3A_116 = arith.constant 0 : i32
        %cond3A_117 = arith.cmpi ne, %convert_element_type3A_115, %cond3A_116 : i32
        scf.if %cond3A_117 {
          %dma_wait3A_151 = arith.constant 0 : i32
          %dma_wait3A_152 = arith.constant 0 : i32
          %dma_wait3A_153 = tpu.memref_slice %arg11[%dma_wait3A_151, %dma_wait3A_152] : memref<10000x128xf32, #tpu.memory_space<vmem_shared>> -> memref<10000x128xf32, #tpu.memory_space<vmem_shared>>
          tpu.wait_indirect_dma semaphore(%arg27 : memref<!tpu.dma_semaphore, #tpu.memory_space<semaphore_mem>>) src(%arg22 : memref<80x128xf32, #tpu.memory_space<vmem>>) dst(%dma_wait3A_153 : memref<10000x128xf32, #tpu.memory_space<vmem_shared>>)
          %dma_wait3A_154 = arith.constant 0 : i32
          %dma_wait3A_155 = tpu.memref_slice %arg12[%dma_wait3A_154] : memref<10000xf32, #tpu.memory_space<vmem_shared>> -> memref<10000xf32, #tpu.memory_space<vmem_shared>>
          tpu.wait_indirect_dma semaphore(%arg29 : memref<!tpu.dma_semaphore, #tpu.memory_space<semaphore_mem>>) src(%arg20 : memref<80xf32, #tpu.memory_space<vmem>>) dst(%dma_wait3A_155 : memref<10000xf32, #tpu.memory_space<vmem_shared>>)
        } else {
        }
        %mul3A_118 = arith.constant 125 : i32
        %mul3A_119 = arith.muli %add3A, %mul3A_118 : i32
        %add3A_120 = arith.addi %mul3A_119, %add3A_113 : i32
        "tpu.region"() ({
          %run_scoped3A = tpu.sem_alloc : memref<!tpu.dma_semaphore, #tpu.memory_space<semaphore_mem>>
          %dma_start3A_151 = arith.constant 0 : i32
          %dma_start3A_152 = tpu.memref_slice %arg6[%add3A_120, %dma_start3A_151] : memref<4000x160xi32, #tpu.memory_space<hbm>> -> memref<1x160xi32, #tpu.memory_space<hbm>>
          %dma_start3A_153 = tpu.memref_squeeze %dma_start3A_152 : memref<1x160xi32, #tpu.memory_space<hbm>> -> memref<160xi32, #tpu.memory_space<hbm>>
          %dma_start3A_154 = arith.constant 0 : i32
          %dma_start3A_155 = tpu.memref_slice %arg6[%add3A_120, %dma_start3A_154] : memref<4000x160xi32, #tpu.memory_space<hbm>> -> memref<1x160xi32, #tpu.memory_space<hbm>>
          %dma_start3A_156 = tpu.memref_squeeze %dma_start3A_155 : memref<1x160xi32, #tpu.memory_space<hbm>> -> memref<160xi32, #tpu.memory_space<hbm>>
          tpu.enqueue_dma source(%dma_start3A_156 : memref<160xi32, #tpu.memory_space<hbm>>) target(%arg16 : memref<160xi32, #tpu.memory_space<vmem>>) target_semaphore(%run_scoped3A : memref<!tpu.dma_semaphore, #tpu.memory_space<semaphore_mem>>)
          %dma_wait3A_157 = arith.constant 0 : i32
          %dma_wait3A_158 = tpu.memref_slice %arg6[%add3A_120, %dma_wait3A_157] : memref<4000x160xi32, #tpu.memory_space<hbm>> -> memref<1x160xi32, #tpu.memory_space<hbm>>
          %dma_wait3A_159 = tpu.memref_squeeze %dma_wait3A_158 : memref<1x160xi32, #tpu.memory_space<hbm>> -> memref<160xi32, #tpu.memory_space<hbm>>
          %dma_wait3A_160 = arith.constant 0 : i32
          %dma_wait3A_161 = tpu.memref_slice %arg6[%add3A_120, %dma_wait3A_160] : memref<4000x160xi32, #tpu.memory_space<hbm>> -> memref<1x160xi32, #tpu.memory_space<hbm>>
          %dma_wait3A_162 = tpu.memref_squeeze %dma_wait3A_161 : memref<1x160xi32, #tpu.memory_space<hbm>> -> memref<160xi32, #tpu.memory_space<hbm>>
          tpu.wait_dma2 semaphore(%run_scoped3A : memref<!tpu.dma_semaphore, #tpu.memory_space<semaphore_mem>>) src(%dma_wait3A_162 : memref<160xi32, #tpu.memory_space<hbm>>) dst(%arg16 : memref<160xi32, #tpu.memory_space<vmem>>)
          tpu.yield
        }) : () -> ()
        %get3A_121 = arith.constant 80 : index
        %get3A_122 = tpu.vector_load %arg16[%get3A_121] {strides = array<i32>} : memref<160xi32, #tpu.memory_space<vmem>>, vector<16xi32>,
        %swap3A_123 = arith.constant 0 : index
        %swap3A_124 = tpu.vector_load %arg18[%swap3A_123] {strides = array<i32>} : memref<80xi32, #tpu.memory_space<vmem>>, vector<16xi32>,
        tpu.vector_store %arg18[%swap3A_123], %get3A_122 {strides = array<i32>} : memref<80xi32, #tpu.memory_space<vmem>>, vector<16xi32>,
        %get3A_125 = arith.constant 96 : index
        %get3A_126 = tpu.vector_load %arg16[%get3A_125] {strides = array<i32>} : memref<160xi32, #tpu.memory_space<vmem>>, vector<16xi32>,
        %swap3A_127 = arith.constant 16 : index
        %swap3A_128 = tpu.vector_load %arg18[%swap3A_127] {strides = array<i32>} : memref<80xi32, #tpu.memory_space<vmem>>, vector<16xi32>,
        tpu.vector_store %arg18[%swap3A_127], %get3A_126 {strides = array<i32>} : memref<80xi32, #tpu.memory_space<vmem>>, vector<16xi32>,
        %get3A_129 = arith.constant 112 : index
        %get3A_130 = tpu.vector_load %arg16[%get3A_129] {strides = array<i32>} : memref<160xi32, #tpu.memory_space<vmem>>, vector<16xi32>,
        %swap3A_131 = arith.constant 32 : index
        %swap3A_132 = tpu.vector_load %arg18[%swap3A_131] {strides = array<i32>} : memref<80xi32, #tpu.memory_space<vmem>>, vector<16xi32>,
        tpu.vector_store %arg18[%swap3A_131], %get3A_130 {strides = array<i32>} : memref<80xi32, #tpu.memory_space<vmem>>, vector<16xi32>,
        %get3A_133 = arith.constant 128 : index
        %get3A_134 = tpu.vector_load %arg16[%get3A_133] {strides = array<i32>} : memref<160xi32, #tpu.memory_space<vmem>>, vector<16xi32>,
        %swap3A_135 = arith.constant 48 : index
        %swap3A_136 = tpu.vector_load %arg18[%swap3A_135] {strides = array<i32>} : memref<80xi32, #tpu.memory_space<vmem>>, vector<16xi32>,
        tpu.vector_store %arg18[%swap3A_135], %get3A_134 {strides = array<i32>} : memref<80xi32, #tpu.memory_space<vmem>>, vector<16xi32>,
        %get3A_137 = arith.constant 144 : index
        %get3A_138 = tpu.vector_load %arg16[%get3A_137] {strides = array<i32>} : memref<160xi32, #tpu.memory_space<vmem>>, vector<16xi32>,
        %swap3A_139 = arith.constant 64 : index
        %swap3A_140 = tpu.vector_load %arg18[%swap3A_139] {strides = array<i32>} : memref<80xi32, #tpu.memory_space<vmem>>, vector<16xi32>,
        tpu.vector_store %arg18[%swap3A_139], %get3A_138 {strides = array<i32>} : memref<80xi32, #tpu.memory_space<vmem>>, vector<16xi32>,
        %dma_start3A_141 = arith.constant 0 : i32
        %dma_start3A_142 = tpu.memref_slice %arg16[%dma_start3A_141] : memref<160xi32, #tpu.memory_space<vmem>> -> memref<80xi32, #tpu.memory_space<vmem>>
        %dma_start3A_143 = arith.constant 0 : i32
        %dma_start3A_144 = arith.constant 0 : i32
        %dma_start3A_145 = tpu.memref_slice %arg2[%dma_start3A_143, %dma_start3A_144] : memref<10000x128xf32, #tpu.memory_space<hbm>> -> memref<10000x128xf32, #tpu.memory_space<hbm>>
        tpu.enqueue_indirect_dma source(%dma_start3A_145 : memref<10000x128xf32, #tpu.memory_space<hbm>>) target(%arg22 : memref<80x128xf32, #tpu.memory_space<vmem>>) offsets(%dma_start3A_142 : memref<80xi32, #tpu.memory_space<vmem>>) semaphore(%arg25 : memref<!tpu.dma_semaphore, #tpu.memory_space<semaphore_mem>>)
        %parallel_loop3A_146 = arith.constant 0 : i32
        %parallel_loop3A_147 = arith.constant 5 : i32
        %parallel_loop3A_148 = arith.constant 1 : i32
        scf.for %parallel_loop3A_151 = %parallel_loop3A_146 to %parallel_loop3A_147 step %parallel_loop3A_148  : i32 {
          %parallel_loop3A_152 = arith.constant 16 : i32
          %parallel_loop3A_153 = arith.muli %parallel_loop3A_151, %parallel_loop3A_152 : i32
          %parallel_loop3A_154 = arith.index_cast %parallel_loop3A_153 : i32 to index
          %parallel_loop3A_155 = tpu.vector_load %arg16[%parallel_loop3A_154] {strides = array<i32>} : memref<160xi32, #tpu.memory_space<vmem>>, vector<16xi32>,
          %parallel_loop3A_156 = arith.constant 16 : i32
          %parallel_loop3A_157 = arith.muli %parallel_loop3A_151, %parallel_loop3A_156 : i32
          %parallel_loop3A_158 = arith.index_cast %parallel_loop3A_157 : i32 to index
          %parallel_loop3A_159 = tpu.vector_load %arg18[%parallel_loop3A_158] {strides = array<i32>} : memref<80xi32, #tpu.memory_space<vmem>>, vector<16xi32>,
          %parallel_loop3A_160 = tpu.vector_load_idx %arg13[%parallel_loop3A_155] : memref<10000xf32, #tpu.memory_space<vmem>>[vector<16xi32>], vector<16xf32>,
          %parallel_loop3A_161 = tpu.vector_load_idx %arg14[%parallel_loop3A_159] : memref<10000xf32, #tpu.memory_space<vmem>>[vector<16xi32>], vector<16xf32>,
          %parallel_loop3A_162 = arith.addf %parallel_loop3A_160, %parallel_loop3A_161 : vector<16xf32>
          %parallel_loop3A_163 = arith.constant 2.000000e-01 : f32
          %parallel_loop3A_164 = vector.broadcast %parallel_loop3A_163 : f32 to vector<16xf32>
          %parallel_loop3A_165 = arith.mulf %parallel_loop3A_162, %parallel_loop3A_164 : vector<16xf32>
          %parallel_loop3A_166 = arith.maximumf %parallel_loop3A_162, %parallel_loop3A_165 : vector<16xf32>
          %parallel_loop3A_167 = arith.subf %parallel_loop3A_166, %get3A_12 : vector<16xf32>
          %parallel_loop3A_168 = math.exp %parallel_loop3A_167 : vector<16xf32>
          %parallel_loop3A_169 = arith.constant 16 : i32
          %parallel_loop3A_170 = arith.muli %parallel_loop3A_151, %parallel_loop3A_169 : i32
          %parallel_loop3A_171 = arith.index_cast %parallel_loop3A_170 : i32 to index
          %parallel_loop3A_172 = tpu.vector_load %arg20[%parallel_loop3A_171] {strides = array<i32>} : memref<80xf32, #tpu.memory_space<vmem>>, vector<16xf32>,
          tpu.vector_store %arg20[%parallel_loop3A_171], %parallel_loop3A_168 {strides = array<i32>} : memref<80xf32, #tpu.memory_space<vmem>>, vector<16xf32>,
        } {sc.loop_unroll_factor = 1 : i64, sc.parallel_access}
        %dma_start3A_149 = arith.constant 0 : i32
        %dma_start3A_150 = tpu.memref_slice %arg12[%dma_start3A_149] : memref<10000xf32, #tpu.memory_space<vmem_shared>> -> memref<10000xf32, #tpu.memory_space<vmem_shared>>
        tpu.enqueue_indirect_dma source(%arg20 : memref<80xf32, #tpu.memory_space<vmem>>) target(%dma_start3A_150 : memref<10000xf32, #tpu.memory_space<vmem_shared>>) offsets(%arg18 : memref<80xi32, #tpu.memory_space<vmem>>) semaphore(%arg29 : memref<!tpu.dma_semaphore, #tpu.memory_space<semaphore_mem>>) {add = true}
      } else {
      }
      %not3A = arith.constant true
      %not3A_99 = arith.xori %eq3A_90, %not3A : i1
      %and3A_100 = arith.andi %not3A_99, %lt3A_94 : i1
      %convert_element_type3A_101 = arith.extui %and3A_100 : i1 to i32
      %cond3A_102 = arith.constant 0 : i32
      %cond3A_103 = arith.cmpi ne, %convert_element_type3A_101, %cond3A_102 : i32
      scf.if %cond3A_103 {
        %add3A_112 = arith.constant 1 : i32
        %add3A_113 = arith.addi %add3A_77, %add3A_112 : i32
        %ge3A = arith.constant 1 : i32
        %ge3A_114 = arith.cmpi sge, %add3A_77, %ge3A : i32
        %convert_element_type3A_115 = arith.extui %ge3A_114 : i1 to i32
        %cond3A_116 = arith.constant 0 : i32
        %cond3A_117 = arith.cmpi ne, %convert_element_type3A_115, %cond3A_116 : i32
        scf.if %cond3A_117 {
          %dma_wait3A_151 = arith.constant 0 : i32
          %dma_wait3A_152 = arith.constant 0 : i32
          %dma_wait3A_153 = tpu.memref_slice %arg11[%dma_wait3A_151, %dma_wait3A_152] : memref<10000x128xf32, #tpu.memory_space<vmem_shared>> -> memref<10000x128xf32, #tpu.memory_space<vmem_shared>>
          tpu.wait_indirect_dma semaphore(%arg26 : memref<!tpu.dma_semaphore, #tpu.memory_space<semaphore_mem>>) src(%arg21 : memref<80x128xf32, #tpu.memory_space<vmem>>) dst(%dma_wait3A_153 : memref<10000x128xf32, #tpu.memory_space<vmem_shared>>)
          %dma_wait3A_154 = arith.constant 0 : i32
          %dma_wait3A_155 = tpu.memref_slice %arg12[%dma_wait3A_154] : memref<10000xf32, #tpu.memory_space<vmem_shared>> -> memref<10000xf32, #tpu.memory_space<vmem_shared>>
          tpu.wait_indirect_dma semaphore(%arg28 : memref<!tpu.dma_semaphore, #tpu.memory_space<semaphore_mem>>) src(%arg19 : memref<80xf32, #tpu.memory_space<vmem>>) dst(%dma_wait3A_155 : memref<10000xf32, #tpu.memory_space<vmem_shared>>)
        } else {
        }
        %mul3A_118 = arith.constant 125 : i32
        %mul3A_119 = arith.muli %add3A, %mul3A_118 : i32
        %add3A_120 = arith.addi %mul3A_119, %add3A_113 : i32
        "tpu.region"() ({
          %run_scoped3A = tpu.sem_alloc : memref<!tpu.dma_semaphore, #tpu.memory_space<semaphore_mem>>
          %dma_start3A_151 = arith.constant 0 : i32
          %dma_start3A_152 = tpu.memref_slice %arg6[%add3A_120, %dma_start3A_151] : memref<4000x160xi32, #tpu.memory_space<hbm>> -> memref<1x160xi32, #tpu.memory_space<hbm>>
          %dma_start3A_153 = tpu.memref_squeeze %dma_start3A_152 : memref<1x160xi32, #tpu.memory_space<hbm>> -> memref<160xi32, #tpu.memory_space<hbm>>
          %dma_start3A_154 = arith.constant 0 : i32
          %dma_start3A_155 = tpu.memref_slice %arg6[%add3A_120, %dma_start3A_154] : memref<4000x160xi32, #tpu.memory_space<hbm>> -> memref<1x160xi32, #tpu.memory_space<hbm>>
          %dma_start3A_156 = tpu.memref_squeeze %dma_start3A_155 : memref<1x160xi32, #tpu.memory_space<hbm>> -> memref<160xi32, #tpu.memory_space<hbm>>
          tpu.enqueue_dma source(%dma_start3A_156 : memref<160xi32, #tpu.memory_space<hbm>>) target(%arg15 : memref<160xi32, #tpu.memory_space<vmem>>) target_semaphore(%run_scoped3A : memref<!tpu.dma_semaphore, #tpu.memory_space<semaphore_mem>>)
          %dma_wait3A_157 = arith.constant 0 : i32
          %dma_wait3A_158 = tpu.memref_slice %arg6[%add3A_120, %dma_wait3A_157] : memref<4000x160xi32, #tpu.memory_space<hbm>> -> memref<1x160xi32, #tpu.memory_space<hbm>>
          %dma_wait3A_159 = tpu.memref_squeeze %dma_wait3A_158 : memref<1x160xi32, #tpu.memory_space<hbm>> -> memref<160xi32, #tpu.memory_space<hbm>>
          %dma_wait3A_160 = arith.constant 0 : i32
          %dma_wait3A_161 = tpu.memref_slice %arg6[%add3A_120, %dma_wait3A_160] : memref<4000x160xi32, #tpu.memory_space<hbm>> -> memref<1x160xi32, #tpu.memory_space<hbm>>
          %dma_wait3A_162 = tpu.memref_squeeze %dma_wait3A_161 : memref<1x160xi32, #tpu.memory_space<hbm>> -> memref<160xi32, #tpu.memory_space<hbm>>
          tpu.wait_dma2 semaphore(%run_scoped3A : memref<!tpu.dma_semaphore, #tpu.memory_space<semaphore_mem>>) src(%dma_wait3A_162 : memref<160xi32, #tpu.memory_space<hbm>>) dst(%arg15 : memref<160xi32, #tpu.memory_space<vmem>>)
          tpu.yield
        }) : () -> ()
        %get3A_121 = arith.constant 80 : index
        %get3A_122 = tpu.vector_load %arg15[%get3A_121] {strides = array<i32>} : memref<160xi32, #tpu.memory_space<vmem>>, vector<16xi32>,
        %swap3A_123 = arith.constant 0 : index
        %swap3A_124 = tpu.vector_load %arg17[%swap3A_123] {strides = array<i32>} : memref<80xi32, #tpu.memory_space<vmem>>, vector<16xi32>,
        tpu.vector_store %arg17[%swap3A_123], %get3A_122 {strides = array<i32>} : memref<80xi32, #tpu.memory_space<vmem>>, vector<16xi32>,
        %get3A_125 = arith.constant 96 : index
        %get3A_126 = tpu.vector_load %arg15[%get3A_125] {strides = array<i32>} : memref<160xi32, #tpu.memory_space<vmem>>, vector<16xi32>,
        %swap3A_127 = arith.constant 16 : index
        %swap3A_128 = tpu.vector_load %arg17[%swap3A_127] {strides = array<i32>} : memref<80xi32, #tpu.memory_space<vmem>>, vector<16xi32>,
        tpu.vector_store %arg17[%swap3A_127], %get3A_126 {strides = array<i32>} : memref<80xi32, #tpu.memory_space<vmem>>, vector<16xi32>,
        %get3A_129 = arith.constant 112 : index
        %get3A_130 = tpu.vector_load %arg15[%get3A_129] {strides = array<i32>} : memref<160xi32, #tpu.memory_space<vmem>>, vector<16xi32>,
        %swap3A_131 = arith.constant 32 : index
        %swap3A_132 = tpu.vector_load %arg17[%swap3A_131] {strides = array<i32>} : memref<80xi32, #tpu.memory_space<vmem>>, vector<16xi32>,
        tpu.vector_store %arg17[%swap3A_131], %get3A_130 {strides = array<i32>} : memref<80xi32, #tpu.memory_space<vmem>>, vector<16xi32>,
        %get3A_133 = arith.constant 128 : index
        %get3A_134 = tpu.vector_load %arg15[%get3A_133] {strides = array<i32>} : memref<160xi32, #tpu.memory_space<vmem>>, vector<16xi32>,
        %swap3A_135 = arith.constant 48 : index
        %swap3A_136 = tpu.vector_load %arg17[%swap3A_135] {strides = array<i32>} : memref<80xi32, #tpu.memory_space<vmem>>, vector<16xi32>,
        tpu.vector_store %arg17[%swap3A_135], %get3A_134 {strides = array<i32>} : memref<80xi32, #tpu.memory_space<vmem>>, vector<16xi32>,
        %get3A_137 = arith.constant 144 : index
        %get3A_138 = tpu.vector_load %arg15[%get3A_137] {strides = array<i32>} : memref<160xi32, #tpu.memory_space<vmem>>, vector<16xi32>,
        %swap3A_139 = arith.constant 64 : index
        %swap3A_140 = tpu.vector_load %arg17[%swap3A_139] {strides = array<i32>} : memref<80xi32, #tpu.memory_space<vmem>>, vector<16xi32>,
        tpu.vector_store %arg17[%swap3A_139], %get3A_138 {strides = array<i32>} : memref<80xi32, #tpu.memory_space<vmem>>, vector<16xi32>,
        %dma_start3A_141 = arith.constant 0 : i32
        %dma_start3A_142 = tpu.memref_slice %arg15[%dma_start3A_141] : memref<160xi32, #tpu.memory_space<vmem>> -> memref<80xi32, #tpu.memory_space<vmem>>
        %dma_start3A_143 = arith.constant 0 : i32
        %dma_start3A_144 = arith.constant 0 : i32
        %dma_start3A_145 = tpu.memref_slice %arg2[%dma_start3A_143, %dma_start3A_144] : memref<10000x128xf32, #tpu.memory_space<hbm>> -> memref<10000x128xf32, #tpu.memory_space<hbm>>
        tpu.enqueue_indirect_dma source(%dma_start3A_145 : memref<10000x128xf32, #tpu.memory_space<hbm>>) target(%arg21 : memref<80x128xf32, #tpu.memory_space<vmem>>) offsets(%dma_start3A_142 : memref<80xi32, #tpu.memory_space<vmem>>) semaphore(%arg24 : memref<!tpu.dma_semaphore, #tpu.memory_space<semaphore_mem>>)
        %parallel_loop3A_146 = arith.constant 0 : i32
        %parallel_loop3A_147 = arith.constant 5 : i32
        %parallel_loop3A_148 = arith.constant 1 : i32
        scf.for %parallel_loop3A_151 = %parallel_loop3A_146 to %parallel_loop3A_147 step %parallel_loop3A_148  : i32 {
          %parallel_loop3A_152 = arith.constant 16 : i32
          %parallel_loop3A_153 = arith.muli %parallel_loop3A_151, %parallel_loop3A_152 : i32
          %parallel_loop3A_154 = arith.index_cast %parallel_loop3A_153 : i32 to index
          %parallel_loop3A_155 = tpu.vector_load %arg15[%parallel_loop3A_154] {strides = array<i32>} : memref<160xi32, #tpu.memory_space<vmem>>, vector<16xi32>,
          %parallel_loop3A_156 = arith.constant 16 : i32
          %parallel_loop3A_157 = arith.muli %parallel_loop3A_151, %parallel_loop3A_156 : i32
          %parallel_loop3A_158 = arith.index_cast %parallel_loop3A_157 : i32 to index
          %parallel_loop3A_159 = tpu.vector_load %arg17[%parallel_loop3A_158] {strides = array<i32>} : memref<80xi32, #tpu.memory_space<vmem>>, vector<16xi32>,
          %parallel_loop3A_160 = tpu.vector_load_idx %arg13[%parallel_loop3A_155] : memref<10000xf32, #tpu.memory_space<vmem>>[vector<16xi32>], vector<16xf32>,
          %parallel_loop3A_161 = tpu.vector_load_idx %arg14[%parallel_loop3A_159] : memref<10000xf32, #tpu.memory_space<vmem>>[vector<16xi32>], vector<16xf32>,
          %parallel_loop3A_162 = arith.addf %parallel_loop3A_160, %parallel_loop3A_161 : vector<16xf32>
          %parallel_loop3A_163 = arith.constant 2.000000e-01 : f32
          %parallel_loop3A_164 = vector.broadcast %parallel_loop3A_163 : f32 to vector<16xf32>
          %parallel_loop3A_165 = arith.mulf %parallel_loop3A_162, %parallel_loop3A_164 : vector<16xf32>
          %parallel_loop3A_166 = arith.maximumf %parallel_loop3A_162, %parallel_loop3A_165 : vector<16xf32>
          %parallel_loop3A_167 = arith.subf %parallel_loop3A_166, %get3A_12 : vector<16xf32>
          %parallel_loop3A_168 = math.exp %parallel_loop3A_167 : vector<16xf32>
          %parallel_loop3A_169 = arith.constant 16 : i32
          %parallel_loop3A_170 = arith.muli %parallel_loop3A_151, %parallel_loop3A_169 : i32
          %parallel_loop3A_171 = arith.index_cast %parallel_loop3A_170 : i32 to index
          %parallel_loop3A_172 = tpu.vector_load %arg19[%parallel_loop3A_171] {strides = array<i32>} : memref<80xf32, #tpu.memory_space<vmem>>, vector<16xf32>,
          tpu.vector_store %arg19[%parallel_loop3A_171], %parallel_loop3A_168 {strides = array<i32>} : memref<80xf32, #tpu.memory_space<vmem>>, vector<16xf32>,
        } {sc.loop_unroll_factor = 1 : i64, sc.parallel_access}
        %dma_start3A_149 = arith.constant 0 : i32
        %dma_start3A_150 = tpu.memref_slice %arg12[%dma_start3A_149] : memref<10000xf32, #tpu.memory_space<vmem_shared>> -> memref<10000xf32, #tpu.memory_space<vmem_shared>>
        tpu.enqueue_indirect_dma source(%arg19 : memref<80xf32, #tpu.memory_space<vmem>>) target(%dma_start3A_150 : memref<10000xf32, #tpu.memory_space<vmem_shared>>) offsets(%arg17 : memref<80xi32, #tpu.memory_space<vmem>>) semaphore(%arg28 : memref<!tpu.dma_semaphore, #tpu.memory_space<semaphore_mem>>) {add = true}
      } else {
      }
      %convert_element_type3A_104 = arith.extui %eq3A_90 : i1 to i32
      %cond3A_105 = arith.constant 0 : i32
      %cond3A_106 = arith.cmpi ne, %convert_element_type3A_104, %cond3A_105 : i32
      scf.if %cond3A_106 {
        %dma_wait3A_112 = arith.constant 0 : i32
        %dma_wait3A_113 = tpu.memref_slice %arg15[%dma_wait3A_112] : memref<160xi32, #tpu.memory_space<vmem>> -> memref<80xi32, #tpu.memory_space<vmem>>
        %dma_wait3A_114 = arith.constant 0 : i32
        %dma_wait3A_115 = arith.constant 0 : i32
        %dma_wait3A_116 = tpu.memref_slice %arg2[%dma_wait3A_114, %dma_wait3A_115] : memref<10000x128xf32, #tpu.memory_space<hbm>> -> memref<10000x128xf32, #tpu.memory_space<hbm>>
        tpu.wait_indirect_dma semaphore(%arg24 : memref<!tpu.dma_semaphore, #tpu.memory_space<semaphore_mem>>) src(%dma_wait3A_116 : memref<10000x128xf32, #tpu.memory_space<hbm>>) dst(%arg21 : memref<80x128xf32, #tpu.memory_space<vmem>>)
        %parallel_loop3A_117 = arith.constant 0 : i32
        %parallel_loop3A_118 = arith.constant 80 : i32
        %parallel_loop3A_119 = arith.constant 1 : i32
        scf.for %parallel_loop3A_123 = %parallel_loop3A_117 to %parallel_loop3A_118 step %parallel_loop3A_119  : i32 {
          %parallel_loop3A_124 = vector.broadcast %parallel_loop3A_123 : i32 to vector<16xi32>
          %parallel_loop3A_125 = tpu.vector_load_idx %arg19[%parallel_loop3A_124] : memref<80xf32, #tpu.memory_space<vmem>>[vector<16xi32>], vector<16xf32>,
          %parallel_loop3A_126 = arith.index_cast %parallel_loop3A_123 : i32 to index
          %parallel_loop3A_127 = arith.constant 0 : index
          %parallel_loop3A_128 = tpu.vector_load %arg21[%parallel_loop3A_126, %parallel_loop3A_127] {strides = array<i32>} : memref<80x128xf32, #tpu.memory_space<vmem>>, vector<16xf32>,
          %parallel_loop3A_129 = arith.mulf %parallel_loop3A_128, %parallel_loop3A_125 : vector<16xf32>
          %parallel_loop3A_130 = arith.index_cast %parallel_loop3A_123 : i32 to index
          %parallel_loop3A_131 = arith.constant 0 : index
          %parallel_loop3A_132 = tpu.vector_load %arg21[%parallel_loop3A_130, %parallel_loop3A_131] {strides = array<i32>} : memref<80x128xf32, #tpu.memory_space<vmem>>, vector<16xf32>,
          tpu.vector_store %arg21[%parallel_loop3A_130, %parallel_loop3A_131], %parallel_loop3A_129 {strides = array<i32>} : memref<80x128xf32, #tpu.memory_space<vmem>>, vector<16xf32>,
          %parallel_loop3A_133 = arith.index_cast %parallel_loop3A_123 : i32 to index
          %parallel_loop3A_134 = arith.constant 16 : index
          %parallel_loop3A_135 = tpu.vector_load %arg21[%parallel_loop3A_133, %parallel_loop3A_134] {strides = array<i32>} : memref<80x128xf32, #tpu.memory_space<vmem>>, vector<16xf32>,
          %parallel_loop3A_136 = arith.mulf %parallel_loop3A_135, %parallel_loop3A_125 : vector<16xf32>
          %parallel_loop3A_137 = arith.index_cast %parallel_loop3A_123 : i32 to index
          %parallel_loop3A_138 = arith.constant 16 : index
          %parallel_loop3A_139 = tpu.vector_load %arg21[%parallel_loop3A_137, %parallel_loop3A_138] {strides = array<i32>} : memref<80x128xf32, #tpu.memory_space<vmem>>, vector<16xf32>,
          tpu.vector_store %arg21[%parallel_loop3A_137, %parallel_loop3A_138], %parallel_loop3A_136 {strides = array<i32>} : memref<80x128xf32, #tpu.memory_space<vmem>>, vector<16xf32>,
          %parallel_loop3A_140 = arith.index_cast %parallel_loop3A_123 : i32 to index
          %parallel_loop3A_141 = arith.constant 32 : index
          %parallel_loop3A_142 = tpu.vector_load %arg21[%parallel_loop3A_140, %parallel_loop3A_141] {strides = array<i32>} : memref<80x128xf32, #tpu.memory_space<vmem>>, vector<16xf32>,
          %parallel_loop3A_143 = arith.mulf %parallel_loop3A_142, %parallel_loop3A_125 : vector<16xf32>
          %parallel_loop3A_144 = arith.index_cast %parallel_loop3A_123 : i32 to index
          %parallel_loop3A_145 = arith.constant 32 : index
          %parallel_loop3A_146 = tpu.vector_load %arg21[%parallel_loop3A_144, %parallel_loop3A_145] {strides = array<i32>} : memref<80x128xf32, #tpu.memory_space<vmem>>, vector<16xf32>,
          tpu.vector_store %arg21[%parallel_loop3A_144, %parallel_loop3A_145], %parallel_loop3A_143 {strides = array<i32>} : memref<80x128xf32, #tpu.memory_space<vmem>>, vector<16xf32>,
          %parallel_loop3A_147 = arith.index_cast %parallel_loop3A_123 : i32 to index
          %parallel_loop3A_148 = arith.constant 48 : index
          %parallel_loop3A_149 = tpu.vector_load %arg21[%parallel_loop3A_147, %parallel_loop3A_148] {strides = array<i32>} : memref<80x128xf32, #tpu.memory_space<vmem>>, vector<16xf32>,
          %parallel_loop3A_150 = arith.mulf %parallel_loop3A_149, %parallel_loop3A_125 : vector<16xf32>
          %parallel_loop3A_151 = arith.index_cast %parallel_loop3A_123 : i32 to index
          %parallel_loop3A_152 = arith.constant 48 : index
          %parallel_loop3A_153 = tpu.vector_load %arg21[%parallel_loop3A_151, %parallel_loop3A_152] {strides = array<i32>} : memref<80x128xf32, #tpu.memory_space<vmem>>, vector<16xf32>,
          tpu.vector_store %arg21[%parallel_loop3A_151, %parallel_loop3A_152], %parallel_loop3A_150 {strides = array<i32>} : memref<80x128xf32, #tpu.memory_space<vmem>>, vector<16xf32>,
          %parallel_loop3A_154 = arith.index_cast %parallel_loop3A_123 : i32 to index
          %parallel_loop3A_155 = arith.constant 64 : index
          %parallel_loop3A_156 = tpu.vector_load %arg21[%parallel_loop3A_154, %parallel_loop3A_155] {strides = array<i32>} : memref<80x128xf32, #tpu.memory_space<vmem>>, vector<16xf32>,
          %parallel_loop3A_157 = arith.mulf %parallel_loop3A_156, %parallel_loop3A_125 : vector<16xf32>
          %parallel_loop3A_158 = arith.index_cast %parallel_loop3A_123 : i32 to index
          %parallel_loop3A_159 = arith.constant 64 : index
          %parallel_loop3A_160 = tpu.vector_load %arg21[%parallel_loop3A_158, %parallel_loop3A_159] {strides = array<i32>} : memref<80x128xf32, #tpu.memory_space<vmem>>, vector<16xf32>,
          tpu.vector_store %arg21[%parallel_loop3A_158, %parallel_loop3A_159], %parallel_loop3A_157 {strides = array<i32>} : memref<80x128xf32, #tpu.memory_space<vmem>>, vector<16xf32>,
          %parallel_loop3A_161 = arith.index_cast %parallel_loop3A_123 : i32 to index
          %parallel_loop3A_162 = arith.constant 80 : index
          %parallel_loop3A_163 = tpu.vector_load %arg21[%parallel_loop3A_161, %parallel_loop3A_162] {strides = array<i32>} : memref<80x128xf32, #tpu.memory_space<vmem>>, vector<16xf32>,
          %parallel_loop3A_164 = arith.mulf %parallel_loop3A_163, %parallel_loop3A_125 : vector<16xf32>
          %parallel_loop3A_165 = arith.index_cast %parallel_loop3A_123 : i32 to index
          %parallel_loop3A_166 = arith.constant 80 : index
          %parallel_loop3A_167 = tpu.vector_load %arg21[%parallel_loop3A_165, %parallel_loop3A_166] {strides = array<i32>} : memref<80x128xf32, #tpu.memory_space<vmem>>, vector<16xf32>,
          tpu.vector_store %arg21[%parallel_loop3A_165, %parallel_loop3A_166], %parallel_loop3A_164 {strides = array<i32>} : memref<80x128xf32, #tpu.memory_space<vmem>>, vector<16xf32>,
          %parallel_loop3A_168 = arith.index_cast %parallel_loop3A_123 : i32 to index
          %parallel_loop3A_169 = arith.constant 96 : index
          %parallel_loop3A_170 = tpu.vector_load %arg21[%parallel_loop3A_168, %parallel_loop3A_169] {strides = array<i32>} : memref<80x128xf32, #tpu.memory_space<vmem>>, vector<16xf32>,
          %parallel_loop3A_171 = arith.mulf %parallel_loop3A_170, %parallel_loop3A_125 : vector<16xf32>
          %parallel_loop3A_172 = arith.index_cast %parallel_loop3A_123 : i32 to index
          %parallel_loop3A_173 = arith.constant 96 : index
          %parallel_loop3A_174 = tpu.vector_load %arg21[%parallel_loop3A_172, %parallel_loop3A_173] {strides = array<i32>} : memref<80x128xf32, #tpu.memory_space<vmem>>, vector<16xf32>,
          tpu.vector_store %arg21[%parallel_loop3A_172, %parallel_loop3A_173], %parallel_loop3A_171 {strides = array<i32>} : memref<80x128xf32, #tpu.memory_space<vmem>>, vector<16xf32>,
          %parallel_loop3A_175 = arith.index_cast %parallel_loop3A_123 : i32 to index
          %parallel_loop3A_176 = arith.constant 112 : index
          %parallel_loop3A_177 = tpu.vector_load %arg21[%parallel_loop3A_175, %parallel_loop3A_176] {strides = array<i32>} : memref<80x128xf32, #tpu.memory_space<vmem>>, vector<16xf32>,
          %parallel_loop3A_178 = arith.mulf %parallel_loop3A_177, %parallel_loop3A_125 : vector<16xf32>
          %parallel_loop3A_179 = arith.index_cast %parallel_loop3A_123 : i32 to index
          %parallel_loop3A_180 = arith.constant 112 : index
          %parallel_loop3A_181 = tpu.vector_load %arg21[%parallel_loop3A_179, %parallel_loop3A_180] {strides = array<i32>} : memref<80x128xf32, #tpu.memory_space<vmem>>, vector<16xf32>,
          tpu.vector_store %arg21[%parallel_loop3A_179, %parallel_loop3A_180], %parallel_loop3A_178 {strides = array<i32>} : memref<80x128xf32, #tpu.memory_space<vmem>>, vector<16xf32>,
        } {sc.loop_unroll_factor = 8 : i64, sc.parallel_access}
        %dma_start3A_120 = arith.constant 0 : i32
        %dma_start3A_121 = arith.constant 0 : i32
        %dma_start3A_122 = tpu.memref_slice %arg11[%dma_start3A_120, %dma_start3A_121] : memref<10000x128xf32, #tpu.memory_space<vmem_shared>> -> memref<10000x128xf32, #tpu.memory_space<vmem_shared>>
        tpu.enqueue_indirect_dma source(%arg21 : memref<80x128xf32, #tpu.memory_space<vmem>>) target(%dma_start3A_122 : memref<10000x128xf32, #tpu.memory_space<vmem_shared>>) offsets(%arg17 : memref<80xi32, #tpu.memory_space<vmem>>) semaphore(%arg26 : memref<!tpu.dma_semaphore, #tpu.memory_space<semaphore_mem>>) {add = true}
      } else {
      }
      %not3A_107 = arith.constant true
      %not3A_108 = arith.xori %eq3A_90, %not3A_107 : i1
      %convert_element_type3A_109 = arith.extui %not3A_108 : i1 to i32
      %cond3A_110 = arith.constant 0 : i32
      %cond3A_111 = arith.cmpi ne, %convert_element_type3A_109, %cond3A_110 : i32
      scf.if %cond3A_111 {
        %dma_wait3A_112 = arith.constant 0 : i32
        %dma_wait3A_113 = tpu.memref_slice %arg16[%dma_wait3A_112] : memref<160xi32, #tpu.memory_space<vmem>> -> memref<80xi32, #tpu.memory_space<vmem>>
        %dma_wait3A_114 = arith.constant 0 : i32
        %dma_wait3A_115 = arith.constant 0 : i32
        %dma_wait3A_116 = tpu.memref_slice %arg2[%dma_wait3A_114, %dma_wait3A_115] : memref<10000x128xf32, #tpu.memory_space<hbm>> -> memref<10000x128xf32, #tpu.memory_space<hbm>>
        tpu.wait_indirect_dma semaphore(%arg25 : memref<!tpu.dma_semaphore, #tpu.memory_space<semaphore_mem>>) src(%dma_wait3A_116 : memref<10000x128xf32, #tpu.memory_space<hbm>>) dst(%arg22 : memref<80x128xf32, #tpu.memory_space<vmem>>)
        %parallel_loop3A_117 = arith.constant 0 : i32
        %parallel_loop3A_118 = arith.constant 80 : i32
        %parallel_loop3A_119 = arith.constant 1 : i32
        scf.for %parallel_loop3A_123 = %parallel_loop3A_117 to %parallel_loop3A_118 step %parallel_loop3A_119  : i32 {
          %parallel_loop3A_124 = vector.broadcast %parallel_loop3A_123 : i32 to vector<16xi32>
          %parallel_loop3A_125 = tpu.vector_load_idx %arg20[%parallel_loop3A_124] : memref<80xf32, #tpu.memory_space<vmem>>[vector<16xi32>], vector<16xf32>,
          %parallel_loop3A_126 = arith.index_cast %parallel_loop3A_123 : i32 to index
          %parallel_loop3A_127 = arith.constant 0 : index
          %parallel_loop3A_128 = tpu.vector_load %arg22[%parallel_loop3A_126, %parallel_loop3A_127] {strides = array<i32>} : memref<80x128xf32, #tpu.memory_space<vmem>>, vector<16xf32>,
          %parallel_loop3A_129 = arith.mulf %parallel_loop3A_128, %parallel_loop3A_125 : vector<16xf32>
          %parallel_loop3A_130 = arith.index_cast %parallel_loop3A_123 : i32 to index
          %parallel_loop3A_131 = arith.constant 0 : index
          %parallel_loop3A_132 = tpu.vector_load %arg22[%parallel_loop3A_130, %parallel_loop3A_131] {strides = array<i32>} : memref<80x128xf32, #tpu.memory_space<vmem>>, vector<16xf32>,
          tpu.vector_store %arg22[%parallel_loop3A_130, %parallel_loop3A_131], %parallel_loop3A_129 {strides = array<i32>} : memref<80x128xf32, #tpu.memory_space<vmem>>, vector<16xf32>,
          %parallel_loop3A_133 = arith.index_cast %parallel_loop3A_123 : i32 to index
          %parallel_loop3A_134 = arith.constant 16 : index
          %parallel_loop3A_135 = tpu.vector_load %arg22[%parallel_loop3A_133, %parallel_loop3A_134] {strides = array<i32>} : memref<80x128xf32, #tpu.memory_space<vmem>>, vector<16xf32>,
          %parallel_loop3A_136 = arith.mulf %parallel_loop3A_135, %parallel_loop3A_125 : vector<16xf32>
          %parallel_loop3A_137 = arith.index_cast %parallel_loop3A_123 : i32 to index
          %parallel_loop3A_138 = arith.constant 16 : index
          %parallel_loop3A_139 = tpu.vector_load %arg22[%parallel_loop3A_137, %parallel_loop3A_138] {strides = array<i32>} : memref<80x128xf32, #tpu.memory_space<vmem>>, vector<16xf32>,
          tpu.vector_store %arg22[%parallel_loop3A_137, %parallel_loop3A_138], %parallel_loop3A_136 {strides = array<i32>} : memref<80x128xf32, #tpu.memory_space<vmem>>, vector<16xf32>,
          %parallel_loop3A_140 = arith.index_cast %parallel_loop3A_123 : i32 to index
          %parallel_loop3A_141 = arith.constant 32 : index
          %parallel_loop3A_142 = tpu.vector_load %arg22[%parallel_loop3A_140, %parallel_loop3A_141] {strides = array<i32>} : memref<80x128xf32, #tpu.memory_space<vmem>>, vector<16xf32>,
          %parallel_loop3A_143 = arith.mulf %parallel_loop3A_142, %parallel_loop3A_125 : vector<16xf32>
          %parallel_loop3A_144 = arith.index_cast %parallel_loop3A_123 : i32 to index
          %parallel_loop3A_145 = arith.constant 32 : index
          %parallel_loop3A_146 = tpu.vector_load %arg22[%parallel_loop3A_144, %parallel_loop3A_145] {strides = array<i32>} : memref<80x128xf32, #tpu.memory_space<vmem>>, vector<16xf32>,
          tpu.vector_store %arg22[%parallel_loop3A_144, %parallel_loop3A_145], %parallel_loop3A_143 {strides = array<i32>} : memref<80x128xf32, #tpu.memory_space<vmem>>, vector<16xf32>,
          %parallel_loop3A_147 = arith.index_cast %parallel_loop3A_123 : i32 to index
          %parallel_loop3A_148 = arith.constant 48 : index
          %parallel_loop3A_149 = tpu.vector_load %arg22[%parallel_loop3A_147, %parallel_loop3A_148] {strides = array<i32>} : memref<80x128xf32, #tpu.memory_space<vmem>>, vector<16xf32>,
          %parallel_loop3A_150 = arith.mulf %parallel_loop3A_149, %parallel_loop3A_125 : vector<16xf32>
          %parallel_loop3A_151 = arith.index_cast %parallel_loop3A_123 : i32 to index
          %parallel_loop3A_152 = arith.constant 48 : index
          %parallel_loop3A_153 = tpu.vector_load %arg22[%parallel_loop3A_151, %parallel_loop3A_152] {strides = array<i32>} : memref<80x128xf32, #tpu.memory_space<vmem>>, vector<16xf32>,
          tpu.vector_store %arg22[%parallel_loop3A_151, %parallel_loop3A_152], %parallel_loop3A_150 {strides = array<i32>} : memref<80x128xf32, #tpu.memory_space<vmem>>, vector<16xf32>,
          %parallel_loop3A_154 = arith.index_cast %parallel_loop3A_123 : i32 to index
          %parallel_loop3A_155 = arith.constant 64 : index
          %parallel_loop3A_156 = tpu.vector_load %arg22[%parallel_loop3A_154, %parallel_loop3A_155] {strides = array<i32>} : memref<80x128xf32, #tpu.memory_space<vmem>>, vector<16xf32>,
          %parallel_loop3A_157 = arith.mulf %parallel_loop3A_156, %parallel_loop3A_125 : vector<16xf32>
          %parallel_loop3A_158 = arith.index_cast %parallel_loop3A_123 : i32 to index
          %parallel_loop3A_159 = arith.constant 64 : index
          %parallel_loop3A_160 = tpu.vector_load %arg22[%parallel_loop3A_158, %parallel_loop3A_159] {strides = array<i32>} : memref<80x128xf32, #tpu.memory_space<vmem>>, vector<16xf32>,
          tpu.vector_store %arg22[%parallel_loop3A_158, %parallel_loop3A_159], %parallel_loop3A_157 {strides = array<i32>} : memref<80x128xf32, #tpu.memory_space<vmem>>, vector<16xf32>,
          %parallel_loop3A_161 = arith.index_cast %parallel_loop3A_123 : i32 to index
          %parallel_loop3A_162 = arith.constant 80 : index
          %parallel_loop3A_163 = tpu.vector_load %arg22[%parallel_loop3A_161, %parallel_loop3A_162] {strides = array<i32>} : memref<80x128xf32, #tpu.memory_space<vmem>>, vector<16xf32>,
          %parallel_loop3A_164 = arith.mulf %parallel_loop3A_163, %parallel_loop3A_125 : vector<16xf32>
          %parallel_loop3A_165 = arith.index_cast %parallel_loop3A_123 : i32 to index
          %parallel_loop3A_166 = arith.constant 80 : index
          %parallel_loop3A_167 = tpu.vector_load %arg22[%parallel_loop3A_165, %parallel_loop3A_166] {strides = array<i32>} : memref<80x128xf32, #tpu.memory_space<vmem>>, vector<16xf32>,
          tpu.vector_store %arg22[%parallel_loop3A_165, %parallel_loop3A_166], %parallel_loop3A_164 {strides = array<i32>} : memref<80x128xf32, #tpu.memory_space<vmem>>, vector<16xf32>,
          %parallel_loop3A_168 = arith.index_cast %parallel_loop3A_123 : i32 to index
          %parallel_loop3A_169 = arith.constant 96 : index
          %parallel_loop3A_170 = tpu.vector_load %arg22[%parallel_loop3A_168, %parallel_loop3A_169] {strides = array<i32>} : memref<80x128xf32, #tpu.memory_space<vmem>>, vector<16xf32>,
          %parallel_loop3A_171 = arith.mulf %parallel_loop3A_170, %parallel_loop3A_125 : vector<16xf32>
          %parallel_loop3A_172 = arith.index_cast %parallel_loop3A_123 : i32 to index
          %parallel_loop3A_173 = arith.constant 96 : index
          %parallel_loop3A_174 = tpu.vector_load %arg22[%parallel_loop3A_172, %parallel_loop3A_173] {strides = array<i32>} : memref<80x128xf32, #tpu.memory_space<vmem>>, vector<16xf32>,
          tpu.vector_store %arg22[%parallel_loop3A_172, %parallel_loop3A_173], %parallel_loop3A_171 {strides = array<i32>} : memref<80x128xf32, #tpu.memory_space<vmem>>, vector<16xf32>,
          %parallel_loop3A_175 = arith.index_cast %parallel_loop3A_123 : i32 to index
          %parallel_loop3A_176 = arith.constant 112 : index
          %parallel_loop3A_177 = tpu.vector_load %arg22[%parallel_loop3A_175, %parallel_loop3A_176] {strides = array<i32>} : memref<80x128xf32, #tpu.memory_space<vmem>>, vector<16xf32>,
          %parallel_loop3A_178 = arith.mulf %parallel_loop3A_177, %parallel_loop3A_125 : vector<16xf32>
          %parallel_loop3A_179 = arith.index_cast %parallel_loop3A_123 : i32 to index
          %parallel_loop3A_180 = arith.constant 112 : index
          %parallel_loop3A_181 = tpu.vector_load %arg22[%parallel_loop3A_179, %parallel_loop3A_180] {strides = array<i32>} : memref<80x128xf32, #tpu.memory_space<vmem>>, vector<16xf32>,
          tpu.vector_store %arg22[%parallel_loop3A_179, %parallel_loop3A_180], %parallel_loop3A_178 {strides = array<i32>} : memref<80x128xf32, #tpu.memory_space<vmem>>, vector<16xf32>,
        } {sc.loop_unroll_factor = 8 : i64, sc.parallel_access}
        %dma_start3A_120 = arith.constant 0 : i32
        %dma_start3A_121 = arith.constant 0 : i32
        %dma_start3A_122 = tpu.memref_slice %arg11[%dma_start3A_120, %dma_start3A_121] : memref<10000x128xf32, #tpu.memory_space<vmem_shared>> -> memref<10000x128xf32, #tpu.memory_space<vmem_shared>>
        tpu.enqueue_indirect_dma source(%arg22 : memref<80x128xf32, #tpu.memory_space<vmem>>) target(%dma_start3A_122 : memref<10000x128xf32, #tpu.memory_space<vmem_shared>>) offsets(%arg18 : memref<80xi32, #tpu.memory_space<vmem>>) semaphore(%arg27 : memref<!tpu.dma_semaphore, #tpu.memory_space<semaphore_mem>>) {add = true}
      } else {
      }
    }
    %scan3A_47 = arith.constant 125 : i32
    %dma_wait3A = arith.constant 0 : i32
    %dma_wait3A_48 = arith.constant 0 : i32
    %dma_wait3A_49 = tpu.memref_slice %arg11[%dma_wait3A, %dma_wait3A_48] : memref<10000x128xf32, #tpu.memory_space<vmem_shared>> -> memref<10000x128xf32, #tpu.memory_space<vmem_shared>>
    tpu.wait_indirect_dma semaphore(%arg26 : memref<!tpu.dma_semaphore, #tpu.memory_space<semaphore_mem>>) src(%arg21 : memref<80x128xf32, #tpu.memory_space<vmem>>) dst(%dma_wait3A_49 : memref<10000x128xf32, #tpu.memory_space<vmem_shared>>)
    %dma_wait3A_50 = arith.constant 0 : i32
    %dma_wait3A_51 = tpu.memref_slice %arg12[%dma_wait3A_50] : memref<10000xf32, #tpu.memory_space<vmem_shared>> -> memref<10000xf32, #tpu.memory_space<vmem_shared>>
    tpu.wait_indirect_dma semaphore(%arg28 : memref<!tpu.dma_semaphore, #tpu.memory_space<semaphore_mem>>) src(%arg19 : memref<80xf32, #tpu.memory_space<vmem>>) dst(%dma_wait3A_51 : memref<10000xf32, #tpu.memory_space<vmem_shared>>)
    %dma_wait3A_52 = arith.constant 0 : i32
    %dma_wait3A_53 = arith.constant 0 : i32
    %dma_wait3A_54 = tpu.memref_slice %arg11[%dma_wait3A_52, %dma_wait3A_53] : memref<10000x128xf32, #tpu.memory_space<vmem_shared>> -> memref<10000x128xf32, #tpu.memory_space<vmem_shared>>
    tpu.wait_indirect_dma semaphore(%arg27 : memref<!tpu.dma_semaphore, #tpu.memory_space<semaphore_mem>>) src(%arg22 : memref<80x128xf32, #tpu.memory_space<vmem>>) dst(%dma_wait3A_54 : memref<10000x128xf32, #tpu.memory_space<vmem_shared>>)
    %dma_wait3A_55 = arith.constant 0 : i32
    %dma_wait3A_56 = tpu.memref_slice %arg12[%dma_wait3A_55] : memref<10000xf32, #tpu.memory_space<vmem_shared>> -> memref<10000xf32, #tpu.memory_space<vmem_shared>>
    tpu.wait_indirect_dma semaphore(%arg29 : memref<!tpu.dma_semaphore, #tpu.memory_space<semaphore_mem>>) src(%arg20 : memref<80xf32, #tpu.memory_space<vmem>>) dst(%dma_wait3A_56 : memref<10000xf32, #tpu.memory_space<vmem_shared>>)
    %barrier3A_57 = arith.constant 0 : index
    tpu.barrier barrier_id(%barrier3A_57)
    %lt3A_58 = arith.constant 15 : i32
    %lt3A_59 = arith.cmpi slt, %arg1, %lt3A_58 : i32
    %convert_element_type3A_60 = arith.extui %lt3A_59 : i1 to i32
    %cond3A_61 = arith.constant 0 : i32
    %cond3A_62 = arith.cmpi ne, %convert_element_type3A_60, %cond3A_61 : i32
    scf.if %cond3A_62 {
      %mul3A_73 = arith.constant 632 : i32
      %mul3A_74 = arith.muli %arg1, %mul3A_73 : i32
      %multiple_of3A = tpu.assume_multiple %mul3A_74, 8 : i32
      "tpu.region"() ({
        %run_scoped3A = tpu.sem_alloc : memref<!tpu.dma_semaphore, #tpu.memory_space<semaphore_mem>>
        %dma_start3A_75 = arith.constant 0 : i32
        %dma_start3A_76 = tpu.memref_slice %arg9[%arg0, %multiple_of3A, %dma_start3A_75] : memref<2x10000x128xf32, #tpu.memory_space<hbm>> -> memref<1x632x128xf32, #tpu.memory_space<hbm>>
        %dma_start3A_77 = tpu.memref_squeeze %dma_start3A_76 : memref<1x632x128xf32, #tpu.memory_space<hbm>> -> memref<632x128xf32, #tpu.memory_space<hbm>>
        %dma_start3A_78 = arith.constant 0 : i32
        %dma_start3A_79 = tpu.memref_slice %arg11[%multiple_of3A, %dma_start3A_78] : memref<10000x128xf32, #tpu.memory_space<vmem_shared>> -> memref<632x128xf32, #tpu.memory_space<vmem_shared>>
        tpu.enqueue_dma source(%dma_start3A_79 : memref<632x128xf32, #tpu.memory_space<vmem_shared>>) target(%dma_start3A_77 : memref<632x128xf32, #tpu.memory_space<hbm>>) target_semaphore(%run_scoped3A : memref<!tpu.dma_semaphore, #tpu.memory_space<semaphore_mem>>)
        %dma_wait3A_80 = arith.constant 0 : i32
        %dma_wait3A_81 = tpu.memref_slice %arg9[%arg0, %multiple_of3A, %dma_wait3A_80] : memref<2x10000x128xf32, #tpu.memory_space<hbm>> -> memref<1x632x128xf32, #tpu.memory_space<hbm>>
        %dma_wait3A_82 = tpu.memref_squeeze %dma_wait3A_81 : memref<1x632x128xf32, #tpu.memory_space<hbm>> -> memref<632x128xf32, #tpu.memory_space<hbm>>
        %dma_wait3A_83 = arith.constant 0 : i32
        %dma_wait3A_84 = tpu.memref_slice %arg11[%multiple_of3A, %dma_wait3A_83] : memref<10000x128xf32, #tpu.memory_space<vmem_shared>> -> memref<632x128xf32, #tpu.memory_space<vmem_shared>>
        tpu.wait_dma2 semaphore(%run_scoped3A : memref<!tpu.dma_semaphore, #tpu.memory_space<semaphore_mem>>) src(%dma_wait3A_84 : memref<632x128xf32, #tpu.memory_space<vmem_shared>>) dst(%dma_wait3A_82 : memref<632x128xf32, #tpu.memory_space<hbm>>)
        tpu.yield
      }) : () -> ()
    } else {
    }
    %eq3A_63 = arith.constant 15 : i32
    %eq3A_64 = arith.cmpi eq, %arg1, %eq3A_63 : i32
    %convert_element_type3A_65 = arith.extui %eq3A_64 : i1 to i32
    %cond3A_66 = arith.constant 0 : i32
    %cond3A_67 = arith.cmpi ne, %convert_element_type3A_65, %cond3A_66 : i32
    scf.if %cond3A_67 {
      "tpu.region"() ({
        %run_scoped3A = tpu.sem_alloc : memref<!tpu.dma_semaphore, #tpu.memory_space<semaphore_mem>>
        %dma_start3A_73 = arith.constant 9480 : i32
        %dma_start3A_74 = arith.constant 0 : i32
        %dma_start3A_75 = tpu.memref_slice %arg9[%arg0, %dma_start3A_73, %dma_start3A_74] : memref<2x10000x128xf32, #tpu.memory_space<hbm>> -> memref<1x520x128xf32, #tpu.memory_space<hbm>>
        %dma_start3A_76 = tpu.memref_squeeze %dma_start3A_75 : memref<1x520x128xf32, #tpu.memory_space<hbm>> -> memref<520x128xf32, #tpu.memory_space<hbm>>
        %dma_start3A_77 = arith.constant 9480 : i32
        %dma_start3A_78 = arith.constant 0 : i32
        %dma_start3A_79 = tpu.memref_slice %arg11[%dma_start3A_77, %dma_start3A_78] : memref<10000x128xf32, #tpu.memory_space<vmem_shared>> -> memref<520x128xf32, #tpu.memory_space<vmem_shared>>
        tpu.enqueue_dma source(%dma_start3A_79 : memref<520x128xf32, #tpu.memory_space<vmem_shared>>) target(%dma_start3A_76 : memref<520x128xf32, #tpu.memory_space<hbm>>) target_semaphore(%run_scoped3A : memref<!tpu.dma_semaphore, #tpu.memory_space<semaphore_mem>>)
        %dma_wait3A_80 = arith.constant 9480 : i32
        %dma_wait3A_81 = arith.constant 0 : i32
        %dma_wait3A_82 = tpu.memref_slice %arg9[%arg0, %dma_wait3A_80, %dma_wait3A_81] : memref<2x10000x128xf32, #tpu.memory_space<hbm>> -> memref<1x520x128xf32, #tpu.memory_space<hbm>>
        %dma_wait3A_83 = tpu.memref_squeeze %dma_wait3A_82 : memref<1x520x128xf32, #tpu.memory_space<hbm>> -> memref<520x128xf32, #tpu.memory_space<hbm>>
        %dma_wait3A_84 = arith.constant 9480 : i32
        %dma_wait3A_85 = arith.constant 0 : i32
        %dma_wait3A_86 = tpu.memref_slice %arg11[%dma_wait3A_84, %dma_wait3A_85] : memref<10000x128xf32, #tpu.memory_space<vmem_shared>> -> memref<520x128xf32, #tpu.memory_space<vmem_shared>>
        tpu.wait_dma2 semaphore(%run_scoped3A : memref<!tpu.dma_semaphore, #tpu.memory_space<semaphore_mem>>) src(%dma_wait3A_86 : memref<520x128xf32, #tpu.memory_space<vmem_shared>>) dst(%dma_wait3A_83 : memref<520x128xf32, #tpu.memory_space<hbm>>)
        tpu.yield
      }) : () -> ()
    } else {
    }
    %eq3A_68 = arith.constant 0 : i32
    %eq3A_69 = arith.cmpi eq, %arg1, %eq3A_68 : i32
    %convert_element_type3A_70 = arith.extui %eq3A_69 : i1 to i32
    %cond3A_71 = arith.constant 0 : i32
    %cond3A_72 = arith.cmpi ne, %convert_element_type3A_70, %cond3A_71 : i32
    scf.if %cond3A_72 {
      "tpu.region"() ({
        %run_scoped3A = tpu.sem_alloc : memref<!tpu.dma_semaphore, #tpu.memory_space<semaphore_mem>>
        %dma_start3A_73 = arith.constant 0 : i32
        %dma_start3A_74 = tpu.memref_slice %arg10[%arg0, %dma_start3A_73] : memref<2x10000xf32, #tpu.memory_space<hbm>> -> memref<1x10000xf32, #tpu.memory_space<hbm>>
        %dma_start3A_75 = tpu.memref_squeeze %dma_start3A_74 : memref<1x10000xf32, #tpu.memory_space<hbm>> -> memref<10000xf32, #tpu.memory_space<hbm>>
        tpu.enqueue_dma source(%arg12 : memref<10000xf32, #tpu.memory_space<vmem_shared>>) target(%dma_start3A_75 : memref<10000xf32, #tpu.memory_space<hbm>>) target_semaphore(%run_scoped3A : memref<!tpu.dma_semaphore, #tpu.memory_space<semaphore_mem>>)
        %dma_wait3A_76 = arith.constant 0 : i32
        %dma_wait3A_77 = tpu.memref_slice %arg10[%arg0, %dma_wait3A_76] : memref<2x10000xf32, #tpu.memory_space<hbm>> -> memref<1x10000xf32, #tpu.memory_space<hbm>>
        %dma_wait3A_78 = tpu.memref_squeeze %dma_wait3A_77 : memref<1x10000xf32, #tpu.memory_space<hbm>> -> memref<10000xf32, #tpu.memory_space<hbm>>
        tpu.wait_dma2 semaphore(%run_scoped3A : memref<!tpu.dma_semaphore, #tpu.memory_space<semaphore_mem>>) src(%arg12 : memref<10000xf32, #tpu.memory_space<vmem_shared>>) dst(%dma_wait3A_78 : memref<10000xf32, #tpu.memory_space<hbm>>)
        tpu.yield
      }) : () -> ()
    } else {
    }
    return
  }
}

module attributes {stable_mosaic.version = 14 : i64} {
  func.func @_tca_body(%arg0: i32, %arg1: memref<2000x128xf32, #tpu.memory_space<vmem>>, %arg2: memref<128x128xf32, #tpu.memory_space<vmem>>, %arg3: memref<1x128xf32, #tpu.memory_space<vmem>>, %arg4: memref<1x128xf32, #tpu.memory_space<vmem>>, %arg5: memref<2000x128xf32, #tpu.memory_space<vmem>>, %arg6: memref<2000x1xf32, #tpu.memory_space<vmem>>, %arg7: memref<2000x1xf32, #tpu.memory_space<vmem>>, %arg8: memref<1xf32, #tpu.memory_space<smem>>, %arg9: memref<2xf32, #tpu.memory_space<smem>>) attributes {dimension_semantics = [#tpu.dimension_semantics<arbitrary>], iteration_bounds = array<i64: 5>, scalar_prefetch = 0 : i64, scratch_operands = 1 : i64, tpu.core_type = #tpu.core_type<tc>, window_params = [{transform_indices = @transform_0, window_bounds = array<i64: 2000, 128>}, {pipeline_mode = #tpu.pipeline_mode<synchronous>, transform_indices = @transform_1, window_bounds = array<i64: 128, 128>}, {pipeline_mode = #tpu.pipeline_mode<synchronous>, transform_indices = @transform_2, window_bounds = array<i64: 1, 128>}, {pipeline_mode = #tpu.pipeline_mode<synchronous>, transform_indices = @transform_3, window_bounds = array<i64: 1, 128>}, {transform_indices = @transform_4, window_bounds = array<i64: 2000, 128>}, {transform_indices = @transform_5, window_bounds = array<i64: 2000, 1>}, {transform_indices = @transform_6, window_bounds = array<i64: 2000, 1>}, {transform_indices = @transform_7, window_bounds = array<i64: 1>}]} {
    %get3A = arith.constant 0 : index
    %get3A_0 = arith.constant 0 : index
    %get3A_1 = vector.load %arg1[%get3A, %get3A_0] : memref<2000x128xf32, #tpu.memory_space<vmem>>, vector<2000x128xf32>
    %get3A_2 = arith.constant 0 : index
    %get3A_3 = arith.constant 0 : index
    %get3A_4 = vector.load %arg2[%get3A_2, %get3A_3] : memref<128x128xf32, #tpu.memory_space<vmem>>, vector<128x128xf32>
    %dot_general3A = arith.constant dense<0.000000e+00> : vector<2000x128xf32>
    %dot_general3A_5 = tpu.matmul %get3A_1, %get3A_4, %dot_general3A {dimension_numbers = #tpu.dot_dimension_numbers<[1], [0], [0], [1], [0, 0, 1, 1], [], []>, transpose_lhs_hint = false} : vector<2000x128xf32>, vector<128x128xf32>, vector<2000x128xf32> -> vector<2000x128xf32>
    %swap3A = arith.constant 0 : index
    %swap3A_6 = arith.constant 0 : index
    %swap3A_7 = vector.load %arg5[%swap3A, %swap3A_6] : memref<2000x128xf32, #tpu.memory_space<vmem>>, vector<2000x128xf32>
    tpu.vector_store %arg5[%swap3A, %swap3A_6], %dot_general3A_5 {strides = array<i32>} : memref<2000x128xf32, #tpu.memory_space<vmem>>, vector<2000x128xf32>,
    %get3A_8 = arith.constant 0 : index
    %get3A_9 = arith.constant 0 : index
    %get3A_10 = vector.load %arg3[%get3A_8, %get3A_9] : memref<1x128xf32, #tpu.memory_space<vmem>>, vector<1x128xf32>
    %mul3A = vector.broadcast %get3A_10 : vector<1x128xf32> to vector<2000x128xf32>
    %mul3A_11 = arith.mulf %dot_general3A_5, %mul3A : vector<2000x128xf32>
    %reduce_sum3A = arith.constant dense<0.000000e+00> : vector<2000xf32>
    %reduce_sum3A_12 = vector.multi_reduction <add>, %mul3A_11, %reduce_sum3A [1] : vector<2000x128xf32> to vector<2000xf32>
    %broadcast_in_dim3A = vector.shape_cast %reduce_sum3A_12 : vector<2000xf32> to vector<2000x1xf32>
    %get3A_13 = arith.constant 0 : index
    %get3A_14 = arith.constant 0 : index
    %get3A_15 = vector.load %arg4[%get3A_13, %get3A_14] : memref<1x128xf32, #tpu.memory_space<vmem>>, vector<1x128xf32>
    %mul3A_16 = vector.broadcast %get3A_15 : vector<1x128xf32> to vector<2000x128xf32>
    %mul3A_17 = arith.mulf %dot_general3A_5, %mul3A_16 : vector<2000x128xf32>
    %reduce_sum3A_18 = arith.constant dense<0.000000e+00> : vector<2000xf32>
    %reduce_sum3A_19 = vector.multi_reduction <add>, %mul3A_17, %reduce_sum3A_18 [1] : vector<2000x128xf32> to vector<2000xf32>
    %broadcast_in_dim3A_20 = vector.shape_cast %reduce_sum3A_19 : vector<2000xf32> to vector<2000x1xf32>
    %swap3A_21 = arith.constant 0 : index
    %swap3A_22 = arith.constant 0 : index
    %swap3A_23 = vector.load %arg6[%swap3A_21, %swap3A_22] : memref<2000x1xf32, #tpu.memory_space<vmem>>, vector<2000x1xf32>
    tpu.vector_store %arg6[%swap3A_21, %swap3A_22], %broadcast_in_dim3A {strides = array<i32>} : memref<2000x1xf32, #tpu.memory_space<vmem>>, vector<2000x1xf32>,
    %swap3A_24 = arith.constant 0 : index
    %swap3A_25 = arith.constant 0 : index
    %swap3A_26 = vector.load %arg7[%swap3A_24, %swap3A_25] : memref<2000x1xf32, #tpu.memory_space<vmem>>, vector<2000x1xf32>
    tpu.vector_store %arg7[%swap3A_24, %swap3A_25], %broadcast_in_dim3A_20 {strides = array<i32>} : memref<2000x1xf32, #tpu.memory_space<vmem>>, vector<2000x1xf32>,
    %eq3A = arith.constant 0 : i32
    %eq3A_27 = arith.cmpi eq, %arg0, %eq3A : i32
    %convert_element_type3A = arith.extui %eq3A_27 : i1 to i32
    %cond3A = arith.constant 0 : i32
    %cond3A_28 = arith.cmpi ne, %convert_element_type3A, %cond3A : i32
    scf.if %cond3A_28 {
      %reduce_max3A_52 = vector.shape_cast %broadcast_in_dim3A : vector<2000x1xf32> to vector<1x2000x1xf32>
      %reduce_max3A_53 = arith.constant dense<0xFF800000> : vector<1xf32>
      %reduce_max3A_54 = vector.multi_reduction <maximumf>, %reduce_max3A_52, %reduce_max3A_53 [1, 2] : vector<1x2000x1xf32> to vector<1xf32>
      %reduce_max3A_55 = vector.shape_cast %reduce_max3A_54 : vector<1xf32> to vector<1x1x1xf32>
      %reduce_max3A_56 = vector.extract %reduce_max3A_55[0, 0, 0] : f32 from vector<1x1x1xf32>
      %swap3A_57 = arith.constant 0 : index
      %swap3A_58 = memref.load %arg9[%swap3A_57] : memref<2xf32, #tpu.memory_space<smem>>
      memref.store %reduce_max3A_56, %arg9[%swap3A_57] : memref<2xf32, #tpu.memory_space<smem>>
      %reduce_max3A_59 = vector.shape_cast %broadcast_in_dim3A_20 : vector<2000x1xf32> to vector<1x2000x1xf32>
      %reduce_max3A_60 = arith.constant dense<0xFF800000> : vector<1xf32>
      %reduce_max3A_61 = vector.multi_reduction <maximumf>, %reduce_max3A_59, %reduce_max3A_60 [1, 2] : vector<1x2000x1xf32> to vector<1xf32>
      %reduce_max3A_62 = vector.shape_cast %reduce_max3A_61 : vector<1xf32> to vector<1x1x1xf32>
      %reduce_max3A_63 = vector.extract %reduce_max3A_62[0, 0, 0] : f32 from vector<1x1x1xf32>
      %swap3A_64 = arith.constant 1 : index
      %swap3A_65 = memref.load %arg9[%swap3A_64] : memref<2xf32, #tpu.memory_space<smem>>
      memref.store %reduce_max3A_63, %arg9[%swap3A_64] : memref<2xf32, #tpu.memory_space<smem>>
    } else {
    }
    %get3A_29 = arith.constant 0 : index
    %get3A_30 = memref.load %arg9[%get3A_29] : memref<2xf32, #tpu.memory_space<smem>>
    %reduce_max3A = vector.shape_cast %broadcast_in_dim3A : vector<2000x1xf32> to vector<1x2000x1xf32>
    %reduce_max3A_31 = arith.constant dense<0xFF800000> : vector<1xf32>
    %reduce_max3A_32 = vector.multi_reduction <maximumf>, %reduce_max3A, %reduce_max3A_31 [1, 2] : vector<1x2000x1xf32> to vector<1xf32>
    %reduce_max3A_33 = vector.shape_cast %reduce_max3A_32 : vector<1xf32> to vector<1x1x1xf32>
    %reduce_max3A_34 = vector.extract %reduce_max3A_33[0, 0, 0] : f32 from vector<1x1x1xf32>
    %max3A = arith.maximumf %get3A_30, %reduce_max3A_34 : f32
    %swap3A_35 = arith.constant 0 : index
    %swap3A_36 = memref.load %arg9[%swap3A_35] : memref<2xf32, #tpu.memory_space<smem>>
    memref.store %max3A, %arg9[%swap3A_35] : memref<2xf32, #tpu.memory_space<smem>>
    %get3A_37 = arith.constant 1 : index
    %get3A_38 = memref.load %arg9[%get3A_37] : memref<2xf32, #tpu.memory_space<smem>>
    %reduce_max3A_39 = vector.shape_cast %broadcast_in_dim3A_20 : vector<2000x1xf32> to vector<1x2000x1xf32>
    %reduce_max3A_40 = arith.constant dense<0xFF800000> : vector<1xf32>
    %reduce_max3A_41 = vector.multi_reduction <maximumf>, %reduce_max3A_39, %reduce_max3A_40 [1, 2] : vector<1x2000x1xf32> to vector<1xf32>
    %reduce_max3A_42 = vector.shape_cast %reduce_max3A_41 : vector<1xf32> to vector<1x1x1xf32>
    %reduce_max3A_43 = vector.extract %reduce_max3A_42[0, 0, 0] : f32 from vector<1x1x1xf32>
    %max3A_44 = arith.maximumf %get3A_38, %reduce_max3A_43 : f32
    %swap3A_45 = arith.constant 1 : index
    %swap3A_46 = memref.load %arg9[%swap3A_45] : memref<2xf32, #tpu.memory_space<smem>>
    memref.store %max3A_44, %arg9[%swap3A_45] : memref<2xf32, #tpu.memory_space<smem>>
    %eq3A_47 = arith.constant 4 : i32
    %eq3A_48 = arith.cmpi eq, %arg0, %eq3A_47 : i32
    %convert_element_type3A_49 = arith.extui %eq3A_48 : i1 to i32
    %cond3A_50 = arith.constant 0 : i32
    %cond3A_51 = arith.cmpi ne, %convert_element_type3A_49, %cond3A_50 : i32
    scf.if %cond3A_51 {
      %get3A_52 = arith.constant 0 : index
      %get3A_53 = memref.load %arg9[%get3A_52] : memref<2xf32, #tpu.memory_space<smem>>
      %get3A_54 = arith.constant 1 : index
      %get3A_55 = memref.load %arg9[%get3A_54] : memref<2xf32, #tpu.memory_space<smem>>
      %add3A = arith.addf %get3A_53, %get3A_55 : f32
      %max3A_56 = arith.constant 0.000000e+00 : f32
      %max3A_57 = arith.maximumf %add3A, %max3A_56 : f32
      %swap3A_58 = arith.constant 0 : index
      %swap3A_59 = memref.load %arg8[%swap3A_58] : memref<1xf32, #tpu.memory_space<smem>>
      memref.store %max3A_57, %arg8[%swap3A_58] : memref<1xf32, #tpu.memory_space<smem>>
    } else {
    }
    return
  }
  func.func @transform_0(%arg0: i32) -> (i32, i32) {
    %c0_i32 = arith.constant 0 : i32
    %c0_i32_0 = arith.constant 0 : i32
    return %arg0, %c0_i32 : i32, i32
  }
  func.func @transform_1(%arg0: i32) -> (i32, i32) {
    %c0_i32 = arith.constant 0 : i32
    %c0_i32_0 = arith.constant 0 : i32
    %c0_i32_1 = arith.constant 0 : i32
    return %c0_i32, %c0_i32_0 : i32, i32
  }
  func.func @transform_2(%arg0: i32) -> (i32, i32) {
    %c0_i32 = arith.constant 0 : i32
    %c0_i32_0 = arith.constant 0 : i32
    %c0_i32_1 = arith.constant 0 : i32
    return %c0_i32, %c0_i32_0 : i32, i32
  }
  func.func @transform_3(%arg0: i32) -> (i32, i32) {
    %c0_i32 = arith.constant 0 : i32
    %c0_i32_0 = arith.constant 0 : i32
    %c0_i32_1 = arith.constant 0 : i32
    return %c0_i32, %c0_i32_0 : i32, i32
  }
  func.func @transform_4(%arg0: i32) -> (i32, i32) {
    %c0_i32 = arith.constant 0 : i32
    %c0_i32_0 = arith.constant 0 : i32
    return %arg0, %c0_i32 : i32, i32
  }
  func.func @transform_5(%arg0: i32) -> (i32, i32) {
    %c0_i32 = arith.constant 0 : i32
    %c0_i32_0 = arith.constant 0 : i32
    return %arg0, %c0_i32 : i32, i32
  }
  func.func @transform_6(%arg0: i32) -> (i32, i32) {
    %c0_i32 = arith.constant 0 : i32
    %c0_i32_0 = arith.constant 0 : i32
    return %arg0, %c0_i32 : i32, i32
  }
  func.func @transform_7(%arg0: i32) -> i32 {
    %c0_i32 = arith.constant 0 : i32
    %c0_i32_0 = arith.constant 0 : i32
    return %c0_i32 : i32
  }
}

module attributes {stable_mosaic.version = 14 : i64} {
  func.func @_tcb_body(%arg0: i32, %arg1: memref<2x2000x128xf32, #tpu.memory_space<vmem>>, %arg2: memref<2x2000x1xf32, #tpu.memory_space<vmem>>, %arg3: memref<1x128xf32, #tpu.memory_space<vmem>>, %arg4: memref<128x128xf32, #tpu.memory_space<vmem>>, %arg5: memref<1x128xf32, #tpu.memory_space<vmem>>, %arg6: memref<1x128xf32, #tpu.memory_space<vmem>>, %arg7: memref<2000x128xf32, #tpu.memory_space<vmem>>, %arg8: memref<2000x1xf32, #tpu.memory_space<vmem>>, %arg9: memref<2000x1xf32, #tpu.memory_space<vmem>>, %arg10: memref<1xf32, #tpu.memory_space<smem>>, %arg11: memref<2xf32, #tpu.memory_space<smem>>) attributes {dimension_semantics = [#tpu.dimension_semantics<arbitrary>], iteration_bounds = array<i64: 5>, scalar_prefetch = 0 : i64, scratch_operands = 1 : i64, tpu.core_type = #tpu.core_type<tc>, window_params = [{transform_indices = @transform_0, window_bounds = array<i64: 2, 2000, 128>}, {transform_indices = @transform_1, window_bounds = array<i64: 2, 2000, 1>}, {pipeline_mode = #tpu.pipeline_mode<synchronous>, transform_indices = @transform_2, window_bounds = array<i64: 1, 128>}, {pipeline_mode = #tpu.pipeline_mode<synchronous>, transform_indices = @transform_3, window_bounds = array<i64: 128, 128>}, {pipeline_mode = #tpu.pipeline_mode<synchronous>, transform_indices = @transform_4, window_bounds = array<i64: 1, 128>}, {pipeline_mode = #tpu.pipeline_mode<synchronous>, transform_indices = @transform_5, window_bounds = array<i64: 1, 128>}, {transform_indices = @transform_6, window_bounds = array<i64: 2000, 128>}, {transform_indices = @transform_7, window_bounds = array<i64: 2000, 1>}, {transform_indices = @transform_8, window_bounds = array<i64: 2000, 1>}, {transform_indices = @transform_9, window_bounds = array<i64: 1>}]} {
    %get3A = arith.constant 0 : index
    %get3A_0 = arith.constant 0 : index
    %get3A_1 = arith.constant 0 : index
    %get3A_2 = vector.load %arg1[%get3A, %get3A_0, %get3A_1] : memref<2x2000x128xf32, #tpu.memory_space<vmem>>, vector<1x2000x128xf32>
    %get3A_3 = vector.shape_cast %get3A_2 : vector<1x2000x128xf32> to vector<2000x128xf32>
    %get3A_4 = arith.constant 1 : index
    %get3A_5 = arith.constant 0 : index
    %get3A_6 = arith.constant 0 : index
    %get3A_7 = vector.load %arg1[%get3A_4, %get3A_5, %get3A_6] : memref<2x2000x128xf32, #tpu.memory_space<vmem>>, vector<1x2000x128xf32>
    %get3A_8 = vector.shape_cast %get3A_7 : vector<1x2000x128xf32> to vector<2000x128xf32>
    %add3A = arith.addf %get3A_3, %get3A_8 : vector<2000x128xf32>
    %get3A_9 = arith.constant 0 : index
    %get3A_10 = arith.constant 0 : index
    %get3A_11 = arith.constant 0 : index
    %get3A_12 = vector.load %arg2[%get3A_9, %get3A_10, %get3A_11] : memref<2x2000x1xf32, #tpu.memory_space<vmem>>, vector<1x2000x1xf32>
    %get3A_13 = vector.shape_cast %get3A_12 : vector<1x2000x1xf32> to vector<2000x1xf32>
    %get3A_14 = arith.constant 1 : index
    %get3A_15 = arith.constant 0 : index
    %get3A_16 = arith.constant 0 : index
    %get3A_17 = vector.load %arg2[%get3A_14, %get3A_15, %get3A_16] : memref<2x2000x1xf32, #tpu.memory_space<vmem>>, vector<1x2000x1xf32>
    %get3A_18 = vector.shape_cast %get3A_17 : vector<1x2000x1xf32> to vector<2000x1xf32>
    %add3A_19 = arith.addf %get3A_13, %get3A_18 : vector<2000x1xf32>
    %add3A_20 = arith.constant 1.000000e-30 : f32
    %add3A_21 = vector.broadcast %add3A_20 : f32 to vector<2000x1xf32>
    %add3A_22 = arith.addf %add3A_19, %add3A_21 : vector<2000x1xf32>
    %div3A = vector.broadcast %add3A_22 : vector<2000x1xf32> to vector<2000x128xf32>
    %div3A_23 = arith.divf %add3A, %div3A : vector<2000x128xf32>
    %get3A_24 = arith.constant 0 : index
    %get3A_25 = arith.constant 0 : index
    %get3A_26 = vector.load %arg3[%get3A_24, %get3A_25] : memref<1x128xf32, #tpu.memory_space<vmem>>, vector<1x128xf32>
    %add3A_27 = vector.broadcast %get3A_26 : vector<1x128xf32> to vector<2000x128xf32>
    %add3A_28 = arith.addf %div3A_23, %add3A_27 : vector<2000x128xf32>
    %max3A = arith.constant 0.000000e+00 : f32
    %max3A_29 = vector.broadcast %max3A : f32 to vector<2000x128xf32>
    %max3A_30 = arith.maximumf %add3A_28, %max3A_29 : vector<2000x128xf32>
    %get3A_31 = arith.constant 0 : index
    %get3A_32 = arith.constant 0 : index
    %get3A_33 = vector.load %arg4[%get3A_31, %get3A_32] : memref<128x128xf32, #tpu.memory_space<vmem>>, vector<128x128xf32>
    %dot_general3A = arith.constant dense<0.000000e+00> : vector<2000x128xf32>
    %dot_general3A_34 = tpu.matmul %max3A_30, %get3A_33, %dot_general3A {dimension_numbers = #tpu.dot_dimension_numbers<[1], [0], [0], [1], [0, 0, 1, 1], [], []>, transpose_lhs_hint = false} : vector<2000x128xf32>, vector<128x128xf32>, vector<2000x128xf32> -> vector<2000x128xf32>
    %swap3A = arith.constant 0 : index
    %swap3A_35 = arith.constant 0 : index
    %swap3A_36 = vector.load %arg7[%swap3A, %swap3A_35] : memref<2000x128xf32, #tpu.memory_space<vmem>>, vector<2000x128xf32>
    tpu.vector_store %arg7[%swap3A, %swap3A_35], %dot_general3A_34 {strides = array<i32>} : memref<2000x128xf32, #tpu.memory_space<vmem>>, vector<2000x128xf32>,
    %get3A_37 = arith.constant 0 : index
    %get3A_38 = arith.constant 0 : index
    %get3A_39 = vector.load %arg5[%get3A_37, %get3A_38] : memref<1x128xf32, #tpu.memory_space<vmem>>, vector<1x128xf32>
    %mul3A = vector.broadcast %get3A_39 : vector<1x128xf32> to vector<2000x128xf32>
    %mul3A_40 = arith.mulf %dot_general3A_34, %mul3A : vector<2000x128xf32>
    %reduce_sum3A = arith.constant dense<0.000000e+00> : vector<2000xf32>
    %reduce_sum3A_41 = vector.multi_reduction <add>, %mul3A_40, %reduce_sum3A [1] : vector<2000x128xf32> to vector<2000xf32>
    %broadcast_in_dim3A = vector.shape_cast %reduce_sum3A_41 : vector<2000xf32> to vector<2000x1xf32>
    %get3A_42 = arith.constant 0 : index
    %get3A_43 = arith.constant 0 : index
    %get3A_44 = vector.load %arg6[%get3A_42, %get3A_43] : memref<1x128xf32, #tpu.memory_space<vmem>>, vector<1x128xf32>
    %mul3A_45 = vector.broadcast %get3A_44 : vector<1x128xf32> to vector<2000x128xf32>
    %mul3A_46 = arith.mulf %dot_general3A_34, %mul3A_45 : vector<2000x128xf32>
    %reduce_sum3A_47 = arith.constant dense<0.000000e+00> : vector<2000xf32>
    %reduce_sum3A_48 = vector.multi_reduction <add>, %mul3A_46, %reduce_sum3A_47 [1] : vector<2000x128xf32> to vector<2000xf32>
    %broadcast_in_dim3A_49 = vector.shape_cast %reduce_sum3A_48 : vector<2000xf32> to vector<2000x1xf32>
    %swap3A_50 = arith.constant 0 : index
    %swap3A_51 = arith.constant 0 : index
    %swap3A_52 = vector.load %arg8[%swap3A_50, %swap3A_51] : memref<2000x1xf32, #tpu.memory_space<vmem>>, vector<2000x1xf32>
    tpu.vector_store %arg8[%swap3A_50, %swap3A_51], %broadcast_in_dim3A {strides = array<i32>} : memref<2000x1xf32, #tpu.memory_space<vmem>>, vector<2000x1xf32>,
    %swap3A_53 = arith.constant 0 : index
    %swap3A_54 = arith.constant 0 : index
    %swap3A_55 = vector.load %arg9[%swap3A_53, %swap3A_54] : memref<2000x1xf32, #tpu.memory_space<vmem>>, vector<2000x1xf32>
    tpu.vector_store %arg9[%swap3A_53, %swap3A_54], %broadcast_in_dim3A_49 {strides = array<i32>} : memref<2000x1xf32, #tpu.memory_space<vmem>>, vector<2000x1xf32>,
    %eq3A = arith.constant 0 : i32
    %eq3A_56 = arith.cmpi eq, %arg0, %eq3A : i32
    %convert_element_type3A = arith.extui %eq3A_56 : i1 to i32
    %cond3A = arith.constant 0 : i32
    %cond3A_57 = arith.cmpi ne, %convert_element_type3A, %cond3A : i32
    scf.if %cond3A_57 {
      %reduce_max3A_82 = vector.shape_cast %broadcast_in_dim3A : vector<2000x1xf32> to vector<1x2000x1xf32>
      %reduce_max3A_83 = arith.constant dense<0xFF800000> : vector<1xf32>
      %reduce_max3A_84 = vector.multi_reduction <maximumf>, %reduce_max3A_82, %reduce_max3A_83 [1, 2] : vector<1x2000x1xf32> to vector<1xf32>
      %reduce_max3A_85 = vector.shape_cast %reduce_max3A_84 : vector<1xf32> to vector<1x1x1xf32>
      %reduce_max3A_86 = vector.extract %reduce_max3A_85[0, 0, 0] : f32 from vector<1x1x1xf32>
      %swap3A_87 = arith.constant 0 : index
      %swap3A_88 = memref.load %arg11[%swap3A_87] : memref<2xf32, #tpu.memory_space<smem>>
      memref.store %reduce_max3A_86, %arg11[%swap3A_87] : memref<2xf32, #tpu.memory_space<smem>>
      %reduce_max3A_89 = vector.shape_cast %broadcast_in_dim3A_49 : vector<2000x1xf32> to vector<1x2000x1xf32>
      %reduce_max3A_90 = arith.constant dense<0xFF800000> : vector<1xf32>
      %reduce_max3A_91 = vector.multi_reduction <maximumf>, %reduce_max3A_89, %reduce_max3A_90 [1, 2] : vector<1x2000x1xf32> to vector<1xf32>
      %reduce_max3A_92 = vector.shape_cast %reduce_max3A_91 : vector<1xf32> to vector<1x1x1xf32>
      %reduce_max3A_93 = vector.extract %reduce_max3A_92[0, 0, 0] : f32 from vector<1x1x1xf32>
      %swap3A_94 = arith.constant 1 : index
      %swap3A_95 = memref.load %arg11[%swap3A_94] : memref<2xf32, #tpu.memory_space<smem>>
      memref.store %reduce_max3A_93, %arg11[%swap3A_94] : memref<2xf32, #tpu.memory_space<smem>>
    } else {
    }
    %get3A_58 = arith.constant 0 : index
    %get3A_59 = memref.load %arg11[%get3A_58] : memref<2xf32, #tpu.memory_space<smem>>
    %reduce_max3A = vector.shape_cast %broadcast_in_dim3A : vector<2000x1xf32> to vector<1x2000x1xf32>
    %reduce_max3A_60 = arith.constant dense<0xFF800000> : vector<1xf32>
    %reduce_max3A_61 = vector.multi_reduction <maximumf>, %reduce_max3A, %reduce_max3A_60 [1, 2] : vector<1x2000x1xf32> to vector<1xf32>
    %reduce_max3A_62 = vector.shape_cast %reduce_max3A_61 : vector<1xf32> to vector<1x1x1xf32>
    %reduce_max3A_63 = vector.extract %reduce_max3A_62[0, 0, 0] : f32 from vector<1x1x1xf32>
    %max3A_64 = arith.maximumf %get3A_59, %reduce_max3A_63 : f32
    %swap3A_65 = arith.constant 0 : index
    %swap3A_66 = memref.load %arg11[%swap3A_65] : memref<2xf32, #tpu.memory_space<smem>>
    memref.store %max3A_64, %arg11[%swap3A_65] : memref<2xf32, #tpu.memory_space<smem>>
    %get3A_67 = arith.constant 1 : index
    %get3A_68 = memref.load %arg11[%get3A_67] : memref<2xf32, #tpu.memory_space<smem>>
    %reduce_max3A_69 = vector.shape_cast %broadcast_in_dim3A_49 : vector<2000x1xf32> to vector<1x2000x1xf32>
    %reduce_max3A_70 = arith.constant dense<0xFF800000> : vector<1xf32>
    %reduce_max3A_71 = vector.multi_reduction <maximumf>, %reduce_max3A_69, %reduce_max3A_70 [1, 2] : vector<1x2000x1xf32> to vector<1xf32>
    %reduce_max3A_72 = vector.shape_cast %reduce_max3A_71 : vector<1xf32> to vector<1x1x1xf32>
    %reduce_max3A_73 = vector.extract %reduce_max3A_72[0, 0, 0] : f32 from vector<1x1x1xf32>
    %max3A_74 = arith.maximumf %get3A_68, %reduce_max3A_73 : f32
    %swap3A_75 = arith.constant 1 : index
    %swap3A_76 = memref.load %arg11[%swap3A_75] : memref<2xf32, #tpu.memory_space<smem>>
    memref.store %max3A_74, %arg11[%swap3A_75] : memref<2xf32, #tpu.memory_space<smem>>
    %eq3A_77 = arith.constant 4 : i32
    %eq3A_78 = arith.cmpi eq, %arg0, %eq3A_77 : i32
    %convert_element_type3A_79 = arith.extui %eq3A_78 : i1 to i32
    %cond3A_80 = arith.constant 0 : i32
    %cond3A_81 = arith.cmpi ne, %convert_element_type3A_79, %cond3A_80 : i32
    scf.if %cond3A_81 {
      %get3A_82 = arith.constant 0 : index
      %get3A_83 = memref.load %arg11[%get3A_82] : memref<2xf32, #tpu.memory_space<smem>>
      %get3A_84 = arith.constant 1 : index
      %get3A_85 = memref.load %arg11[%get3A_84] : memref<2xf32, #tpu.memory_space<smem>>
      %add3A_86 = arith.addf %get3A_83, %get3A_85 : f32
      %max3A_87 = arith.constant 0.000000e+00 : f32
      %max3A_88 = arith.maximumf %add3A_86, %max3A_87 : f32
      %swap3A_89 = arith.constant 0 : index
      %swap3A_90 = memref.load %arg10[%swap3A_89] : memref<1xf32, #tpu.memory_space<smem>>
      memref.store %max3A_88, %arg10[%swap3A_89] : memref<1xf32, #tpu.memory_space<smem>>
    } else {
    }
    return
  }
  func.func @transform_0(%arg0: i32) -> (i32, i32, i32) {
    %c0_i32 = arith.constant 0 : i32
    %c0_i32_0 = arith.constant 0 : i32
    %c0_i32_1 = arith.constant 0 : i32
    return %c0_i32, %arg0, %c0_i32_0 : i32, i32, i32
  }
  func.func @transform_1(%arg0: i32) -> (i32, i32, i32) {
    %c0_i32 = arith.constant 0 : i32
    %c0_i32_0 = arith.constant 0 : i32
    %c0_i32_1 = arith.constant 0 : i32
    return %c0_i32, %arg0, %c0_i32_0 : i32, i32, i32
  }
  func.func @transform_2(%arg0: i32) -> (i32, i32) {
    %c0_i32 = arith.constant 0 : i32
    %c0_i32_0 = arith.constant 0 : i32
    %c0_i32_1 = arith.constant 0 : i32
    return %c0_i32, %c0_i32_0 : i32, i32
  }
  func.func @transform_3(%arg0: i32) -> (i32, i32) {
    %c0_i32 = arith.constant 0 : i32
    %c0_i32_0 = arith.constant 0 : i32
    %c0_i32_1 = arith.constant 0 : i32
    return %c0_i32, %c0_i32_0 : i32, i32
  }
  func.func @transform_4(%arg0: i32) -> (i32, i32) {
    %c0_i32 = arith.constant 0 : i32
    %c0_i32_0 = arith.constant 0 : i32
    %c0_i32_1 = arith.constant 0 : i32
    return %c0_i32, %c0_i32_0 : i32, i32
  }
  func.func @transform_5(%arg0: i32) -> (i32, i32) {
    %c0_i32 = arith.constant 0 : i32
    %c0_i32_0 = arith.constant 0 : i32
    %c0_i32_1 = arith.constant 0 : i32
    return %c0_i32, %c0_i32_0 : i32, i32
  }
  func.func @transform_6(%arg0: i32) -> (i32, i32) {
    %c0_i32 = arith.constant 0 : i32
    %c0_i32_0 = arith.constant 0 : i32
    return %arg0, %c0_i32 : i32, i32
  }
  func.func @transform_7(%arg0: i32) -> (i32, i32) {
    %c0_i32 = arith.constant 0 : i32
    %c0_i32_0 = arith.constant 0 : i32
    return %arg0, %c0_i32 : i32, i32
  }
  func.func @transform_8(%arg0: i32) -> (i32, i32) {
    %c0_i32 = arith.constant 0 : i32
    %c0_i32_0 = arith.constant 0 : i32
    return %arg0, %c0_i32 : i32, i32
  }
  func.func @transform_9(%arg0: i32) -> i32 {
    %c0_i32 = arith.constant 0 : i32
    %c0_i32_0 = arith.constant 0 : i32
    return %c0_i32 : i32
  }
}

module attributes {stable_mosaic.version = 14 : i64} {
  func.func @_tcc_body(%arg0: i32, %arg1: memref<2x2000x128xf32, #tpu.memory_space<vmem>>, %arg2: memref<2x2000x1xf32, #tpu.memory_space<vmem>>, %arg3: memref<1x128xf32, #tpu.memory_space<vmem>>, %arg4: memref<2000x1xi32, #tpu.memory_space<vmem>>, %arg5: memref<128x1xf32, #tpu.memory_space<vmem>>, %arg6: memref<1xf32, #tpu.memory_space<smem>>, %arg7: memref<64x1xf32, #tpu.memory_space<vmem>>, %arg8: memref<64x128xf32, #tpu.memory_space<vmem>>) attributes {dimension_semantics = [#tpu.dimension_semantics<arbitrary>], iteration_bounds = array<i64: 5>, scalar_prefetch = 0 : i64, scratch_operands = 1 : i64, tpu.core_type = #tpu.core_type<tc>, window_params = [{transform_indices = @transform_0, window_bounds = array<i64: 2, 2000, 128>}, {transform_indices = @transform_1, window_bounds = array<i64: 2, 2000, 1>}, {pipeline_mode = #tpu.pipeline_mode<synchronous>, transform_indices = @transform_2, window_bounds = array<i64: 1, 128>}, {transform_indices = @transform_3, window_bounds = array<i64: 2000, 1>}, {pipeline_mode = #tpu.pipeline_mode<synchronous>, transform_indices = @transform_4, window_bounds = array<i64: 128, 1>}, {transform_indices = @transform_5, window_bounds = array<i64: 1>}, {pipeline_mode = #tpu.pipeline_mode<synchronous>, transform_indices = @transform_6, window_bounds = array<i64: 64, 1>}]} {
    %get3A = arith.constant 0 : index
    %get3A_0 = arith.constant 0 : index
    %get3A_1 = arith.constant 0 : index
    %get3A_2 = vector.load %arg1[%get3A, %get3A_0, %get3A_1] : memref<2x2000x128xf32, #tpu.memory_space<vmem>>, vector<1x2000x128xf32>
    %get3A_3 = vector.shape_cast %get3A_2 : vector<1x2000x128xf32> to vector<2000x128xf32>
    %get3A_4 = arith.constant 1 : index
    %get3A_5 = arith.constant 0 : index
    %get3A_6 = arith.constant 0 : index
    %get3A_7 = vector.load %arg1[%get3A_4, %get3A_5, %get3A_6] : memref<2x2000x128xf32, #tpu.memory_space<vmem>>, vector<1x2000x128xf32>
    %get3A_8 = vector.shape_cast %get3A_7 : vector<1x2000x128xf32> to vector<2000x128xf32>
    %add3A = arith.addf %get3A_3, %get3A_8 : vector<2000x128xf32>
    %get3A_9 = arith.constant 0 : index
    %get3A_10 = arith.constant 0 : index
    %get3A_11 = arith.constant 0 : index
    %get3A_12 = vector.load %arg2[%get3A_9, %get3A_10, %get3A_11] : memref<2x2000x1xf32, #tpu.memory_space<vmem>>, vector<1x2000x1xf32>
    %get3A_13 = vector.shape_cast %get3A_12 : vector<1x2000x1xf32> to vector<2000x1xf32>
    %get3A_14 = arith.constant 1 : index
    %get3A_15 = arith.constant 0 : index
    %get3A_16 = arith.constant 0 : index
    %get3A_17 = vector.load %arg2[%get3A_14, %get3A_15, %get3A_16] : memref<2x2000x1xf32, #tpu.memory_space<vmem>>, vector<1x2000x1xf32>
    %get3A_18 = vector.shape_cast %get3A_17 : vector<1x2000x1xf32> to vector<2000x1xf32>
    %add3A_19 = arith.addf %get3A_13, %get3A_18 : vector<2000x1xf32>
    %add3A_20 = arith.constant 1.000000e-30 : f32
    %add3A_21 = vector.broadcast %add3A_20 : f32 to vector<2000x1xf32>
    %add3A_22 = arith.addf %add3A_19, %add3A_21 : vector<2000x1xf32>
    %div3A = vector.broadcast %add3A_22 : vector<2000x1xf32> to vector<2000x128xf32>
    %div3A_23 = arith.divf %add3A, %div3A : vector<2000x128xf32>
    %get3A_24 = arith.constant 0 : index
    %get3A_25 = arith.constant 0 : index
    %get3A_26 = vector.load %arg3[%get3A_24, %get3A_25] : memref<1x128xf32, #tpu.memory_space<vmem>>, vector<1x128xf32>
    %add3A_27 = vector.broadcast %get3A_26 : vector<1x128xf32> to vector<2000x128xf32>
    %add3A_28 = arith.addf %div3A_23, %add3A_27 : vector<2000x128xf32>
    %max3A = arith.constant 0.000000e+00 : f32
    %max3A_29 = vector.broadcast %max3A : f32 to vector<2000x128xf32>
    %max3A_30 = arith.maximumf %add3A_28, %max3A_29 : vector<2000x128xf32>
    %iota3A = tpu.iota {dimensions = array<i32: 1>} : vector<2000x64xi32>
    %get3A_31 = arith.constant 0 : index
    %get3A_32 = arith.constant 0 : index
    %get3A_33 = vector.load %arg4[%get3A_31, %get3A_32] : memref<2000x1xi32, #tpu.memory_space<vmem>>, vector<2000x1xi32>
    %eq3A = vector.broadcast %get3A_33 : vector<2000x1xi32> to vector<2000x64xi32>
    %eq3A_34 = arith.cmpi eq, %eq3A, %iota3A : vector<2000x64xi32>
    %convert_element_type3A = arith.extui %eq3A_34 : vector<2000x64xi1> to vector<2000x64xi32>
    %convert_element_type3A_35 = arith.sitofp %convert_element_type3A : vector<2000x64xi32> to vector<2000x64xf32>
    %eq3A_36 = arith.constant 0 : i32
    %eq3A_37 = arith.cmpi eq, %arg0, %eq3A_36 : i32
    %convert_element_type3A_38 = arith.extui %eq3A_37 : i1 to i32
    %cond3A = arith.constant 0 : i32
    %cond3A_39 = arith.cmpi ne, %convert_element_type3A_38, %cond3A : i32
    scf.if %cond3A_39 {
      %broadcast_in_dim3A = arith.constant 0.000000e+00 : f32
      %broadcast_in_dim3A_52 = vector.broadcast %broadcast_in_dim3A : f32 to vector<64x128xf32>
      %swap3A_53 = arith.constant 0 : index
      %swap3A_54 = arith.constant 0 : index
      %swap3A_55 = vector.load %arg8[%swap3A_53, %swap3A_54] : memref<64x128xf32, #tpu.memory_space<vmem>>, vector<64x128xf32>
      tpu.vector_store %arg8[%swap3A_53, %swap3A_54], %broadcast_in_dim3A_52 {strides = array<i32>} : memref<64x128xf32, #tpu.memory_space<vmem>>, vector<64x128xf32>,
    } else {
    }
    %get3A_40 = arith.constant 0 : index
    %get3A_41 = arith.constant 0 : index
    %get3A_42 = vector.load %arg8[%get3A_40, %get3A_41] : memref<64x128xf32, #tpu.memory_space<vmem>>, vector<64x128xf32>
    %dot_general3A = arith.constant dense<0.000000e+00> : vector<64x128xf32>
    %dot_general3A_43 = tpu.matmul %convert_element_type3A_35, %max3A_30, %dot_general3A {dimension_numbers = #tpu.dot_dimension_numbers<[0], [0], [1], [1], [0, 1, 1, 1], [], []>, transpose_lhs_hint = false} : vector<2000x64xf32>, vector<2000x128xf32>, vector<64x128xf32> -> vector<64x128xf32>
    %add3A_44 = arith.addf %get3A_42, %dot_general3A_43 : vector<64x128xf32>
    %swap3A = arith.constant 0 : index
    %swap3A_45 = arith.constant 0 : index
    %swap3A_46 = vector.load %arg8[%swap3A, %swap3A_45] : memref<64x128xf32, #tpu.memory_space<vmem>>, vector<64x128xf32>
    tpu.vector_store %arg8[%swap3A, %swap3A_45], %add3A_44 {strides = array<i32>} : memref<64x128xf32, #tpu.memory_space<vmem>>, vector<64x128xf32>,
    %eq3A_47 = arith.constant 4 : i32
    %eq3A_48 = arith.cmpi eq, %arg0, %eq3A_47 : i32
    %convert_element_type3A_49 = arith.extui %eq3A_48 : i1 to i32
    %cond3A_50 = arith.constant 0 : i32
    %cond3A_51 = arith.cmpi ne, %convert_element_type3A_49, %cond3A_50 : i32
    scf.if %cond3A_51 {
      %get3A_52 = arith.constant 0 : index
      %get3A_53 = arith.constant 0 : index
      %get3A_54 = vector.load %arg8[%get3A_52, %get3A_53] : memref<64x128xf32, #tpu.memory_space<vmem>>, vector<64x128xf32>
      %get3A_55 = arith.constant 0 : index
      %get3A_56 = arith.constant 0 : index
      %get3A_57 = vector.load %arg5[%get3A_55, %get3A_56] : memref<128x1xf32, #tpu.memory_space<vmem>>, vector<128x1xf32>
      %dot_general3A_58 = arith.constant dense<0.000000e+00> : vector<64x1xf32>
      %dot_general3A_59 = tpu.matmul %get3A_54, %get3A_57, %dot_general3A_58 {dimension_numbers = #tpu.dot_dimension_numbers<[1], [0], [0], [1], [0, 0, 1, 1], [], []>, transpose_lhs_hint = false} : vector<64x128xf32>, vector<128x1xf32>, vector<64x1xf32> -> vector<64x1xf32>
      %get3A_60 = arith.constant 0 : index
      %get3A_61 = memref.load %arg6[%get3A_60] : memref<1xf32, #tpu.memory_space<smem>>
      %add3A_62 = vector.broadcast %get3A_61 : f32 to vector<64x1xf32>
      %add3A_63 = arith.addf %dot_general3A_59, %add3A_62 : vector<64x1xf32>
      %swap3A_64 = arith.constant 0 : index
      %swap3A_65 = arith.constant 0 : index
      %swap3A_66 = vector.load %arg7[%swap3A_64, %swap3A_65] : memref<64x1xf32, #tpu.memory_space<vmem>>, vector<64x1xf32>
      tpu.vector_store %arg7[%swap3A_64, %swap3A_65], %add3A_63 {strides = array<i32>} : memref<64x1xf32, #tpu.memory_space<vmem>>, vector<64x1xf32>,
    } else {
    }
    return
  }
  func.func @transform_0(%arg0: i32) -> (i32, i32, i32) {
    %c0_i32 = arith.constant 0 : i32
    %c0_i32_0 = arith.constant 0 : i32
    %c0_i32_1 = arith.constant 0 : i32
    return %c0_i32, %arg0, %c0_i32_0 : i32, i32, i32
  }
  func.func @transform_1(%arg0: i32) -> (i32, i32, i32) {
    %c0_i32 = arith.constant 0 : i32
    %c0_i32_0 = arith.constant 0 : i32
    %c0_i32_1 = arith.constant 0 : i32
    return %c0_i32, %arg0, %c0_i32_0 : i32, i32, i32
  }
  func.func @transform_2(%arg0: i32) -> (i32, i32) {
    %c0_i32 = arith.constant 0 : i32
    %c0_i32_0 = arith.constant 0 : i32
    %c0_i32_1 = arith.constant 0 : i32
    return %c0_i32, %c0_i32_0 : i32, i32
  }
  func.func @transform_3(%arg0: i32) -> (i32, i32) {
    %c0_i32 = arith.constant 0 : i32
    %c0_i32_0 = arith.constant 0 : i32
    return %arg0, %c0_i32 : i32, i32
  }
  func.func @transform_4(%arg0: i32) -> (i32, i32) {
    %c0_i32 = arith.constant 0 : i32
    %c0_i32_0 = arith.constant 0 : i32
    %c0_i32_1 = arith.constant 0 : i32
    return %c0_i32, %c0_i32_0 : i32, i32
  }
  func.func @transform_5(%arg0: i32) -> i32 {
    %c0_i32 = arith.constant 0 : i32
    %c0_i32_0 = arith.constant 0 : i32
    return %c0_i32 : i32
  }
  func.func @transform_6(%arg0: i32) -> (i32, i32) {
    %c0_i32 = arith.constant 0 : i32
    %c0_i32_0 = arith.constant 0 : i32
    %c0_i32_1 = arith.constant 0 : i32
    return %c0_i32, %c0_i32_0 : i32, i32
  }
}

</mosaic_0001>

<sc_bundles>
// kernel: kernel.10.cloned.1.call-start
scs
__scs_entry_jumppad:
0x0: {  	(pc) =	sbr.rel $0x88, $3  }
0x1: {  	(tag) =	ssettag $0x0;
	lr =	simm.s32 $0x1  }
0x2: {  	[smem:$0x3F94] =	sst lr;
	_ =	strace $0xD0000000  }
0x3: {  	_ = 	snop  }
0x4: {  	_ = 	snop  }
0x5: {  	_ = 	snop  }
0x6: {  	_ = 	snop  }
0x7: {  	_ = 	snop  }
__scs_overlays_trampoline_lowered:
0x8: {  	[smem:$0x3FA3] =	sst s0  }
0x9: {  	[smem:$0x3FA4] =	sst s1  }
0xa: {  	[smem:$0x3FA5] =	sst s2  }
0xb: {  	[smem:$0x3FA6] =	sst s3  }
0xc: {  	[smem:$0x3FA7] =	sst s4  }
0xd: {  	[smem:$0x3FA8] =	sst s5  }
0xe: {  	[smem:$0x3FA9] =	sst s6  }
0xf: {  	[smem:$0x3FAA] =	sst s7  }
0x10: {  	[smem:$0x3FAB] =	sst s8  }
0x11: {  	[smem:$0x3FAC] =	sst s9;
	s0 =	simm.s32 @!p0 $0x0  }
0x12: {  	s1 =	sld [smem:$0x3F92];
	s0 =	simm.s32 @p0 $0x1  }
0x13: {  	[smem:$0x3FAD] =	sst s0;
	s0 =	simm.s32 @!p1 $0x0  }
0x14: {  	s2 =	sld [smem:$0x3F91];
	s0 =	simm.s32 @p1 $0x1  }
0x15: {  	[smem:$0x3FAE] =	sst s0;
	s0 =	simm.s32 @!p2 $0x0  }
0x16: {  	s3 =	sld [smem:$0x3FDB];
	s0 =	simm.s32 @p2 $0x1  }
0x17: {  	s4 =	simm.s32 $0x1BF5;
	[smem:$0x3FB0] =	sst s0  }
0x18: {  	s0 =	sld [smem:$0x3F93];
	_ =	swait.ge [sflag:s4], $0x0  }
0x19: {  	s7 =	sld [smem:$0x3F94]  }
0x1a: {  	s8 =	sadd.s32 $0xFFFFE003, lr  }
0x1b: {  	s9 =	sadd.s32 $0xFFFFFEF7, lr;
	s5 =	simm.s32 $0xFFFFFFFF;
	p2 =	slt.u32 s8, $0xFFFFF086  }
0x1c: {  	p1 =	slt.u32 s9, $0xF7A;
	s5 =	simm.s32 @!p2 $0x0  }
0x1d: {  	s5 =	simm.s32 @p1 $0x1;
	p0 =	seq.s32 s7, s2  }
0x1e: {  	s7 =	smul.u32 @!p0 $0xF7A, s2;
	p2 =	seq.s32 @!p0 s5, $0x0  }
0x1f: {  	s9 =	smul.u32 $0xF7A, s1;
	s8 =	simm.s32 @!p0 $0x1BF5;
	p2 =	por !p2, p0  }
0x20: {  	[sflag:s8] =	ssyncset.s32 @!p0 $0xFFFFF086;
	s6 =	sadd.s32 @!p0 s3, s7;
	s7 =	simm.s32 @!p0 $0x108  }
0x21: {  	s3 =	sadd.s32 s3, s9;
	s6 =	sadd.s32 @!p0 $0x88, s6;
	s7 =	simm.s32 @p2 $0x1082  }
0x22: {  	[simem:s7], [sflag:s8] =	dma.local @!p0 [hbm:s6], $0xF7A  }
0x23: {  	s9 =	sor.u32 $0xD0000000, s2;
	s6 =	simm.s32 $0x108;
	_ =	swait.ge @!p0 [sflag:s8], $0x0  }
0x24: {  	s3 =	sadd.s32 $0x88, s3;
	s6 =	simm.s32 @!p1 $0x1082;
	[sflag:s4] =	ssyncset.s32 $0xFFFFF086  }
0x25: {  	[simem:s6], [sflag:s4] =	dma.local [hbm:s3], $0xF7A  }
0x26: {  	[smem:$0x3F94] =	sst s1;
	(tag) =	ssettag s2;
	_ =	strace s9  }
0x27: {  	s1 =	sld [smem:$0x3FA4]  }
0x28: {  	s2 =	sld [smem:$0x3FA5]  }
0x29: {  	s4 =	sld [smem:$0x3FA7]  }
0x2a: {  	p0 =	seq.s32 s5, $0x0;
	s5 =	sld [smem:$0x3FA8]  }
0x2b: {  	s6 =	sld [smem:$0x3FA9]  }
0x2c: {  	s7 =	sld [smem:$0x3FAA]  }
0x2d: {  	s3 =	simm.s32 $0x108;
	s8 =	sld [smem:$0x3FAB]  }
0x2e: {  	s3 =	simm.s32 @!p0 $0x1082;
	s9 =	sld [smem:$0x3FAC]  }
0x2f: {  	lr =	sadd.s32 s0, s3;
	s0 =	sld [smem:$0x3FA3]  }
0x30: {  	s3 =	sld [smem:$0x3FA6]  }
0x31: {  	[smem:$0x3FAF] =	sst s10  }
0x32: {  	s10 =	sld [smem:$0x3FAD];
	_ =	sdelay $0x3  }
0x33: {  	p0 =	seq.s32 s10, $0x1;
	s10 =	sld [smem:$0x3FAF];
	_ =	sdelay $0x3  }
0x34: {  	[smem:$0x3FAF] =	sst s10  }
0x35: {  	s10 =	sld [smem:$0x3FAE];
	_ =	sdelay $0x3  }
0x36: {  	p1 =	seq.s32 s10, $0x1;
	s10 =	sld [smem:$0x3FAF];
	_ =	sdelay $0x3  }
0x37: {  	[smem:$0x3FAF] =	sst s10  }
0x38: {  	s10 =	sld [smem:$0x3FB0]  }
0x39: {  	_ = 	snop;
	(pc) =	sbr.ind lr, $3  }
0x3a: {  	_ = 	snop  }
0x3b: {  	_ = 	snop  }
0x3c: {  	p2 =	seq.s32 s10, $0x1;
	s10 =	sld [smem:$0x3FAF]  }
0x3d: {  	_ =	shalt  }
0x3e: {  	_ =	shalt  }
0x3f: {  	_ =	shalt  }
0x40: {  	_ =	shalt  }
0x41: {  	_ =	shalt  }
0x42: {  	_ =	shalt  }
0x43: {  	_ =	shalt  }
0x44: {  	_ =	shalt  }
0x45: {  	_ =	shalt  }
0x46: {  	_ =	shalt  }
0x47: {  	_ =	shalt  }
0x48: {  	_ =	shalt  }
0x49: {  	_ =	shalt  }
0x4a: {  	_ =	shalt  }
0x4b: {  	_ =	shalt  }
0x4c: {  	_ =	shalt  }
0x4d: {  	_ =	shalt  }
0x4e: {  	_ =	shalt  }
0x4f: {  	_ =	shalt  }
0x50: {  	_ =	shalt  }
0x51: {  	_ =	shalt  }
0x52: {  	_ =	shalt  }
0x53: {  	_ =	shalt  }
0x54: {  	_ =	shalt  }
0x55: {  	_ =	shalt  }
0x56: {  	_ =	shalt  }
0x57: {  	_ =	shalt  }
0x58: {  	_ =	shalt  }
0x59: {  	_ =	shalt  }
0x5a: {  	_ =	shalt  }
0x5b: {  	_ =	shalt  }
0x5c: {  	_ =	shalt  }
0x5d: {  	_ =	shalt  }
0x5e: {  	_ =	shalt  }
0x5f: {  	_ =	shalt  }
0x60: {  	_ =	shalt  }
0x61: {  	_ =	shalt  }
0x62: {  	_ =	shalt  }
0x63: {  	_ =	shalt  }
0x64: {  	_ =	shalt  }
0x65: {  	_ =	shalt  }
0x66: {  	_ =	shalt  }
0x67: {  	_ =	shalt  }
0x68: {  	_ =	shalt  }
0x69: {  	_ =	shalt  }
0x6a: {  	_ =	shalt  }
0x6b: {  	_ =	shalt  }
0x6c: {  	_ =	shalt  }
0x6d: {  	_ =	shalt  }
0x6e: {  	_ =	shalt  }
0x6f: {  	_ =	shalt  }
0x70: {  	_ =	shalt  }
0x71: {  	_ =	shalt  }
0x72: {  	_ =	shalt  }
0x73: {  	_ =	shalt  }
0x74: {  	_ =	shalt  }
0x75: {  	_ =	shalt  }
0x76: {  	_ =	shalt  }
0x77: {  	_ =	shalt  }
0x78: {  	_ =	shalt  }
0x79: {  	_ =	shalt  }
0x7a: {  	_ =	shalt  }
0x7b: {  	_ =	shalt  }
0x7c: {  	_ =	shalt  }
0x7d: {  	_ =	shalt  }
0x7e: {  	_ =	shalt  }
0x7f: {  	_ =	shalt  }
0x80: {  	_ =	shalt  }
0x81: {  	_ =	shalt  }
0x82: {  	_ =	shalt  }
0x83: {  	_ =	shalt  }
0x84: {  	_ =	shalt  }
0x85: {  	_ =	shalt  }
0x86: {  	_ =	shalt  }
0x87: {  	_ =	shalt  }
.Lfunc_end0:
.L_simem_size_0:
called_computation.1_lowered:
.L_overlay_start_0:
0x88: {  	s2 =	sld [smem:$0x3FD9]  }
0x89: {  	s3 =	sld [smem:$0x3FFE];
	_ =	sdelay $0x1  }
0x8a: {  	s1 =	srdreg.scid  }
0x8b: {  	s0 =	sand.u32 $0x1, s1  }
0x8c: {  	s16 =	sshll.u32 s0, $0xA;
	s2 =	sadd.s32 s3, s2  }
0x8d: {  	s2 =	sadd.s32 s2, s16  }
0x8e: {  	[smem:$0x3FBB] =	sst s2  }
0x8f: {  	_ = 	snop  }
0x90: {  	(tm) =	ssettm $0x1  }
0x91: {  	s17 =	sld [smem:$0x3FFB];
	_ =	sdelay $0x3  }
0x92: {  	_ =	strace s17  }
0x93: {  	s2 =	sld [smem:$0x3FFC];
	_ =	sdelay $0x3  }
0x94: {  	_ =	strace s2  }
0x95: {  	s2 =	sld [smem:$0x3FFD];
	_ =	sdelay $0x3  }
0x96: {  	_ =	strace s2  }
0x97: {  	_ =	strace $0x8FFFFFFF  }
0x98: {  	s18 =	sld [smem:$0x3FDB];
	_ =	sdelay $0x1  }
0x99: {  	s19 =	simm.s32 $_scs_section_size  }
0x9a: {  	s4 =	simm.s32 $_size__tile_overlayer_lowered;
	s5 =	simm.s32 $_tile_overlayer_lowered  }
0x9b: {  	s22 =	simm.s32 $0x1BFF;
	s21 =	sshll.u32 s5, $0x1;
	s2 =	sadd.s32 s19, s18  }
0x9c: {  	s6 =	simm.s32 $0x0;
	s20 =	sshll.u32 s4, $0x1;
	s4 =	sadd.s32 s21, s2  }
0x9d: {  	[timem:s6], [sflag:s22] =	dma.local [hbm:s4], s20  }
0x9e: {  	_ =	swait.ge [sflag:s22], s20  }
0x9f: {  	s3 =	ssub.s32 $0x0, s20;
	[sflag:s22] =	ssyncset.done $0x0  }
0xa0: {  	[sflag:s22] =	ssyncadd.s32 s3;
	_ =	sdelay $0x1  }
0xa1: {  	s23 =	simm.s32 $0x1B8B  }
0xa2: {  	_ =	swait.ge [sflag:s23], $0x1  }
0xa3: {  	[sflag:s23] =	ssyncset.done $0x0  }
0xa4: {  	s25 =	simm.s32 $0x1B8E;
	s24 =	sld [smem:$0x3FFE];
	[sflag:s23] =	ssyncadd.s32 $0xFFFFFFFF  }
0xa5: {  	s26 =	simm.s32 $execute0_lowered;
	[smem:$0x3FD2] =	sst s25  }
0xa6: {  	s4 =	sshll.u32 s26, $0x1;
	_ =	strace $0x80000049;
	[dreg:$0x1] =	wrdreg $0xFFFFFFFF  }
0xa7: {  	s28 =	simm.s32 $_size_execute0_lowered;
	s2 =	sadd.s32 s2, s4;
	[dreg:$0x0] =	wrdreg $0x0  }
0xa8: {  	s4 =	sshll.u32 s28, $0x1;
	[dreg:$0x2] =	wrdreg s2  }
0xa9: {  	[dreg:$0x3] =	wrdreg s4  }
0xaa: {  	[dreg:$0x4] =	wrdreg $0xC0  }
0xab: {  	_ =	task [dreg:s6], $0x5FFFF  }
0xac: {  	[dreg:$0x1] =	wrdreg $0xFFFFFFFF  }
0xad: {  	[dreg:$0x0] =	wrdreg $0x60  }
0xae: {  	[dreg:$0x2] =	wrdreg s24  }
0xaf: {  	[dreg:$0x3] =	wrdreg $0x0  }
0xb0: {  	[dreg:$0x4] =	wrdreg $0x138800  }
0xb1: {  	[dreg:$0x5] =	wrdreg $0x9  }
0xb2: {  	_ =	task.clear_ibuf [dreg:s6], $0x6FFFF;
	_ =	strace $0x90000049  }
0xb3: {  	s29 =	simm.s32 $0x9;
	_ =	strace $0x8000004B  }
0xb4: {  	_ =	swait.ge [sflag:s29], $0x1  }
0xb5: {  	[sflag:s29] =	ssyncadd.s32 $0xFFFFFFFF  }
0xb6: {  	_ =	strace $0x9000004B  }
0xb7: {  	_ =	sfence  }
0xb8: {  	s30 =	sld [smem:$0x0];
	_ =	sdelay $0x2  }
0xb9: {  	s31 =	sshll.u32 s1, $0xD;
	s1 =	sshrl.u32 s1, $0x2  }
0xba: {  	s3 =	sand.u32 $0x4000, s31;
	s1 =	sadd.s32 s1, s30  }
0xbb: {  	s0 =	sor.u32 s3, s0;
	s1 =	sshll.u32 s1, $0x11  }
0xbc: {  	s0 =	sor.u32 s1, s0  }
0xbd: {  	s0 =	sadd.s32 $0x8F2B, s0  }
0xbe: {  	[sflag:s0] =	ssyncadd.remote.s32 $0x1  }
0xbf: {  	_ =	sfence.sel $0xFFFF  }
0xc0: {  	[dreg:$0x0] =	wrdreg $0xFFFFFFFF;
	(pc) =	sbr.abs _section_cstart, $3  }
0xc1: {  	[dreg:$0x1] =	wrdreg $0xFFFFFFFF  }
0xc2: {  	_ =	task.clear_ibuf [dreg:s6], $0x2FFFF;
	_ =	strace $0x9FFFFFFF  }
0xc3: {  	(tm) =	ssettm $0x7FFFFFFF  }
tec
execute0_lowered:
.L_overlay_start_1:
0x0: {  	(tag) =	ssettag $0x1  }
0x1: {  	s0 =	rddreg [dreg:$0x0]  }
0x2: {  	s1 =	rddreg [dreg:$0x1]  }
0x3: {  	s2 =	rddreg [dreg:$0x2]  }
0x4: {  	s3 =	simm.s32 $0x0;
	s13 =	stileid.u32;
	s25 =	srdreg.scid  }
0x5: {  	s28 =	simm.s32 $0x16278;
	s30 =	simm.s32 $0x80;
	s31 =	simm.s32 $0x400  }
0x6: {  	s29 =	simm.s32 $0x50;
	[smem:$0x7FF] =	sst s3;
	s5 =	sadd.s32 $0xC00, s0  }
0x7: {  	s22 =	smul.u32 $0x2780, s13;
	s4 =	sadd.s32 $0x27E00, s0;
	s23 =	sadd.s32 $0x28400, s0  }
0x8: {  	s24 =	sadd.s32 $0x47E00, s0;
	s9 =	sadd.s32 $0x28A00, s0;
	s6 =	sadd.s32 $0x6F200, s0  }
0x9: {  	s26 =	sadd.s32 $0x70200, s0;
	_ =	strace $0x8000004A;
	[dreg:$0x4] =	wrdreg s4  }
0xa: {  	s10 =	sshll.u32 s13, $0x1;
	s12 =	smul.u32 $0x4F000, s13;
	[dreg:$0x5] =	wrdreg s23  }
0xb: {  	s16 =	sadd.s32 $0x128400, s1;
	s19 =	smul.u32 $0x13C00, s13;
	[dreg:$0x6] =	wrdreg s24  }
0xc: {  	p0 =	sne.s32 s13, $0xF;
	p3 =	seq.s32 s13, $0xF;
	[dreg:$0x7] =	wrdreg s6  }
0xd: {  	s4 =	sand.u32 $0x1, s25;
	p2 =	sne.s32 @p0 s13, $0x0;
	[dreg:$0xa] =	wrdreg s16  }
0xe: {  	s6 =	simm.s32 $0x18DF8;
	s3 =	sadd.s32 s22, s0;
	s7 =	sshll.u32 s4, $0x4  }
0xf: {  	s8 =	ssub.s32 $0x2, s4;
	s10 =	sor.u32 s4, s10;
	s12 =	sshrl.u32 s12, $0x2  }
0x10: {  	s4 =	smul.u32 $0x138800, s4;
	p1 =	por p2, !p0;
	p2 =	por !p2, !p0  }
0x11: {  	s11 =	sshrl.u32 s8, $0x1;
	s7 =	sadd.s32 s7, s0;
	s17 =	smul.u32 $0x7D00, s10  }
0x12: {  	s3 =	sadd.s32 $0x48000, s3;
	s18 =	smul.u32 $0x280, s10;
	s14 =	sadd.s32 s12, s1  }
0x13: {  	s0 =	sadd.s32 $0x6D080, s0;
	s15 =	smul.u32 $0x7D, s10;
	[dreg:$0x8] =	wrdreg s3  }
0x14: {  	s10 =	simm.s32 $0x18AF8;
	s8 =	ssub.s32 s8, s11;
	[dreg:$0xb] =	wrdreg s0  }
0x15: {  	s21 =	sadd.s32 s19, s4;
	s4 =	sshrl.u32 s4, $0x3;
	s25 =	sadd.s32 $0x6F800, s7  }
0x16: {  	[dreg:$0x9] =	wrdreg s14;
	s7 =	simm.s32 $0x18BF8;
	s19 =	simm.s32 $0x1  }
0x17: {  	s11 =	sand.u32 $0xFF800, s17;
	s3 =	sand.u32 $0x380, s18;
	s22 =	sshrl.u32 s21, $0x3  }
0x18: {  	s23 =	sadd.s32 s26, s4;
	[dreg:$0xf] =	wrdreg s25;
	s25 =	simm.s32 $0x13AF8  }
0x19: {  	s17 =	simm.s32 $0x3;
	s18 =	simm.s32 $0x5;
	s20 =	sor.u32 s3, s11  }
0x1a: {  	s24 =	sadd.s32 $0x25080, s23;
	s11 =	simm.s32 $0x1B5F8;
	s0 =	sshrl.u32 s20, $0x3  }
0x1b: {  	s23 =	simm.s32 $0x0;
	[dreg:$0xe] =	wrdreg s24;
	s0 =	sadd.s32 s9, s0  }
0x1c: {  	s20 =	simm.s32 $0x2;
	[dreg:$0xc] =	wrdreg s0;
	s0 =	sadd.s32 s26, s22  }
0x1d: {  	s26 =	smax.u32 s8, $0x1;
	[dreg:$0xd] =	wrdreg s0;
	s0 =	sshll.u32 @p0 s13, $0x6  }
.Ltmp0:
0x1e: {  	[dreg:$0x10] =	wrdreg s26;
	s0 =	sor.u32 @p0 $0x1C07, s0;
	(pc) =	sbr.rel .LBB2_1-.Ltmp0, $4  }
0x1f: {  	s8 =	simm.s32 $0x18CF8;
	[dreg:$0x11] =	wrdreg s0;
	s0 =	sshrl.u32 @p0 s14, $0x3  }
0x20: {  	s26 =	simm.s32 $0x7;
	[dreg:$0x12] =	wrdreg s0;
	s0 =	sshrl.u32 @!p1 s2, $0x3  }
0x21: {  	s14 =	simm.s32 $0x18C78;
	[dreg:$0x13] =	wrdreg s0;
	s0 =	sshrl.u32 @!p0 s16, $0x3  }
0x22: {  	s16 =	simm.s32 $0x18D78;
	[dreg:$0x14] =	wrdreg s0;
	s0 =	simm.s32 $0x189F8  }
.LBB2_21:
0x23: {  	_ =	swait.ge [sflag:s17], $0x2800  }
0x24: {  	[sflag:s17] =	ssyncset.done $0x0  }
0x25: {  	[sflag:s17] =	ssyncadd.s32 $0xFFFFD800  }
0x26: {  	_ =	swait.ge [sflag:s18], $0x50  }
0x27: {  	[sflag:s18] =	ssyncset.done $0x0  }
0x28: {  	s3 =	simm.s32 $0x4;
	[sflag:s18] =	ssyncadd.s32 $0xFFFFFFB0  }
0x29: {  	_ =	swait.ge [sflag:s3], $0x2800  }
0x2a: {  	[sflag:s3] =	ssyncset.done $0x0  }
0x2b: {  	s22 =	simm.s32 $0x6;
	[sflag:s3] =	ssyncadd.s32 $0xFFFFD800  }
0x2c: {  	_ =	swait.ge [sflag:s22], $0x50  }
0x2d: {  	[sflag:s22] =	ssyncset.done $0x0  }
0x2e: {  	[sflag:s22] =	ssyncadd.s32 $0xFFFFFFB0  }
0x2f: {  	[bflag:$0x0] =	sbarrier.arrive $0xFFFF  }
0x30: {  	s3 =	rddreg [dreg:$0xa]  }
0x31: {  	s4 =	simm.s32 @p3 $0x1FC7;
	s12 =	rddreg [dreg:$0xe];
	s3 =	sshrl.u32 @p3 s3, $0x3  }
0x32: {  	[hbm:s12], [sflag:s4] =	dma.local @p3 [spmem:s3], $0x2080  }
0x33: {  	s3 =	simm.s32 @p3 $0x7  }
0x34: {  	s12 =	stileid.u32;
	_ =	swait.ge @p3 [sflag:s3], $0x2080  }
0x35: {  	s4 =	sshll.u32 @!p3 s12, $0x6;
	[sflag:s3] =	ssyncset.done @p3 $0x0  }
0x36: {  	[sflag:s3] =	ssyncadd.s32 @p3 $0xFFFFDF80;
	s3 =	sor.u32 @!p3 $0x1C07, s4;
	s4 =	rddreg [dreg:$0x9]  }
0x37: {  	s13 =	rddreg [dreg:$0xd];
	s4 =	sshrl.u32 @!p3 s4, $0x3  }
0x38: {  	[hbm:s13], [sflag:s3] =	dma.local @!p3 [spmem:s4], $0x2780  }
0x39: {  	s21 =	simm.s32 @p4 $0x10;
	s3 =	simm.s32 @!p3 $0x7  }
0x3a: {  	s4 =	sshll.u32 @p4 s12, $0x6;
	s12 =	simm.s32 @p4 $0x1;
	_ =	swait.ge @!p3 [sflag:s3], $0x2780  }
0x3b: {  	s13 =	simm.s32 @p4 $0x20;
	[sflag:s3] =	ssyncset.done @!p3 $0x0;
	s24 =	rddreg [dreg:$0xf]  }
0x3c: {  	[sflag:s3] =	ssyncadd.s32 @!p3 $0xFFFFD880;
	s3 =	sor.u32 @p4 $0x1C07, s4;
	s4 =	sshrl.u32 @p4 s2, $0x3  }
0x3d: {  	[hbm:s24@s13], [sflag:s3] =	dma.strided @p4 [spmem:s4@s21], $0x4F0, s12, $0x10   }
0x3e: {  	s3 =	simm.s32 @p4 $0x7  }
0x3f: {  	_ =	swait.ge @p4 [sflag:s3], $0x4F0  }
0x40: {  	s23 =	sadd.s32 $0x1, s23;
	s24 =	rddreg [dreg:$0x10]  }
0x41: {  	p5 =	sne.s32 s23, s24  }
.Ltmp1:
0x42: {  	_ = 	snop;
	(pc) =	sbr.rel @!p5 .LBB2_22-.Ltmp1, $3  }
0x43: {  	_ =	sdelay $0x1  }
0x44: {  	[sflag:s3] =	ssyncset.done @p4 $0x0  }
0x45: {  	s22 =	stileid.u32;
	[sflag:s3] =	ssyncadd.s32 @p4 $0xFFFFFB10  }
.LBB2_1:
0x46: {  	s3 =	rddreg [dreg:$0x8]  }
0x47: {  	s4 =	rddreg [dreg:$0x11]  }
0x48: {  	s12 =	rddreg [dreg:$0x12]  }
0x49: {  	[spmem:s12], [sflag:s4] =	dma.local @p0 [hbm:s3], $0x2780  }
0x4a: {  	s3 =	simm.s32 @p0 $0x7  }
0x4b: {  	_ =	swait.ge @p0 [sflag:s3], $0x2780  }
0x4c: {  	[sflag:s3] =	ssyncset.done @p0 $0x0;
	s4 =	rddreg [dreg:$0x7]  }
0x4d: {  	s12 =	rddreg [dreg:$0x13];
	[sflag:s3] =	ssyncadd.s32 @p0 $0xFFFFD880;
	s3 =	simm.s32 @!p1 $0x1C07  }
0x4e: {  	[spmem:s12], [sflag:s3] =	dma.local @!p1 [hbm:s4], $0x4F0  }
0x4f: {  	s3 =	simm.s32 @!p1 $0x7  }
0x50: {  	_ =	swait.ge @!p1 [sflag:s3], $0x4F0  }
0x51: {  	[sflag:s3] =	ssyncset.done @!p1 $0x0;
	s4 =	rddreg [dreg:$0xb]  }
0x52: {  	s12 =	rddreg [dreg:$0x14];
	[sflag:s3] =	ssyncadd.s32 @!p1 $0xFFFFFB10;
	s3 =	simm.s32 @!p0 $0x1FC7  }
0x53: {  	[spmem:s12], [sflag:s3] =	dma.local @!p0 [hbm:s4], $0x2080  }
0x54: {  	s3 =	simm.s32 @!p0 $0x7  }
0x55: {  	_ =	swait.ge @!p0 [sflag:s3], $0x2080  }
0x56: {  	[sflag:s3] =	ssyncset.done @!p0 $0x0  }
0x57: {  	s24 =	simm.s32 $0x0;
	s12 =	rddreg [dreg:$0x4];
	[sflag:s3] =	ssyncadd.s32 @!p0 $0xFFFFDF80  }
0x58: {  	[tilespmem:s25], [sflag:$0x7] =	stream.linear.gather [hbm4b:s12+s24], $0x2780, $0x38;
	[tilespmem:$0x1DE78] =	vst v63  }
0x59: {  	_ =	swait.ge [sflag:s26], $0x2780  }
0x5a: {  	[sflag:s26] =	ssyncset.done $0x0  }
0x5b: {  	s13 =	rddreg [dreg:$0x5];
	[sflag:s26] =	ssyncadd.s32 $0xFFFFD880  }
0x5c: {  	[tilespmem:s28], [sflag:$0x7] =	stream.linear.gather [hbm4b:s13+s24], $0x2780, $0x38;
	[tilespmem:$0x1DE78] =	vst v63  }
0x5d: {  	_ =	swait.ge [sflag:s26], $0x2780  }
0x5e: {  	[sflag:s26] =	ssyncset.done $0x0  }
0x5f: {  	s22 =	simm.s32 $0x1DDF8;
	s21 =	rddreg [dreg:$0x6];
	[sflag:s26] =	ssyncadd.s32 $0xFFFFD880  }
0x60: {  	[tilespmem:s22], [sflag:$0x7] =	stream.linear.gather [hbm4b:s21+s24], $0x80, $0x38;
	[tilespmem:$0x1DE78] =	vst v63  }
0x61: {  	_ =	swait.ge [sflag:s26], $0x80  }
0x62: {  	[sflag:s26] =	ssyncset.done $0x0  }
0x63: {  	[sflag:s26] =	ssyncadd.s32 $0xFFFFFF80  }
0x64: {  	[bflag:$0x0] =	sbarrier.arrive $0xFFFF  }
0x65: {  	s24 =	rddreg [dreg:$0xc]  }
0x66: {  	v0 =	vld [tilespmem:$0x1DDF8];
	[tilespmem:s0], [sflag:$0x7] =	stream.strided.gather [hbm4b:s24+s30], $0x100, s31, s30, $0x38  }
0x67: {  	_ =	swait.ge [sflag:s26], $0x100  }
0x68: {  	[sflag:s26] =	ssyncset.done $0x0  }
0x69: {  	[sflag:s26] =	ssyncadd.s32 $0xFFFFFF00  }
0x6a: {  	v1 =	vld [tilespmem:$0x18A48]  }
0x6b: {  	v2 =	vld [tilespmem:$0x18A58]  }
0x6c: {  	v3 =	vld [tilespmem:$0x18A68]  }
0x6d: {  	v4 =	vld [tilespmem:$0x18A78]  }
0x6e: {  	v5 =	vld [tilespmem:$0x18A88]  }
0x6f: {  	[tilespmem:$0x18BF8] =	vst v1  }
0x70: {  	[tilespmem:$0x18C08] =	vst v2  }
0x71: {  	[tilespmem:$0x18C18] =	vst v3  }
0x72: {  	[tilespmem:$0x18C28] =	vst v4  }
0x73: {  	s3 =	simm.s32 $0x0;
	[tilespmem:$0x18C38] =	vst v5  }
0x74: {  	[tilespmem:s6], [sflag:$0x1] =	stream.indirect.gather [hbm4b:s5+s29], $0x80, s0, s29, $0xb8;
	[tilespmem:$0x1DE78] =	vst v63  }
0x75: {  	v1 =	vld [tilespmem:s3+$0x189F8]  }
0x76: {  	v2 =	vld [tilespmem:s3+$0x18BF8];
	_ =	sdelay $0x6  }
0x77: {  	v1 =	vld.idx.msk [tilespmem:v1+s25+$0x0], $0xffff  }
0x78: {  	v2 =	vld.idx.msk [tilespmem:v2+s28+$0x0], $0xffff;
	_ =	sdelay $0x1  }
0x79: {  	s12 =	simm.s32 $0x10  }
0x7a: {  	v3 =	vld [tilespmem:s12+$0x189F8]  }
0x7b: {  	v4 =	vld [tilespmem:s12+$0x18BF8]  }
0x7c: {  	v1 =	vadd.f32 v2, v1;
	_ =	sdelay $0x1  }
0x7d: {  	v2 =	vmul.f32 $2.000000030e-01, v1;
	_ =	sdelay $0x1  }
0x7e: {  	v1 =	vmax.f32 v1, v2  }
0x7f: {  	v2 =	vsub.f32 v1, v0  }
0x80: {  	v1 =	vld.idx.msk [tilespmem:v3+s25+$0x0], $0xffff  }
0x81: {  	p5 =	por @p0 $0x0, $0x0;
	p4 =	por @!p1 $0x1, $0x1;
	v5 =	vmul.f32 $1.442695020e+00, v2;
	v2 =	vld.idx.msk [tilespmem:v4+s28+$0x0], $0xffff  }
0x82: {  	p4 =	por @!p2 p5, p5;
	p5 =	por @!p0 $0x0, $0x0;
	s13 =	simm.s32 $0x20  }
0x83: {  	p4 =	por @!p0 p5, p5;
	s4 =	simm.s32 $0xC0;
	v3 =	vld [tilespmem:s13+$0x189F8];
	(erf) = vpow2.f32 v5  }
.LBB2_2:
0x84: {  	p5 =	sne.s32 s4, $0x100;
	v4 =	vld [tilespmem:s13+$0x18BF8];
	_ =	sdelay $0x1  }
0x85: {  	v1 =	vadd.f32 v2, v1;
	_ =	sdelay $0x1  }
0x86: {  	v2 =	vmul.f32 $2.000000030e-01, v1;
	_ =	sdelay $0x1  }
0x87: {  	v2 =	vmax.f32 v1, v2  }
.Ltmp2:
0x88: {  	v1 =	vld.idx.msk [tilespmem:v3+s25+$0x0], $0xffff;
	v3 =	vsub.f32 v2, v0;
	(pc) =	sbr.rel @p5 .LBB2_2-.Ltmp2, $4  }
0x89: {  	v2 =	vld.idx.msk [tilespmem:v4+s28+$0x0], $0xffff;
	v4 =	vpop (erf)  }
0x8a: {  	v5 =	vmul.f32 $1.442695020e+00, v3;
	[tilespmem:s3+$0x18CF8] =	vst v4;
	s3 =	smov.u32 s12;
	s12 =	smov.u32 s13  }
0x8b: {  	s13 =	sshra.s32 s4, $0x2  }
0x8c: {  	s4 =	sadd.s32 $0x40, s4;
	v3 =	vld [tilespmem:s13+$0x189F8];
	(erf) = vpow2.f32 v5  }
0x8d: {  	_ = 	snop  }
0x8e: {  	v4 =	vld [tilespmem:s13+$0x18BF8];
	_ =	sdelay $0x6  }
0x8f: {  	v3 =	vld.idx.msk [tilespmem:v3+s25+$0x0], $0xffff  }
0x90: {  	v4 =	vld.idx.msk [tilespmem:v4+s28+$0x0], $0xffff;
	_ =	sdelay $0x3  }
0x91: {  	v1 =	vadd.f32 v2, v1  }
0x92: {  	v2 =	vadd.f32 v4, v3  }
0x93: {  	v3 =	vmul.f32 $2.000000030e-01, v1  }
0x94: {  	v4 =	vmul.f32 $2.000000030e-01, v2  }
0x95: {  	v1 =	vmax.f32 v1, v3  }
0x96: {  	v1 =	vsub.f32 v1, v0;
	v2 =	vmax.f32 v2, v4  }
0x97: {  	v2 =	vsub.f32 v2, v0  }
0x98: {  	v1 =	vmul.f32 $1.442695020e+00, v1  }
0x99: {  	v2 =	vmul.f32 $1.442695020e+00, v2  }
0x9a: {  	(erf) = vpow2.f32 v1  }
0x9b: {  	(erf) = vpow2.f32 v2;
	_ =	sdelay $0x6  }
.Ltmp3:
0x9c: {  	v1 =	vpop (erf);
	(pc) =	sbr.rel .LBB2_4-.Ltmp3, $4  }
0x9d: {  	[tilespmem:s3+$0x18CF8] =	vst v1;
	v2 =	vpop (erf)  }
0x9e: {  	[tilespmem:s12+$0x18CF8] =	vst v2;
	v1 =	vpop (erf)  }
0x9f: {  	s3 =	simm.s32 $0x0;
	[tilespmem:s13+$0x18CF8] =	vst v1  }
0xa0: {  	[spmem:s2] =	stream.indirect.scatter.add.f32 [tilespmem:s8], [sflag:$0x5], $0x1, s7, s29, $0xb8;
	[tilespmem:$0x1DE78] =	vst v63  }
.LBB2_20:
0xa1: {  	p5 =	sne.s32 s24, $0x7D  }
.Ltmp4:
0xa2: {  	_ = 	snop;
	(pc) =	sbr.rel @!p5 .LBB2_21-.Ltmp4, $2  }
0xa3: {  	_ =	sdelay $0x2  }
0xa4: {  	s3 =	smov.u32 s24  }
.LBB2_4:
0xa5: {  	s12 =	sand.u32 $0x1, s3;
	p5 =	seq.s32 s3, $0x7C  }
0xa6: {  	p6 =	sne.s32 @!p5 s12, $0x0  }
0xa7: {  	p5 =	por p5, p6  }
.Ltmp5:
0xa8: {  	_ = 	snop;
	(pc) =	sbr.rel @p5 .LBB2_8-.Ltmp5, $2  }
0xa9: {  	_ =	sdelay $0x2  }
0xaa: {  	s24 =	sadd.s32 $0x1, s3  }
0xab: {  	p5 =	seq.s32 s3, $0x0  }
0xac: {  	s3 =	simm.s32 @!p5 $0x4  }
0xad: {  	_ =	swait.ge @!p5 [sflag:s3], $0x2800  }
0xae: {  	s4 =	sadd.s32 s15, s24;
	[sflag:s3] =	ssyncset.done @!p5 $0x0  }
0xaf: {  	s13 =	sshll.u32 s4, $0x4;
	[sflag:s3] =	ssyncadd.s32 @!p5 $0xFFFFD800;
	s3 =	simm.s32 @!p5 $0x6  }
0xb0: {  	s4 =	sshll.u32 s4, $0x5;
	s13 =	sand.u32 $0x70, s13;
	_ =	swait.ge @!p5 [sflag:s3], $0x50  }
0xb1: {  	s4 =	sand.u32 $0xFFFFF00, s4;
	s13 =	sadd.s32 s9, s13;
	[sflag:s3] =	ssyncset.done @!p5 $0x0  }
0xb2: {  	s22 =	sadd.s32 s4, s13;
	[sflag:s3] =	ssyncadd.s32 @!p5 $0xFFFFFFB0  }
0xb3: {  	[tilespmem:s10], [sflag:$0x7] =	stream.strided.gather [hbm4b:s22+s30], $0x100, s31, s30, $0x38;
	[tilespmem:$0x1DE78] =	vst v63  }
0xb4: {  	_ =	swait.ge [sflag:s26], $0x100  }
0xb5: {  	[sflag:s26] =	ssyncset.done $0x0  }
0xb6: {  	[sflag:s26] =	ssyncadd.s32 $0xFFFFFF00  }
0xb7: {  	v1 =	vld [tilespmem:$0x18B48]  }
0xb8: {  	v2 =	vld [tilespmem:$0x18B58]  }
0xb9: {  	v3 =	vld [tilespmem:$0x18B68]  }
0xba: {  	v4 =	vld [tilespmem:$0x18B78]  }
0xbb: {  	v5 =	vld [tilespmem:$0x18B88]  }
0xbc: {  	[tilespmem:$0x18C78] =	vst v1  }
0xbd: {  	[tilespmem:$0x18C88] =	vst v2  }
0xbe: {  	[tilespmem:$0x18C98] =	vst v3  }
0xbf: {  	[tilespmem:$0x18CA8] =	vst v4  }
0xc0: {  	s3 =	simm.s32 $0x0;
	[tilespmem:$0x18CB8] =	vst v5  }
0xc1: {  	[tilespmem:s11], [sflag:$0x2] =	stream.indirect.gather [hbm4b:s5+s29], $0x80, s10, s29, $0xb8;
	[tilespmem:$0x1DE78] =	vst v63  }
0xc2: {  	v1 =	vld [tilespmem:s3+$0x18AF8]  }
0xc3: {  	v2 =	vld [tilespmem:s3+$0x18C78];
	_ =	sdelay $0x6  }
0xc4: {  	v1 =	vld.idx.msk [tilespmem:v1+s25+$0x0], $0xffff  }
0xc5: {  	v2 =	vld.idx.msk [tilespmem:v2+s28+$0x0], $0xffff;
	_ =	sdelay $0x1  }
0xc6: {  	s13 =	simm.s32 $0x10  }
0xc7: {  	v3 =	vld [tilespmem:s13+$0x18AF8]  }
0xc8: {  	v4 =	vld [tilespmem:s13+$0x18C78]  }
0xc9: {  	v1 =	vadd.f32 v2, v1;
	_ =	sdelay $0x1  }
0xca: {  	v2 =	vmul.f32 $2.000000030e-01, v1;
	_ =	sdelay $0x1  }
0xcb: {  	v1 =	vmax.f32 v1, v2  }
0xcc: {  	v2 =	vsub.f32 v1, v0  }
0xcd: {  	v1 =	vld.idx.msk [tilespmem:v3+s25+$0x0], $0xffff  }
0xce: {  	v5 =	vmul.f32 $1.442695020e+00, v2;
	v2 =	vld.idx.msk [tilespmem:v4+s28+$0x0], $0xffff  }
0xcf: {  	s4 =	simm.s32 $0x20  }
0xd0: {  	s21 =	simm.s32 $0xC0;
	v3 =	vld [tilespmem:s4+$0x18AF8];
	(erf) = vpow2.f32 v5  }
.LBB2_6:
0xd1: {  	p5 =	sne.s32 s21, $0x100;
	v4 =	vld [tilespmem:s4+$0x18C78];
	_ =	sdelay $0x1  }
0xd2: {  	v1 =	vadd.f32 v2, v1;
	_ =	sdelay $0x1  }
0xd3: {  	v2 =	vmul.f32 $2.000000030e-01, v1;
	_ =	sdelay $0x1  }
0xd4: {  	v2 =	vmax.f32 v1, v2  }
.Ltmp6:
0xd5: {  	v1 =	vld.idx.msk [tilespmem:v3+s25+$0x0], $0xffff;
	v3 =	vsub.f32 v2, v0;
	(pc) =	sbr.rel @p5 .LBB2_6-.Ltmp6, $4  }
0xd6: {  	v2 =	vld.idx.msk [tilespmem:v4+s28+$0x0], $0xffff;
	v4 =	vpop (erf)  }
0xd7: {  	v5 =	vmul.f32 $1.442695020e+00, v3;
	[tilespmem:s3+$0x18D78] =	vst v4;
	s3 =	smov.u32 s13;
	s13 =	smov.u32 s4  }
0xd8: {  	s4 =	sshra.s32 s21, $0x2  }
0xd9: {  	s21 =	sadd.s32 $0x40, s21;
	v3 =	vld [tilespmem:s4+$0x18AF8];
	(erf) = vpow2.f32 v5  }
0xda: {  	_ = 	snop  }
0xdb: {  	v4 =	vld [tilespmem:s4+$0x18C78];
	_ =	sdelay $0x6  }
0xdc: {  	v3 =	vld.idx.msk [tilespmem:v3+s25+$0x0], $0xffff  }
0xdd: {  	v4 =	vld.idx.msk [tilespmem:v4+s28+$0x0], $0xffff;
	_ =	sdelay $0x3  }
0xde: {  	v1 =	vadd.f32 v2, v1  }
0xdf: {  	v2 =	vadd.f32 v4, v3  }
0xe0: {  	v3 =	vmul.f32 $2.000000030e-01, v1  }
0xe1: {  	v4 =	vmul.f32 $2.000000030e-01, v2  }
0xe2: {  	v1 =	vmax.f32 v1, v3  }
0xe3: {  	v1 =	vsub.f32 v1, v0;
	v2 =	vmax.f32 v2, v4  }
0xe4: {  	v2 =	vsub.f32 v2, v0  }
0xe5: {  	v1 =	vmul.f32 $1.442695020e+00, v1  }
0xe6: {  	v2 =	vmul.f32 $1.442695020e+00, v2  }
0xe7: {  	(erf) = vpow2.f32 v1  }
0xe8: {  	(erf) = vpow2.f32 v2;
	_ =	sdelay $0x6  }
0xe9: {  	v1 =	vpop (erf)  }
0xea: {  	[tilespmem:s3+$0x18D78] =	vst v1;
	v2 =	vpop (erf)  }
0xeb: {  	[tilespmem:s13+$0x18D78] =	vst v2;
	v1 =	vpop (erf)  }
0xec: {  	[tilespmem:s4+$0x18D78] =	vst v1  }
0xed: {  	[spmem:s2] =	stream.indirect.scatter.add.f32 [tilespmem:s16], [sflag:$0x6], $0x1, s14, s29, $0xb8;
	[tilespmem:$0x1DE78] =	vst v63  }
.LBB2_8:
0xee: {  	p5 =	seq.s32 s12, $0x0  }
.Ltmp7:
0xef: {  	_ = 	snop;
	(pc) =	sbr.rel @p5 .LBB2_12-.Ltmp7, $1  }
0xf0: {  	_ =	sdelay $0x3  }
0xf1: {  	_ =	swait.ge [sflag:s17], $0x2800  }
0xf2: {  	s3 =	sadd.s32 s15, s24;
	[sflag:s17] =	ssyncset.done $0x0  }
0xf3: {  	s4 =	sshll.u32 s3, $0x4;
	[sflag:s17] =	ssyncadd.s32 $0xFFFFD800  }
0xf4: {  	s3 =	sshll.u32 s3, $0x5;
	s4 =	sand.u32 $0x70, s4;
	_ =	swait.ge [sflag:s18], $0x50  }
0xf5: {  	s3 =	sand.u32 $0xFFFFF00, s3;
	s4 =	sadd.s32 s9, s4;
	[sflag:s18] =	ssyncset.done $0x0  }
0xf6: {  	s3 =	sadd.s32 s3, s4;
	[sflag:s18] =	ssyncadd.s32 $0xFFFFFFB0  }
0xf7: {  	[tilespmem:s0], [sflag:$0x7] =	stream.strided.gather [hbm4b:s3+s30], $0x100, s31, s30, $0x38;
	[tilespmem:$0x1DE78] =	vst v63  }
0xf8: {  	_ =	swait.ge [sflag:s26], $0x100  }
0xf9: {  	[sflag:s26] =	ssyncset.done $0x0  }
0xfa: {  	[sflag:s26] =	ssyncadd.s32 $0xFFFFFF00  }
0xfb: {  	v1 =	vld [tilespmem:$0x18A48]  }
0xfc: {  	v2 =	vld [tilespmem:$0x18A58]  }
0xfd: {  	v3 =	vld [tilespmem:$0x18A68]  }
0xfe: {  	v4 =	vld [tilespmem:$0x18A78]  }
0xff: {  	v5 =	vld [tilespmem:$0x18A88]  }
0x100: {  	[tilespmem:$0x18BF8] =	vst v1  }
0x101: {  	[tilespmem:$0x18C08] =	vst v2  }
0x102: {  	[tilespmem:$0x18C18] =	vst v3  }
0x103: {  	[tilespmem:$0x18C28] =	vst v4  }
0x104: {  	s3 =	simm.s32 $0x0;
	[tilespmem:$0x18C38] =	vst v5  }
0x105: {  	[tilespmem:s6], [sflag:$0x1] =	stream.indirect.gather [hbm4b:s5+s29], $0x80, s0, s29, $0xb8;
	[tilespmem:$0x1DE78] =	vst v63  }
0x106: {  	v1 =	vld [tilespmem:s3+$0x189F8]  }
0x107: {  	v2 =	vld [tilespmem:s3+$0x18BF8];
	_ =	sdelay $0x6  }
0x108: {  	v1 =	vld.idx.msk [tilespmem:v1+s25+$0x0], $0xffff  }
0x109: {  	v2 =	vld.idx.msk [tilespmem:v2+s28+$0x0], $0xffff;
	_ =	sdelay $0x1  }
0x10a: {  	s13 =	simm.s32 $0x10  }
0x10b: {  	v3 =	vld [tilespmem:s13+$0x189F8]  }
0x10c: {  	v4 =	vld [tilespmem:s13+$0x18BF8]  }
0x10d: {  	v1 =	vadd.f32 v2, v1;
	_ =	sdelay $0x1  }
0x10e: {  	v2 =	vmul.f32 $2.000000030e-01, v1;
	_ =	sdelay $0x1  }
0x10f: {  	v1 =	vmax.f32 v1, v2  }
0x110: {  	v2 =	vsub.f32 v1, v0  }
0x111: {  	v1 =	vld.idx.msk [tilespmem:v3+s25+$0x0], $0xffff  }
0x112: {  	v5 =	vmul.f32 $1.442695020e+00, v2;
	v2 =	vld.idx.msk [tilespmem:v4+s28+$0x0], $0xffff  }
0x113: {  	s4 =	simm.s32 $0x20  }
0x114: {  	s21 =	simm.s32 $0xC0;
	v3 =	vld [tilespmem:s4+$0x189F8];
	(erf) = vpow2.f32 v5  }
.LBB2_10:
0x115: {  	p5 =	sne.s32 s21, $0x100;
	v4 =	vld [tilespmem:s4+$0x18BF8];
	_ =	sdelay $0x1  }
0x116: {  	v1 =	vadd.f32 v2, v1;
	_ =	sdelay $0x1  }
0x117: {  	v2 =	vmul.f32 $2.000000030e-01, v1;
	_ =	sdelay $0x1  }
0x118: {  	v2 =	vmax.f32 v1, v2  }
.Ltmp8:
0x119: {  	v1 =	vld.idx.msk [tilespmem:v3+s25+$0x0], $0xffff;
	v3 =	vsub.f32 v2, v0;
	(pc) =	sbr.rel @p5 .LBB2_10-.Ltmp8, $4  }
0x11a: {  	v2 =	vld.idx.msk [tilespmem:v4+s28+$0x0], $0xffff;
	v4 =	vpop (erf)  }
0x11b: {  	v5 =	vmul.f32 $1.442695020e+00, v3;
	[tilespmem:s3+$0x18CF8] =	vst v4;
	s3 =	smov.u32 s13;
	s13 =	smov.u32 s4  }
0x11c: {  	s4 =	sshra.s32 s21, $0x2  }
0x11d: {  	s21 =	sadd.s32 $0x40, s21;
	v3 =	vld [tilespmem:s4+$0x189F8];
	(erf) = vpow2.f32 v5  }
0x11e: {  	_ = 	snop  }
0x11f: {  	v4 =	vld [tilespmem:s4+$0x18BF8];
	_ =	sdelay $0x6  }
0x120: {  	v3 =	vld.idx.msk [tilespmem:v3+s25+$0x0], $0xffff  }
0x121: {  	v4 =	vld.idx.msk [tilespmem:v4+s28+$0x0], $0xffff;
	_ =	sdelay $0x3  }
0x122: {  	v1 =	vadd.f32 v2, v1  }
0x123: {  	v2 =	vadd.f32 v4, v3  }
0x124: {  	v3 =	vmul.f32 $2.000000030e-01, v1  }
0x125: {  	v4 =	vmul.f32 $2.000000030e-01, v2  }
0x126: {  	v1 =	vmax.f32 v1, v3  }
0x127: {  	v1 =	vsub.f32 v1, v0;
	v2 =	vmax.f32 v2, v4  }
0x128: {  	v2 =	vsub.f32 v2, v0  }
0x129: {  	v1 =	vmul.f32 $1.442695020e+00, v1  }
0x12a: {  	v2 =	vmul.f32 $1.442695020e+00, v2  }
0x12b: {  	(erf) = vpow2.f32 v1  }
0x12c: {  	(erf) = vpow2.f32 v2;
	_ =	sdelay $0x6  }
0x12d: {  	v1 =	vpop (erf)  }
0x12e: {  	[tilespmem:s3+$0x18CF8] =	vst v1;
	v2 =	vpop (erf)  }
0x12f: {  	[tilespmem:s13+$0x18CF8] =	vst v2;
	v1 =	vpop (erf)  }
0x130: {  	[tilespmem:s4+$0x18CF8] =	vst v1  }
0x131: {  	[spmem:s2] =	stream.indirect.scatter.add.f32 [tilespmem:s8], [sflag:$0x5], $0x1, s7, s29, $0xb8;
	[tilespmem:$0x1DE78] =	vst v63  }
.LBB2_12:
0x132: {  	p5 =	sne.s32 s12, $0x0  }
.Ltmp9:
0x133: {  	_ = 	snop;
	(pc) =	sbr.rel @p5 .LBB2_16-.Ltmp9, $1  }
0x134: {  	_ =	sdelay $0x3  }
0x135: {  	_ =	swait.ge [sflag:s19], $0x2800  }
0x136: {  	s3 =	simm.s32 $0x0;
	s13 =	simm.s32 $0x6;
	[sflag:s19] =	ssyncset.done $0x0  }
0x137: {  	v1 =	vmov s3;
	v2 =	vmov s13;
	s13 =	simm.s32 $0x18FF8;
	[sflag:s19] =	ssyncadd.s32 $0xFFFFD800  }
0x138: {  	v1 =	vand.u32 $0xFFFFFFF8, v1;
	v4 =	vld [tilespmem:s13+$0x170]  }
0x139: {  	v2 =	vand.u32 $0xFFFFFFFE, v2;
	v1 =	vbroadcast v1, $0x0;
	v5 =	vld [tilespmem:s13+$0xFFFFFE00]  }
0x13a: {  	v2 =	vbroadcast v2, $0x0;
	v6 =	vld [tilespmem:s13+$0xFFFFFE10]  }
0x13b: {  	s21 =	simm.s32 $0x1;
	v7 =	vld [tilespmem:s13+$0xFFFFFE20]  }
0x13c: {  	v3 =	vmov s21;
	v8 =	vld [tilespmem:s13+$0xFFFFFE30]  }
0x13d: {  	v3 =	vand.u32 $0xFFFFFFF9, v3;
	v9 =	vld [tilespmem:s13+$0xFFFFFE40]  }
0x13e: {  	v3 =	vbroadcast v3, $0x0;
	v10 =	vld [tilespmem:s13+$0xFFFFFE50]  }
0x13f: {  	v1 =	vld.idx.msk [tilespmem:v1+s8+$0x0], $0xffff  }
0x140: {  	v2 =	vld.idx.msk [tilespmem:v2+s8+$0x0], $0xffff  }
0x141: {  	v11 =	vld [tilespmem:s13+$0xFFFFFE60]  }
0x142: {  	v12 =	vld [tilespmem:s13+$0xFFFFFE70]  }
0x143: {  	v13 =	vld [tilespmem:s13+$0xFFFFFE80]  }
0x144: {  	v3 =	vld.idx.msk [tilespmem:v3+s8+$0x0], $0xffff;
	v5 =	vmul.f32 v5, v1  }
0x145: {  	v14 =	vld [tilespmem:s13+$0xFFFFFE90];
	v4 =	vmul.f32 v4, v2  }
0x146: {  	v15 =	vld [tilespmem:s13+$0xFFFFFEA0];
	v6 =	vmul.f32 v6, v1;
	[tilespmem:s13+$0xFFFFFE00] =	vst v5  }
0x147: {  	s22 =	simm.s32 $0x2;
	v16 =	vld [tilespmem:s13+$0xFFFFFEB0];
	v8 =	vmul.f32 v8, v1;
	[tilespmem:s13+$0x170] =	vst v4  }
0x148: {  	v9 =	vmul.f32 v9, v1;
	v5 =	vmov s22;
	v4 =	vmul.f32 v7, v1;
	v7 =	vld [tilespmem:s13+$0xFFFFFEC0];
	[tilespmem:s13+$0xFFFFFE10] =	vst v6  }
0x149: {  	v6 =	vmul.f32 v13, v3;
	v13 =	vld [tilespmem:s13+$0xFFFFFED0];
	[tilespmem:s13+$0xFFFFFE30] =	vst v8;
	v5 =	vand.u32 $0xFFFFFFFA, v5  }
0x14a: {  	v8 =	vmul.f32 v10, v1;
	v10 =	vld [tilespmem:s13+$0xFFFFFEF0];
	[tilespmem:s13+$0xFFFFFE40] =	vst v9;
	v5 =	vbroadcast v5, $0x0  }
0x14b: {  	v9 =	vmul.f32 v11, v1;
	v11 =	vld [tilespmem:s13+$0xFFFFFF00];
	[tilespmem:s13+$0xFFFFFE20] =	vst v4  }
0x14c: {  	v1 =	vmul.f32 v12, v1;
	v12 =	vld [tilespmem:s13+$0xFFFFFF20];
	[tilespmem:s13+$0xFFFFFE80] =	vst v6  }
0x14d: {  	s4 =	simm.s32 $0x3;
	v4 =	vld [tilespmem:s13+$0xFFFFFEE0];
	[tilespmem:s13+$0xFFFFFE50] =	vst v8  }
0x14e: {  	v6 =	vmov s4;
	v8 =	vld [tilespmem:s13+$0xFFFFFF10];
	[tilespmem:s13+$0xFFFFFE60] =	vst v9;
	v9 =	vmul.f32 v14, v3  }
0x14f: {  	[tilespmem:s13+$0xFFFFFE70] =	vst v1;
	v1 =	vmul.f32 v15, v3;
	v14 =	vld [tilespmem:s13+$0xFFFFFF30];
	v6 =	vand.u32 $0xFFFFFFFB, v6  }
0x150: {  	v6 =	vbroadcast v6, $0x0;
	[tilespmem:s13+$0xFFFFFE90] =	vst v9;
	v9 =	vmul.f32 v16, v3;
	v5 =	vld.idx.msk [tilespmem:v5+s8+$0x0], $0xffff  }
0x151: {  	v15 =	vld [tilespmem:s13+$0xFFFFFF40];
	[tilespmem:s13+$0xFFFFFEA0] =	vst v1;
	v7 =	vmul.f32 v7, v3  }
0x152: {  	v13 =	vmul.f32 v13, v3;
	[tilespmem:s13+$0xFFFFFEB0] =	vst v9;
	v9 =	vld [tilespmem:s13+$0xFFFFFF60]  }
0x153: {  	[tilespmem:s13+$0xFFFFFEC0] =	vst v7;
	v4 =	vmul.f32 v4, v3;
	v7 =	vld [tilespmem:s13+$0xFFFFFF70]  }
0x154: {  	[tilespmem:s13+$0xFFFFFED0] =	vst v13;
	v3 =	vmul.f32 v10, v3;
	v10 =	vld [tilespmem:s13+$0xFFFFFF80]  }
0x155: {  	v13 =	vld [tilespmem:s13+$0xFFFFFFB0];
	[tilespmem:s13+$0xFFFFFEE0] =	vst v4;
	v1 =	vmul.f32 v11, v5  }
0x156: {  	[tilespmem:s13+$0xFFFFFEF0] =	vst v3;
	v6 =	vld.idx.msk [tilespmem:v6+s8+$0x0], $0xffff;
	v4 =	vmul.f32 v8, v5  }
0x157: {  	s21 =	simm.s32 $0x4;
	v11 =	vld [tilespmem:s13+$0xFFFFFF50];
	v3 =	vmul.f32 v12, v5;
	[tilespmem:s13+$0xFFFFFF00] =	vst v1  }
0x158: {  	v8 =	vld [tilespmem:s13+$0xFFFFFF90];
	v9 =	vmul.f32 v9, v5;
	v1 =	vmov s21;
	[tilespmem:s13+$0xFFFFFF10] =	vst v4  }
0x159: {  	v12 =	vld [tilespmem:s13+$0xFFFFFFA0];
	v4 =	vmul.f32 v14, v5;
	[tilespmem:s13+$0xFFFFFF20] =	vst v3;
	v1 =	vand.u32 $0xFFFFFFFC, v1  }
0x15a: {  	v3 =	vmul.f32 v15, v5;
	v14 =	vld [tilespmem:s13+$0xFFFFFFC0];
	[tilespmem:s13+$0xFFFFFF60] =	vst v9;
	v1 =	vbroadcast v1, $0x0  }
0x15b: {  	v9 =	vld [tilespmem:s13+$0x0];
	[tilespmem:s13+$0xFFFFFF30] =	vst v4;
	v4 =	vmul.f32 v10, v6  }
0x15c: {  	s22 =	simm.s32 $0x5;
	v10 =	vld [tilespmem:s13+$0xFFFFFFD0];
	[tilespmem:s13+$0xFFFFFF40] =	vst v3;
	v11 =	vmul.f32 v11, v5  }
0x15d: {  	v3 =	vld [tilespmem:s13+$0xFFFFFFE0];
	v5 =	vmul.f32 v7, v5;
	[tilespmem:s13+$0xFFFFFF80] =	vst v4;
	v4 =	vmov s22  }
0x15e: {  	v7 =	vld [tilespmem:s13+$0xFFFFFFF0];
	v8 =	vmul.f32 v8, v6;
	[tilespmem:s13+$0xFFFFFF50] =	vst v11;
	v4 =	vand.u32 $0xFFFFFFFD, v4  }
0x15f: {  	[tilespmem:s13+$0xFFFFFF70] =	vst v5;
	v5 =	vmul.f32 v12, v6;
	v11 =	vld [tilespmem:s13+$0x10];
	v4 =	vbroadcast v4, $0x0  }
0x160: {  	[tilespmem:s13+$0xFFFFFF90] =	vst v8;
	v8 =	vmul.f32 v13, v6;
	v1 =	vld.idx.msk [tilespmem:v1+s8+$0x0], $0xffff  }
0x161: {  	v12 =	vld [tilespmem:s13+$0x20];
	[tilespmem:s13+$0xFFFFFFA0] =	vst v5;
	v5 =	vmul.f32 v14, v6  }
0x162: {  	v13 =	vld [tilespmem:s13+$0x30];
	[tilespmem:s13+$0xFFFFFFB0] =	vst v8;
	v8 =	vmul.f32 v10, v6  }
0x163: {  	v10 =	vld [tilespmem:s13+$0x40];
	v3 =	vmul.f32 v3, v6;
	[tilespmem:s13+$0xFFFFFFC0] =	vst v5  }
0x164: {  	v6 =	vmul.f32 v7, v6;
	[tilespmem:s13+$0xFFFFFFD0] =	vst v8;
	v8 =	vld [tilespmem:s13+$0x60]  }
0x165: {  	[tilespmem:s13+$0xFFFFFFE0] =	vst v3;
	v4 =	vld.idx.msk [tilespmem:v4+s8+$0x0], $0xffff;
	v5 =	vmul.f32 v9, v1  }
0x166: {  	[tilespmem:s13+$0xFFFFFFF0] =	vst v6;
	v9 =	vld [tilespmem:s13+$0x50];
	v6 =	vmul.f32 v12, v1  }
0x167: {  	v3 =	vmul.f32 v11, v1;
	v11 =	vld [tilespmem:s13+$0x90];
	[tilespmem:s13+$0x0] =	vst v5  }
0x168: {  	v7 =	vld [tilespmem:s13+$0x80];
	[tilespmem:s13+$0x20] =	vst v6;
	v6 =	vmul.f32 v10, v1  }
0x169: {  	v5 =	vld [tilespmem:s13+$0x70];
	[tilespmem:s13+$0x10] =	vst v3;
	v3 =	vmul.f32 v13, v1  }
0x16a: {  	v10 =	vld [tilespmem:s13+$0xA0];
	[tilespmem:s13+$0x40] =	vst v6;
	v6 =	vmul.f32 v8, v1  }
0x16b: {  	[tilespmem:s13+$0x30] =	vst v3;
	v8 =	vld [tilespmem:s13+$0xC0];
	v3 =	vmul.f32 v9, v1  }
0x16c: {  	v9 =	vld [tilespmem:s13+$0xB0];
	v11 =	vmul.f32 v11, v4;
	[tilespmem:s13+$0x60] =	vst v6  }
0x16d: {  	s4 =	simm.s32 $0x7;
	v6 =	vld [tilespmem:s13+$0xE0];
	[tilespmem:s13+$0x50] =	vst v3;
	v3 =	vmul.f32 v7, v4  }
0x16e: {  	v12 =	vmov s4;
	v7 =	vld [tilespmem:s13+$0xD0];
	v5 =	vmul.f32 v5, v1;
	[tilespmem:s13+$0x90] =	vst v11  }
0x16f: {  	v11 =	vld [tilespmem:s13+$0x150];
	[tilespmem:s13+$0x80] =	vst v3  }
0x170: {  	[tilespmem:s13+$0x70] =	vst v5;
	v3 =	vmul.f32 v10, v4;
	v5 =	vld [tilespmem:s13+$0xF0]  }
0x171: {  	v10 =	vld [tilespmem:s13+$0x100];
	v9 =	vmul.f32 v9, v4  }
0x172: {  	[tilespmem:s13+$0xA0] =	vst v3;
	v3 =	vmul.f32 v8, v4;
	v8 =	vld [tilespmem:s13+$0x110]  }
0x173: {  	v1 =	vld.idx.msk [tilespmem:v12+s8+$0x0], $0xffff;
	[tilespmem:s13+$0xB0] =	vst v9;
	v7 =	vmul.f32 v7, v4  }
0x174: {  	v9 =	vld [tilespmem:s13+$0x120];
	v11 =	vmul.f32 v11, v2;
	[tilespmem:s13+$0xC0] =	vst v3  }
0x175: {  	s4 =	simm.s32 $0x9;
	v3 =	vmul.f32 v6, v4;
	v6 =	vld [tilespmem:s13+$0x130];
	[tilespmem:s13+$0xD0] =	vst v7;
	v4 =	vmul.f32 v5, v4  }
0x176: {  	s21 =	simm.s32 $0x8;
	v12 =	vmov s4;
	v5 =	vld [tilespmem:s13+$0x140];
	[tilespmem:s13+$0x150] =	vst v11  }
0x177: {  	s22 =	simm.s32 $0xF;
	v7 =	vmov s21;
	v10 =	vmul.f32 v10, v2;
	s21 =	simm.s32 $0xA;
	[tilespmem:s13+$0xF0] =	vst v4;
	v4 =	vmul.f32 v8, v2;
	v8 =	vld [tilespmem:s13+$0x160]  }
0x178: {  	v14 =	vld [tilespmem:s13+$0x180];
	s4 =	simm.s32 $0xB;
	[tilespmem:s13+$0xE0] =	vst v3;
	v7 =	vand.u32 $0xFFFFFFF8, v7;
	v3 =	vmov s22;
	v13 =	vmov s21;
	s21 =	simm.s32 $0xC  }
0x179: {  	v17 =	vld [tilespmem:s13+$0x190];
	s22 =	simm.s32 $0xD;
	[tilespmem:s13+$0x100] =	vst v10;
	v10 =	vmov s4;
	v15 =	vmov s21;
	v9 =	vmul.f32 v9, v2  }
0x17a: {  	v18 =	vmov s22;
	[tilespmem:s13+$0x110] =	vst v4;
	v16 =	vmul.f32 v6, v2;
	v4 =	vbroadcast v7, $0x0;
	v6 =	vld [tilespmem:s13+$0x1A0]  }
0x17b: {  	v7 =	vld [tilespmem:s13+$0x1B0];
	[tilespmem:s13+$0x120] =	vst v9;
	v9 =	vmul.f32 v5, v2;
	v5 =	vand.u32 $0xFFFFFFF9, v12;
	v12 =	vand.u32 $0xFFFFFFFA, v13  }
0x17c: {  	v13 =	vand.u32 $0xFFFFFFFB, v10;
	[tilespmem:s13+$0x130] =	vst v16;
	v5 =	vbroadcast v5, $0x0;
	v16 =	vmul.f32 v8, v2;
	v8 =	vld [tilespmem:s13+$0x1C0]  }
0x17d: {  	v10 =	vbroadcast v12, $0x0;
	[tilespmem:s13+$0x140] =	vst v9;
	v2 =	vand.u32 $0xFFFFFFFC, v15;
	v15 =	vmul.f32 v14, v1;
	v9 =	vld [tilespmem:s13+$0x1D0]  }
0x17e: {  	s3 =	simm.s32 $0x10;
	v11 =	vld [tilespmem:s13+$0x1E0];
	s4 =	simm.s32 $0xE;
	v12 =	vbroadcast v13, $0x0;
	v13 =	vmul.f32 v17, v1;
	v14 =	vand.u32 $0xFFFFFFFD, v18;
	[tilespmem:s13+$0x160] =	vst v16  }
.LBB2_14:
0x17f: {  	p5 =	slt.u32 s3, $0x48;
	v2 =	vbroadcast v2, $0x0;
	v16 =	vmov s4;
	[tilespmem:s13+$0x180] =	vst v15;
	v6 =	vmul.f32 v6, v1;
	v15 =	vld [tilespmem:s13+$0x1F0]  }
0x180: {  	v14 =	vbroadcast v14, $0x0;
	v16 =	vand.u32 $0xFFFFFFFE, v16;
	v17 =	vld.idx.msk [tilespmem:v3+s8+$0x0], $0xffff;
	[tilespmem:s13+$0x190] =	vst v13;
	v3 =	vmul.f32 v7, v1  }
0x181: {  	v7 =	vld.idx.msk [tilespmem:v4+s8+$0x0], $0xffff;
	v13 =	vbroadcast v16, $0x0;
	[tilespmem:s13+$0x1A0] =	vst v6;
	v4 =	vmul.f32 v8, v1  }
0x182: {  	v6 =	vld.idx.msk [tilespmem:v5+s8+$0x0], $0xffff;
	[tilespmem:s13+$0x1B0] =	vst v3;
	v3 =	vmul.f32 v9, v1  }
0x183: {  	v8 =	vld.idx.msk [tilespmem:v10+s8+$0x0], $0xffff;
	[tilespmem:s13+$0x1C0] =	vst v4;
	v9 =	vmul.f32 v11, v1  }
0x184: {  	v5 =	vld.idx.msk [tilespmem:v12+s8+$0x0], $0xffff;
	[tilespmem:s13+$0x1D0] =	vst v3;
	v10 =	vmul.f32 v15, v1  }
0x185: {  	v4 =	vld.idx.msk [tilespmem:v2+s8+$0x0], $0xffff;
	[tilespmem:s13+$0x1E0] =	vst v9  }
0x186: {  	v1 =	vmov v17;
	v3 =	vld.idx.msk [tilespmem:v14+s8+$0x0], $0xffff;
	[tilespmem:s13+$0x1F0] =	vst v10  }
0x187: {  	s13 =	sadd.s32 $0x400, s13;
	v2 =	vld.idx.msk [tilespmem:v13+s8+$0x0], $0xffff  }
0x188: {  	v9 =	vld [tilespmem:s13+$0x170]  }
0x189: {  	v10 =	vld [tilespmem:s13+$0xFFFFFE00]  }
0x18a: {  	v11 =	vld [tilespmem:s13+$0xFFFFFE10]  }
0x18b: {  	v12 =	vld [tilespmem:s13+$0xFFFFFE20]  }
0x18c: {  	v13 =	vld [tilespmem:s13+$0xFFFFFE30]  }
0x18d: {  	v14 =	vld [tilespmem:s13+$0xFFFFFE40];
	v9 =	vmul.f32 v9, v2  }
0x18e: {  	v10 =	vmul.f32 v10, v7;
	v15 =	vld [tilespmem:s13+$0xFFFFFE50]  }
0x18f: {  	v11 =	vmul.f32 v11, v7;
	v16 =	vld [tilespmem:s13+$0xFFFFFE60];
	[tilespmem:s13+$0x170] =	vst v9  }
0x190: {  	[tilespmem:s13+$0xFFFFFE00] =	vst v10;
	v9 =	vmul.f32 v12, v7;
	v10 =	vld [tilespmem:s13+$0xFFFFFE70]  }
0x191: {  	[tilespmem:s13+$0xFFFFFE10] =	vst v11;
	v11 =	vmul.f32 v13, v7;
	v12 =	vld [tilespmem:s13+$0xFFFFFE80]  }
0x192: {  	[tilespmem:s13+$0xFFFFFE20] =	vst v9;
	v9 =	vmul.f32 v14, v7;
	v13 =	vld [tilespmem:s13+$0xFFFFFE90]  }
0x193: {  	[tilespmem:s13+$0xFFFFFE30] =	vst v11;
	v11 =	vmul.f32 v15, v7;
	v14 =	vld [tilespmem:s13+$0xFFFFFEA0]  }
0x194: {  	[tilespmem:s13+$0xFFFFFE40] =	vst v9;
	v9 =	vmul.f32 v16, v7;
	v15 =	vld [tilespmem:s13+$0xFFFFFEB0]  }
0x195: {  	[tilespmem:s13+$0xFFFFFE50] =	vst v11;
	v7 =	vmul.f32 v10, v7;
	v10 =	vld [tilespmem:s13+$0xFFFFFEC0]  }
0x196: {  	[tilespmem:s13+$0xFFFFFE60] =	vst v9;
	v9 =	vmul.f32 v12, v6;
	v11 =	vld [tilespmem:s13+$0xFFFFFED0]  }
0x197: {  	[tilespmem:s13+$0xFFFFFE70] =	vst v7;
	v7 =	vmul.f32 v13, v6;
	v12 =	vld [tilespmem:s13+$0xFFFFFEE0]  }
0x198: {  	[tilespmem:s13+$0xFFFFFE80] =	vst v9;
	v9 =	vmul.f32 v14, v6;
	v13 =	vld [tilespmem:s13+$0xFFFFFEF0]  }
0x199: {  	[tilespmem:s13+$0xFFFFFE90] =	vst v7;
	v7 =	vmul.f32 v15, v6;
	v14 =	vld [tilespmem:s13+$0xFFFFFF00]  }
0x19a: {  	[tilespmem:s13+$0xFFFFFEA0] =	vst v9;
	v9 =	vmul.f32 v10, v6;
	v10 =	vld [tilespmem:s13+$0xFFFFFF10]  }
0x19b: {  	[tilespmem:s13+$0xFFFFFEB0] =	vst v7;
	v7 =	vmul.f32 v11, v6;
	v11 =	vld [tilespmem:s13+$0xFFFFFF20]  }
0x19c: {  	[tilespmem:s13+$0xFFFFFEC0] =	vst v9;
	v9 =	vmul.f32 v12, v6;
	v12 =	vld [tilespmem:s13+$0xFFFFFF30]  }
0x19d: {  	[tilespmem:s13+$0xFFFFFED0] =	vst v7;
	v6 =	vmul.f32 v13, v6;
	v7 =	vld [tilespmem:s13+$0xFFFFFF40]  }
0x19e: {  	[tilespmem:s13+$0xFFFFFEE0] =	vst v9;
	v9 =	vmul.f32 v14, v8;
	v13 =	vld [tilespmem:s13+$0xFFFFFF50]  }
0x19f: {  	[tilespmem:s13+$0xFFFFFEF0] =	vst v6;
	v6 =	vmul.f32 v10, v8;
	v10 =	vld [tilespmem:s13+$0xFFFFFF60]  }
0x1a0: {  	[tilespmem:s13+$0xFFFFFF00] =	vst v9;
	v9 =	vmul.f32 v11, v8;
	v11 =	vld [tilespmem:s13+$0xFFFFFF70]  }
0x1a1: {  	[tilespmem:s13+$0xFFFFFF10] =	vst v6;
	v6 =	vmul.f32 v12, v8;
	v12 =	vld [tilespmem:s13+$0xFFFFFF80]  }
0x1a2: {  	[tilespmem:s13+$0xFFFFFF20] =	vst v9;
	v7 =	vmul.f32 v7, v8;
	v9 =	vld [tilespmem:s13+$0xFFFFFF90]  }
0x1a3: {  	[tilespmem:s13+$0xFFFFFF30] =	vst v6;
	v6 =	vmul.f32 v13, v8;
	v13 =	vld [tilespmem:s13+$0xFFFFFFA0]  }
0x1a4: {  	[tilespmem:s13+$0xFFFFFF40] =	vst v7;
	v7 =	vmul.f32 v10, v8;
	v10 =	vld [tilespmem:s13+$0xFFFFFFB0]  }
0x1a5: {  	[tilespmem:s13+$0xFFFFFF50] =	vst v6;
	v6 =	vmul.f32 v11, v8;
	v8 =	vld [tilespmem:s13+$0xFFFFFFC0]  }
0x1a6: {  	[tilespmem:s13+$0xFFFFFF60] =	vst v7;
	v7 =	vmul.f32 v12, v5;
	v11 =	vld [tilespmem:s13+$0xFFFFFFD0]  }
0x1a7: {  	[tilespmem:s13+$0xFFFFFF70] =	vst v6;
	v6 =	vmul.f32 v9, v5;
	v9 =	vld [tilespmem:s13+$0xFFFFFFE0]  }
0x1a8: {  	[tilespmem:s13+$0xFFFFFF80] =	vst v7;
	v7 =	vmul.f32 v13, v5;
	v12 =	vld [tilespmem:s13+$0xFFFFFFF0]  }
0x1a9: {  	[tilespmem:s13+$0xFFFFFF90] =	vst v6;
	v6 =	vmul.f32 v10, v5;
	v10 =	vld [tilespmem:s13+$0x0]  }
0x1aa: {  	[tilespmem:s13+$0xFFFFFFA0] =	vst v7;
	v7 =	vmul.f32 v8, v5;
	v8 =	vld [tilespmem:s13+$0x10]  }
0x1ab: {  	[tilespmem:s13+$0xFFFFFFB0] =	vst v6;
	v6 =	vmul.f32 v11, v5;
	v11 =	vld [tilespmem:s13+$0x20]  }
0x1ac: {  	[tilespmem:s13+$0xFFFFFFC0] =	vst v7;
	v7 =	vmul.f32 v9, v5;
	v9 =	vld [tilespmem:s13+$0x30]  }
0x1ad: {  	[tilespmem:s13+$0xFFFFFFD0] =	vst v6;
	v5 =	vmul.f32 v12, v5;
	v6 =	vld [tilespmem:s13+$0x40]  }
0x1ae: {  	[tilespmem:s13+$0xFFFFFFE0] =	vst v7;
	v7 =	vmul.f32 v10, v4;
	v10 =	vld [tilespmem:s13+$0x50]  }
0x1af: {  	[tilespmem:s13+$0xFFFFFFF0] =	vst v5;
	v5 =	vmul.f32 v8, v4;
	v8 =	vld [tilespmem:s13+$0x60]  }
0x1b0: {  	[tilespmem:s13+$0x0] =	vst v7;
	v7 =	vmul.f32 v11, v4;
	v11 =	vld [tilespmem:s13+$0x70]  }
0x1b1: {  	[tilespmem:s13+$0x10] =	vst v5;
	v5 =	vmul.f32 v9, v4;
	v9 =	vld [tilespmem:s13+$0x80]  }
0x1b2: {  	[tilespmem:s13+$0x20] =	vst v7;
	v6 =	vmul.f32 v6, v4;
	v7 =	vld [tilespmem:s13+$0x90]  }
0x1b3: {  	[tilespmem:s13+$0x30] =	vst v5;
	v5 =	vmul.f32 v10, v4;
	v10 =	vld [tilespmem:s13+$0xA0]  }
0x1b4: {  	[tilespmem:s13+$0x40] =	vst v6;
	v6 =	vmul.f32 v8, v4;
	v8 =	vld [tilespmem:s13+$0xB0]  }
0x1b5: {  	[tilespmem:s13+$0x50] =	vst v5;
	v4 =	vmul.f32 v11, v4;
	v5 =	vld [tilespmem:s13+$0xC0]  }
0x1b6: {  	[tilespmem:s13+$0x60] =	vst v6;
	v6 =	vmul.f32 v9, v3;
	v9 =	vld [tilespmem:s13+$0xD0]  }
0x1b7: {  	[tilespmem:s13+$0x70] =	vst v4;
	v4 =	vmul.f32 v7, v3;
	v7 =	vld [tilespmem:s13+$0xE0]  }
0x1b8: {  	[tilespmem:s13+$0x80] =	vst v6;
	v6 =	vmul.f32 v10, v3;
	v10 =	vld [tilespmem:s13+$0xF0]  }
0x1b9: {  	[tilespmem:s13+$0x90] =	vst v4;
	v4 =	vmul.f32 v8, v3;
	v8 =	vld [tilespmem:s13+$0x100]  }
0x1ba: {  	[tilespmem:s13+$0xA0] =	vst v6;
	v5 =	vmul.f32 v5, v3;
	v6 =	vld [tilespmem:s13+$0x110]  }
0x1bb: {  	[tilespmem:s13+$0xB0] =	vst v4;
	v4 =	vmul.f32 v9, v3;
	v9 =	vld [tilespmem:s13+$0x120]  }
0x1bc: {  	[tilespmem:s13+$0xC0] =	vst v5;
	v5 =	vmul.f32 v7, v3;
	v7 =	vld [tilespmem:s13+$0x130]  }
0x1bd: {  	[tilespmem:s13+$0xD0] =	vst v4;
	v4 =	vmul.f32 v10, v3;
	v10 =	vld [tilespmem:s13+$0x140]  }
0x1be: {  	s4 =	sadd.s32 $0x7, s3;
	v3 =	vmov s3;
	[tilespmem:s13+$0xE0] =	vst v5;
	v5 =	vmul.f32 v8, v2;
	v8 =	vld [tilespmem:s13+$0x150]  }
0x1bf: {  	s21 =	sadd.s32 $0x1, s3;
	s22 =	sadd.s32 $0x2, s3;
	v11 =	vand.u32 $0xFFFFFFF8, v3;
	v3 =	vmov s4;
	[tilespmem:s13+$0xF0] =	vst v4;
	v4 =	vmul.f32 v6, v2;
	v12 =	vld [tilespmem:s13+$0x160]  }
0x1c0: {  	v14 =	vmov s22;
	v13 =	vmov s21;
	s21 =	sadd.s32 $0x4, s3;
	s4 =	sadd.s32 $0x3, s3;
	[tilespmem:s13+$0x100] =	vst v5;
	v5 =	vmul.f32 v9, v2;
	v9 =	vld [tilespmem:s13+$0x180]  }
0x1c1: {  	v16 =	vmov s21;
	v15 =	vmov s4;
	s4 =	sadd.s32 $0x5, s3;
	[tilespmem:s13+$0x110] =	vst v4;
	v7 =	vmul.f32 v7, v2;
	v17 =	vld [tilespmem:s13+$0x190]  }
.Ltmp10:
0x1c2: {  	v4 =	vbroadcast v11, $0x0;
	v11 =	vmov s4;
	[tilespmem:s13+$0x120] =	vst v5;
	v10 =	vmul.f32 v10, v2;
	v6 =	vld [tilespmem:s13+$0x1A0];
	(pc) =	sbr.rel @p5 .LBB2_14-.Ltmp10, $4  }
0x1c3: {  	v5 =	vand.u32 $0xFFFFFFF9, v13;
	v13 =	vand.u32 $0xFFFFFFFA, v14;
	[tilespmem:s13+$0x130] =	vst v7;
	v14 =	vmul.f32 v8, v2;
	v7 =	vld [tilespmem:s13+$0x1B0]  }
0x1c4: {  	v18 =	vand.u32 $0xFFFFFFFB, v15;
	v5 =	vbroadcast v5, $0x0;
	[tilespmem:s13+$0x140] =	vst v10;
	v19 =	vmul.f32 v12, v2;
	v8 =	vld [tilespmem:s13+$0x1C0]  }
0x1c5: {  	v10 =	vbroadcast v13, $0x0;
	v2 =	vand.u32 $0xFFFFFFFC, v16;
	[tilespmem:s13+$0x150] =	vst v14;
	v15 =	vmul.f32 v9, v1;
	v9 =	vld [tilespmem:s13+$0x1D0]  }
0x1c6: {  	s4 =	sadd.s32 $0x6, s3;
	s3 =	sadd.s32 $0x8, s3;
	v12 =	vbroadcast v18, $0x0;
	v14 =	vand.u32 $0xFFFFFFFD, v11;
	[tilespmem:s13+$0x160] =	vst v19;
	v13 =	vmul.f32 v17, v1;
	v11 =	vld [tilespmem:s13+$0x1E0]  }
0x1c7: {  	_ =	sdelay $0x2  }
0x1c8: {  	v16 =	vld [tilespmem:s13+$0x1F0]  }
0x1c9: {  	v18 =	vld.idx.msk [tilespmem:v4+s8+$0x0], $0xffff  }
0x1ca: {  	v23 =	vld.idx.msk [tilespmem:v5+s8+$0x0], $0xffff  }
0x1cb: {  	v22 =	vbroadcast v2, $0x0;
	v2 =	vmov s4;
	v10 =	vld.idx.msk [tilespmem:v10+s8+$0x0], $0xffff  }
0x1cc: {  	v17 =	vand.u32 $0xFFFFFFFE, v2;
	v2 =	vld.idx.msk [tilespmem:v3+s8+$0x0], $0xffff  }
0x1cd: {  	s3 =	sadd.s32 $0x400, s13;
	v12 =	vld.idx.msk [tilespmem:v12+s8+$0x0], $0xffff  }
0x1ce: {  	v24 =	vld [tilespmem:s3+$0x170]  }
0x1cf: {  	v26 =	vld [tilespmem:s3+$0xFFFFFE00]  }
0x1d0: {  	v28 =	vld [tilespmem:s3+$0xFFFFFE10]  }
0x1d1: {  	[tilespmem:s13+$0x180] =	vst v15;
	v6 =	vmul.f32 v6, v1;
	v30 =	vld [tilespmem:s3+$0xFFFFFE20]  }
0x1d2: {  	[tilespmem:s13+$0x190] =	vst v13;
	v7 =	vmul.f32 v7, v1;
	v31 =	vld [tilespmem:s3+$0xFFFFFE30]  }
0x1d3: {  	v32 =	vld [tilespmem:s3+$0xFFFFFE40];
	[tilespmem:s13+$0x1A0] =	vst v6;
	v25 =	vmul.f32 v8, v1  }
0x1d4: {  	v33 =	vld [tilespmem:s3+$0xFFFFFE50];
	[tilespmem:s13+$0x1B0] =	vst v7;
	v27 =	vmul.f32 v9, v1  }
0x1d5: {  	v34 =	vld [tilespmem:s3+$0xFFFFFE60];
	[tilespmem:s13+$0x1C0] =	vst v25;
	v29 =	vmul.f32 v11, v1  }
0x1d6: {  	v35 =	vld [tilespmem:s3+$0xFFFFFE70];
	[tilespmem:s13+$0x1D0] =	vst v27;
	v1 =	vmul.f32 v16, v1  }
0x1d7: {  	v36 =	vld [tilespmem:s3+$0xFFFFFE80];
	[tilespmem:s13+$0x1E0] =	vst v29;
	v9 =	vmul.f32 v28, v18  }
0x1d8: {  	v37 =	vld [tilespmem:s3+$0xFFFFFE90];
	[tilespmem:s13+$0x1F0] =	vst v1;
	v1 =	vmul.f32 v26, v18  }
0x1d9: {  	v39 =	vld [tilespmem:s3+$0xFFFFFEA0];
	v7 =	vmul.f32 v31, v18;
	[tilespmem:s3+$0xFFFFFE10] =	vst v9  }
0x1da: {  	v40 =	vld [tilespmem:s3+$0xFFFFFEB0];
	[tilespmem:s3+$0xFFFFFE00] =	vst v1;
	v1 =	vmul.f32 v30, v18  }
0x1db: {  	v42 =	vld [tilespmem:s3+$0xFFFFFEC0];
	v38 =	vmul.f32 v33, v18;
	[tilespmem:s3+$0xFFFFFE30] =	vst v7  }
0x1dc: {  	v43 =	vld [tilespmem:s3+$0xFFFFFED0];
	[tilespmem:s3+$0xFFFFFE20] =	vst v1;
	v1 =	vmul.f32 v32, v18  }
0x1dd: {  	v44 =	vld [tilespmem:s3+$0xFFFFFEE0];
	v41 =	vmul.f32 v35, v18;
	[tilespmem:s3+$0xFFFFFE50] =	vst v38  }
0x1de: {  	v45 =	vld [tilespmem:s3+$0xFFFFFEF0];
	[tilespmem:s3+$0xFFFFFE40] =	vst v1;
	v1 =	vmul.f32 v34, v18  }
0x1df: {  	v47 =	vld [tilespmem:s3+$0xFFFFFF00];
	v6 =	vmul.f32 v37, v23;
	[tilespmem:s3+$0xFFFFFE70] =	vst v41  }
0x1e0: {  	v48 =	vld [tilespmem:s3+$0xFFFFFF10];
	[tilespmem:s3+$0xFFFFFE60] =	vst v1;
	v1 =	vmul.f32 v36, v23  }
0x1e1: {  	v50 =	vld [tilespmem:s3+$0xFFFFFF20];
	v46 =	vmul.f32 v40, v23;
	[tilespmem:s3+$0xFFFFFE90] =	vst v6  }
0x1e2: {  	v51 =	vld [tilespmem:s3+$0xFFFFFF30];
	[tilespmem:s3+$0xFFFFFE80] =	vst v1;
	v1 =	vmul.f32 v39, v23  }
0x1e3: {  	v53 =	vld [tilespmem:s3+$0xFFFFFF40];
	v49 =	vmul.f32 v43, v23;
	[tilespmem:s3+$0xFFFFFEB0] =	vst v46  }
0x1e4: {  	v54 =	vld [tilespmem:s3+$0xFFFFFF50];
	[tilespmem:s3+$0xFFFFFEA0] =	vst v1;
	v1 =	vmul.f32 v42, v23  }
0x1e5: {  	v56 =	vld [tilespmem:s3+$0xFFFFFF60];
	v52 =	vmul.f32 v45, v23;
	[tilespmem:s3+$0xFFFFFED0] =	vst v49  }
0x1e6: {  	v57 =	vld [tilespmem:s3+$0xFFFFFF70];
	[tilespmem:s3+$0xFFFFFEC0] =	vst v1;
	v1 =	vmul.f32 v44, v23  }
0x1e7: {  	v14 =	vbroadcast v14, $0x0;
	v59 =	vld [tilespmem:s3+$0xFFFFFF80];
	v55 =	vmul.f32 v48, v10;
	[tilespmem:s3+$0xFFFFFEF0] =	vst v52  }
0x1e8: {  	v60 =	vld [tilespmem:s3+$0xFFFFFF90];
	[tilespmem:s3+$0xFFFFFEE0] =	vst v1;
	v1 =	vmul.f32 v47, v10  }
0x1e9: {  	v62 =	vld [tilespmem:s3+$0xFFFFFFA0];
	v58 =	vmul.f32 v51, v10;
	[tilespmem:s3+$0xFFFFFF10] =	vst v55  }
0x1ea: {  	v63 =	vld [tilespmem:s3+$0xFFFFFFB0];
	v3 =	vbroadcast v17, $0x0;
	[tilespmem:s3+$0xFFFFFF00] =	vst v1;
	v1 =	vmul.f32 v50, v10  }
0x1eb: {  	v15 =	vld [tilespmem:s3+$0xFFFFFFC0];
	v61 =	vmul.f32 v54, v10;
	[tilespmem:s3+$0xFFFFFF30] =	vst v58  }
0x1ec: {  	v19 =	vld [tilespmem:s3+$0xFFFFFFF0];
	[tilespmem:s3+$0xFFFFFF20] =	vst v1;
	v1 =	vmul.f32 v53, v10  }
0x1ed: {  	v4 =	vld.idx.msk [tilespmem:v14+s8+$0x0], $0xffff;
	v14 =	vmul.f32 v57, v10;
	[tilespmem:s3+$0xFFFFFF50] =	vst v61  }
0x1ee: {  	v5 =	vld.idx.msk [tilespmem:v22+s8+$0x0], $0xffff;
	[tilespmem:s3+$0xFFFFFF40] =	vst v1;
	v1 =	vmul.f32 v56, v10  }
0x1ef: {  	v17 =	vmul.f32 v60, v12;
	v22 =	vld [tilespmem:s3+$0x10];
	[tilespmem:s3+$0xFFFFFF70] =	vst v14  }
0x1f0: {  	v3 =	vld.idx.msk [tilespmem:v3+s8+$0x0], $0xffff;
	[tilespmem:s3+$0xFFFFFF60] =	vst v1;
	v1 =	vmul.f32 v59, v12  }
0x1f1: {  	v20 =	vmul.f32 v63, v12;
	[tilespmem:s3+$0xFFFFFF90] =	vst v17;
	v18 =	vld [tilespmem:s3+$0xFFFFFFE0]  }
0x1f2: {  	v25 =	vld [tilespmem:s3+$0x30];
	[tilespmem:s3+$0xFFFFFF80] =	vst v1;
	v1 =	vmul.f32 v62, v12  }
0x1f3: {  	v21 =	vld [tilespmem:s3+$0x0];
	v26 =	vmul.f32 v19, v12;
	[tilespmem:s3+$0xFFFFFFB0] =	vst v20  }
0x1f4: {  	v28 =	vld [tilespmem:s3+$0x50];
	[tilespmem:s3+$0xFFFFFFA0] =	vst v1;
	v1 =	vmul.f32 v15, v12  }
0x1f5: {  	[tilespmem:s3+$0xFFFFFFF0] =	vst v26;
	v29 =	vmul.f32 v22, v5;
	v13 =	vmul.f32 v24, v3;
	v24 =	vld [tilespmem:s3+$0x20]  }
0x1f6: {  	v37 =	vld [tilespmem:s3+$0xB0];
	[tilespmem:s3+$0xFFFFFFC0] =	vst v1;
	v1 =	vmul.f32 v18, v12  }
0x1f7: {  	v27 =	vld [tilespmem:s3+$0x40];
	v32 =	vmul.f32 v25, v5;
	[tilespmem:s3+$0x10] =	vst v29  }
0x1f8: {  	[tilespmem:s3+$0xFFFFFFE0] =	vst v1;
	v1 =	vmul.f32 v21, v5  }
0x1f9: {  	v30 =	vld [tilespmem:s3+$0x60];
	v35 =	vmul.f32 v28, v5;
	[tilespmem:s3+$0x30] =	vst v32  }
0x1fa: {  	v45 =	vld [tilespmem:s3+$0x110];
	[tilespmem:s3+$0x0] =	vst v1;
	v1 =	vmul.f32 v24, v5  }
0x1fb: {  	v33 =	vld [tilespmem:s3+$0x80];
	v43 =	vmul.f32 v37, v4;
	[tilespmem:s3+$0x50] =	vst v35  }
0x1fc: {  	v48 =	vld [tilespmem:s3+$0x130];
	[tilespmem:s3+$0x20] =	vst v1;
	v1 =	vmul.f32 v27, v5  }
0x1fd: {  	[tilespmem:s3+$0xB0] =	vst v43;
	v36 =	vld [tilespmem:s3+$0xA0]  }
0x1fe: {  	v34 =	vld [tilespmem:s3+$0x90];
	[tilespmem:s3+$0x40] =	vst v1;
	v1 =	vmul.f32 v30, v5  }
0x1ff: {  	v38 =	vld [tilespmem:s3+$0xC0];
	v51 =	vmul.f32 v45, v3;
	[tilespmem:s3+$0x170] =	vst v13  }
0x200: {  	v16 =	vld [tilespmem:s3+$0xFFFFFFD0];
	[tilespmem:s3+$0x60] =	vst v1;
	v1 =	vmul.f32 v33, v4  }
0x201: {  	v41 =	vld [tilespmem:s3+$0xE0];
	v54 =	vmul.f32 v48, v3;
	[tilespmem:s3+$0x110] =	vst v51  }
0x202: {  	v39 =	vld [tilespmem:s3+$0xD0];
	[tilespmem:s3+$0x80] =	vst v1;
	v1 =	vmul.f32 v36, v4  }
0x203: {  	[tilespmem:s3+$0x130] =	vst v54;
	v40 =	vmul.f32 v34, v4;
	v44 =	vld [tilespmem:s3+$0x100]  }
0x204: {  	v50 =	vld [tilespmem:s3+$0x150];
	[tilespmem:s3+$0xA0] =	vst v1;
	v1 =	vmul.f32 v38, v4  }
0x205: {  	[tilespmem:s3+$0x90] =	vst v40;
	v23 =	vmul.f32 v16, v12;
	v47 =	vld [tilespmem:s3+$0x120]  }
0x206: {  	v53 =	vld [tilespmem:s3+$0x180];
	[tilespmem:s3+$0xC0] =	vst v1;
	v1 =	vmul.f32 v41, v4  }
0x207: {  	v49 =	vld [tilespmem:s3+$0x140];
	v46 =	vmul.f32 v39, v4;
	[tilespmem:s3+$0xFFFFFFD0] =	vst v23  }
0x208: {  	v56 =	vld [tilespmem:s3+$0x1A0];
	[tilespmem:s3+$0xE0] =	vst v1;
	v1 =	vmul.f32 v44, v3  }
0x209: {  	v52 =	vld [tilespmem:s3+$0x160];
	[tilespmem:s3+$0xD0] =	vst v46;
	v57 =	vmul.f32 v50, v3  }
0x20a: {  	v31 =	vld [tilespmem:s3+$0x70];
	[tilespmem:s3+$0x100] =	vst v1;
	v1 =	vmul.f32 v47, v3  }
0x20b: {  	v55 =	vld [tilespmem:s3+$0x190];
	[tilespmem:s3+$0x150] =	vst v57;
	v59 =	vmul.f32 v53, v2  }
0x20c: {  	v42 =	vld [tilespmem:s3+$0xF0];
	[tilespmem:s3+$0x120] =	vst v1;
	v1 =	vmul.f32 v49, v3  }
0x20d: {  	v58 =	vld [tilespmem:s3+$0x1B0];
	[tilespmem:s3+$0x180] =	vst v59;
	v62 =	vmul.f32 v56, v2  }
0x20e: {  	[tilespmem:s3+$0x140] =	vst v1;
	v1 =	vmul.f32 v52, v3;
	v3 =	vld [tilespmem:s3+$0x1C0]  }
0x20f: {  	v60 =	vld [tilespmem:s3+$0x1D0];
	[tilespmem:s3+$0x1A0] =	vst v62;
	v5 =	vmul.f32 v31, v5  }
0x210: {  	v61 =	vld [tilespmem:s3+$0x1E0];
	[tilespmem:s3+$0x160] =	vst v1;
	v1 =	vmul.f32 v55, v2  }
0x211: {  	v63 =	vld [tilespmem:s3+$0x1F0];
	[tilespmem:s3+$0x70] =	vst v5;
	v4 =	vmul.f32 v42, v4  }
0x212: {  	[tilespmem:s3+$0x190] =	vst v1;
	v1 =	vmul.f32 v58, v2  }
0x213: {  	[tilespmem:s3+$0xF0] =	vst v4;
	v3 =	vmul.f32 v3, v2  }
0x214: {  	[tilespmem:s3+$0x1B0] =	vst v1;
	v1 =	vmul.f32 v60, v2  }
0x215: {  	[tilespmem:s3+$0x1C0] =	vst v3;
	v3 =	vmul.f32 v61, v2  }
0x216: {  	[tilespmem:s3+$0x1D0] =	vst v1;
	v1 =	vmul.f32 v63, v2  }
0x217: {  	[tilespmem:s3+$0x1E0] =	vst v3  }
0x218: {  	[tilespmem:s3+$0x1F0] =	vst v1  }
0x219: {  	[spmem:s1] =	stream.indirect.scatter.add.f32 [tilespmem:s6], [sflag:$0x3], $0x80, s7, s29, $0xb8;
	[tilespmem:$0x1DE78] =	vst v63  }
.LBB2_16:
0x21a: {  	p5 =	seq.s32 s12, $0x1  }
.Ltmp11:
0x21b: {  	_ = 	snop;
	(pc) =	sbr.rel @!p5 .LBB2_20-.Ltmp11, $1  }
0x21c: {  	_ =	sdelay $0x3  }
0x21d: {  	_ =	swait.ge [sflag:s20], $0x2800  }
0x21e: {  	s3 =	simm.s32 $0x0;
	[sflag:s20] =	ssyncset.done $0x0  }
0x21f: {  	s22 =	simm.s32 $0x6;
	s12 =	simm.s32 $0x1B7F8;
	v1 =	vmov s3;
	[sflag:s20] =	ssyncadd.s32 $0xFFFFD800  }
0x220: {  	v2 =	vmov s22;
	v1 =	vand.u32 $0xFFFFFFF8, v1;
	v4 =	vld [tilespmem:s12+$0x170]  }
0x221: {  	v2 =	vand.u32 $0xFFFFFFFE, v2;
	v1 =	vbroadcast v1, $0x0;
	v5 =	vld [tilespmem:s12+$0xFFFFFE00]  }
0x222: {  	v2 =	vbroadcast v2, $0x0;
	v6 =	vld [tilespmem:s12+$0xFFFFFE10]  }
0x223: {  	s4 =	simm.s32 $0x1;
	v7 =	vld [tilespmem:s12+$0xFFFFFE20]  }
0x224: {  	v3 =	vmov s4;
	v8 =	vld [tilespmem:s12+$0xFFFFFE30]  }
0x225: {  	v3 =	vand.u32 $0xFFFFFFF9, v3;
	v9 =	vld [tilespmem:s12+$0xFFFFFE40]  }
0x226: {  	v3 =	vbroadcast v3, $0x0;
	v10 =	vld [tilespmem:s12+$0xFFFFFE50]  }
0x227: {  	v1 =	vld.idx.msk [tilespmem:v1+s16+$0x0], $0xffff  }
0x228: {  	v2 =	vld.idx.msk [tilespmem:v2+s16+$0x0], $0xffff  }
0x229: {  	v11 =	vld [tilespmem:s12+$0xFFFFFE60]  }
0x22a: {  	v12 =	vld [tilespmem:s12+$0xFFFFFE70]  }
0x22b: {  	v13 =	vld [tilespmem:s12+$0xFFFFFE80]  }
0x22c: {  	v3 =	vld.idx.msk [tilespmem:v3+s16+$0x0], $0xffff;
	v5 =	vmul.f32 v5, v1  }
0x22d: {  	v14 =	vld [tilespmem:s12+$0xFFFFFE90];
	v4 =	vmul.f32 v4, v2  }
0x22e: {  	v15 =	vld [tilespmem:s12+$0xFFFFFEA0];
	v6 =	vmul.f32 v6, v1;
	[tilespmem:s12+$0xFFFFFE00] =	vst v5  }
0x22f: {  	s13 =	simm.s32 $0x2;
	v16 =	vld [tilespmem:s12+$0xFFFFFEB0];
	v8 =	vmul.f32 v8, v1;
	[tilespmem:s12+$0x170] =	vst v4  }
0x230: {  	v9 =	vmul.f32 v9, v1;
	v5 =	vmov s13;
	v4 =	vmul.f32 v7, v1;
	v7 =	vld [tilespmem:s12+$0xFFFFFEC0];
	[tilespmem:s12+$0xFFFFFE10] =	vst v6  }
0x231: {  	v6 =	vmul.f32 v13, v3;
	v13 =	vld [tilespmem:s12+$0xFFFFFED0];
	[tilespmem:s12+$0xFFFFFE30] =	vst v8;
	v5 =	vand.u32 $0xFFFFFFFA, v5  }
0x232: {  	v8 =	vmul.f32 v10, v1;
	v10 =	vld [tilespmem:s12+$0xFFFFFEF0];
	[tilespmem:s12+$0xFFFFFE40] =	vst v9;
	v5 =	vbroadcast v5, $0x0  }
0x233: {  	v9 =	vmul.f32 v11, v1;
	v11 =	vld [tilespmem:s12+$0xFFFFFF00];
	[tilespmem:s12+$0xFFFFFE20] =	vst v4  }
0x234: {  	v1 =	vmul.f32 v12, v1;
	v12 =	vld [tilespmem:s12+$0xFFFFFF20];
	[tilespmem:s12+$0xFFFFFE80] =	vst v6  }
0x235: {  	s21 =	simm.s32 $0x3;
	v4 =	vld [tilespmem:s12+$0xFFFFFEE0];
	[tilespmem:s12+$0xFFFFFE50] =	vst v8  }
0x236: {  	v6 =	vmov s21;
	v8 =	vld [tilespmem:s12+$0xFFFFFF10];
	[tilespmem:s12+$0xFFFFFE60] =	vst v9;
	v9 =	vmul.f32 v14, v3  }
0x237: {  	[tilespmem:s12+$0xFFFFFE70] =	vst v1;
	v1 =	vmul.f32 v15, v3;
	v14 =	vld [tilespmem:s12+$0xFFFFFF30];
	v6 =	vand.u32 $0xFFFFFFFB, v6  }
0x238: {  	v6 =	vbroadcast v6, $0x0;
	[tilespmem:s12+$0xFFFFFE90] =	vst v9;
	v9 =	vmul.f32 v16, v3;
	v5 =	vld.idx.msk [tilespmem:v5+s16+$0x0], $0xffff  }
0x239: {  	v15 =	vld [tilespmem:s12+$0xFFFFFF40];
	[tilespmem:s12+$0xFFFFFEA0] =	vst v1;
	v7 =	vmul.f32 v7, v3  }
0x23a: {  	v13 =	vmul.f32 v13, v3;
	[tilespmem:s12+$0xFFFFFEB0] =	vst v9;
	v9 =	vld [tilespmem:s12+$0xFFFFFF60]  }
0x23b: {  	[tilespmem:s12+$0xFFFFFEC0] =	vst v7;
	v4 =	vmul.f32 v4, v3;
	v7 =	vld [tilespmem:s12+$0xFFFFFF70]  }
0x23c: {  	[tilespmem:s12+$0xFFFFFED0] =	vst v13;
	v3 =	vmul.f32 v10, v3;
	v10 =	vld [tilespmem:s12+$0xFFFFFF80]  }
0x23d: {  	v13 =	vld [tilespmem:s12+$0xFFFFFFB0];
	[tilespmem:s12+$0xFFFFFEE0] =	vst v4;
	v1 =	vmul.f32 v11, v5  }
0x23e: {  	[tilespmem:s12+$0xFFFFFEF0] =	vst v3;
	v6 =	vld.idx.msk [tilespmem:v6+s16+$0x0], $0xffff;
	v4 =	vmul.f32 v8, v5  }
0x23f: {  	s22 =	simm.s32 $0x4;
	v11 =	vld [tilespmem:s12+$0xFFFFFF50];
	v3 =	vmul.f32 v12, v5;
	[tilespmem:s12+$0xFFFFFF00] =	vst v1  }
0x240: {  	v8 =	vld [tilespmem:s12+$0xFFFFFF90];
	v9 =	vmul.f32 v9, v5;
	v1 =	vmov s22;
	[tilespmem:s12+$0xFFFFFF10] =	vst v4  }
0x241: {  	v12 =	vld [tilespmem:s12+$0xFFFFFFA0];
	v4 =	vmul.f32 v14, v5;
	[tilespmem:s12+$0xFFFFFF20] =	vst v3;
	v1 =	vand.u32 $0xFFFFFFFC, v1  }
0x242: {  	v3 =	vmul.f32 v15, v5;
	v14 =	vld [tilespmem:s12+$0xFFFFFFC0];
	[tilespmem:s12+$0xFFFFFF60] =	vst v9;
	v1 =	vbroadcast v1, $0x0  }
0x243: {  	v9 =	vld [tilespmem:s12+$0x0];
	[tilespmem:s12+$0xFFFFFF30] =	vst v4;
	v4 =	vmul.f32 v10, v6  }
0x244: {  	s4 =	simm.s32 $0x5;
	v10 =	vld [tilespmem:s12+$0xFFFFFFD0];
	[tilespmem:s12+$0xFFFFFF40] =	vst v3;
	v11 =	vmul.f32 v11, v5  }
0x245: {  	v3 =	vld [tilespmem:s12+$0xFFFFFFE0];
	v5 =	vmul.f32 v7, v5;
	[tilespmem:s12+$0xFFFFFF80] =	vst v4;
	v4 =	vmov s4  }
0x246: {  	v7 =	vld [tilespmem:s12+$0xFFFFFFF0];
	v8 =	vmul.f32 v8, v6;
	[tilespmem:s12+$0xFFFFFF50] =	vst v11;
	v4 =	vand.u32 $0xFFFFFFFD, v4  }
0x247: {  	[tilespmem:s12+$0xFFFFFF70] =	vst v5;
	v5 =	vmul.f32 v12, v6;
	v11 =	vld [tilespmem:s12+$0x10];
	v4 =	vbroadcast v4, $0x0  }
0x248: {  	[tilespmem:s12+$0xFFFFFF90] =	vst v8;
	v8 =	vmul.f32 v13, v6;
	v1 =	vld.idx.msk [tilespmem:v1+s16+$0x0], $0xffff  }
0x249: {  	v12 =	vld [tilespmem:s12+$0x20];
	[tilespmem:s12+$0xFFFFFFA0] =	vst v5;
	v5 =	vmul.f32 v14, v6  }
0x24a: {  	v13 =	vld [tilespmem:s12+$0x30];
	[tilespmem:s12+$0xFFFFFFB0] =	vst v8;
	v8 =	vmul.f32 v10, v6  }
0x24b: {  	v10 =	vld [tilespmem:s12+$0x40];
	v3 =	vmul.f32 v3, v6;
	[tilespmem:s12+$0xFFFFFFC0] =	vst v5  }
0x24c: {  	v6 =	vmul.f32 v7, v6;
	[tilespmem:s12+$0xFFFFFFD0] =	vst v8;
	v8 =	vld [tilespmem:s12+$0x60]  }
0x24d: {  	[tilespmem:s12+$0xFFFFFFE0] =	vst v3;
	v4 =	vld.idx.msk [tilespmem:v4+s16+$0x0], $0xffff;
	v5 =	vmul.f32 v9, v1  }
0x24e: {  	[tilespmem:s12+$0xFFFFFFF0] =	vst v6;
	v9 =	vld [tilespmem:s12+$0x50];
	v6 =	vmul.f32 v12, v1  }
0x24f: {  	v3 =	vmul.f32 v11, v1;
	v11 =	vld [tilespmem:s12+$0x90];
	[tilespmem:s12+$0x0] =	vst v5  }
0x250: {  	v7 =	vld [tilespmem:s12+$0x80];
	[tilespmem:s12+$0x20] =	vst v6;
	v6 =	vmul.f32 v10, v1  }
0x251: {  	v5 =	vld [tilespmem:s12+$0x70];
	[tilespmem:s12+$0x10] =	vst v3;
	v3 =	vmul.f32 v13, v1  }
0x252: {  	v10 =	vld [tilespmem:s12+$0xA0];
	[tilespmem:s12+$0x40] =	vst v6;
	v6 =	vmul.f32 v8, v1  }
0x253: {  	[tilespmem:s12+$0x30] =	vst v3;
	v8 =	vld [tilespmem:s12+$0xC0];
	v3 =	vmul.f32 v9, v1  }
0x254: {  	v9 =	vld [tilespmem:s12+$0xB0];
	v11 =	vmul.f32 v11, v4;
	[tilespmem:s12+$0x60] =	vst v6  }
0x255: {  	v6 =	vld [tilespmem:s12+$0xE0];
	[tilespmem:s12+$0x50] =	vst v3;
	v3 =	vmul.f32 v7, v4  }
0x256: {  	v7 =	vld [tilespmem:s12+$0xD0];
	v5 =	vmul.f32 v5, v1;
	[tilespmem:s12+$0x90] =	vst v11  }
0x257: {  	v11 =	vld [tilespmem:s12+$0x150];
	[tilespmem:s12+$0x80] =	vst v3  }
0x258: {  	[tilespmem:s12+$0x70] =	vst v5;
	v3 =	vmul.f32 v10, v4;
	v5 =	vld [tilespmem:s12+$0xF0]  }
0x259: {  	v10 =	vld [tilespmem:s12+$0x100];
	v9 =	vmul.f32 v9, v4  }
0x25a: {  	s13 =	simm.s32 $0x7;
	[tilespmem:s12+$0xA0] =	vst v3;
	v3 =	vmul.f32 v8, v4;
	v8 =	vld [tilespmem:s12+$0x110]  }
0x25b: {  	v14 =	vld [tilespmem:s12+$0x180];
	v12 =	vmov s13;
	[tilespmem:s12+$0xB0] =	vst v9;
	v7 =	vmul.f32 v7, v4  }
0x25c: {  	v9 =	vld [tilespmem:s12+$0x120];
	v11 =	vmul.f32 v11, v2;
	[tilespmem:s12+$0xC0] =	vst v3  }
0x25d: {  	s13 =	simm.s32 $0xA;
	v3 =	vmul.f32 v6, v4;
	v6 =	vld [tilespmem:s12+$0x130];
	[tilespmem:s12+$0xD0] =	vst v7;
	v4 =	vmul.f32 v5, v4  }
0x25e: {  	s21 =	simm.s32 $0x8;
	v13 =	vmov s13;
	v5 =	vld [tilespmem:s12+$0x140];
	[tilespmem:s12+$0x150] =	vst v11  }
0x25f: {  	s22 =	simm.s32 $0xF;
	s4 =	simm.s32 $0x9;
	v7 =	vmov s21;
	v10 =	vmul.f32 v10, v2;
	[tilespmem:s12+$0xF0] =	vst v4;
	v4 =	vmul.f32 v8, v2;
	v8 =	vld [tilespmem:s12+$0x160]  }
0x260: {  	s13 =	simm.s32 $0xB;
	v1 =	vld.idx.msk [tilespmem:v12+s16+$0x0], $0xffff;
	v12 =	vmov s4;
	s21 =	simm.s32 $0xC;
	[tilespmem:s12+$0xE0] =	vst v3;
	v7 =	vand.u32 $0xFFFFFFF8, v7;
	v3 =	vmov s22  }
0x261: {  	v17 =	vld [tilespmem:s12+$0x190];
	v15 =	vmov s21;
	s22 =	simm.s32 $0xD;
	[tilespmem:s12+$0x100] =	vst v10;
	v10 =	vmov s13;
	v9 =	vmul.f32 v9, v2  }
0x262: {  	v18 =	vmov s22;
	[tilespmem:s12+$0x110] =	vst v4;
	v16 =	vmul.f32 v6, v2;
	v4 =	vbroadcast v7, $0x0;
	v6 =	vld [tilespmem:s12+$0x1A0]  }
0x263: {  	v7 =	vld [tilespmem:s12+$0x1B0];
	[tilespmem:s12+$0x120] =	vst v9;
	v9 =	vmul.f32 v5, v2;
	v5 =	vand.u32 $0xFFFFFFF9, v12;
	v12 =	vand.u32 $0xFFFFFFFA, v13  }
0x264: {  	v13 =	vand.u32 $0xFFFFFFFB, v10;
	[tilespmem:s12+$0x130] =	vst v16;
	v5 =	vbroadcast v5, $0x0;
	v16 =	vmul.f32 v8, v2;
	v8 =	vld [tilespmem:s12+$0x1C0]  }
0x265: {  	v10 =	vbroadcast v12, $0x0;
	[tilespmem:s12+$0x140] =	vst v9;
	v2 =	vand.u32 $0xFFFFFFFC, v15;
	v15 =	vmul.f32 v14, v1;
	v9 =	vld [tilespmem:s12+$0x1D0]  }
0x266: {  	s3 =	simm.s32 $0x10;
	s4 =	simm.s32 $0xE;
	v11 =	vld [tilespmem:s12+$0x1E0];
	v12 =	vbroadcast v13, $0x0;
	v13 =	vmul.f32 v17, v1;
	v14 =	vand.u32 $0xFFFFFFFD, v18;
	[tilespmem:s12+$0x160] =	vst v16  }
.LBB2_18:
0x267: {  	p5 =	slt.u32 s3, $0x48;
	v2 =	vbroadcast v2, $0x0;
	v16 =	vmov s4;
	[tilespmem:s12+$0x180] =	vst v15;
	v6 =	vmul.f32 v6, v1;
	v15 =	vld [tilespmem:s12+$0x1F0]  }
0x268: {  	v14 =	vbroadcast v14, $0x0;
	v16 =	vand.u32 $0xFFFFFFFE, v16;
	v17 =	vld.idx.msk [tilespmem:v3+s16+$0x0], $0xffff;
	[tilespmem:s12+$0x190] =	vst v13;
	v3 =	vmul.f32 v7, v1  }
0x269: {  	v7 =	vld.idx.msk [tilespmem:v4+s16+$0x0], $0xffff;
	v13 =	vbroadcast v16, $0x0;
	[tilespmem:s12+$0x1A0] =	vst v6;
	v4 =	vmul.f32 v8, v1  }
0x26a: {  	v6 =	vld.idx.msk [tilespmem:v5+s16+$0x0], $0xffff;
	[tilespmem:s12+$0x1B0] =	vst v3;
	v3 =	vmul.f32 v9, v1  }
0x26b: {  	v8 =	vld.idx.msk [tilespmem:v10+s16+$0x0], $0xffff;
	[tilespmem:s12+$0x1C0] =	vst v4;
	v9 =	vmul.f32 v11, v1  }
0x26c: {  	v5 =	vld.idx.msk [tilespmem:v12+s16+$0x0], $0xffff;
	[tilespmem:s12+$0x1D0] =	vst v3;
	v10 =	vmul.f32 v15, v1  }
0x26d: {  	v4 =	vld.idx.msk [tilespmem:v2+s16+$0x0], $0xffff;
	[tilespmem:s12+$0x1E0] =	vst v9  }
0x26e: {  	v1 =	vmov v17;
	v3 =	vld.idx.msk [tilespmem:v14+s16+$0x0], $0xffff;
	[tilespmem:s12+$0x1F0] =	vst v10  }
0x26f: {  	s12 =	sadd.s32 $0x400, s12;
	v2 =	vld.idx.msk [tilespmem:v13+s16+$0x0], $0xffff  }
0x270: {  	v9 =	vld [tilespmem:s12+$0x170]  }
0x271: {  	v10 =	vld [tilespmem:s12+$0xFFFFFE00]  }
0x272: {  	v11 =	vld [tilespmem:s12+$0xFFFFFE10]  }
0x273: {  	v12 =	vld [tilespmem:s12+$0xFFFFFE20]  }
0x274: {  	v13 =	vld [tilespmem:s12+$0xFFFFFE30]  }
0x275: {  	v14 =	vld [tilespmem:s12+$0xFFFFFE40];
	v9 =	vmul.f32 v9, v2  }
0x276: {  	v10 =	vmul.f32 v10, v7;
	v15 =	vld [tilespmem:s12+$0xFFFFFE50]  }
0x277: {  	v11 =	vmul.f32 v11, v7;
	v16 =	vld [tilespmem:s12+$0xFFFFFE60];
	[tilespmem:s12+$0x170] =	vst v9  }
0x278: {  	[tilespmem:s12+$0xFFFFFE00] =	vst v10;
	v9 =	vmul.f32 v12, v7;
	v10 =	vld [tilespmem:s12+$0xFFFFFE70]  }
0x279: {  	[tilespmem:s12+$0xFFFFFE10] =	vst v11;
	v11 =	vmul.f32 v13, v7;
	v12 =	vld [tilespmem:s12+$0xFFFFFE80]  }
0x27a: {  	[tilespmem:s12+$0xFFFFFE20] =	vst v9;
	v9 =	vmul.f32 v14, v7;
	v13 =	vld [tilespmem:s12+$0xFFFFFE90]  }
0x27b: {  	[tilespmem:s12+$0xFFFFFE30] =	vst v11;
	v11 =	vmul.f32 v15, v7;
	v14 =	vld [tilespmem:s12+$0xFFFFFEA0]  }
0x27c: {  	[tilespmem:s12+$0xFFFFFE40] =	vst v9;
	v9 =	vmul.f32 v16, v7;
	v15 =	vld [tilespmem:s12+$0xFFFFFEB0]  }
0x27d: {  	[tilespmem:s12+$0xFFFFFE50] =	vst v11;
	v7 =	vmul.f32 v10, v7;
	v10 =	vld [tilespmem:s12+$0xFFFFFEC0]  }
0x27e: {  	[tilespmem:s12+$0xFFFFFE60] =	vst v9;
	v9 =	vmul.f32 v12, v6;
	v11 =	vld [tilespmem:s12+$0xFFFFFED0]  }
0x27f: {  	[tilespmem:s12+$0xFFFFFE70] =	vst v7;
	v7 =	vmul.f32 v13, v6;
	v12 =	vld [tilespmem:s12+$0xFFFFFEE0]  }
0x280: {  	[tilespmem:s12+$0xFFFFFE80] =	vst v9;
	v9 =	vmul.f32 v14, v6;
	v13 =	vld [tilespmem:s12+$0xFFFFFEF0]  }
0x281: {  	[tilespmem:s12+$0xFFFFFE90] =	vst v7;
	v7 =	vmul.f32 v15, v6;
	v14 =	vld [tilespmem:s12+$0xFFFFFF00]  }
0x282: {  	[tilespmem:s12+$0xFFFFFEA0] =	vst v9;
	v9 =	vmul.f32 v10, v6;
	v10 =	vld [tilespmem:s12+$0xFFFFFF10]  }
0x283: {  	[tilespmem:s12+$0xFFFFFEB0] =	vst v7;
	v7 =	vmul.f32 v11, v6;
	v11 =	vld [tilespmem:s12+$0xFFFFFF20]  }
0x284: {  	[tilespmem:s12+$0xFFFFFEC0] =	vst v9;
	v9 =	vmul.f32 v12, v6;
	v12 =	vld [tilespmem:s12+$0xFFFFFF30]  }
0x285: {  	[tilespmem:s12+$0xFFFFFED0] =	vst v7;
	v6 =	vmul.f32 v13, v6;
	v7 =	vld [tilespmem:s12+$0xFFFFFF40]  }
0x286: {  	[tilespmem:s12+$0xFFFFFEE0] =	vst v9;
	v9 =	vmul.f32 v14, v8;
	v13 =	vld [tilespmem:s12+$0xFFFFFF50]  }
0x287: {  	[tilespmem:s12+$0xFFFFFEF0] =	vst v6;
	v6 =	vmul.f32 v10, v8;
	v10 =	vld [tilespmem:s12+$0xFFFFFF60]  }
0x288: {  	[tilespmem:s12+$0xFFFFFF00] =	vst v9;
	v9 =	vmul.f32 v11, v8;
	v11 =	vld [tilespmem:s12+$0xFFFFFF70]  }
0x289: {  	[tilespmem:s12+$0xFFFFFF10] =	vst v6;
	v6 =	vmul.f32 v12, v8;
	v12 =	vld [tilespmem:s12+$0xFFFFFF80]  }
0x28a: {  	[tilespmem:s12+$0xFFFFFF20] =	vst v9;
	v7 =	vmul.f32 v7, v8;
	v9 =	vld [tilespmem:s12+$0xFFFFFF90]  }
0x28b: {  	[tilespmem:s12+$0xFFFFFF30] =	vst v6;
	v6 =	vmul.f32 v13, v8;
	v13 =	vld [tilespmem:s12+$0xFFFFFFA0]  }
0x28c: {  	[tilespmem:s12+$0xFFFFFF40] =	vst v7;
	v7 =	vmul.f32 v10, v8;
	v10 =	vld [tilespmem:s12+$0xFFFFFFB0]  }
0x28d: {  	[tilespmem:s12+$0xFFFFFF50] =	vst v6;
	v6 =	vmul.f32 v11, v8;
	v8 =	vld [tilespmem:s12+$0xFFFFFFC0]  }
0x28e: {  	[tilespmem:s12+$0xFFFFFF60] =	vst v7;
	v7 =	vmul.f32 v12, v5;
	v11 =	vld [tilespmem:s12+$0xFFFFFFD0]  }
0x28f: {  	[tilespmem:s12+$0xFFFFFF70] =	vst v6;
	v6 =	vmul.f32 v9, v5;
	v9 =	vld [tilespmem:s12+$0xFFFFFFE0]  }
0x290: {  	[tilespmem:s12+$0xFFFFFF80] =	vst v7;
	v7 =	vmul.f32 v13, v5;
	v12 =	vld [tilespmem:s12+$0xFFFFFFF0]  }
0x291: {  	[tilespmem:s12+$0xFFFFFF90] =	vst v6;
	v6 =	vmul.f32 v10, v5;
	v10 =	vld [tilespmem:s12+$0x0]  }
0x292: {  	[tilespmem:s12+$0xFFFFFFA0] =	vst v7;
	v7 =	vmul.f32 v8, v5;
	v8 =	vld [tilespmem:s12+$0x10]  }
0x293: {  	[tilespmem:s12+$0xFFFFFFB0] =	vst v6;
	v6 =	vmul.f32 v11, v5;
	v11 =	vld [tilespmem:s12+$0x20]  }
0x294: {  	[tilespmem:s12+$0xFFFFFFC0] =	vst v7;
	v7 =	vmul.f32 v9, v5;
	v9 =	vld [tilespmem:s12+$0x30]  }
0x295: {  	[tilespmem:s12+$0xFFFFFFD0] =	vst v6;
	v5 =	vmul.f32 v12, v5;
	v6 =	vld [tilespmem:s12+$0x40]  }
0x296: {  	[tilespmem:s12+$0xFFFFFFE0] =	vst v7;
	v7 =	vmul.f32 v10, v4;
	v10 =	vld [tilespmem:s12+$0x50]  }
0x297: {  	[tilespmem:s12+$0xFFFFFFF0] =	vst v5;
	v5 =	vmul.f32 v8, v4;
	v8 =	vld [tilespmem:s12+$0x60]  }
0x298: {  	[tilespmem:s12+$0x0] =	vst v7;
	v7 =	vmul.f32 v11, v4;
	v11 =	vld [tilespmem:s12+$0x70]  }
0x299: {  	[tilespmem:s12+$0x10] =	vst v5;
	v5 =	vmul.f32 v9, v4;
	v9 =	vld [tilespmem:s12+$0x80]  }
0x29a: {  	[tilespmem:s12+$0x20] =	vst v7;
	v6 =	vmul.f32 v6, v4;
	v7 =	vld [tilespmem:s12+$0x90]  }
0x29b: {  	[tilespmem:s12+$0x30] =	vst v5;
	v5 =	vmul.f32 v10, v4;
	v10 =	vld [tilespmem:s12+$0xA0]  }
0x29c: {  	[tilespmem:s12+$0x40] =	vst v6;
	v6 =	vmul.f32 v8, v4;
	v8 =	vld [tilespmem:s12+$0xB0]  }
0x29d: {  	[tilespmem:s12+$0x50] =	vst v5;
	v4 =	vmul.f32 v11, v4;
	v5 =	vld [tilespmem:s12+$0xC0]  }
0x29e: {  	[tilespmem:s12+$0x60] =	vst v6;
	v6 =	vmul.f32 v9, v3;
	v9 =	vld [tilespmem:s12+$0xD0]  }
0x29f: {  	[tilespmem:s12+$0x70] =	vst v4;
	v4 =	vmul.f32 v7, v3;
	v7 =	vld [tilespmem:s12+$0xE0]  }
0x2a0: {  	[tilespmem:s12+$0x80] =	vst v6;
	v6 =	vmul.f32 v10, v3;
	v10 =	vld [tilespmem:s12+$0xF0]  }
0x2a1: {  	[tilespmem:s12+$0x90] =	vst v4;
	v4 =	vmul.f32 v8, v3;
	v8 =	vld [tilespmem:s12+$0x100]  }
0x2a2: {  	[tilespmem:s12+$0xA0] =	vst v6;
	v5 =	vmul.f32 v5, v3;
	v6 =	vld [tilespmem:s12+$0x110]  }
0x2a3: {  	[tilespmem:s12+$0xB0] =	vst v4;
	v4 =	vmul.f32 v9, v3;
	v9 =	vld [tilespmem:s12+$0x120]  }
0x2a4: {  	[tilespmem:s12+$0xC0] =	vst v5;
	v5 =	vmul.f32 v7, v3;
	v7 =	vld [tilespmem:s12+$0x130]  }
0x2a5: {  	[tilespmem:s12+$0xD0] =	vst v4;
	v4 =	vmul.f32 v10, v3;
	v10 =	vld [tilespmem:s12+$0x140]  }
0x2a6: {  	s4 =	sadd.s32 $0x7, s3;
	v3 =	vmov s3;
	[tilespmem:s12+$0xE0] =	vst v5;
	v5 =	vmul.f32 v8, v2;
	v8 =	vld [tilespmem:s12+$0x150]  }
0x2a7: {  	s13 =	sadd.s32 $0x1, s3;
	s21 =	sadd.s32 $0x2, s3;
	v11 =	vand.u32 $0xFFFFFFF8, v3;
	v3 =	vmov s4;
	[tilespmem:s12+$0xF0] =	vst v4;
	v4 =	vmul.f32 v6, v2;
	v12 =	vld [tilespmem:s12+$0x160]  }
0x2a8: {  	v14 =	vmov s21;
	v13 =	vmov s13;
	s13 =	sadd.s32 $0x4, s3;
	s4 =	sadd.s32 $0x3, s3;
	[tilespmem:s12+$0x100] =	vst v5;
	v5 =	vmul.f32 v9, v2;
	v9 =	vld [tilespmem:s12+$0x180]  }
0x2a9: {  	v16 =	vmov s13;
	v15 =	vmov s4;
	s4 =	sadd.s32 $0x5, s3;
	[tilespmem:s12+$0x110] =	vst v4;
	v7 =	vmul.f32 v7, v2;
	v17 =	vld [tilespmem:s12+$0x190]  }
.Ltmp12:
0x2aa: {  	v4 =	vbroadcast v11, $0x0;
	v11 =	vmov s4;
	[tilespmem:s12+$0x120] =	vst v5;
	v10 =	vmul.f32 v10, v2;
	v6 =	vld [tilespmem:s12+$0x1A0];
	(pc) =	sbr.rel @p5 .LBB2_18-.Ltmp12, $4  }
0x2ab: {  	v5 =	vand.u32 $0xFFFFFFF9, v13;
	v13 =	vand.u32 $0xFFFFFFFA, v14;
	[tilespmem:s12+$0x130] =	vst v7;
	v14 =	vmul.f32 v8, v2;
	v7 =	vld [tilespmem:s12+$0x1B0]  }
0x2ac: {  	v18 =	vand.u32 $0xFFFFFFFB, v15;
	v5 =	vbroadcast v5, $0x0;
	[tilespmem:s12+$0x140] =	vst v10;
	v19 =	vmul.f32 v12, v2;
	v8 =	vld [tilespmem:s12+$0x1C0]  }
0x2ad: {  	v10 =	vbroadcast v13, $0x0;
	v2 =	vand.u32 $0xFFFFFFFC, v16;
	[tilespmem:s12+$0x150] =	vst v14;
	v15 =	vmul.f32 v9, v1;
	v9 =	vld [tilespmem:s12+$0x1D0]  }
0x2ae: {  	s4 =	sadd.s32 $0x6, s3;
	s3 =	sadd.s32 $0x8, s3;
	v12 =	vbroadcast v18, $0x0;
	v14 =	vand.u32 $0xFFFFFFFD, v11;
	[tilespmem:s12+$0x160] =	vst v19;
	v13 =	vmul.f32 v17, v1;
	v11 =	vld [tilespmem:s12+$0x1E0]  }
0x2af: {  	_ =	sdelay $0x2  }
0x2b0: {  	v16 =	vld [tilespmem:s12+$0x1F0]  }
0x2b1: {  	v18 =	vld.idx.msk [tilespmem:v4+s16+$0x0], $0xffff  }
0x2b2: {  	v23 =	vld.idx.msk [tilespmem:v5+s16+$0x0], $0xffff  }
0x2b3: {  	v22 =	vbroadcast v2, $0x0;
	v2 =	vmov s4;
	v10 =	vld.idx.msk [tilespmem:v10+s16+$0x0], $0xffff  }
0x2b4: {  	v17 =	vand.u32 $0xFFFFFFFE, v2;
	v2 =	vld.idx.msk [tilespmem:v3+s16+$0x0], $0xffff  }
0x2b5: {  	s3 =	sadd.s32 $0x400, s12;
	v12 =	vld.idx.msk [tilespmem:v12+s16+$0x0], $0xffff  }
0x2b6: {  	v24 =	vld [tilespmem:s3+$0x170]  }
0x2b7: {  	v26 =	vld [tilespmem:s3+$0xFFFFFE00]  }
0x2b8: {  	v28 =	vld [tilespmem:s3+$0xFFFFFE10]  }
0x2b9: {  	[tilespmem:s12+$0x180] =	vst v15;
	v6 =	vmul.f32 v6, v1;
	v30 =	vld [tilespmem:s3+$0xFFFFFE20]  }
0x2ba: {  	[tilespmem:s12+$0x190] =	vst v13;
	v7 =	vmul.f32 v7, v1;
	v31 =	vld [tilespmem:s3+$0xFFFFFE30]  }
0x2bb: {  	v32 =	vld [tilespmem:s3+$0xFFFFFE40];
	[tilespmem:s12+$0x1A0] =	vst v6;
	v25 =	vmul.f32 v8, v1  }
0x2bc: {  	v33 =	vld [tilespmem:s3+$0xFFFFFE50];
	[tilespmem:s12+$0x1B0] =	vst v7;
	v27 =	vmul.f32 v9, v1  }
0x2bd: {  	v34 =	vld [tilespmem:s3+$0xFFFFFE60];
	[tilespmem:s12+$0x1C0] =	vst v25;
	v29 =	vmul.f32 v11, v1  }
0x2be: {  	v35 =	vld [tilespmem:s3+$0xFFFFFE70];
	[tilespmem:s12+$0x1D0] =	vst v27;
	v1 =	vmul.f32 v16, v1  }
0x2bf: {  	v36 =	vld [tilespmem:s3+$0xFFFFFE80];
	[tilespmem:s12+$0x1E0] =	vst v29;
	v9 =	vmul.f32 v28, v18  }
0x2c0: {  	v37 =	vld [tilespmem:s3+$0xFFFFFE90];
	[tilespmem:s12+$0x1F0] =	vst v1;
	v1 =	vmul.f32 v26, v18  }
0x2c1: {  	v39 =	vld [tilespmem:s3+$0xFFFFFEA0];
	v7 =	vmul.f32 v31, v18;
	[tilespmem:s3+$0xFFFFFE10] =	vst v9  }
0x2c2: {  	v40 =	vld [tilespmem:s3+$0xFFFFFEB0];
	[tilespmem:s3+$0xFFFFFE00] =	vst v1;
	v1 =	vmul.f32 v30, v18  }
0x2c3: {  	v42 =	vld [tilespmem:s3+$0xFFFFFEC0];
	v38 =	vmul.f32 v33, v18;
	[tilespmem:s3+$0xFFFFFE30] =	vst v7  }
0x2c4: {  	v43 =	vld [tilespmem:s3+$0xFFFFFED0];
	[tilespmem:s3+$0xFFFFFE20] =	vst v1;
	v1 =	vmul.f32 v32, v18  }
0x2c5: {  	v44 =	vld [tilespmem:s3+$0xFFFFFEE0];
	v41 =	vmul.f32 v35, v18;
	[tilespmem:s3+$0xFFFFFE50] =	vst v38  }
0x2c6: {  	v45 =	vld [tilespmem:s3+$0xFFFFFEF0];
	[tilespmem:s3+$0xFFFFFE40] =	vst v1;
	v1 =	vmul.f32 v34, v18  }
0x2c7: {  	v47 =	vld [tilespmem:s3+$0xFFFFFF00];
	v6 =	vmul.f32 v37, v23;
	[tilespmem:s3+$0xFFFFFE70] =	vst v41  }
0x2c8: {  	v48 =	vld [tilespmem:s3+$0xFFFFFF10];
	[tilespmem:s3+$0xFFFFFE60] =	vst v1;
	v1 =	vmul.f32 v36, v23  }
0x2c9: {  	v50 =	vld [tilespmem:s3+$0xFFFFFF20];
	v46 =	vmul.f32 v40, v23;
	[tilespmem:s3+$0xFFFFFE90] =	vst v6  }
0x2ca: {  	v51 =	vld [tilespmem:s3+$0xFFFFFF30];
	[tilespmem:s3+$0xFFFFFE80] =	vst v1;
	v1 =	vmul.f32 v39, v23  }
0x2cb: {  	v53 =	vld [tilespmem:s3+$0xFFFFFF40];
	v49 =	vmul.f32 v43, v23;
	[tilespmem:s3+$0xFFFFFEB0] =	vst v46  }
0x2cc: {  	v54 =	vld [tilespmem:s3+$0xFFFFFF50];
	[tilespmem:s3+$0xFFFFFEA0] =	vst v1;
	v1 =	vmul.f32 v42, v23  }
0x2cd: {  	v56 =	vld [tilespmem:s3+$0xFFFFFF60];
	v52 =	vmul.f32 v45, v23;
	[tilespmem:s3+$0xFFFFFED0] =	vst v49  }
0x2ce: {  	v57 =	vld [tilespmem:s3+$0xFFFFFF70];
	[tilespmem:s3+$0xFFFFFEC0] =	vst v1;
	v1 =	vmul.f32 v44, v23  }
0x2cf: {  	v14 =	vbroadcast v14, $0x0;
	v59 =	vld [tilespmem:s3+$0xFFFFFF80];
	v55 =	vmul.f32 v48, v10;
	[tilespmem:s3+$0xFFFFFEF0] =	vst v52  }
0x2d0: {  	v60 =	vld [tilespmem:s3+$0xFFFFFF90];
	[tilespmem:s3+$0xFFFFFEE0] =	vst v1;
	v1 =	vmul.f32 v47, v10  }
0x2d1: {  	v62 =	vld [tilespmem:s3+$0xFFFFFFA0];
	v58 =	vmul.f32 v51, v10;
	[tilespmem:s3+$0xFFFFFF10] =	vst v55  }
0x2d2: {  	v63 =	vld [tilespmem:s3+$0xFFFFFFB0];
	v3 =	vbroadcast v17, $0x0;
	[tilespmem:s3+$0xFFFFFF00] =	vst v1;
	v1 =	vmul.f32 v50, v10  }
0x2d3: {  	v15 =	vld [tilespmem:s3+$0xFFFFFFC0];
	v61 =	vmul.f32 v54, v10;
	[tilespmem:s3+$0xFFFFFF30] =	vst v58  }
0x2d4: {  	v19 =	vld [tilespmem:s3+$0xFFFFFFF0];
	[tilespmem:s3+$0xFFFFFF20] =	vst v1;
	v1 =	vmul.f32 v53, v10  }
0x2d5: {  	v4 =	vld.idx.msk [tilespmem:v14+s16+$0x0], $0xffff;
	v14 =	vmul.f32 v57, v10;
	[tilespmem:s3+$0xFFFFFF50] =	vst v61  }
0x2d6: {  	v5 =	vld.idx.msk [tilespmem:v22+s16+$0x0], $0xffff;
	[tilespmem:s3+$0xFFFFFF40] =	vst v1;
	v1 =	vmul.f32 v56, v10  }
0x2d7: {  	v17 =	vmul.f32 v60, v12;
	v22 =	vld [tilespmem:s3+$0x10];
	[tilespmem:s3+$0xFFFFFF70] =	vst v14  }
0x2d8: {  	v3 =	vld.idx.msk [tilespmem:v3+s16+$0x0], $0xffff;
	[tilespmem:s3+$0xFFFFFF60] =	vst v1;
	v1 =	vmul.f32 v59, v12  }
0x2d9: {  	v20 =	vmul.f32 v63, v12;
	[tilespmem:s3+$0xFFFFFF90] =	vst v17;
	v18 =	vld [tilespmem:s3+$0xFFFFFFE0]  }
0x2da: {  	v25 =	vld [tilespmem:s3+$0x30];
	[tilespmem:s3+$0xFFFFFF80] =	vst v1;
	v1 =	vmul.f32 v62, v12  }
0x2db: {  	v21 =	vld [tilespmem:s3+$0x0];
	v26 =	vmul.f32 v19, v12;
	[tilespmem:s3+$0xFFFFFFB0] =	vst v20  }
0x2dc: {  	v28 =	vld [tilespmem:s3+$0x50];
	[tilespmem:s3+$0xFFFFFFA0] =	vst v1;
	v1 =	vmul.f32 v15, v12  }
0x2dd: {  	[tilespmem:s3+$0xFFFFFFF0] =	vst v26;
	v29 =	vmul.f32 v22, v5;
	v13 =	vmul.f32 v24, v3;
	v24 =	vld [tilespmem:s3+$0x20]  }
0x2de: {  	v37 =	vld [tilespmem:s3+$0xB0];
	[tilespmem:s3+$0xFFFFFFC0] =	vst v1;
	v1 =	vmul.f32 v18, v12  }
0x2df: {  	v27 =	vld [tilespmem:s3+$0x40];
	v32 =	vmul.f32 v25, v5;
	[tilespmem:s3+$0x10] =	vst v29  }
0x2e0: {  	[tilespmem:s3+$0xFFFFFFE0] =	vst v1;
	v1 =	vmul.f32 v21, v5  }
0x2e1: {  	v30 =	vld [tilespmem:s3+$0x60];
	v35 =	vmul.f32 v28, v5;
	[tilespmem:s3+$0x30] =	vst v32  }
0x2e2: {  	v45 =	vld [tilespmem:s3+$0x110];
	[tilespmem:s3+$0x0] =	vst v1;
	v1 =	vmul.f32 v24, v5  }
0x2e3: {  	v33 =	vld [tilespmem:s3+$0x80];
	v43 =	vmul.f32 v37, v4;
	[tilespmem:s3+$0x50] =	vst v35  }
0x2e4: {  	v48 =	vld [tilespmem:s3+$0x130];
	[tilespmem:s3+$0x20] =	vst v1;
	v1 =	vmul.f32 v27, v5  }
0x2e5: {  	[tilespmem:s3+$0xB0] =	vst v43;
	v36 =	vld [tilespmem:s3+$0xA0]  }
0x2e6: {  	v34 =	vld [tilespmem:s3+$0x90];
	[tilespmem:s3+$0x40] =	vst v1;
	v1 =	vmul.f32 v30, v5  }
0x2e7: {  	v38 =	vld [tilespmem:s3+$0xC0];
	v51 =	vmul.f32 v45, v3;
	[tilespmem:s3+$0x170] =	vst v13  }
0x2e8: {  	v16 =	vld [tilespmem:s3+$0xFFFFFFD0];
	[tilespmem:s3+$0x60] =	vst v1;
	v1 =	vmul.f32 v33, v4  }
0x2e9: {  	v41 =	vld [tilespmem:s3+$0xE0];
	v54 =	vmul.f32 v48, v3;
	[tilespmem:s3+$0x110] =	vst v51  }
0x2ea: {  	v39 =	vld [tilespmem:s3+$0xD0];
	[tilespmem:s3+$0x80] =	vst v1;
	v1 =	vmul.f32 v36, v4  }
0x2eb: {  	[tilespmem:s3+$0x130] =	vst v54;
	v40 =	vmul.f32 v34, v4;
	v44 =	vld [tilespmem:s3+$0x100]  }
0x2ec: {  	v50 =	vld [tilespmem:s3+$0x150];
	[tilespmem:s3+$0xA0] =	vst v1;
	v1 =	vmul.f32 v38, v4  }
0x2ed: {  	[tilespmem:s3+$0x90] =	vst v40;
	v23 =	vmul.f32 v16, v12;
	v47 =	vld [tilespmem:s3+$0x120]  }
0x2ee: {  	v53 =	vld [tilespmem:s3+$0x180];
	[tilespmem:s3+$0xC0] =	vst v1;
	v1 =	vmul.f32 v41, v4  }
0x2ef: {  	v49 =	vld [tilespmem:s3+$0x140];
	v46 =	vmul.f32 v39, v4;
	[tilespmem:s3+$0xFFFFFFD0] =	vst v23  }
0x2f0: {  	v56 =	vld [tilespmem:s3+$0x1A0];
	[tilespmem:s3+$0xE0] =	vst v1;
	v1 =	vmul.f32 v44, v3  }
0x2f1: {  	v52 =	vld [tilespmem:s3+$0x160];
	[tilespmem:s3+$0xD0] =	vst v46;
	v57 =	vmul.f32 v50, v3  }
0x2f2: {  	v31 =	vld [tilespmem:s3+$0x70];
	[tilespmem:s3+$0x100] =	vst v1;
	v1 =	vmul.f32 v47, v3  }
0x2f3: {  	v55 =	vld [tilespmem:s3+$0x190];
	[tilespmem:s3+$0x150] =	vst v57;
	v59 =	vmul.f32 v53, v2  }
0x2f4: {  	v42 =	vld [tilespmem:s3+$0xF0];
	[tilespmem:s3+$0x120] =	vst v1;
	v1 =	vmul.f32 v49, v3  }
0x2f5: {  	v58 =	vld [tilespmem:s3+$0x1B0];
	[tilespmem:s3+$0x180] =	vst v59;
	v62 =	vmul.f32 v56, v2  }
0x2f6: {  	[tilespmem:s3+$0x140] =	vst v1;
	v1 =	vmul.f32 v52, v3;
	v3 =	vld [tilespmem:s3+$0x1C0]  }
0x2f7: {  	v60 =	vld [tilespmem:s3+$0x1D0];
	[tilespmem:s3+$0x1A0] =	vst v62;
	v5 =	vmul.f32 v31, v5  }
0x2f8: {  	v61 =	vld [tilespmem:s3+$0x1E0];
	[tilespmem:s3+$0x160] =	vst v1;
	v1 =	vmul.f32 v55, v2  }
0x2f9: {  	v63 =	vld [tilespmem:s3+$0x1F0];
	[tilespmem:s3+$0x70] =	vst v5;
	v4 =	vmul.f32 v42, v4  }
0x2fa: {  	[tilespmem:s3+$0x190] =	vst v1;
	v1 =	vmul.f32 v58, v2  }
0x2fb: {  	[tilespmem:s3+$0xF0] =	vst v4;
	v3 =	vmul.f32 v3, v2  }
0x2fc: {  	[tilespmem:s3+$0x1B0] =	vst v1;
	v1 =	vmul.f32 v60, v2  }
.Ltmp13:
0x2fd: {  	[tilespmem:s3+$0x1C0] =	vst v3;
	v3 =	vmul.f32 v61, v2;
	(pc) =	sbr.rel .LBB2_20-.Ltmp13, $4  }
0x2fe: {  	[tilespmem:s3+$0x1D0] =	vst v1;
	v1 =	vmul.f32 v63, v2  }
0x2ff: {  	[tilespmem:s3+$0x1E0] =	vst v3  }
0x300: {  	[tilespmem:s3+$0x1F0] =	vst v1  }
0x301: {  	[spmem:s1] =	stream.indirect.scatter.add.f32 [tilespmem:s11], [sflag:$0x4], $0x80, s14, s29, $0xb8;
	[tilespmem:$0x1DE78] =	vst v63  }
.LBB2_22:
0x302: {  	_ =	sfence.sel $0x180000  }
0x303: {  	[bflag:$0x0] =	sbarrier.arrive $0xFFFF  }
0x304: {  	_ =	strace $0x9000004A  }
0x305: {  	[bflag:$0x2] =	sbarrier.arrive $0xFFFF  }
0x306: {  	p0 =	sne.s32 s22, $0x0;
	s0 =	rddreg [dreg:$0x3]  }
0x307: {  	s0 =	sadd.s32 @!p0 $0x100000, s0  }
0x308: {  	[sflag:s0] =	ssyncadd.tile.s32 @!p0 $0x1;
	_ =	shalt  }
.Lfunc_end2:
_tile_overlayer_lowered:
.L_overlay_start_2:
0x309: {  	(tag) =	ssettag $0x2  }
0x30a: {  	s0 =	rddreg [dreg:$0x0];
	s2 =	stileid.u32  }
0x30b: {  	s1 =	rddreg [dreg:$0x1];
	p0 =	sne.s32 s2, $0x0  }
0x30c: {  	s3 =	rddreg [dreg:$0x2];
	[bflag:$0x3] =	sbarrier.arrive $0xFFFF;
	s2 =	simm.s32 @!p0 $0x1C07  }
0x30d: {  	[timem:s3], [sflag:s2] =	dma.local @!p0 [hbm:s0], s1  }
0x30e: {  	s0 =	simm.s32 @!p0 $0x7  }
0x30f: {  	_ =	swait.ge @!p0 [sflag:s0], s1  }
0x310: {  	s1 =	ssub.s32 @!p0 $0x0, s1;
	[sflag:s0] =	ssyncset.done @!p0 $0x0  }
0x311: {  	[sflag:s0] =	ssyncadd.s32 @!p0 s1  }
0x312: {  	[bflag:$0x3] =	sbarrier.arrive $0xFFFF  }
0x313: {  	_ =	shalt  }

// kernel: kernel.7.cloned.1.call-start
scs
__scs_entry_jumppad:
0x0: {  	(pc) =	sbr.rel $0x88, $3  }
0x1: {  	(tag) =	ssettag $0x0;
	lr =	simm.s32 $0x1  }
0x2: {  	[smem:$0x3F94] =	sst lr;
	_ =	strace $0xD0000000  }
0x3: {  	_ = 	snop  }
0x4: {  	_ = 	snop  }
0x5: {  	_ = 	snop  }
0x6: {  	_ = 	snop  }
0x7: {  	_ = 	snop  }
__scs_overlays_trampoline_lowered:
0x8: {  	[smem:$0x3FA3] =	sst s0  }
0x9: {  	[smem:$0x3FA4] =	sst s1  }
0xa: {  	[smem:$0x3FA5] =	sst s2  }
0xb: {  	[smem:$0x3FA6] =	sst s3  }
0xc: {  	[smem:$0x3FA7] =	sst s4  }
0xd: {  	[smem:$0x3FA8] =	sst s5  }
0xe: {  	[smem:$0x3FA9] =	sst s6  }
0xf: {  	[smem:$0x3FAA] =	sst s7  }
0x10: {  	[smem:$0x3FAB] =	sst s8  }
0x11: {  	[smem:$0x3FAC] =	sst s9;
	s0 =	simm.s32 @!p0 $0x0  }
0x12: {  	s1 =	sld [smem:$0x3F92];
	s0 =	simm.s32 @p0 $0x1  }
0x13: {  	[smem:$0x3FAD] =	sst s0;
	s0 =	simm.s32 @!p1 $0x0  }
0x14: {  	s2 =	sld [smem:$0x3F91];
	s0 =	simm.s32 @p1 $0x1  }
0x15: {  	[smem:$0x3FAE] =	sst s0;
	s0 =	simm.s32 @!p2 $0x0  }
0x16: {  	s3 =	sld [smem:$0x3FDB];
	s0 =	simm.s32 @p2 $0x1  }
0x17: {  	s4 =	simm.s32 $0x1BF5;
	[smem:$0x3FB0] =	sst s0  }
0x18: {  	s0 =	sld [smem:$0x3F93];
	_ =	swait.ge [sflag:s4], $0x0  }
0x19: {  	s7 =	sld [smem:$0x3F94]  }
0x1a: {  	s8 =	sadd.s32 $0xFFFFE003, lr  }
0x1b: {  	s9 =	sadd.s32 $0xFFFFFEF7, lr;
	s5 =	simm.s32 $0xFFFFFFFF;
	p2 =	slt.u32 s8, $0xFFFFF086  }
0x1c: {  	p1 =	slt.u32 s9, $0xF7A;
	s5 =	simm.s32 @!p2 $0x0  }
0x1d: {  	s5 =	simm.s32 @p1 $0x1;
	p0 =	seq.s32 s7, s2  }
0x1e: {  	s7 =	smul.u32 @!p0 $0xF7A, s2;
	p2 =	seq.s32 @!p0 s5, $0x0  }
0x1f: {  	s9 =	smul.u32 $0xF7A, s1;
	s8 =	simm.s32 @!p0 $0x1BF5;
	p2 =	por !p2, p0  }
0x20: {  	[sflag:s8] =	ssyncset.s32 @!p0 $0xFFFFF086;
	s6 =	sadd.s32 @!p0 s3, s7;
	s7 =	simm.s32 @!p0 $0x108  }
0x21: {  	s3 =	sadd.s32 s3, s9;
	s6 =	sadd.s32 @!p0 $0x88, s6;
	s7 =	simm.s32 @p2 $0x1082  }
0x22: {  	[simem:s7], [sflag:s8] =	dma.local @!p0 [hbm:s6], $0xF7A  }
0x23: {  	s9 =	sor.u32 $0xD0000000, s2;
	s6 =	simm.s32 $0x108;
	_ =	swait.ge @!p0 [sflag:s8], $0x0  }
0x24: {  	s3 =	sadd.s32 $0x88, s3;
	s6 =	simm.s32 @!p1 $0x1082;
	[sflag:s4] =	ssyncset.s32 $0xFFFFF086  }
0x25: {  	[simem:s6], [sflag:s4] =	dma.local [hbm:s3], $0xF7A  }
0x26: {  	[smem:$0x3F94] =	sst s1;
	(tag) =	ssettag s2;
	_ =	strace s9  }
0x27: {  	s1 =	sld [smem:$0x3FA4]  }
0x28: {  	s2 =	sld [smem:$0x3FA5]  }
0x29: {  	s4 =	sld [smem:$0x3FA7]  }
0x2a: {  	p0 =	seq.s32 s5, $0x0;
	s5 =	sld [smem:$0x3FA8]  }
0x2b: {  	s6 =	sld [smem:$0x3FA9]  }
0x2c: {  	s7 =	sld [smem:$0x3FAA]  }
0x2d: {  	s3 =	simm.s32 $0x108;
	s8 =	sld [smem:$0x3FAB]  }
0x2e: {  	s3 =	simm.s32 @!p0 $0x1082;
	s9 =	sld [smem:$0x3FAC]  }
0x2f: {  	lr =	sadd.s32 s0, s3;
	s0 =	sld [smem:$0x3FA3]  }
0x30: {  	s3 =	sld [smem:$0x3FA6]  }
0x31: {  	[smem:$0x3FAF] =	sst s10  }
0x32: {  	s10 =	sld [smem:$0x3FAD];
	_ =	sdelay $0x3  }
0x33: {  	p0 =	seq.s32 s10, $0x1;
	s10 =	sld [smem:$0x3FAF];
	_ =	sdelay $0x3  }
0x34: {  	[smem:$0x3FAF] =	sst s10  }
0x35: {  	s10 =	sld [smem:$0x3FAE];
	_ =	sdelay $0x3  }
0x36: {  	p1 =	seq.s32 s10, $0x1;
	s10 =	sld [smem:$0x3FAF];
	_ =	sdelay $0x3  }
0x37: {  	[smem:$0x3FAF] =	sst s10  }
0x38: {  	s10 =	sld [smem:$0x3FB0]  }
0x39: {  	_ = 	snop;
	(pc) =	sbr.ind lr, $3  }
0x3a: {  	_ = 	snop  }
0x3b: {  	_ = 	snop  }
0x3c: {  	p2 =	seq.s32 s10, $0x1;
	s10 =	sld [smem:$0x3FAF]  }
0x3d: {  	_ =	shalt  }
0x3e: {  	_ =	shalt  }
0x3f: {  	_ =	shalt  }
0x40: {  	_ =	shalt  }
0x41: {  	_ =	shalt  }
0x42: {  	_ =	shalt  }
0x43: {  	_ =	shalt  }
0x44: {  	_ =	shalt  }
0x45: {  	_ =	shalt  }
0x46: {  	_ =	shalt  }
0x47: {  	_ =	shalt  }
0x48: {  	_ =	shalt  }
0x49: {  	_ =	shalt  }
0x4a: {  	_ =	shalt  }
0x4b: {  	_ =	shalt  }
0x4c: {  	_ =	shalt  }
0x4d: {  	_ =	shalt  }
0x4e: {  	_ =	shalt  }
0x4f: {  	_ =	shalt  }
0x50: {  	_ =	shalt  }
0x51: {  	_ =	shalt  }
0x52: {  	_ =	shalt  }
0x53: {  	_ =	shalt  }
0x54: {  	_ =	shalt  }
0x55: {  	_ =	shalt  }
0x56: {  	_ =	shalt  }
0x57: {  	_ =	shalt  }
0x58: {  	_ =	shalt  }
0x59: {  	_ =	shalt  }
0x5a: {  	_ =	shalt  }
0x5b: {  	_ =	shalt  }
0x5c: {  	_ =	shalt  }
0x5d: {  	_ =	shalt  }
0x5e: {  	_ =	shalt  }
0x5f: {  	_ =	shalt  }
0x60: {  	_ =	shalt  }
0x61: {  	_ =	shalt  }
0x62: {  	_ =	shalt  }
0x63: {  	_ =	shalt  }
0x64: {  	_ =	shalt  }
0x65: {  	_ =	shalt  }
0x66: {  	_ =	shalt  }
0x67: {  	_ =	shalt  }
0x68: {  	_ =	shalt  }
0x69: {  	_ =	shalt  }
0x6a: {  	_ =	shalt  }
0x6b: {  	_ =	shalt  }
0x6c: {  	_ =	shalt  }
0x6d: {  	_ =	shalt  }
0x6e: {  	_ =	shalt  }
0x6f: {  	_ =	shalt  }
0x70: {  	_ =	shalt  }
0x71: {  	_ =	shalt  }
0x72: {  	_ =	shalt  }
0x73: {  	_ =	shalt  }
0x74: {  	_ =	shalt  }
0x75: {  	_ =	shalt  }
0x76: {  	_ =	shalt  }
0x77: {  	_ =	shalt  }
0x78: {  	_ =	shalt  }
0x79: {  	_ =	shalt  }
0x7a: {  	_ =	shalt  }
0x7b: {  	_ =	shalt  }
0x7c: {  	_ =	shalt  }
0x7d: {  	_ =	shalt  }
0x7e: {  	_ =	shalt  }
0x7f: {  	_ =	shalt  }
0x80: {  	_ =	shalt  }
0x81: {  	_ =	shalt  }
0x82: {  	_ =	shalt  }
0x83: {  	_ =	shalt  }
0x84: {  	_ =	shalt  }
0x85: {  	_ =	shalt  }
0x86: {  	_ =	shalt  }
0x87: {  	_ =	shalt  }
.Lfunc_end0:
.L_simem_size_0:
called_computation_lowered:
.L_overlay_start_0:
0x88: {  	s2 =	sld [smem:$0x3FD9]  }
0x89: {  	s3 =	sld [smem:$0x3FFE];
	_ =	sdelay $0x1  }
0x8a: {  	s1 =	srdreg.scid  }
0x8b: {  	s0 =	sand.u32 $0x1, s1  }
0x8c: {  	s16 =	sshll.u32 s0, $0xA;
	s2 =	sadd.s32 s3, s2  }
0x8d: {  	s2 =	sadd.s32 s2, s16  }
0x8e: {  	[smem:$0x3FBB] =	sst s2  }
0x8f: {  	_ = 	snop  }
0x90: {  	(tm) =	ssettm $0x1  }
0x91: {  	s17 =	sld [smem:$0x3FFB];
	_ =	sdelay $0x3  }
0x92: {  	_ =	strace s17  }
0x93: {  	s2 =	sld [smem:$0x3FFC];
	_ =	sdelay $0x3  }
0x94: {  	_ =	strace s2  }
0x95: {  	s2 =	sld [smem:$0x3FFD];
	_ =	sdelay $0x3  }
0x96: {  	_ =	strace s2  }
0x97: {  	_ =	strace $0x8FFFFFFF  }
0x98: {  	s18 =	sld [smem:$0x3FDB];
	_ =	sdelay $0x1  }
0x99: {  	s19 =	simm.s32 $_scs_section_size  }
0x9a: {  	s4 =	simm.s32 $_size__tile_overlayer_lowered;
	s5 =	simm.s32 $_tile_overlayer_lowered  }
0x9b: {  	s22 =	simm.s32 $0x1BFF;
	s21 =	sshll.u32 s5, $0x1;
	s2 =	sadd.s32 s19, s18  }
0x9c: {  	s6 =	simm.s32 $0x0;
	s20 =	sshll.u32 s4, $0x1;
	s4 =	sadd.s32 s21, s2  }
0x9d: {  	[timem:s6], [sflag:s22] =	dma.local [hbm:s4], s20  }
0x9e: {  	_ =	swait.ge [sflag:s22], s20  }
0x9f: {  	s3 =	ssub.s32 $0x0, s20;
	[sflag:s22] =	ssyncset.done $0x0  }
0xa0: {  	[sflag:s22] =	ssyncadd.s32 s3;
	_ =	sdelay $0x1  }
0xa1: {  	s23 =	simm.s32 $0x1B8B  }
0xa2: {  	_ =	swait.ge [sflag:s23], $0x1  }
0xa3: {  	[sflag:s23] =	ssyncset.done $0x0  }
0xa4: {  	s25 =	simm.s32 $0x1B8E;
	s24 =	sld [smem:$0x3FFE];
	[sflag:s23] =	ssyncadd.s32 $0xFFFFFFFF  }
0xa5: {  	s26 =	simm.s32 $execute0_lowered;
	[smem:$0x3FD2] =	sst s25  }
0xa6: {  	s4 =	sshll.u32 s26, $0x1;
	_ =	strace $0x80000046;
	[dreg:$0x1] =	wrdreg $0xFFFFFFFF  }
0xa7: {  	s28 =	simm.s32 $_size_execute0_lowered;
	s2 =	sadd.s32 s2, s4;
	[dreg:$0x0] =	wrdreg $0x0  }
0xa8: {  	s4 =	sshll.u32 s28, $0x1;
	[dreg:$0x2] =	wrdreg s2  }
0xa9: {  	[dreg:$0x3] =	wrdreg s4  }
0xaa: {  	[dreg:$0x4] =	wrdreg $0xC0  }
0xab: {  	_ =	task [dreg:s6], $0x5FFFF  }
0xac: {  	[dreg:$0x1] =	wrdreg $0xFFFFFFFF  }
0xad: {  	[dreg:$0x0] =	wrdreg $0x60  }
0xae: {  	[dreg:$0x2] =	wrdreg s24  }
0xaf: {  	[dreg:$0x3] =	wrdreg $0x0  }
0xb0: {  	[dreg:$0x4] =	wrdreg $0x138800  }
0xb1: {  	[dreg:$0x5] =	wrdreg $0x9  }
0xb2: {  	_ =	task.clear_ibuf [dreg:s6], $0x6FFFF;
	_ =	strace $0x90000046  }
0xb3: {  	s29 =	simm.s32 $0x9;
	_ =	strace $0x80000048  }
0xb4: {  	_ =	swait.ge [sflag:s29], $0x1  }
0xb5: {  	[sflag:s29] =	ssyncadd.s32 $0xFFFFFFFF  }
0xb6: {  	_ =	strace $0x90000048  }
0xb7: {  	_ =	sfence  }
0xb8: {  	s30 =	sld [smem:$0x0];
	_ =	sdelay $0x2  }
0xb9: {  	s31 =	sshll.u32 s1, $0xD;
	s1 =	sshrl.u32 s1, $0x2  }
0xba: {  	s3 =	sand.u32 $0x4000, s31;
	s1 =	sadd.s32 s1, s30  }
0xbb: {  	s0 =	sor.u32 s3, s0;
	s1 =	sshll.u32 s1, $0x11  }
0xbc: {  	s0 =	sor.u32 s1, s0  }
0xbd: {  	s0 =	sadd.s32 $0x8F2B, s0  }
0xbe: {  	[sflag:s0] =	ssyncadd.remote.s32 $0x1  }
0xbf: {  	_ =	sfence.sel $0xFFFF  }
0xc0: {  	[dreg:$0x0] =	wrdreg $0xFFFFFFFF;
	(pc) =	sbr.abs _section_cstart, $3  }
0xc1: {  	[dreg:$0x1] =	wrdreg $0xFFFFFFFF  }
0xc2: {  	_ =	task.clear_ibuf [dreg:s6], $0x2FFFF;
	_ =	strace $0x9FFFFFFF  }
0xc3: {  	(tm) =	ssettm $0x7FFFFFFF  }
tec
execute0_lowered:
.L_overlay_start_1:
0x0: {  	(tag) =	ssettag $0x1  }
0x1: {  	s0 =	rddreg [dreg:$0x0]  }
0x2: {  	s1 =	rddreg [dreg:$0x1]  }
0x3: {  	s2 =	rddreg [dreg:$0x2]  }
0x4: {  	s3 =	simm.s32 $0x0;
	s13 =	stileid.u32;
	s25 =	srdreg.scid  }
0x5: {  	s28 =	simm.s32 $0x16278;
	s30 =	simm.s32 $0x80;
	s31 =	simm.s32 $0x400  }
0x6: {  	s29 =	simm.s32 $0x50;
	[smem:$0x7FF] =	sst s3;
	s5 =	sadd.s32 $0xC00, s0  }
0x7: {  	s22 =	smul.u32 $0x2780, s13;
	s4 =	sadd.s32 $0x27E00, s0;
	s23 =	sadd.s32 $0x28400, s0  }
0x8: {  	s24 =	sadd.s32 $0x47E00, s0;
	s9 =	sadd.s32 $0x28A00, s0;
	s6 =	sadd.s32 $0x6F200, s0  }
0x9: {  	s26 =	sadd.s32 $0x70200, s0;
	_ =	strace $0x80000047;
	[dreg:$0x4] =	wrdreg s4  }
0xa: {  	s10 =	sshll.u32 s13, $0x1;
	s12 =	smul.u32 $0x4F000, s13;
	[dreg:$0x5] =	wrdreg s23  }
0xb: {  	s16 =	sadd.s32 $0x128400, s1;
	s19 =	smul.u32 $0x13C00, s13;
	[dreg:$0x6] =	wrdreg s24  }
0xc: {  	p0 =	sne.s32 s13, $0xF;
	p3 =	seq.s32 s13, $0xF;
	[dreg:$0x7] =	wrdreg s6  }
0xd: {  	s4 =	sand.u32 $0x1, s25;
	p2 =	sne.s32 @p0 s13, $0x0;
	[dreg:$0xa] =	wrdreg s16  }
0xe: {  	s6 =	simm.s32 $0x18DF8;
	s3 =	sadd.s32 s22, s0;
	s7 =	sshll.u32 s4, $0x4  }
0xf: {  	s8 =	ssub.s32 $0x2, s4;
	s10 =	sor.u32 s4, s10;
	s12 =	sshrl.u32 s12, $0x2  }
0x10: {  	s4 =	smul.u32 $0x138800, s4;
	p1 =	por p2, !p0;
	p2 =	por !p2, !p0  }
0x11: {  	s11 =	sshrl.u32 s8, $0x1;
	s7 =	sadd.s32 s7, s0;
	s17 =	smul.u32 $0x7D00, s10  }
0x12: {  	s3 =	sadd.s32 $0x48000, s3;
	s18 =	smul.u32 $0x280, s10;
	s14 =	sadd.s32 s12, s1  }
0x13: {  	s0 =	sadd.s32 $0x6D080, s0;
	s15 =	smul.u32 $0x7D, s10;
	[dreg:$0x8] =	wrdreg s3  }
0x14: {  	s10 =	simm.s32 $0x18AF8;
	s8 =	ssub.s32 s8, s11;
	[dreg:$0xb] =	wrdreg s0  }
0x15: {  	s21 =	sadd.s32 s19, s4;
	s4 =	sshrl.u32 s4, $0x3;
	s25 =	sadd.s32 $0x6F800, s7  }
0x16: {  	[dreg:$0x9] =	wrdreg s14;
	s7 =	simm.s32 $0x18BF8;
	s19 =	simm.s32 $0x1  }
0x17: {  	s11 =	sand.u32 $0xFF800, s17;
	s3 =	sand.u32 $0x380, s18;
	s22 =	sshrl.u32 s21, $0x3  }
0x18: {  	s23 =	sadd.s32 s26, s4;
	[dreg:$0xf] =	wrdreg s25;
	s25 =	simm.s32 $0x13AF8  }
0x19: {  	s17 =	simm.s32 $0x3;
	s18 =	simm.s32 $0x5;
	s20 =	sor.u32 s3, s11  }
0x1a: {  	s24 =	sadd.s32 $0x25080, s23;
	s11 =	simm.s32 $0x1B5F8;
	s0 =	sshrl.u32 s20, $0x3  }
0x1b: {  	s23 =	simm.s32 $0x0;
	[dreg:$0xe] =	wrdreg s24;
	s0 =	sadd.s32 s9, s0  }
0x1c: {  	s20 =	simm.s32 $0x2;
	[dreg:$0xc] =	wrdreg s0;
	s0 =	sadd.s32 s26, s22  }
0x1d: {  	s26 =	smax.u32 s8, $0x1;
	[dreg:$0xd] =	wrdreg s0;
	s0 =	sshll.u32 @p0 s13, $0x6  }
.Ltmp0:
0x1e: {  	[dreg:$0x10] =	wrdreg s26;
	s0 =	sor.u32 @p0 $0x1C07, s0;
	(pc) =	sbr.rel .LBB2_1-.Ltmp0, $4  }
0x1f: {  	s8 =	simm.s32 $0x18CF8;
	[dreg:$0x11] =	wrdreg s0;
	s0 =	sshrl.u32 @p0 s14, $0x3  }
0x20: {  	s26 =	simm.s32 $0x7;
	[dreg:$0x12] =	wrdreg s0;
	s0 =	sshrl.u32 @!p1 s2, $0x3  }
0x21: {  	s14 =	simm.s32 $0x18C78;
	[dreg:$0x13] =	wrdreg s0;
	s0 =	sshrl.u32 @!p0 s16, $0x3  }
0x22: {  	s16 =	simm.s32 $0x18D78;
	[dreg:$0x14] =	wrdreg s0;
	s0 =	simm.s32 $0x189F8  }
.LBB2_21:
0x23: {  	_ =	swait.ge [sflag:s17], $0x2800  }
0x24: {  	[sflag:s17] =	ssyncset.done $0x0  }
0x25: {  	[sflag:s17] =	ssyncadd.s32 $0xFFFFD800  }
0x26: {  	_ =	swait.ge [sflag:s18], $0x50  }
0x27: {  	[sflag:s18] =	ssyncset.done $0x0  }
0x28: {  	s3 =	simm.s32 $0x4;
	[sflag:s18] =	ssyncadd.s32 $0xFFFFFFB0  }
0x29: {  	_ =	swait.ge [sflag:s3], $0x2800  }
0x2a: {  	[sflag:s3] =	ssyncset.done $0x0  }
0x2b: {  	s22 =	simm.s32 $0x6;
	[sflag:s3] =	ssyncadd.s32 $0xFFFFD800  }
0x2c: {  	_ =	swait.ge [sflag:s22], $0x50  }
0x2d: {  	[sflag:s22] =	ssyncset.done $0x0  }
0x2e: {  	[sflag:s22] =	ssyncadd.s32 $0xFFFFFFB0  }
0x2f: {  	[bflag:$0x0] =	sbarrier.arrive $0xFFFF  }
0x30: {  	s3 =	rddreg [dreg:$0xa]  }
0x31: {  	s4 =	simm.s32 @p3 $0x1FC7;
	s12 =	rddreg [dreg:$0xe];
	s3 =	sshrl.u32 @p3 s3, $0x3  }
0x32: {  	[hbm:s12], [sflag:s4] =	dma.local @p3 [spmem:s3], $0x2080  }
0x33: {  	s3 =	simm.s32 @p3 $0x7  }
0x34: {  	s12 =	stileid.u32;
	_ =	swait.ge @p3 [sflag:s3], $0x2080  }
0x35: {  	s4 =	sshll.u32 @!p3 s12, $0x6;
	[sflag:s3] =	ssyncset.done @p3 $0x0  }
0x36: {  	[sflag:s3] =	ssyncadd.s32 @p3 $0xFFFFDF80;
	s3 =	sor.u32 @!p3 $0x1C07, s4;
	s4 =	rddreg [dreg:$0x9]  }
0x37: {  	s13 =	rddreg [dreg:$0xd];
	s4 =	sshrl.u32 @!p3 s4, $0x3  }
0x38: {  	[hbm:s13], [sflag:s3] =	dma.local @!p3 [spmem:s4], $0x2780  }
0x39: {  	s21 =	simm.s32 @p4 $0x10;
	s3 =	simm.s32 @!p3 $0x7  }
0x3a: {  	s4 =	sshll.u32 @p4 s12, $0x6;
	s12 =	simm.s32 @p4 $0x1;
	_ =	swait.ge @!p3 [sflag:s3], $0x2780  }
0x3b: {  	s13 =	simm.s32 @p4 $0x20;
	[sflag:s3] =	ssyncset.done @!p3 $0x0;
	s24 =	rddreg [dreg:$0xf]  }
0x3c: {  	[sflag:s3] =	ssyncadd.s32 @!p3 $0xFFFFD880;
	s3 =	sor.u32 @p4 $0x1C07, s4;
	s4 =	sshrl.u32 @p4 s2, $0x3  }
0x3d: {  	[hbm:s24@s13], [sflag:s3] =	dma.strided @p4 [spmem:s4@s21], $0x4F0, s12, $0x10   }
0x3e: {  	s3 =	simm.s32 @p4 $0x7  }
0x3f: {  	_ =	swait.ge @p4 [sflag:s3], $0x4F0  }
0x40: {  	s23 =	sadd.s32 $0x1, s23;
	s24 =	rddreg [dreg:$0x10]  }
0x41: {  	p5 =	sne.s32 s23, s24  }
.Ltmp1:
0x42: {  	_ = 	snop;
	(pc) =	sbr.rel @!p5 .LBB2_22-.Ltmp1, $3  }
0x43: {  	_ =	sdelay $0x1  }
0x44: {  	[sflag:s3] =	ssyncset.done @p4 $0x0  }
0x45: {  	s22 =	stileid.u32;
	[sflag:s3] =	ssyncadd.s32 @p4 $0xFFFFFB10  }
.LBB2_1:
0x46: {  	s3 =	rddreg [dreg:$0x8]  }
0x47: {  	s4 =	rddreg [dreg:$0x11]  }
0x48: {  	s12 =	rddreg [dreg:$0x12]  }
0x49: {  	[spmem:s12], [sflag:s4] =	dma.local @p0 [hbm:s3], $0x2780  }
0x4a: {  	s3 =	simm.s32 @p0 $0x7  }
0x4b: {  	_ =	swait.ge @p0 [sflag:s3], $0x2780  }
0x4c: {  	[sflag:s3] =	ssyncset.done @p0 $0x0;
	s4 =	rddreg [dreg:$0x7]  }
0x4d: {  	s12 =	rddreg [dreg:$0x13];
	[sflag:s3] =	ssyncadd.s32 @p0 $0xFFFFD880;
	s3 =	simm.s32 @!p1 $0x1C07  }
0x4e: {  	[spmem:s12], [sflag:s3] =	dma.local @!p1 [hbm:s4], $0x4F0  }
0x4f: {  	s3 =	simm.s32 @!p1 $0x7  }
0x50: {  	_ =	swait.ge @!p1 [sflag:s3], $0x4F0  }
0x51: {  	[sflag:s3] =	ssyncset.done @!p1 $0x0;
	s4 =	rddreg [dreg:$0xb]  }
0x52: {  	s12 =	rddreg [dreg:$0x14];
	[sflag:s3] =	ssyncadd.s32 @!p1 $0xFFFFFB10;
	s3 =	simm.s32 @!p0 $0x1FC7  }
0x53: {  	[spmem:s12], [sflag:s3] =	dma.local @!p0 [hbm:s4], $0x2080  }
0x54: {  	s3 =	simm.s32 @!p0 $0x7  }
0x55: {  	_ =	swait.ge @!p0 [sflag:s3], $0x2080  }
0x56: {  	[sflag:s3] =	ssyncset.done @!p0 $0x0  }
0x57: {  	s24 =	simm.s32 $0x0;
	s12 =	rddreg [dreg:$0x4];
	[sflag:s3] =	ssyncadd.s32 @!p0 $0xFFFFDF80  }
0x58: {  	[tilespmem:s25], [sflag:$0x7] =	stream.linear.gather [hbm4b:s12+s24], $0x2780, $0x38;
	[tilespmem:$0x1DE78] =	vst v63  }
0x59: {  	_ =	swait.ge [sflag:s26], $0x2780  }
0x5a: {  	[sflag:s26] =	ssyncset.done $0x0  }
0x5b: {  	s13 =	rddreg [dreg:$0x5];
	[sflag:s26] =	ssyncadd.s32 $0xFFFFD880  }
0x5c: {  	[tilespmem:s28], [sflag:$0x7] =	stream.linear.gather [hbm4b:s13+s24], $0x2780, $0x38;
	[tilespmem:$0x1DE78] =	vst v63  }
0x5d: {  	_ =	swait.ge [sflag:s26], $0x2780  }
0x5e: {  	[sflag:s26] =	ssyncset.done $0x0  }
0x5f: {  	s22 =	simm.s32 $0x1DDF8;
	s21 =	rddreg [dreg:$0x6];
	[sflag:s26] =	ssyncadd.s32 $0xFFFFD880  }
0x60: {  	[tilespmem:s22], [sflag:$0x7] =	stream.linear.gather [hbm4b:s21+s24], $0x80, $0x38;
	[tilespmem:$0x1DE78] =	vst v63  }
0x61: {  	_ =	swait.ge [sflag:s26], $0x80  }
0x62: {  	[sflag:s26] =	ssyncset.done $0x0  }
0x63: {  	[sflag:s26] =	ssyncadd.s32 $0xFFFFFF80  }
0x64: {  	[bflag:$0x0] =	sbarrier.arrive $0xFFFF  }
0x65: {  	s24 =	rddreg [dreg:$0xc]  }
0x66: {  	v0 =	vld [tilespmem:$0x1DDF8];
	[tilespmem:s0], [sflag:$0x7] =	stream.strided.gather [hbm4b:s24+s30], $0x100, s31, s30, $0x38  }
0x67: {  	_ =	swait.ge [sflag:s26], $0x100  }
0x68: {  	[sflag:s26] =	ssyncset.done $0x0  }
0x69: {  	[sflag:s26] =	ssyncadd.s32 $0xFFFFFF00  }
0x6a: {  	v1 =	vld [tilespmem:$0x18A48]  }
0x6b: {  	v2 =	vld [tilespmem:$0x18A58]  }
0x6c: {  	v3 =	vld [tilespmem:$0x18A68]  }
0x6d: {  	v4 =	vld [tilespmem:$0x18A78]  }
0x6e: {  	v5 =	vld [tilespmem:$0x18A88]  }
0x6f: {  	[tilespmem:$0x18BF8] =	vst v1  }
0x70: {  	[tilespmem:$0x18C08] =	vst v2  }
0x71: {  	[tilespmem:$0x18C18] =	vst v3  }
0x72: {  	[tilespmem:$0x18C28] =	vst v4  }
0x73: {  	s3 =	simm.s32 $0x0;
	[tilespmem:$0x18C38] =	vst v5  }
0x74: {  	[tilespmem:s6], [sflag:$0x1] =	stream.indirect.gather [hbm4b:s5+s29], $0x80, s0, s29, $0xb8;
	[tilespmem:$0x1DE78] =	vst v63  }
0x75: {  	v1 =	vld [tilespmem:s3+$0x189F8]  }
0x76: {  	v2 =	vld [tilespmem:s3+$0x18BF8];
	_ =	sdelay $0x6  }
0x77: {  	v1 =	vld.idx.msk [tilespmem:v1+s25+$0x0], $0xffff  }
0x78: {  	v2 =	vld.idx.msk [tilespmem:v2+s28+$0x0], $0xffff;
	_ =	sdelay $0x1  }
0x79: {  	s12 =	simm.s32 $0x10  }
0x7a: {  	v3 =	vld [tilespmem:s12+$0x189F8]  }
0x7b: {  	v4 =	vld [tilespmem:s12+$0x18BF8]  }
0x7c: {  	v1 =	vadd.f32 v2, v1;
	_ =	sdelay $0x1  }
0x7d: {  	v2 =	vmul.f32 $2.000000030e-01, v1;
	_ =	sdelay $0x1  }
0x7e: {  	v1 =	vmax.f32 v1, v2  }
0x7f: {  	v2 =	vsub.f32 v1, v0  }
0x80: {  	v1 =	vld.idx.msk [tilespmem:v3+s25+$0x0], $0xffff  }
0x81: {  	p5 =	por @p0 $0x0, $0x0;
	p4 =	por @!p1 $0x1, $0x1;
	v5 =	vmul.f32 $1.442695020e+00, v2;
	v2 =	vld.idx.msk [tilespmem:v4+s28+$0x0], $0xffff  }
0x82: {  	p4 =	por @!p2 p5, p5;
	p5 =	por @!p0 $0x0, $0x0;
	s13 =	simm.s32 $0x20  }
0x83: {  	p4 =	por @!p0 p5, p5;
	s4 =	simm.s32 $0xC0;
	v3 =	vld [tilespmem:s13+$0x189F8];
	(erf) = vpow2.f32 v5  }
.LBB2_2:
0x84: {  	p5 =	sne.s32 s4, $0x100;
	v4 =	vld [tilespmem:s13+$0x18BF8];
	_ =	sdelay $0x1  }
0x85: {  	v1 =	vadd.f32 v2, v1;
	_ =	sdelay $0x1  }
0x86: {  	v2 =	vmul.f32 $2.000000030e-01, v1;
	_ =	sdelay $0x1  }
0x87: {  	v2 =	vmax.f32 v1, v2  }
.Ltmp2:
0x88: {  	v1 =	vld.idx.msk [tilespmem:v3+s25+$0x0], $0xffff;
	v3 =	vsub.f32 v2, v0;
	(pc) =	sbr.rel @p5 .LBB2_2-.Ltmp2, $4  }
0x89: {  	v2 =	vld.idx.msk [tilespmem:v4+s28+$0x0], $0xffff;
	v4 =	vpop (erf)  }
0x8a: {  	v5 =	vmul.f32 $1.442695020e+00, v3;
	[tilespmem:s3+$0x18CF8] =	vst v4;
	s3 =	smov.u32 s12;
	s12 =	smov.u32 s13  }
0x8b: {  	s13 =	sshra.s32 s4, $0x2  }
0x8c: {  	s4 =	sadd.s32 $0x40, s4;
	v3 =	vld [tilespmem:s13+$0x189F8];
	(erf) = vpow2.f32 v5  }
0x8d: {  	_ = 	snop  }
0x8e: {  	v4 =	vld [tilespmem:s13+$0x18BF8];
	_ =	sdelay $0x6  }
0x8f: {  	v3 =	vld.idx.msk [tilespmem:v3+s25+$0x0], $0xffff  }
0x90: {  	v4 =	vld.idx.msk [tilespmem:v4+s28+$0x0], $0xffff;
	_ =	sdelay $0x3  }
0x91: {  	v1 =	vadd.f32 v2, v1  }
0x92: {  	v2 =	vadd.f32 v4, v3  }
0x93: {  	v3 =	vmul.f32 $2.000000030e-01, v1  }
0x94: {  	v4 =	vmul.f32 $2.000000030e-01, v2  }
0x95: {  	v1 =	vmax.f32 v1, v3  }
0x96: {  	v1 =	vsub.f32 v1, v0;
	v2 =	vmax.f32 v2, v4  }
0x97: {  	v2 =	vsub.f32 v2, v0  }
0x98: {  	v1 =	vmul.f32 $1.442695020e+00, v1  }
0x99: {  	v2 =	vmul.f32 $1.442695020e+00, v2  }
0x9a: {  	(erf) = vpow2.f32 v1  }
0x9b: {  	(erf) = vpow2.f32 v2;
	_ =	sdelay $0x6  }
.Ltmp3:
0x9c: {  	v1 =	vpop (erf);
	(pc) =	sbr.rel .LBB2_4-.Ltmp3, $4  }
0x9d: {  	[tilespmem:s3+$0x18CF8] =	vst v1;
	v2 =	vpop (erf)  }
0x9e: {  	[tilespmem:s12+$0x18CF8] =	vst v2;
	v1 =	vpop (erf)  }
0x9f: {  	s3 =	simm.s32 $0x0;
	[tilespmem:s13+$0x18CF8] =	vst v1  }
0xa0: {  	[spmem:s2] =	stream.indirect.scatter.add.f32 [tilespmem:s8], [sflag:$0x5], $0x1, s7, s29, $0xb8;
	[tilespmem:$0x1DE78] =	vst v63  }
.LBB2_20:
0xa1: {  	p5 =	sne.s32 s24, $0x7D  }
.Ltmp4:
0xa2: {  	_ = 	snop;
	(pc) =	sbr.rel @!p5 .LBB2_21-.Ltmp4, $2  }
0xa3: {  	_ =	sdelay $0x2  }
0xa4: {  	s3 =	smov.u32 s24  }
.LBB2_4:
0xa5: {  	s12 =	sand.u32 $0x1, s3;
	p5 =	seq.s32 s3, $0x7C  }
0xa6: {  	p6 =	sne.s32 @!p5 s12, $0x0  }
0xa7: {  	p5 =	por p5, p6  }
.Ltmp5:
0xa8: {  	_ = 	snop;
	(pc) =	sbr.rel @p5 .LBB2_8-.Ltmp5, $2  }
0xa9: {  	_ =	sdelay $0x2  }
0xaa: {  	s24 =	sadd.s32 $0x1, s3  }
0xab: {  	p5 =	seq.s32 s3, $0x0  }
0xac: {  	s3 =	simm.s32 @!p5 $0x4  }
0xad: {  	_ =	swait.ge @!p5 [sflag:s3], $0x2800  }
0xae: {  	s4 =	sadd.s32 s15, s24;
	[sflag:s3] =	ssyncset.done @!p5 $0x0  }
0xaf: {  	s13 =	sshll.u32 s4, $0x4;
	[sflag:s3] =	ssyncadd.s32 @!p5 $0xFFFFD800;
	s3 =	simm.s32 @!p5 $0x6  }
0xb0: {  	s4 =	sshll.u32 s4, $0x5;
	s13 =	sand.u32 $0x70, s13;
	_ =	swait.ge @!p5 [sflag:s3], $0x50  }
0xb1: {  	s4 =	sand.u32 $0xFFFFF00, s4;
	s13 =	sadd.s32 s9, s13;
	[sflag:s3] =	ssyncset.done @!p5 $0x0  }
0xb2: {  	s22 =	sadd.s32 s4, s13;
	[sflag:s3] =	ssyncadd.s32 @!p5 $0xFFFFFFB0  }
0xb3: {  	[tilespmem:s10], [sflag:$0x7] =	stream.strided.gather [hbm4b:s22+s30], $0x100, s31, s30, $0x38;
	[tilespmem:$0x1DE78] =	vst v63  }
0xb4: {  	_ =	swait.ge [sflag:s26], $0x100  }
0xb5: {  	[sflag:s26] =	ssyncset.done $0x0  }
0xb6: {  	[sflag:s26] =	ssyncadd.s32 $0xFFFFFF00  }
0xb7: {  	v1 =	vld [tilespmem:$0x18B48]  }
0xb8: {  	v2 =	vld [tilespmem:$0x18B58]  }
0xb9: {  	v3 =	vld [tilespmem:$0x18B68]  }
0xba: {  	v4 =	vld [tilespmem:$0x18B78]  }
0xbb: {  	v5 =	vld [tilespmem:$0x18B88]  }
0xbc: {  	[tilespmem:$0x18C78] =	vst v1  }
0xbd: {  	[tilespmem:$0x18C88] =	vst v2  }
0xbe: {  	[tilespmem:$0x18C98] =	vst v3  }
0xbf: {  	[tilespmem:$0x18CA8] =	vst v4  }
0xc0: {  	s3 =	simm.s32 $0x0;
	[tilespmem:$0x18CB8] =	vst v5  }
0xc1: {  	[tilespmem:s11], [sflag:$0x2] =	stream.indirect.gather [hbm4b:s5+s29], $0x80, s10, s29, $0xb8;
	[tilespmem:$0x1DE78] =	vst v63  }
0xc2: {  	v1 =	vld [tilespmem:s3+$0x18AF8]  }
0xc3: {  	v2 =	vld [tilespmem:s3+$0x18C78];
	_ =	sdelay $0x6  }
0xc4: {  	v1 =	vld.idx.msk [tilespmem:v1+s25+$0x0], $0xffff  }
0xc5: {  	v2 =	vld.idx.msk [tilespmem:v2+s28+$0x0], $0xffff;
	_ =	sdelay $0x1  }
0xc6: {  	s13 =	simm.s32 $0x10  }
0xc7: {  	v3 =	vld [tilespmem:s13+$0x18AF8]  }
0xc8: {  	v4 =	vld [tilespmem:s13+$0x18C78]  }
0xc9: {  	v1 =	vadd.f32 v2, v1;
	_ =	sdelay $0x1  }
0xca: {  	v2 =	vmul.f32 $2.000000030e-01, v1;
	_ =	sdelay $0x1  }
0xcb: {  	v1 =	vmax.f32 v1, v2  }
0xcc: {  	v2 =	vsub.f32 v1, v0  }
0xcd: {  	v1 =	vld.idx.msk [tilespmem:v3+s25+$0x0], $0xffff  }
0xce: {  	v5 =	vmul.f32 $1.442695020e+00, v2;
	v2 =	vld.idx.msk [tilespmem:v4+s28+$0x0], $0xffff  }
0xcf: {  	s4 =	simm.s32 $0x20  }
0xd0: {  	s21 =	simm.s32 $0xC0;
	v3 =	vld [tilespmem:s4+$0x18AF8];
	(erf) = vpow2.f32 v5  }
.LBB2_6:
0xd1: {  	p5 =	sne.s32 s21, $0x100;
	v4 =	vld [tilespmem:s4+$0x18C78];
	_ =	sdelay $0x1  }
0xd2: {  	v1 =	vadd.f32 v2, v1;
	_ =	sdelay $0x1  }
0xd3: {  	v2 =	vmul.f32 $2.000000030e-01, v1;
	_ =	sdelay $0x1  }
0xd4: {  	v2 =	vmax.f32 v1, v2  }
.Ltmp6:
0xd5: {  	v1 =	vld.idx.msk [tilespmem:v3+s25+$0x0], $0xffff;
	v3 =	vsub.f32 v2, v0;
	(pc) =	sbr.rel @p5 .LBB2_6-.Ltmp6, $4  }
0xd6: {  	v2 =	vld.idx.msk [tilespmem:v4+s28+$0x0], $0xffff;
	v4 =	vpop (erf)  }
0xd7: {  	v5 =	vmul.f32 $1.442695020e+00, v3;
	[tilespmem:s3+$0x18D78] =	vst v4;
	s3 =	smov.u32 s13;
	s13 =	smov.u32 s4  }
0xd8: {  	s4 =	sshra.s32 s21, $0x2  }
0xd9: {  	s21 =	sadd.s32 $0x40, s21;
	v3 =	vld [tilespmem:s4+$0x18AF8];
	(erf) = vpow2.f32 v5  }
0xda: {  	_ = 	snop  }
0xdb: {  	v4 =	vld [tilespmem:s4+$0x18C78];
	_ =	sdelay $0x6  }
0xdc: {  	v3 =	vld.idx.msk [tilespmem:v3+s25+$0x0], $0xffff  }
0xdd: {  	v4 =	vld.idx.msk [tilespmem:v4+s28+$0x0], $0xffff;
	_ =	sdelay $0x3  }
0xde: {  	v1 =	vadd.f32 v2, v1  }
0xdf: {  	v2 =	vadd.f32 v4, v3  }
0xe0: {  	v3 =	vmul.f32 $2.000000030e-01, v1  }
0xe1: {  	v4 =	vmul.f32 $2.000000030e-01, v2  }
0xe2: {  	v1 =	vmax.f32 v1, v3  }
0xe3: {  	v1 =	vsub.f32 v1, v0;
	v2 =	vmax.f32 v2, v4  }
0xe4: {  	v2 =	vsub.f32 v2, v0  }
0xe5: {  	v1 =	vmul.f32 $1.442695020e+00, v1  }
0xe6: {  	v2 =	vmul.f32 $1.442695020e+00, v2  }
0xe7: {  	(erf) = vpow2.f32 v1  }
0xe8: {  	(erf) = vpow2.f32 v2;
	_ =	sdelay $0x6  }
0xe9: {  	v1 =	vpop (erf)  }
0xea: {  	[tilespmem:s3+$0x18D78] =	vst v1;
	v2 =	vpop (erf)  }
0xeb: {  	[tilespmem:s13+$0x18D78] =	vst v2;
	v1 =	vpop (erf)  }
0xec: {  	[tilespmem:s4+$0x18D78] =	vst v1  }
0xed: {  	[spmem:s2] =	stream.indirect.scatter.add.f32 [tilespmem:s16], [sflag:$0x6], $0x1, s14, s29, $0xb8;
	[tilespmem:$0x1DE78] =	vst v63  }
.LBB2_8:
0xee: {  	p5 =	seq.s32 s12, $0x0  }
.Ltmp7:
0xef: {  	_ = 	snop;
	(pc) =	sbr.rel @p5 .LBB2_12-.Ltmp7, $1  }
0xf0: {  	_ =	sdelay $0x3  }
0xf1: {  	_ =	swait.ge [sflag:s17], $0x2800  }
0xf2: {  	s3 =	sadd.s32 s15, s24;
	[sflag:s17] =	ssyncset.done $0x0  }
0xf3: {  	s4 =	sshll.u32 s3, $0x4;
	[sflag:s17] =	ssyncadd.s32 $0xFFFFD800  }
0xf4: {  	s3 =	sshll.u32 s3, $0x5;
	s4 =	sand.u32 $0x70, s4;
	_ =	swait.ge [sflag:s18], $0x50  }
0xf5: {  	s3 =	sand.u32 $0xFFFFF00, s3;
	s4 =	sadd.s32 s9, s4;
	[sflag:s18] =	ssyncset.done $0x0  }
0xf6: {  	s3 =	sadd.s32 s3, s4;
	[sflag:s18] =	ssyncadd.s32 $0xFFFFFFB0  }
0xf7: {  	[tilespmem:s0], [sflag:$0x7] =	stream.strided.gather [hbm4b:s3+s30], $0x100, s31, s30, $0x38;
	[tilespmem:$0x1DE78] =	vst v63  }
0xf8: {  	_ =	swait.ge [sflag:s26], $0x100  }
0xf9: {  	[sflag:s26] =	ssyncset.done $0x0  }
0xfa: {  	[sflag:s26] =	ssyncadd.s32 $0xFFFFFF00  }
0xfb: {  	v1 =	vld [tilespmem:$0x18A48]  }
0xfc: {  	v2 =	vld [tilespmem:$0x18A58]  }
0xfd: {  	v3 =	vld [tilespmem:$0x18A68]  }
0xfe: {  	v4 =	vld [tilespmem:$0x18A78]  }
0xff: {  	v5 =	vld [tilespmem:$0x18A88]  }
0x100: {  	[tilespmem:$0x18BF8] =	vst v1  }
0x101: {  	[tilespmem:$0x18C08] =	vst v2  }
0x102: {  	[tilespmem:$0x18C18] =	vst v3  }
0x103: {  	[tilespmem:$0x18C28] =	vst v4  }
0x104: {  	s3 =	simm.s32 $0x0;
	[tilespmem:$0x18C38] =	vst v5  }
0x105: {  	[tilespmem:s6], [sflag:$0x1] =	stream.indirect.gather [hbm4b:s5+s29], $0x80, s0, s29, $0xb8;
	[tilespmem:$0x1DE78] =	vst v63  }
0x106: {  	v1 =	vld [tilespmem:s3+$0x189F8]  }
0x107: {  	v2 =	vld [tilespmem:s3+$0x18BF8];
	_ =	sdelay $0x6  }
0x108: {  	v1 =	vld.idx.msk [tilespmem:v1+s25+$0x0], $0xffff  }
0x109: {  	v2 =	vld.idx.msk [tilespmem:v2+s28+$0x0], $0xffff;
	_ =	sdelay $0x1  }
0x10a: {  	s13 =	simm.s32 $0x10  }
0x10b: {  	v3 =	vld [tilespmem:s13+$0x189F8]  }
0x10c: {  	v4 =	vld [tilespmem:s13+$0x18BF8]  }
0x10d: {  	v1 =	vadd.f32 v2, v1;
	_ =	sdelay $0x1  }
0x10e: {  	v2 =	vmul.f32 $2.000000030e-01, v1;
	_ =	sdelay $0x1  }
0x10f: {  	v1 =	vmax.f32 v1, v2  }
0x110: {  	v2 =	vsub.f32 v1, v0  }
0x111: {  	v1 =	vld.idx.msk [tilespmem:v3+s25+$0x0], $0xffff  }
0x112: {  	v5 =	vmul.f32 $1.442695020e+00, v2;
	v2 =	vld.idx.msk [tilespmem:v4+s28+$0x0], $0xffff  }
0x113: {  	s4 =	simm.s32 $0x20  }
0x114: {  	s21 =	simm.s32 $0xC0;
	v3 =	vld [tilespmem:s4+$0x189F8];
	(erf) = vpow2.f32 v5  }
.LBB2_10:
0x115: {  	p5 =	sne.s32 s21, $0x100;
	v4 =	vld [tilespmem:s4+$0x18BF8];
	_ =	sdelay $0x1  }
0x116: {  	v1 =	vadd.f32 v2, v1;
	_ =	sdelay $0x1  }
0x117: {  	v2 =	vmul.f32 $2.000000030e-01, v1;
	_ =	sdelay $0x1  }
0x118: {  	v2 =	vmax.f32 v1, v2  }
.Ltmp8:
0x119: {  	v1 =	vld.idx.msk [tilespmem:v3+s25+$0x0], $0xffff;
	v3 =	vsub.f32 v2, v0;
	(pc) =	sbr.rel @p5 .LBB2_10-.Ltmp8, $4  }
0x11a: {  	v2 =	vld.idx.msk [tilespmem:v4+s28+$0x0], $0xffff;
	v4 =	vpop (erf)  }
0x11b: {  	v5 =	vmul.f32 $1.442695020e+00, v3;
	[tilespmem:s3+$0x18CF8] =	vst v4;
	s3 =	smov.u32 s13;
	s13 =	smov.u32 s4  }
0x11c: {  	s4 =	sshra.s32 s21, $0x2  }
0x11d: {  	s21 =	sadd.s32 $0x40, s21;
	v3 =	vld [tilespmem:s4+$0x189F8];
	(erf) = vpow2.f32 v5  }
0x11e: {  	_ = 	snop  }
0x11f: {  	v4 =	vld [tilespmem:s4+$0x18BF8];
	_ =	sdelay $0x6  }
0x120: {  	v3 =	vld.idx.msk [tilespmem:v3+s25+$0x0], $0xffff  }
0x121: {  	v4 =	vld.idx.msk [tilespmem:v4+s28+$0x0], $0xffff;
	_ =	sdelay $0x3  }
0x122: {  	v1 =	vadd.f32 v2, v1  }
0x123: {  	v2 =	vadd.f32 v4, v3  }
0x124: {  	v3 =	vmul.f32 $2.000000030e-01, v1  }
0x125: {  	v4 =	vmul.f32 $2.000000030e-01, v2  }
0x126: {  	v1 =	vmax.f32 v1, v3  }
0x127: {  	v1 =	vsub.f32 v1, v0;
	v2 =	vmax.f32 v2, v4  }
0x128: {  	v2 =	vsub.f32 v2, v0  }
0x129: {  	v1 =	vmul.f32 $1.442695020e+00, v1  }
0x12a: {  	v2 =	vmul.f32 $1.442695020e+00, v2  }
0x12b: {  	(erf) = vpow2.f32 v1  }
0x12c: {  	(erf) = vpow2.f32 v2;
	_ =	sdelay $0x6  }
0x12d: {  	v1 =	vpop (erf)  }
0x12e: {  	[tilespmem:s3+$0x18CF8] =	vst v1;
	v2 =	vpop (erf)  }
0x12f: {  	[tilespmem:s13+$0x18CF8] =	vst v2;
	v1 =	vpop (erf)  }
0x130: {  	[tilespmem:s4+$0x18CF8] =	vst v1  }
0x131: {  	[spmem:s2] =	stream.indirect.scatter.add.f32 [tilespmem:s8], [sflag:$0x5], $0x1, s7, s29, $0xb8;
	[tilespmem:$0x1DE78] =	vst v63  }
.LBB2_12:
0x132: {  	p5 =	sne.s32 s12, $0x0  }
.Ltmp9:
0x133: {  	_ = 	snop;
	(pc) =	sbr.rel @p5 .LBB2_16-.Ltmp9, $1  }
0x134: {  	_ =	sdelay $0x3  }
0x135: {  	_ =	swait.ge [sflag:s19], $0x2800  }
0x136: {  	s3 =	simm.s32 $0x0;
	s13 =	simm.s32 $0x6;
	[sflag:s19] =	ssyncset.done $0x0  }
0x137: {  	v1 =	vmov s3;
	v2 =	vmov s13;
	s13 =	simm.s32 $0x18FF8;
	[sflag:s19] =	ssyncadd.s32 $0xFFFFD800  }
0x138: {  	v1 =	vand.u32 $0xFFFFFFF8, v1;
	v4 =	vld [tilespmem:s13+$0x170]  }
0x139: {  	v2 =	vand.u32 $0xFFFFFFFE, v2;
	v1 =	vbroadcast v1, $0x0;
	v5 =	vld [tilespmem:s13+$0xFFFFFE00]  }
0x13a: {  	v2 =	vbroadcast v2, $0x0;
	v6 =	vld [tilespmem:s13+$0xFFFFFE10]  }
0x13b: {  	s21 =	simm.s32 $0x1;
	v7 =	vld [tilespmem:s13+$0xFFFFFE20]  }
0x13c: {  	v3 =	vmov s21;
	v8 =	vld [tilespmem:s13+$0xFFFFFE30]  }
0x13d: {  	v3 =	vand.u32 $0xFFFFFFF9, v3;
	v9 =	vld [tilespmem:s13+$0xFFFFFE40]  }
0x13e: {  	v3 =	vbroadcast v3, $0x0;
	v10 =	vld [tilespmem:s13+$0xFFFFFE50]  }
0x13f: {  	v1 =	vld.idx.msk [tilespmem:v1+s8+$0x0], $0xffff  }
0x140: {  	v2 =	vld.idx.msk [tilespmem:v2+s8+$0x0], $0xffff  }
0x141: {  	v11 =	vld [tilespmem:s13+$0xFFFFFE60]  }
0x142: {  	v12 =	vld [tilespmem:s13+$0xFFFFFE70]  }
0x143: {  	v13 =	vld [tilespmem:s13+$0xFFFFFE80]  }
0x144: {  	v3 =	vld.idx.msk [tilespmem:v3+s8+$0x0], $0xffff;
	v5 =	vmul.f32 v5, v1  }
0x145: {  	v14 =	vld [tilespmem:s13+$0xFFFFFE90];
	v4 =	vmul.f32 v4, v2  }
0x146: {  	v15 =	vld [tilespmem:s13+$0xFFFFFEA0];
	v6 =	vmul.f32 v6, v1;
	[tilespmem:s13+$0xFFFFFE00] =	vst v5  }
0x147: {  	s22 =	simm.s32 $0x2;
	v16 =	vld [tilespmem:s13+$0xFFFFFEB0];
	v8 =	vmul.f32 v8, v1;
	[tilespmem:s13+$0x170] =	vst v4  }
0x148: {  	v9 =	vmul.f32 v9, v1;
	v5 =	vmov s22;
	v4 =	vmul.f32 v7, v1;
	v7 =	vld [tilespmem:s13+$0xFFFFFEC0];
	[tilespmem:s13+$0xFFFFFE10] =	vst v6  }
0x149: {  	v6 =	vmul.f32 v13, v3;
	v13 =	vld [tilespmem:s13+$0xFFFFFED0];
	[tilespmem:s13+$0xFFFFFE30] =	vst v8;
	v5 =	vand.u32 $0xFFFFFFFA, v5  }
0x14a: {  	v8 =	vmul.f32 v10, v1;
	v10 =	vld [tilespmem:s13+$0xFFFFFEF0];
	[tilespmem:s13+$0xFFFFFE40] =	vst v9;
	v5 =	vbroadcast v5, $0x0  }
0x14b: {  	v9 =	vmul.f32 v11, v1;
	v11 =	vld [tilespmem:s13+$0xFFFFFF00];
	[tilespmem:s13+$0xFFFFFE20] =	vst v4  }
0x14c: {  	v1 =	vmul.f32 v12, v1;
	v12 =	vld [tilespmem:s13+$0xFFFFFF20];
	[tilespmem:s13+$0xFFFFFE80] =	vst v6  }
0x14d: {  	s4 =	simm.s32 $0x3;
	v4 =	vld [tilespmem:s13+$0xFFFFFEE0];
	[tilespmem:s13+$0xFFFFFE50] =	vst v8  }
0x14e: {  	v6 =	vmov s4;
	v8 =	vld [tilespmem:s13+$0xFFFFFF10];
	[tilespmem:s13+$0xFFFFFE60] =	vst v9;
	v9 =	vmul.f32 v14, v3  }
0x14f: {  	[tilespmem:s13+$0xFFFFFE70] =	vst v1;
	v1 =	vmul.f32 v15, v3;
	v14 =	vld [tilespmem:s13+$0xFFFFFF30];
	v6 =	vand.u32 $0xFFFFFFFB, v6  }
0x150: {  	v6 =	vbroadcast v6, $0x0;
	[tilespmem:s13+$0xFFFFFE90] =	vst v9;
	v9 =	vmul.f32 v16, v3;
	v5 =	vld.idx.msk [tilespmem:v5+s8+$0x0], $0xffff  }
0x151: {  	v15 =	vld [tilespmem:s13+$0xFFFFFF40];
	[tilespmem:s13+$0xFFFFFEA0] =	vst v1;
	v7 =	vmul.f32 v7, v3  }
0x152: {  	v13 =	vmul.f32 v13, v3;
	[tilespmem:s13+$0xFFFFFEB0] =	vst v9;
	v9 =	vld [tilespmem:s13+$0xFFFFFF60]  }
0x153: {  	[tilespmem:s13+$0xFFFFFEC0] =	vst v7;
	v4 =	vmul.f32 v4, v3;
	v7 =	vld [tilespmem:s13+$0xFFFFFF70]  }
0x154: {  	[tilespmem:s13+$0xFFFFFED0] =	vst v13;
	v3 =	vmul.f32 v10, v3;
	v10 =	vld [tilespmem:s13+$0xFFFFFF80]  }
0x155: {  	v13 =	vld [tilespmem:s13+$0xFFFFFFB0];
	[tilespmem:s13+$0xFFFFFEE0] =	vst v4;
	v1 =	vmul.f32 v11, v5  }
0x156: {  	[tilespmem:s13+$0xFFFFFEF0] =	vst v3;
	v6 =	vld.idx.msk [tilespmem:v6+s8+$0x0], $0xffff;
	v4 =	vmul.f32 v8, v5  }
0x157: {  	s21 =	simm.s32 $0x4;
	v11 =	vld [tilespmem:s13+$0xFFFFFF50];
	v3 =	vmul.f32 v12, v5;
	[tilespmem:s13+$0xFFFFFF00] =	vst v1  }
0x158: {  	v8 =	vld [tilespmem:s13+$0xFFFFFF90];
	v9 =	vmul.f32 v9, v5;
	v1 =	vmov s21;
	[tilespmem:s13+$0xFFFFFF10] =	vst v4  }
0x159: {  	v12 =	vld [tilespmem:s13+$0xFFFFFFA0];
	v4 =	vmul.f32 v14, v5;
	[tilespmem:s13+$0xFFFFFF20] =	vst v3;
	v1 =	vand.u32 $0xFFFFFFFC, v1  }
0x15a: {  	v3 =	vmul.f32 v15, v5;
	v14 =	vld [tilespmem:s13+$0xFFFFFFC0];
	[tilespmem:s13+$0xFFFFFF60] =	vst v9;
	v1 =	vbroadcast v1, $0x0  }
0x15b: {  	v9 =	vld [tilespmem:s13+$0x0];
	[tilespmem:s13+$0xFFFFFF30] =	vst v4;
	v4 =	vmul.f32 v10, v6  }
0x15c: {  	s22 =	simm.s32 $0x5;
	v10 =	vld [tilespmem:s13+$0xFFFFFFD0];
	[tilespmem:s13+$0xFFFFFF40] =	vst v3;
	v11 =	vmul.f32 v11, v5  }
0x15d: {  	v3 =	vld [tilespmem:s13+$0xFFFFFFE0];
	v5 =	vmul.f32 v7, v5;
	[tilespmem:s13+$0xFFFFFF80] =	vst v4;
	v4 =	vmov s22  }
0x15e: {  	v7 =	vld [tilespmem:s13+$0xFFFFFFF0];
	v8 =	vmul.f32 v8, v6;
	[tilespmem:s13+$0xFFFFFF50] =	vst v11;
	v4 =	vand.u32 $0xFFFFFFFD, v4  }
0x15f: {  	[tilespmem:s13+$0xFFFFFF70] =	vst v5;
	v5 =	vmul.f32 v12, v6;
	v11 =	vld [tilespmem:s13+$0x10];
	v4 =	vbroadcast v4, $0x0  }
0x160: {  	[tilespmem:s13+$0xFFFFFF90] =	vst v8;
	v8 =	vmul.f32 v13, v6;
	v1 =	vld.idx.msk [tilespmem:v1+s8+$0x0], $0xffff  }
0x161: {  	v12 =	vld [tilespmem:s13+$0x20];
	[tilespmem:s13+$0xFFFFFFA0] =	vst v5;
	v5 =	vmul.f32 v14, v6  }
0x162: {  	v13 =	vld [tilespmem:s13+$0x30];
	[tilespmem:s13+$0xFFFFFFB0] =	vst v8;
	v8 =	vmul.f32 v10, v6  }
0x163: {  	v10 =	vld [tilespmem:s13+$0x40];
	v3 =	vmul.f32 v3, v6;
	[tilespmem:s13+$0xFFFFFFC0] =	vst v5  }
0x164: {  	v6 =	vmul.f32 v7, v6;
	[tilespmem:s13+$0xFFFFFFD0] =	vst v8;
	v8 =	vld [tilespmem:s13+$0x60]  }
0x165: {  	[tilespmem:s13+$0xFFFFFFE0] =	vst v3;
	v4 =	vld.idx.msk [tilespmem:v4+s8+$0x0], $0xffff;
	v5 =	vmul.f32 v9, v1  }
0x166: {  	[tilespmem:s13+$0xFFFFFFF0] =	vst v6;
	v9 =	vld [tilespmem:s13+$0x50];
	v6 =	vmul.f32 v12, v1  }
0x167: {  	v3 =	vmul.f32 v11, v1;
	v11 =	vld [tilespmem:s13+$0x90];
	[tilespmem:s13+$0x0] =	vst v5  }
0x168: {  	v7 =	vld [tilespmem:s13+$0x80];
	[tilespmem:s13+$0x20] =	vst v6;
	v6 =	vmul.f32 v10, v1  }
0x169: {  	v5 =	vld [tilespmem:s13+$0x70];
	[tilespmem:s13+$0x10] =	vst v3;
	v3 =	vmul.f32 v13, v1  }
0x16a: {  	v10 =	vld [tilespmem:s13+$0xA0];
	[tilespmem:s13+$0x40] =	vst v6;
	v6 =	vmul.f32 v8, v1  }
0x16b: {  	[tilespmem:s13+$0x30] =	vst v3;
	v8 =	vld [tilespmem:s13+$0xC0];
	v3 =	vmul.f32 v9, v1  }
0x16c: {  	v9 =	vld [tilespmem:s13+$0xB0];
	v11 =	vmul.f32 v11, v4;
	[tilespmem:s13+$0x60] =	vst v6  }
0x16d: {  	s4 =	simm.s32 $0x7;
	v6 =	vld [tilespmem:s13+$0xE0];
	[tilespmem:s13+$0x50] =	vst v3;
	v3 =	vmul.f32 v7, v4  }
0x16e: {  	v12 =	vmov s4;
	v7 =	vld [tilespmem:s13+$0xD0];
	v5 =	vmul.f32 v5, v1;
	[tilespmem:s13+$0x90] =	vst v11  }
0x16f: {  	v11 =	vld [tilespmem:s13+$0x150];
	[tilespmem:s13+$0x80] =	vst v3  }
0x170: {  	[tilespmem:s13+$0x70] =	vst v5;
	v3 =	vmul.f32 v10, v4;
	v5 =	vld [tilespmem:s13+$0xF0]  }
0x171: {  	v10 =	vld [tilespmem:s13+$0x100];
	v9 =	vmul.f32 v9, v4  }
0x172: {  	[tilespmem:s13+$0xA0] =	vst v3;
	v3 =	vmul.f32 v8, v4;
	v8 =	vld [tilespmem:s13+$0x110]  }
0x173: {  	v1 =	vld.idx.msk [tilespmem:v12+s8+$0x0], $0xffff;
	[tilespmem:s13+$0xB0] =	vst v9;
	v7 =	vmul.f32 v7, v4  }
0x174: {  	v9 =	vld [tilespmem:s13+$0x120];
	v11 =	vmul.f32 v11, v2;
	[tilespmem:s13+$0xC0] =	vst v3  }
0x175: {  	s4 =	simm.s32 $0x9;
	v3 =	vmul.f32 v6, v4;
	v6 =	vld [tilespmem:s13+$0x130];
	[tilespmem:s13+$0xD0] =	vst v7;
	v4 =	vmul.f32 v5, v4  }
0x176: {  	s21 =	simm.s32 $0x8;
	v12 =	vmov s4;
	v5 =	vld [tilespmem:s13+$0x140];
	[tilespmem:s13+$0x150] =	vst v11  }
0x177: {  	s22 =	simm.s32 $0xF;
	v7 =	vmov s21;
	v10 =	vmul.f32 v10, v2;
	s21 =	simm.s32 $0xA;
	[tilespmem:s13+$0xF0] =	vst v4;
	v4 =	vmul.f32 v8, v2;
	v8 =	vld [tilespmem:s13+$0x160]  }
0x178: {  	v14 =	vld [tilespmem:s13+$0x180];
	s4 =	simm.s32 $0xB;
	[tilespmem:s13+$0xE0] =	vst v3;
	v7 =	vand.u32 $0xFFFFFFF8, v7;
	v3 =	vmov s22;
	v13 =	vmov s21;
	s21 =	simm.s32 $0xC  }
0x179: {  	v17 =	vld [tilespmem:s13+$0x190];
	s22 =	simm.s32 $0xD;
	[tilespmem:s13+$0x100] =	vst v10;
	v10 =	vmov s4;
	v15 =	vmov s21;
	v9 =	vmul.f32 v9, v2  }
0x17a: {  	v18 =	vmov s22;
	[tilespmem:s13+$0x110] =	vst v4;
	v16 =	vmul.f32 v6, v2;
	v4 =	vbroadcast v7, $0x0;
	v6 =	vld [tilespmem:s13+$0x1A0]  }
0x17b: {  	v7 =	vld [tilespmem:s13+$0x1B0];
	[tilespmem:s13+$0x120] =	vst v9;
	v9 =	vmul.f32 v5, v2;
	v5 =	vand.u32 $0xFFFFFFF9, v12;
	v12 =	vand.u32 $0xFFFFFFFA, v13  }
0x17c: {  	v13 =	vand.u32 $0xFFFFFFFB, v10;
	[tilespmem:s13+$0x130] =	vst v16;
	v5 =	vbroadcast v5, $0x0;
	v16 =	vmul.f32 v8, v2;
	v8 =	vld [tilespmem:s13+$0x1C0]  }
0x17d: {  	v10 =	vbroadcast v12, $0x0;
	[tilespmem:s13+$0x140] =	vst v9;
	v2 =	vand.u32 $0xFFFFFFFC, v15;
	v15 =	vmul.f32 v14, v1;
	v9 =	vld [tilespmem:s13+$0x1D0]  }
0x17e: {  	s3 =	simm.s32 $0x10;
	v11 =	vld [tilespmem:s13+$0x1E0];
	s4 =	simm.s32 $0xE;
	v12 =	vbroadcast v13, $0x0;
	v13 =	vmul.f32 v17, v1;
	v14 =	vand.u32 $0xFFFFFFFD, v18;
	[tilespmem:s13+$0x160] =	vst v16  }
.LBB2_14:
0x17f: {  	p5 =	slt.u32 s3, $0x48;
	v2 =	vbroadcast v2, $0x0;
	v16 =	vmov s4;
	[tilespmem:s13+$0x180] =	vst v15;
	v6 =	vmul.f32 v6, v1;
	v15 =	vld [tilespmem:s13+$0x1F0]  }
0x180: {  	v14 =	vbroadcast v14, $0x0;
	v16 =	vand.u32 $0xFFFFFFFE, v16;
	v17 =	vld.idx.msk [tilespmem:v3+s8+$0x0], $0xffff;
	[tilespmem:s13+$0x190] =	vst v13;
	v3 =	vmul.f32 v7, v1  }
0x181: {  	v7 =	vld.idx.msk [tilespmem:v4+s8+$0x0], $0xffff;
	v13 =	vbroadcast v16, $0x0;
	[tilespmem:s13+$0x1A0] =	vst v6;
	v4 =	vmul.f32 v8, v1  }
0x182: {  	v6 =	vld.idx.msk [tilespmem:v5+s8+$0x0], $0xffff;
	[tilespmem:s13+$0x1B0] =	vst v3;
	v3 =	vmul.f32 v9, v1  }
0x183: {  	v8 =	vld.idx.msk [tilespmem:v10+s8+$0x0], $0xffff;
	[tilespmem:s13+$0x1C0] =	vst v4;
	v9 =	vmul.f32 v11, v1  }
0x184: {  	v5 =	vld.idx.msk [tilespmem:v12+s8+$0x0], $0xffff;
	[tilespmem:s13+$0x1D0] =	vst v3;
	v10 =	vmul.f32 v15, v1  }
0x185: {  	v4 =	vld.idx.msk [tilespmem:v2+s8+$0x0], $0xffff;
	[tilespmem:s13+$0x1E0] =	vst v9  }
0x186: {  	v1 =	vmov v17;
	v3 =	vld.idx.msk [tilespmem:v14+s8+$0x0], $0xffff;
	[tilespmem:s13+$0x1F0] =	vst v10  }
0x187: {  	s13 =	sadd.s32 $0x400, s13;
	v2 =	vld.idx.msk [tilespmem:v13+s8+$0x0], $0xffff  }
0x188: {  	v9 =	vld [tilespmem:s13+$0x170]  }
0x189: {  	v10 =	vld [tilespmem:s13+$0xFFFFFE00]  }
0x18a: {  	v11 =	vld [tilespmem:s13+$0xFFFFFE10]  }
0x18b: {  	v12 =	vld [tilespmem:s13+$0xFFFFFE20]  }
0x18c: {  	v13 =	vld [tilespmem:s13+$0xFFFFFE30]  }
0x18d: {  	v14 =	vld [tilespmem:s13+$0xFFFFFE40];
	v9 =	vmul.f32 v9, v2  }
0x18e: {  	v10 =	vmul.f32 v10, v7;
	v15 =	vld [tilespmem:s13+$0xFFFFFE50]  }
0x18f: {  	v11 =	vmul.f32 v11, v7;
	v16 =	vld [tilespmem:s13+$0xFFFFFE60];
	[tilespmem:s13+$0x170] =	vst v9  }
0x190: {  	[tilespmem:s13+$0xFFFFFE00] =	vst v10;
	v9 =	vmul.f32 v12, v7;
	v10 =	vld [tilespmem:s13+$0xFFFFFE70]  }
0x191: {  	[tilespmem:s13+$0xFFFFFE10] =	vst v11;
	v11 =	vmul.f32 v13, v7;
	v12 =	vld [tilespmem:s13+$0xFFFFFE80]  }
0x192: {  	[tilespmem:s13+$0xFFFFFE20] =	vst v9;
	v9 =	vmul.f32 v14, v7;
	v13 =	vld [tilespmem:s13+$0xFFFFFE90]  }
0x193: {  	[tilespmem:s13+$0xFFFFFE30] =	vst v11;
	v11 =	vmul.f32 v15, v7;
	v14 =	vld [tilespmem:s13+$0xFFFFFEA0]  }
0x194: {  	[tilespmem:s13+$0xFFFFFE40] =	vst v9;
	v9 =	vmul.f32 v16, v7;
	v15 =	vld [tilespmem:s13+$0xFFFFFEB0]  }
0x195: {  	[tilespmem:s13+$0xFFFFFE50] =	vst v11;
	v7 =	vmul.f32 v10, v7;
	v10 =	vld [tilespmem:s13+$0xFFFFFEC0]  }
0x196: {  	[tilespmem:s13+$0xFFFFFE60] =	vst v9;
	v9 =	vmul.f32 v12, v6;
	v11 =	vld [tilespmem:s13+$0xFFFFFED0]  }
0x197: {  	[tilespmem:s13+$0xFFFFFE70] =	vst v7;
	v7 =	vmul.f32 v13, v6;
	v12 =	vld [tilespmem:s13+$0xFFFFFEE0]  }
0x198: {  	[tilespmem:s13+$0xFFFFFE80] =	vst v9;
	v9 =	vmul.f32 v14, v6;
	v13 =	vld [tilespmem:s13+$0xFFFFFEF0]  }
0x199: {  	[tilespmem:s13+$0xFFFFFE90] =	vst v7;
	v7 =	vmul.f32 v15, v6;
	v14 =	vld [tilespmem:s13+$0xFFFFFF00]  }
0x19a: {  	[tilespmem:s13+$0xFFFFFEA0] =	vst v9;
	v9 =	vmul.f32 v10, v6;
	v10 =	vld [tilespmem:s13+$0xFFFFFF10]  }
0x19b: {  	[tilespmem:s13+$0xFFFFFEB0] =	vst v7;
	v7 =	vmul.f32 v11, v6;
	v11 =	vld [tilespmem:s13+$0xFFFFFF20]  }
0x19c: {  	[tilespmem:s13+$0xFFFFFEC0] =	vst v9;
	v9 =	vmul.f32 v12, v6;
	v12 =	vld [tilespmem:s13+$0xFFFFFF30]  }
0x19d: {  	[tilespmem:s13+$0xFFFFFED0] =	vst v7;
	v6 =	vmul.f32 v13, v6;
	v7 =	vld [tilespmem:s13+$0xFFFFFF40]  }
0x19e: {  	[tilespmem:s13+$0xFFFFFEE0] =	vst v9;
	v9 =	vmul.f32 v14, v8;
	v13 =	vld [tilespmem:s13+$0xFFFFFF50]  }
0x19f: {  	[tilespmem:s13+$0xFFFFFEF0] =	vst v6;
	v6 =	vmul.f32 v10, v8;
	v10 =	vld [tilespmem:s13+$0xFFFFFF60]  }
0x1a0: {  	[tilespmem:s13+$0xFFFFFF00] =	vst v9;
	v9 =	vmul.f32 v11, v8;
	v11 =	vld [tilespmem:s13+$0xFFFFFF70]  }
0x1a1: {  	[tilespmem:s13+$0xFFFFFF10] =	vst v6;
	v6 =	vmul.f32 v12, v8;
	v12 =	vld [tilespmem:s13+$0xFFFFFF80]  }
0x1a2: {  	[tilespmem:s13+$0xFFFFFF20] =	vst v9;
	v7 =	vmul.f32 v7, v8;
	v9 =	vld [tilespmem:s13+$0xFFFFFF90]  }
0x1a3: {  	[tilespmem:s13+$0xFFFFFF30] =	vst v6;
	v6 =	vmul.f32 v13, v8;
	v13 =	vld [tilespmem:s13+$0xFFFFFFA0]  }
0x1a4: {  	[tilespmem:s13+$0xFFFFFF40] =	vst v7;
	v7 =	vmul.f32 v10, v8;
	v10 =	vld [tilespmem:s13+$0xFFFFFFB0]  }
0x1a5: {  	[tilespmem:s13+$0xFFFFFF50] =	vst v6;
	v6 =	vmul.f32 v11, v8;
	v8 =	vld [tilespmem:s13+$0xFFFFFFC0]  }
0x1a6: {  	[tilespmem:s13+$0xFFFFFF60] =	vst v7;
	v7 =	vmul.f32 v12, v5;
	v11 =	vld [tilespmem:s13+$0xFFFFFFD0]  }
0x1a7: {  	[tilespmem:s13+$0xFFFFFF70] =	vst v6;
	v6 =	vmul.f32 v9, v5;
	v9 =	vld [tilespmem:s13+$0xFFFFFFE0]  }
0x1a8: {  	[tilespmem:s13+$0xFFFFFF80] =	vst v7;
	v7 =	vmul.f32 v13, v5;
	v12 =	vld [tilespmem:s13+$0xFFFFFFF0]  }
0x1a9: {  	[tilespmem:s13+$0xFFFFFF90] =	vst v6;
	v6 =	vmul.f32 v10, v5;
	v10 =	vld [tilespmem:s13+$0x0]  }
0x1aa: {  	[tilespmem:s13+$0xFFFFFFA0] =	vst v7;
	v7 =	vmul.f32 v8, v5;
	v8 =	vld [tilespmem:s13+$0x10]  }
0x1ab: {  	[tilespmem:s13+$0xFFFFFFB0] =	vst v6;
	v6 =	vmul.f32 v11, v5;
	v11 =	vld [tilespmem:s13+$0x20]  }
0x1ac: {  	[tilespmem:s13+$0xFFFFFFC0] =	vst v7;
	v7 =	vmul.f32 v9, v5;
	v9 =	vld [tilespmem:s13+$0x30]  }
0x1ad: {  	[tilespmem:s13+$0xFFFFFFD0] =	vst v6;
	v5 =	vmul.f32 v12, v5;
	v6 =	vld [tilespmem:s13+$0x40]  }
0x1ae: {  	[tilespmem:s13+$0xFFFFFFE0] =	vst v7;
	v7 =	vmul.f32 v10, v4;
	v10 =	vld [tilespmem:s13+$0x50]  }
0x1af: {  	[tilespmem:s13+$0xFFFFFFF0] =	vst v5;
	v5 =	vmul.f32 v8, v4;
	v8 =	vld [tilespmem:s13+$0x60]  }
0x1b0: {  	[tilespmem:s13+$0x0] =	vst v7;
	v7 =	vmul.f32 v11, v4;
	v11 =	vld [tilespmem:s13+$0x70]  }
0x1b1: {  	[tilespmem:s13+$0x10] =	vst v5;
	v5 =	vmul.f32 v9, v4;
	v9 =	vld [tilespmem:s13+$0x80]  }
0x1b2: {  	[tilespmem:s13+$0x20] =	vst v7;
	v6 =	vmul.f32 v6, v4;
	v7 =	vld [tilespmem:s13+$0x90]  }
0x1b3: {  	[tilespmem:s13+$0x30] =	vst v5;
	v5 =	vmul.f32 v10, v4;
	v10 =	vld [tilespmem:s13+$0xA0]  }
0x1b4: {  	[tilespmem:s13+$0x40] =	vst v6;
	v6 =	vmul.f32 v8, v4;
	v8 =	vld [tilespmem:s13+$0xB0]  }
0x1b5: {  	[tilespmem:s13+$0x50] =	vst v5;
	v4 =	vmul.f32 v11, v4;
	v5 =	vld [tilespmem:s13+$0xC0]  }
0x1b6: {  	[tilespmem:s13+$0x60] =	vst v6;
	v6 =	vmul.f32 v9, v3;
	v9 =	vld [tilespmem:s13+$0xD0]  }
0x1b7: {  	[tilespmem:s13+$0x70] =	vst v4;
	v4 =	vmul.f32 v7, v3;
	v7 =	vld [tilespmem:s13+$0xE0]  }
0x1b8: {  	[tilespmem:s13+$0x80] =	vst v6;
	v6 =	vmul.f32 v10, v3;
	v10 =	vld [tilespmem:s13+$0xF0]  }
0x1b9: {  	[tilespmem:s13+$0x90] =	vst v4;
	v4 =	vmul.f32 v8, v3;
	v8 =	vld [tilespmem:s13+$0x100]  }
0x1ba: {  	[tilespmem:s13+$0xA0] =	vst v6;
	v5 =	vmul.f32 v5, v3;
	v6 =	vld [tilespmem:s13+$0x110]  }
0x1bb: {  	[tilespmem:s13+$0xB0] =	vst v4;
	v4 =	vmul.f32 v9, v3;
	v9 =	vld [tilespmem:s13+$0x120]  }
0x1bc: {  	[tilespmem:s13+$0xC0] =	vst v5;
	v5 =	vmul.f32 v7, v3;
	v7 =	vld [tilespmem:s13+$0x130]  }
0x1bd: {  	[tilespmem:s13+$0xD0] =	vst v4;
	v4 =	vmul.f32 v10, v3;
	v10 =	vld [tilespmem:s13+$0x140]  }
0x1be: {  	s4 =	sadd.s32 $0x7, s3;
	v3 =	vmov s3;
	[tilespmem:s13+$0xE0] =	vst v5;
	v5 =	vmul.f32 v8, v2;
	v8 =	vld [tilespmem:s13+$0x150]  }
0x1bf: {  	s21 =	sadd.s32 $0x1, s3;
	s22 =	sadd.s32 $0x2, s3;
	v11 =	vand.u32 $0xFFFFFFF8, v3;
	v3 =	vmov s4;
	[tilespmem:s13+$0xF0] =	vst v4;
	v4 =	vmul.f32 v6, v2;
	v12 =	vld [tilespmem:s13+$0x160]  }
0x1c0: {  	v14 =	vmov s22;
	v13 =	vmov s21;
	s21 =	sadd.s32 $0x4, s3;
	s4 =	sadd.s32 $0x3, s3;
	[tilespmem:s13+$0x100] =	vst v5;
	v5 =	vmul.f32 v9, v2;
	v9 =	vld [tilespmem:s13+$0x180]  }
0x1c1: {  	v16 =	vmov s21;
	v15 =	vmov s4;
	s4 =	sadd.s32 $0x5, s3;
	[tilespmem:s13+$0x110] =	vst v4;
	v7 =	vmul.f32 v7, v2;
	v17 =	vld [tilespmem:s13+$0x190]  }
.Ltmp10:
0x1c2: {  	v4 =	vbroadcast v11, $0x0;
	v11 =	vmov s4;
	[tilespmem:s13+$0x120] =	vst v5;
	v10 =	vmul.f32 v10, v2;
	v6 =	vld [tilespmem:s13+$0x1A0];
	(pc) =	sbr.rel @p5 .LBB2_14-.Ltmp10, $4  }
0x1c3: {  	v5 =	vand.u32 $0xFFFFFFF9, v13;
	v13 =	vand.u32 $0xFFFFFFFA, v14;
	[tilespmem:s13+$0x130] =	vst v7;
	v14 =	vmul.f32 v8, v2;
	v7 =	vld [tilespmem:s13+$0x1B0]  }
0x1c4: {  	v18 =	vand.u32 $0xFFFFFFFB, v15;
	v5 =	vbroadcast v5, $0x0;
	[tilespmem:s13+$0x140] =	vst v10;
	v19 =	vmul.f32 v12, v2;
	v8 =	vld [tilespmem:s13+$0x1C0]  }
0x1c5: {  	v10 =	vbroadcast v13, $0x0;
	v2 =	vand.u32 $0xFFFFFFFC, v16;
	[tilespmem:s13+$0x150] =	vst v14;
	v15 =	vmul.f32 v9, v1;
	v9 =	vld [tilespmem:s13+$0x1D0]  }
0x1c6: {  	s4 =	sadd.s32 $0x6, s3;
	s3 =	sadd.s32 $0x8, s3;
	v12 =	vbroadcast v18, $0x0;
	v14 =	vand.u32 $0xFFFFFFFD, v11;
	[tilespmem:s13+$0x160] =	vst v19;
	v13 =	vmul.f32 v17, v1;
	v11 =	vld [tilespmem:s13+$0x1E0]  }
0x1c7: {  	_ =	sdelay $0x2  }
0x1c8: {  	v16 =	vld [tilespmem:s13+$0x1F0]  }
0x1c9: {  	v18 =	vld.idx.msk [tilespmem:v4+s8+$0x0], $0xffff  }
0x1ca: {  	v23 =	vld.idx.msk [tilespmem:v5+s8+$0x0], $0xffff  }
0x1cb: {  	v22 =	vbroadcast v2, $0x0;
	v2 =	vmov s4;
	v10 =	vld.idx.msk [tilespmem:v10+s8+$0x0], $0xffff  }
0x1cc: {  	v17 =	vand.u32 $0xFFFFFFFE, v2;
	v2 =	vld.idx.msk [tilespmem:v3+s8+$0x0], $0xffff  }
0x1cd: {  	s3 =	sadd.s32 $0x400, s13;
	v12 =	vld.idx.msk [tilespmem:v12+s8+$0x0], $0xffff  }
0x1ce: {  	v24 =	vld [tilespmem:s3+$0x170]  }
0x1cf: {  	v26 =	vld [tilespmem:s3+$0xFFFFFE00]  }
0x1d0: {  	v28 =	vld [tilespmem:s3+$0xFFFFFE10]  }
0x1d1: {  	[tilespmem:s13+$0x180] =	vst v15;
	v6 =	vmul.f32 v6, v1;
	v30 =	vld [tilespmem:s3+$0xFFFFFE20]  }
0x1d2: {  	[tilespmem:s13+$0x190] =	vst v13;
	v7 =	vmul.f32 v7, v1;
	v31 =	vld [tilespmem:s3+$0xFFFFFE30]  }
0x1d3: {  	v32 =	vld [tilespmem:s3+$0xFFFFFE40];
	[tilespmem:s13+$0x1A0] =	vst v6;
	v25 =	vmul.f32 v8, v1  }
0x1d4: {  	v33 =	vld [tilespmem:s3+$0xFFFFFE50];
	[tilespmem:s13+$0x1B0] =	vst v7;
	v27 =	vmul.f32 v9, v1  }
0x1d5: {  	v34 =	vld [tilespmem:s3+$0xFFFFFE60];
	[tilespmem:s13+$0x1C0] =	vst v25;
	v29 =	vmul.f32 v11, v1  }
0x1d6: {  	v35 =	vld [tilespmem:s3+$0xFFFFFE70];
	[tilespmem:s13+$0x1D0] =	vst v27;
	v1 =	vmul.f32 v16, v1  }
0x1d7: {  	v36 =	vld [tilespmem:s3+$0xFFFFFE80];
	[tilespmem:s13+$0x1E0] =	vst v29;
	v9 =	vmul.f32 v28, v18  }
0x1d8: {  	v37 =	vld [tilespmem:s3+$0xFFFFFE90];
	[tilespmem:s13+$0x1F0] =	vst v1;
	v1 =	vmul.f32 v26, v18  }
0x1d9: {  	v39 =	vld [tilespmem:s3+$0xFFFFFEA0];
	v7 =	vmul.f32 v31, v18;
	[tilespmem:s3+$0xFFFFFE10] =	vst v9  }
0x1da: {  	v40 =	vld [tilespmem:s3+$0xFFFFFEB0];
	[tilespmem:s3+$0xFFFFFE00] =	vst v1;
	v1 =	vmul.f32 v30, v18  }
0x1db: {  	v42 =	vld [tilespmem:s3+$0xFFFFFEC0];
	v38 =	vmul.f32 v33, v18;
	[tilespmem:s3+$0xFFFFFE30] =	vst v7  }
0x1dc: {  	v43 =	vld [tilespmem:s3+$0xFFFFFED0];
	[tilespmem:s3+$0xFFFFFE20] =	vst v1;
	v1 =	vmul.f32 v32, v18  }
0x1dd: {  	v44 =	vld [tilespmem:s3+$0xFFFFFEE0];
	v41 =	vmul.f32 v35, v18;
	[tilespmem:s3+$0xFFFFFE50] =	vst v38  }
0x1de: {  	v45 =	vld [tilespmem:s3+$0xFFFFFEF0];
	[tilespmem:s3+$0xFFFFFE40] =	vst v1;
	v1 =	vmul.f32 v34, v18  }
0x1df: {  	v47 =	vld [tilespmem:s3+$0xFFFFFF00];
	v6 =	vmul.f32 v37, v23;
	[tilespmem:s3+$0xFFFFFE70] =	vst v41  }
0x1e0: {  	v48 =	vld [tilespmem:s3+$0xFFFFFF10];
	[tilespmem:s3+$0xFFFFFE60] =	vst v1;
	v1 =	vmul.f32 v36, v23  }
0x1e1: {  	v50 =	vld [tilespmem:s3+$0xFFFFFF20];
	v46 =	vmul.f32 v40, v23;
	[tilespmem:s3+$0xFFFFFE90] =	vst v6  }
0x1e2: {  	v51 =	vld [tilespmem:s3+$0xFFFFFF30];
	[tilespmem:s3+$0xFFFFFE80] =	vst v1;
	v1 =	vmul.f32 v39, v23  }
0x1e3: {  	v53 =	vld [tilespmem:s3+$0xFFFFFF40];
	v49 =	vmul.f32 v43, v23;
	[tilespmem:s3+$0xFFFFFEB0] =	vst v46  }
0x1e4: {  	v54 =	vld [tilespmem:s3+$0xFFFFFF50];
	[tilespmem:s3+$0xFFFFFEA0] =	vst v1;
	v1 =	vmul.f32 v42, v23  }
0x1e5: {  	v56 =	vld [tilespmem:s3+$0xFFFFFF60];
	v52 =	vmul.f32 v45, v23;
	[tilespmem:s3+$0xFFFFFED0] =	vst v49  }
0x1e6: {  	v57 =	vld [tilespmem:s3+$0xFFFFFF70];
	[tilespmem:s3+$0xFFFFFEC0] =	vst v1;
	v1 =	vmul.f32 v44, v23  }
0x1e7: {  	v14 =	vbroadcast v14, $0x0;
	v59 =	vld [tilespmem:s3+$0xFFFFFF80];
	v55 =	vmul.f32 v48, v10;
	[tilespmem:s3+$0xFFFFFEF0] =	vst v52  }
0x1e8: {  	v60 =	vld [tilespmem:s3+$0xFFFFFF90];
	[tilespmem:s3+$0xFFFFFEE0] =	vst v1;
	v1 =	vmul.f32 v47, v10  }
0x1e9: {  	v62 =	vld [tilespmem:s3+$0xFFFFFFA0];
	v58 =	vmul.f32 v51, v10;
	[tilespmem:s3+$0xFFFFFF10] =	vst v55  }
0x1ea: {  	v63 =	vld [tilespmem:s3+$0xFFFFFFB0];
	v3 =	vbroadcast v17, $0x0;
	[tilespmem:s3+$0xFFFFFF00] =	vst v1;
	v1 =	vmul.f32 v50, v10  }
0x1eb: {  	v15 =	vld [tilespmem:s3+$0xFFFFFFC0];
	v61 =	vmul.f32 v54, v10;
	[tilespmem:s3+$0xFFFFFF30] =	vst v58  }
0x1ec: {  	v19 =	vld [tilespmem:s3+$0xFFFFFFF0];
	[tilespmem:s3+$0xFFFFFF20] =	vst v1;
	v1 =	vmul.f32 v53, v10  }
0x1ed: {  	v4 =	vld.idx.msk [tilespmem:v14+s8+$0x0], $0xffff;
	v14 =	vmul.f32 v57, v10;
	[tilespmem:s3+$0xFFFFFF50] =	vst v61  }
0x1ee: {  	v5 =	vld.idx.msk [tilespmem:v22+s8+$0x0], $0xffff;
	[tilespmem:s3+$0xFFFFFF40] =	vst v1;
	v1 =	vmul.f32 v56, v10  }
0x1ef: {  	v17 =	vmul.f32 v60, v12;
	v22 =	vld [tilespmem:s3+$0x10];
	[tilespmem:s3+$0xFFFFFF70] =	vst v14  }
0x1f0: {  	v3 =	vld.idx.msk [tilespmem:v3+s8+$0x0], $0xffff;
	[tilespmem:s3+$0xFFFFFF60] =	vst v1;
	v1 =	vmul.f32 v59, v12  }
0x1f1: {  	v20 =	vmul.f32 v63, v12;
	[tilespmem:s3+$0xFFFFFF90] =	vst v17;
	v18 =	vld [tilespmem:s3+$0xFFFFFFE0]  }
0x1f2: {  	v25 =	vld [tilespmem:s3+$0x30];
	[tilespmem:s3+$0xFFFFFF80] =	vst v1;
	v1 =	vmul.f32 v62, v12  }
0x1f3: {  	v21 =	vld [tilespmem:s3+$0x0];
	v26 =	vmul.f32 v19, v12;
	[tilespmem:s3+$0xFFFFFFB0] =	vst v20  }
0x1f4: {  	v28 =	vld [tilespmem:s3+$0x50];
	[tilespmem:s3+$0xFFFFFFA0] =	vst v1;
	v1 =	vmul.f32 v15, v12  }
0x1f5: {  	[tilespmem:s3+$0xFFFFFFF0] =	vst v26;
	v29 =	vmul.f32 v22, v5;
	v13 =	vmul.f32 v24, v3;
	v24 =	vld [tilespmem:s3+$0x20]  }
0x1f6: {  	v37 =	vld [tilespmem:s3+$0xB0];
	[tilespmem:s3+$0xFFFFFFC0] =	vst v1;
	v1 =	vmul.f32 v18, v12  }
0x1f7: {  	v27 =	vld [tilespmem:s3+$0x40];
	v32 =	vmul.f32 v25, v5;
	[tilespmem:s3+$0x10] =	vst v29  }
0x1f8: {  	[tilespmem:s3+$0xFFFFFFE0] =	vst v1;
	v1 =	vmul.f32 v21, v5  }
0x1f9: {  	v30 =	vld [tilespmem:s3+$0x60];
	v35 =	vmul.f32 v28, v5;
	[tilespmem:s3+$0x30] =	vst v32  }
0x1fa: {  	v45 =	vld [tilespmem:s3+$0x110];
	[tilespmem:s3+$0x0] =	vst v1;
	v1 =	vmul.f32 v24, v5  }
0x1fb: {  	v33 =	vld [tilespmem:s3+$0x80];
	v43 =	vmul.f32 v37, v4;
	[tilespmem:s3+$0x50] =	vst v35  }
0x1fc: {  	v48 =	vld [tilespmem:s3+$0x130];
	[tilespmem:s3+$0x20] =	vst v1;
	v1 =	vmul.f32 v27, v5  }
0x1fd: {  	[tilespmem:s3+$0xB0] =	vst v43;
	v36 =	vld [tilespmem:s3+$0xA0]  }
0x1fe: {  	v34 =	vld [tilespmem:s3+$0x90];
	[tilespmem:s3+$0x40] =	vst v1;
	v1 =	vmul.f32 v30, v5  }
0x1ff: {  	v38 =	vld [tilespmem:s3+$0xC0];
	v51 =	vmul.f32 v45, v3;
	[tilespmem:s3+$0x170] =	vst v13  }
0x200: {  	v16 =	vld [tilespmem:s3+$0xFFFFFFD0];
	[tilespmem:s3+$0x60] =	vst v1;
	v1 =	vmul.f32 v33, v4  }
0x201: {  	v41 =	vld [tilespmem:s3+$0xE0];
	v54 =	vmul.f32 v48, v3;
	[tilespmem:s3+$0x110] =	vst v51  }
0x202: {  	v39 =	vld [tilespmem:s3+$0xD0];
	[tilespmem:s3+$0x80] =	vst v1;
	v1 =	vmul.f32 v36, v4  }
0x203: {  	[tilespmem:s3+$0x130] =	vst v54;
	v40 =	vmul.f32 v34, v4;
	v44 =	vld [tilespmem:s3+$0x100]  }
0x204: {  	v50 =	vld [tilespmem:s3+$0x150];
	[tilespmem:s3+$0xA0] =	vst v1;
	v1 =	vmul.f32 v38, v4  }
0x205: {  	[tilespmem:s3+$0x90] =	vst v40;
	v23 =	vmul.f32 v16, v12;
	v47 =	vld [tilespmem:s3+$0x120]  }
0x206: {  	v53 =	vld [tilespmem:s3+$0x180];
	[tilespmem:s3+$0xC0] =	vst v1;
	v1 =	vmul.f32 v41, v4  }
0x207: {  	v49 =	vld [tilespmem:s3+$0x140];
	v46 =	vmul.f32 v39, v4;
	[tilespmem:s3+$0xFFFFFFD0] =	vst v23  }
0x208: {  	v56 =	vld [tilespmem:s3+$0x1A0];
	[tilespmem:s3+$0xE0] =	vst v1;
	v1 =	vmul.f32 v44, v3  }
0x209: {  	v52 =	vld [tilespmem:s3+$0x160];
	[tilespmem:s3+$0xD0] =	vst v46;
	v57 =	vmul.f32 v50, v3  }
0x20a: {  	v31 =	vld [tilespmem:s3+$0x70];
	[tilespmem:s3+$0x100] =	vst v1;
	v1 =	vmul.f32 v47, v3  }
0x20b: {  	v55 =	vld [tilespmem:s3+$0x190];
	[tilespmem:s3+$0x150] =	vst v57;
	v59 =	vmul.f32 v53, v2  }
0x20c: {  	v42 =	vld [tilespmem:s3+$0xF0];
	[tilespmem:s3+$0x120] =	vst v1;
	v1 =	vmul.f32 v49, v3  }
0x20d: {  	v58 =	vld [tilespmem:s3+$0x1B0];
	[tilespmem:s3+$0x180] =	vst v59;
	v62 =	vmul.f32 v56, v2  }
0x20e: {  	[tilespmem:s3+$0x140] =	vst v1;
	v1 =	vmul.f32 v52, v3;
	v3 =	vld [tilespmem:s3+$0x1C0]  }
0x20f: {  	v60 =	vld [tilespmem:s3+$0x1D0];
	[tilespmem:s3+$0x1A0] =	vst v62;
	v5 =	vmul.f32 v31, v5  }
0x210: {  	v61 =	vld [tilespmem:s3+$0x1E0];
	[tilespmem:s3+$0x160] =	vst v1;
	v1 =	vmul.f32 v55, v2  }
0x211: {  	v63 =	vld [tilespmem:s3+$0x1F0];
	[tilespmem:s3+$0x70] =	vst v5;
	v4 =	vmul.f32 v42, v4  }
0x212: {  	[tilespmem:s3+$0x190] =	vst v1;
	v1 =	vmul.f32 v58, v2  }
0x213: {  	[tilespmem:s3+$0xF0] =	vst v4;
	v3 =	vmul.f32 v3, v2  }
0x214: {  	[tilespmem:s3+$0x1B0] =	vst v1;
	v1 =	vmul.f32 v60, v2  }
0x215: {  	[tilespmem:s3+$0x1C0] =	vst v3;
	v3 =	vmul.f32 v61, v2  }
0x216: {  	[tilespmem:s3+$0x1D0] =	vst v1;
	v1 =	vmul.f32 v63, v2  }
0x217: {  	[tilespmem:s3+$0x1E0] =	vst v3  }
0x218: {  	[tilespmem:s3+$0x1F0] =	vst v1  }
0x219: {  	[spmem:s1] =	stream.indirect.scatter.add.f32 [tilespmem:s6], [sflag:$0x3], $0x80, s7, s29, $0xb8;
	[tilespmem:$0x1DE78] =	vst v63  }
.LBB2_16:
0x21a: {  	p5 =	seq.s32 s12, $0x1  }
.Ltmp11:
0x21b: {  	_ = 	snop;
	(pc) =	sbr.rel @!p5 .LBB2_20-.Ltmp11, $1  }
0x21c: {  	_ =	sdelay $0x3  }
0x21d: {  	_ =	swait.ge [sflag:s20], $0x2800  }
0x21e: {  	s3 =	simm.s32 $0x0;
	[sflag:s20] =	ssyncset.done $0x0  }
0x21f: {  	s22 =	simm.s32 $0x6;
	s12 =	simm.s32 $0x1B7F8;
	v1 =	vmov s3;
	[sflag:s20] =	ssyncadd.s32 $0xFFFFD800  }
0x220: {  	v2 =	vmov s22;
	v1 =	vand.u32 $0xFFFFFFF8, v1;
	v4 =	vld [tilespmem:s12+$0x170]  }
0x221: {  	v2 =	vand.u32 $0xFFFFFFFE, v2;
	v1 =	vbroadcast v1, $0x0;
	v5 =	vld [tilespmem:s12+$0xFFFFFE00]  }
0x222: {  	v2 =	vbroadcast v2, $0x0;
	v6 =	vld [tilespmem:s12+$0xFFFFFE10]  }
0x223: {  	s4 =	simm.s32 $0x1;
	v7 =	vld [tilespmem:s12+$0xFFFFFE20]  }
0x224: {  	v3 =	vmov s4;
	v8 =	vld [tilespmem:s12+$0xFFFFFE30]  }
0x225: {  	v3 =	vand.u32 $0xFFFFFFF9, v3;
	v9 =	vld [tilespmem:s12+$0xFFFFFE40]  }
0x226: {  	v3 =	vbroadcast v3, $0x0;
	v10 =	vld [tilespmem:s12+$0xFFFFFE50]  }
0x227: {  	v1 =	vld.idx.msk [tilespmem:v1+s16+$0x0], $0xffff  }
0x228: {  	v2 =	vld.idx.msk [tilespmem:v2+s16+$0x0], $0xffff  }
0x229: {  	v11 =	vld [tilespmem:s12+$0xFFFFFE60]  }
0x22a: {  	v12 =	vld [tilespmem:s12+$0xFFFFFE70]  }
0x22b: {  	v13 =	vld [tilespmem:s12+$0xFFFFFE80]  }
0x22c: {  	v3 =	vld.idx.msk [tilespmem:v3+s16+$0x0], $0xffff;
	v5 =	vmul.f32 v5, v1  }
0x22d: {  	v14 =	vld [tilespmem:s12+$0xFFFFFE90];
	v4 =	vmul.f32 v4, v2  }
0x22e: {  	v15 =	vld [tilespmem:s12+$0xFFFFFEA0];
	v6 =	vmul.f32 v6, v1;
	[tilespmem:s12+$0xFFFFFE00] =	vst v5  }
0x22f: {  	s13 =	simm.s32 $0x2;
	v16 =	vld [tilespmem:s12+$0xFFFFFEB0];
	v8 =	vmul.f32 v8, v1;
	[tilespmem:s12+$0x170] =	vst v4  }
0x230: {  	v9 =	vmul.f32 v9, v1;
	v5 =	vmov s13;
	v4 =	vmul.f32 v7, v1;
	v7 =	vld [tilespmem:s12+$0xFFFFFEC0];
	[tilespmem:s12+$0xFFFFFE10] =	vst v6  }
0x231: {  	v6 =	vmul.f32 v13, v3;
	v13 =	vld [tilespmem:s12+$0xFFFFFED0];
	[tilespmem:s12+$0xFFFFFE30] =	vst v8;
	v5 =	vand.u32 $0xFFFFFFFA, v5  }
0x232: {  	v8 =	vmul.f32 v10, v1;
	v10 =	vld [tilespmem:s12+$0xFFFFFEF0];
	[tilespmem:s12+$0xFFFFFE40] =	vst v9;
	v5 =	vbroadcast v5, $0x0  }
0x233: {  	v9 =	vmul.f32 v11, v1;
	v11 =	vld [tilespmem:s12+$0xFFFFFF00];
	[tilespmem:s12+$0xFFFFFE20] =	vst v4  }
0x234: {  	v1 =	vmul.f32 v12, v1;
	v12 =	vld [tilespmem:s12+$0xFFFFFF20];
	[tilespmem:s12+$0xFFFFFE80] =	vst v6  }
0x235: {  	s21 =	simm.s32 $0x3;
	v4 =	vld [tilespmem:s12+$0xFFFFFEE0];
	[tilespmem:s12+$0xFFFFFE50] =	vst v8  }
0x236: {  	v6 =	vmov s21;
	v8 =	vld [tilespmem:s12+$0xFFFFFF10];
	[tilespmem:s12+$0xFFFFFE60] =	vst v9;
	v9 =	vmul.f32 v14, v3  }
0x237: {  	[tilespmem:s12+$0xFFFFFE70] =	vst v1;
	v1 =	vmul.f32 v15, v3;
	v14 =	vld [tilespmem:s12+$0xFFFFFF30];
	v6 =	vand.u32 $0xFFFFFFFB, v6  }
0x238: {  	v6 =	vbroadcast v6, $0x0;
	[tilespmem:s12+$0xFFFFFE90] =	vst v9;
	v9 =	vmul.f32 v16, v3;
	v5 =	vld.idx.msk [tilespmem:v5+s16+$0x0], $0xffff  }
0x239: {  	v15 =	vld [tilespmem:s12+$0xFFFFFF40];
	[tilespmem:s12+$0xFFFFFEA0] =	vst v1;
	v7 =	vmul.f32 v7, v3  }
0x23a: {  	v13 =	vmul.f32 v13, v3;
	[tilespmem:s12+$0xFFFFFEB0] =	vst v9;
	v9 =	vld [tilespmem:s12+$0xFFFFFF60]  }
0x23b: {  	[tilespmem:s12+$0xFFFFFEC0] =	vst v7;
	v4 =	vmul.f32 v4, v3;
	v7 =	vld [tilespmem:s12+$0xFFFFFF70]  }
0x23c: {  	[tilespmem:s12+$0xFFFFFED0] =	vst v13;
	v3 =	vmul.f32 v10, v3;
	v10 =	vld [tilespmem:s12+$0xFFFFFF80]  }
0x23d: {  	v13 =	vld [tilespmem:s12+$0xFFFFFFB0];
	[tilespmem:s12+$0xFFFFFEE0] =	vst v4;
	v1 =	vmul.f32 v11, v5  }
0x23e: {  	[tilespmem:s12+$0xFFFFFEF0] =	vst v3;
	v6 =	vld.idx.msk [tilespmem:v6+s16+$0x0], $0xffff;
	v4 =	vmul.f32 v8, v5  }
0x23f: {  	s22 =	simm.s32 $0x4;
	v11 =	vld [tilespmem:s12+$0xFFFFFF50];
	v3 =	vmul.f32 v12, v5;
	[tilespmem:s12+$0xFFFFFF00] =	vst v1  }
0x240: {  	v8 =	vld [tilespmem:s12+$0xFFFFFF90];
	v9 =	vmul.f32 v9, v5;
	v1 =	vmov s22;
	[tilespmem:s12+$0xFFFFFF10] =	vst v4  }
0x241: {  	v12 =	vld [tilespmem:s12+$0xFFFFFFA0];
	v4 =	vmul.f32 v14, v5;
	[tilespmem:s12+$0xFFFFFF20] =	vst v3;
	v1 =	vand.u32 $0xFFFFFFFC, v1  }
0x242: {  	v3 =	vmul.f32 v15, v5;
	v14 =	vld [tilespmem:s12+$0xFFFFFFC0];
	[tilespmem:s12+$0xFFFFFF60] =	vst v9;
	v1 =	vbroadcast v1, $0x0  }
0x243: {  	v9 =	vld [tilespmem:s12+$0x0];
	[tilespmem:s12+$0xFFFFFF30] =	vst v4;
	v4 =	vmul.f32 v10, v6  }
0x244: {  	s4 =	simm.s32 $0x5;
	v10 =	vld [tilespmem:s12+$0xFFFFFFD0];
	[tilespmem:s12+$0xFFFFFF40] =	vst v3;
	v11 =	vmul.f32 v11, v5  }
0x245: {  	v3 =	vld [tilespmem:s12+$0xFFFFFFE0];
	v5 =	vmul.f32 v7, v5;
	[tilespmem:s12+$0xFFFFFF80] =	vst v4;
	v4 =	vmov s4  }
0x246: {  	v7 =	vld [tilespmem:s12+$0xFFFFFFF0];
	v8 =	vmul.f32 v8, v6;
	[tilespmem:s12+$0xFFFFFF50] =	vst v11;
	v4 =	vand.u32 $0xFFFFFFFD, v4  }
0x247: {  	[tilespmem:s12+$0xFFFFFF70] =	vst v5;
	v5 =	vmul.f32 v12, v6;
	v11 =	vld [tilespmem:s12+$0x10];
	v4 =	vbroadcast v4, $0x0  }
0x248: {  	[tilespmem:s12+$0xFFFFFF90] =	vst v8;
	v8 =	vmul.f32 v13, v6;
	v1 =	vld.idx.msk [tilespmem:v1+s16+$0x0], $0xffff  }
0x249: {  	v12 =	vld [tilespmem:s12+$0x20];
	[tilespmem:s12+$0xFFFFFFA0] =	vst v5;
	v5 =	vmul.f32 v14, v6  }
0x24a: {  	v13 =	vld [tilespmem:s12+$0x30];
	[tilespmem:s12+$0xFFFFFFB0] =	vst v8;
	v8 =	vmul.f32 v10, v6  }
0x24b: {  	v10 =	vld [tilespmem:s12+$0x40];
	v3 =	vmul.f32 v3, v6;
	[tilespmem:s12+$0xFFFFFFC0] =	vst v5  }
0x24c: {  	v6 =	vmul.f32 v7, v6;
	[tilespmem:s12+$0xFFFFFFD0] =	vst v8;
	v8 =	vld [tilespmem:s12+$0x60]  }
0x24d: {  	[tilespmem:s12+$0xFFFFFFE0] =	vst v3;
	v4 =	vld.idx.msk [tilespmem:v4+s16+$0x0], $0xffff;
	v5 =	vmul.f32 v9, v1  }
0x24e: {  	[tilespmem:s12+$0xFFFFFFF0] =	vst v6;
	v9 =	vld [tilespmem:s12+$0x50];
	v6 =	vmul.f32 v12, v1  }
0x24f: {  	v3 =	vmul.f32 v11, v1;
	v11 =	vld [tilespmem:s12+$0x90];
	[tilespmem:s12+$0x0] =	vst v5  }
0x250: {  	v7 =	vld [tilespmem:s12+$0x80];
	[tilespmem:s12+$0x20] =	vst v6;
	v6 =	vmul.f32 v10, v1  }
0x251: {  	v5 =	vld [tilespmem:s12+$0x70];
	[tilespmem:s12+$0x10] =	vst v3;
	v3 =	vmul.f32 v13, v1  }
0x252: {  	v10 =	vld [tilespmem:s12+$0xA0];
	[tilespmem:s12+$0x40] =	vst v6;
	v6 =	vmul.f32 v8, v1  }
0x253: {  	[tilespmem:s12+$0x30] =	vst v3;
	v8 =	vld [tilespmem:s12+$0xC0];
	v3 =	vmul.f32 v9, v1  }
0x254: {  	v9 =	vld [tilespmem:s12+$0xB0];
	v11 =	vmul.f32 v11, v4;
	[tilespmem:s12+$0x60] =	vst v6  }
0x255: {  	v6 =	vld [tilespmem:s12+$0xE0];
	[tilespmem:s12+$0x50] =	vst v3;
	v3 =	vmul.f32 v7, v4  }
0x256: {  	v7 =	vld [tilespmem:s12+$0xD0];
	v5 =	vmul.f32 v5, v1;
	[tilespmem:s12+$0x90] =	vst v11  }
0x257: {  	v11 =	vld [tilespmem:s12+$0x150];
	[tilespmem:s12+$0x80] =	vst v3  }
0x258: {  	[tilespmem:s12+$0x70] =	vst v5;
	v3 =	vmul.f32 v10, v4;
	v5 =	vld [tilespmem:s12+$0xF0]  }
0x259: {  	v10 =	vld [tilespmem:s12+$0x100];
	v9 =	vmul.f32 v9, v4  }
0x25a: {  	s13 =	simm.s32 $0x7;
	[tilespmem:s12+$0xA0] =	vst v3;
	v3 =	vmul.f32 v8, v4;
	v8 =	vld [tilespmem:s12+$0x110]  }
0x25b: {  	v14 =	vld [tilespmem:s12+$0x180];
	v12 =	vmov s13;
	[tilespmem:s12+$0xB0] =	vst v9;
	v7 =	vmul.f32 v7, v4  }
0x25c: {  	v9 =	vld [tilespmem:s12+$0x120];
	v11 =	vmul.f32 v11, v2;
	[tilespmem:s12+$0xC0] =	vst v3  }
0x25d: {  	s13 =	simm.s32 $0xA;
	v3 =	vmul.f32 v6, v4;
	v6 =	vld [tilespmem:s12+$0x130];
	[tilespmem:s12+$0xD0] =	vst v7;
	v4 =	vmul.f32 v5, v4  }
0x25e: {  	s21 =	simm.s32 $0x8;
	v13 =	vmov s13;
	v5 =	vld [tilespmem:s12+$0x140];
	[tilespmem:s12+$0x150] =	vst v11  }
0x25f: {  	s22 =	simm.s32 $0xF;
	s4 =	simm.s32 $0x9;
	v7 =	vmov s21;
	v10 =	vmul.f32 v10, v2;
	[tilespmem:s12+$0xF0] =	vst v4;
	v4 =	vmul.f32 v8, v2;
	v8 =	vld [tilespmem:s12+$0x160]  }
0x260: {  	s13 =	simm.s32 $0xB;
	v1 =	vld.idx.msk [tilespmem:v12+s16+$0x0], $0xffff;
	v12 =	vmov s4;
	s21 =	simm.s32 $0xC;
	[tilespmem:s12+$0xE0] =	vst v3;
	v7 =	vand.u32 $0xFFFFFFF8, v7;
	v3 =	vmov s22  }
0x261: {  	v17 =	vld [tilespmem:s12+$0x190];
	v15 =	vmov s21;
	s22 =	simm.s32 $0xD;
	[tilespmem:s12+$0x100] =	vst v10;
	v10 =	vmov s13;
	v9 =	vmul.f32 v9, v2  }
0x262: {  	v18 =	vmov s22;
	[tilespmem:s12+$0x110] =	vst v4;
	v16 =	vmul.f32 v6, v2;
	v4 =	vbroadcast v7, $0x0;
	v6 =	vld [tilespmem:s12+$0x1A0]  }
0x263: {  	v7 =	vld [tilespmem:s12+$0x1B0];
	[tilespmem:s12+$0x120] =	vst v9;
	v9 =	vmul.f32 v5, v2;
	v5 =	vand.u32 $0xFFFFFFF9, v12;
	v12 =	vand.u32 $0xFFFFFFFA, v13  }
0x264: {  	v13 =	vand.u32 $0xFFFFFFFB, v10;
	[tilespmem:s12+$0x130] =	vst v16;
	v5 =	vbroadcast v5, $0x0;
	v16 =	vmul.f32 v8, v2;
	v8 =	vld [tilespmem:s12+$0x1C0]  }
0x265: {  	v10 =	vbroadcast v12, $0x0;
	[tilespmem:s12+$0x140] =	vst v9;
	v2 =	vand.u32 $0xFFFFFFFC, v15;
	v15 =	vmul.f32 v14, v1;
	v9 =	vld [tilespmem:s12+$0x1D0]  }
0x266: {  	s3 =	simm.s32 $0x10;
	s4 =	simm.s32 $0xE;
	v11 =	vld [tilespmem:s12+$0x1E0];
	v12 =	vbroadcast v13, $0x0;
	v13 =	vmul.f32 v17, v1;
	v14 =	vand.u32 $0xFFFFFFFD, v18;
	[tilespmem:s12+$0x160] =	vst v16  }
.LBB2_18:
0x267: {  	p5 =	slt.u32 s3, $0x48;
	v2 =	vbroadcast v2, $0x0;
	v16 =	vmov s4;
	[tilespmem:s12+$0x180] =	vst v15;
	v6 =	vmul.f32 v6, v1;
	v15 =	vld [tilespmem:s12+$0x1F0]  }
0x268: {  	v14 =	vbroadcast v14, $0x0;
	v16 =	vand.u32 $0xFFFFFFFE, v16;
	v17 =	vld.idx.msk [tilespmem:v3+s16+$0x0], $0xffff;
	[tilespmem:s12+$0x190] =	vst v13;
	v3 =	vmul.f32 v7, v1  }
0x269: {  	v7 =	vld.idx.msk [tilespmem:v4+s16+$0x0], $0xffff;
	v13 =	vbroadcast v16, $0x0;
	[tilespmem:s12+$0x1A0] =	vst v6;
	v4 =	vmul.f32 v8, v1  }
0x26a: {  	v6 =	vld.idx.msk [tilespmem:v5+s16+$0x0], $0xffff;
	[tilespmem:s12+$0x1B0] =	vst v3;
	v3 =	vmul.f32 v9, v1  }
0x26b: {  	v8 =	vld.idx.msk [tilespmem:v10+s16+$0x0], $0xffff;
	[tilespmem:s12+$0x1C0] =	vst v4;
	v9 =	vmul.f32 v11, v1  }
0x26c: {  	v5 =	vld.idx.msk [tilespmem:v12+s16+$0x0], $0xffff;
	[tilespmem:s12+$0x1D0] =	vst v3;
	v10 =	vmul.f32 v15, v1  }
0x26d: {  	v4 =	vld.idx.msk [tilespmem:v2+s16+$0x0], $0xffff;
	[tilespmem:s12+$0x1E0] =	vst v9  }
0x26e: {  	v1 =	vmov v17;
	v3 =	vld.idx.msk [tilespmem:v14+s16+$0x0], $0xffff;
	[tilespmem:s12+$0x1F0] =	vst v10  }
0x26f: {  	s12 =	sadd.s32 $0x400, s12;
	v2 =	vld.idx.msk [tilespmem:v13+s16+$0x0], $0xffff  }
0x270: {  	v9 =	vld [tilespmem:s12+$0x170]  }
0x271: {  	v10 =	vld [tilespmem:s12+$0xFFFFFE00]  }
0x272: {  	v11 =	vld [tilespmem:s12+$0xFFFFFE10]  }
0x273: {  	v12 =	vld [tilespmem:s12+$0xFFFFFE20]  }
0x274: {  	v13 =	vld [tilespmem:s12+$0xFFFFFE30]  }
0x275: {  	v14 =	vld [tilespmem:s12+$0xFFFFFE40];
	v9 =	vmul.f32 v9, v2  }
0x276: {  	v10 =	vmul.f32 v10, v7;
	v15 =	vld [tilespmem:s12+$0xFFFFFE50]  }
0x277: {  	v11 =	vmul.f32 v11, v7;
	v16 =	vld [tilespmem:s12+$0xFFFFFE60];
	[tilespmem:s12+$0x170] =	vst v9  }
0x278: {  	[tilespmem:s12+$0xFFFFFE00] =	vst v10;
	v9 =	vmul.f32 v12, v7;
	v10 =	vld [tilespmem:s12+$0xFFFFFE70]  }
0x279: {  	[tilespmem:s12+$0xFFFFFE10] =	vst v11;
	v11 =	vmul.f32 v13, v7;
	v12 =	vld [tilespmem:s12+$0xFFFFFE80]  }
0x27a: {  	[tilespmem:s12+$0xFFFFFE20] =	vst v9;
	v9 =	vmul.f32 v14, v7;
	v13 =	vld [tilespmem:s12+$0xFFFFFE90]  }
0x27b: {  	[tilespmem:s12+$0xFFFFFE30] =	vst v11;
	v11 =	vmul.f32 v15, v7;
	v14 =	vld [tilespmem:s12+$0xFFFFFEA0]  }
0x27c: {  	[tilespmem:s12+$0xFFFFFE40] =	vst v9;
	v9 =	vmul.f32 v16, v7;
	v15 =	vld [tilespmem:s12+$0xFFFFFEB0]  }
0x27d: {  	[tilespmem:s12+$0xFFFFFE50] =	vst v11;
	v7 =	vmul.f32 v10, v7;
	v10 =	vld [tilespmem:s12+$0xFFFFFEC0]  }
0x27e: {  	[tilespmem:s12+$0xFFFFFE60] =	vst v9;
	v9 =	vmul.f32 v12, v6;
	v11 =	vld [tilespmem:s12+$0xFFFFFED0]  }
0x27f: {  	[tilespmem:s12+$0xFFFFFE70] =	vst v7;
	v7 =	vmul.f32 v13, v6;
	v12 =	vld [tilespmem:s12+$0xFFFFFEE0]  }
0x280: {  	[tilespmem:s12+$0xFFFFFE80] =	vst v9;
	v9 =	vmul.f32 v14, v6;
	v13 =	vld [tilespmem:s12+$0xFFFFFEF0]  }
0x281: {  	[tilespmem:s12+$0xFFFFFE90] =	vst v7;
	v7 =	vmul.f32 v15, v6;
	v14 =	vld [tilespmem:s12+$0xFFFFFF00]  }
0x282: {  	[tilespmem:s12+$0xFFFFFEA0] =	vst v9;
	v9 =	vmul.f32 v10, v6;
	v10 =	vld [tilespmem:s12+$0xFFFFFF10]  }
0x283: {  	[tilespmem:s12+$0xFFFFFEB0] =	vst v7;
	v7 =	vmul.f32 v11, v6;
	v11 =	vld [tilespmem:s12+$0xFFFFFF20]  }
0x284: {  	[tilespmem:s12+$0xFFFFFEC0] =	vst v9;
	v9 =	vmul.f32 v12, v6;
	v12 =	vld [tilespmem:s12+$0xFFFFFF30]  }
0x285: {  	[tilespmem:s12+$0xFFFFFED0] =	vst v7;
	v6 =	vmul.f32 v13, v6;
	v7 =	vld [tilespmem:s12+$0xFFFFFF40]  }
0x286: {  	[tilespmem:s12+$0xFFFFFEE0] =	vst v9;
	v9 =	vmul.f32 v14, v8;
	v13 =	vld [tilespmem:s12+$0xFFFFFF50]  }
0x287: {  	[tilespmem:s12+$0xFFFFFEF0] =	vst v6;
	v6 =	vmul.f32 v10, v8;
	v10 =	vld [tilespmem:s12+$0xFFFFFF60]  }
0x288: {  	[tilespmem:s12+$0xFFFFFF00] =	vst v9;
	v9 =	vmul.f32 v11, v8;
	v11 =	vld [tilespmem:s12+$0xFFFFFF70]  }
0x289: {  	[tilespmem:s12+$0xFFFFFF10] =	vst v6;
	v6 =	vmul.f32 v12, v8;
	v12 =	vld [tilespmem:s12+$0xFFFFFF80]  }
0x28a: {  	[tilespmem:s12+$0xFFFFFF20] =	vst v9;
	v7 =	vmul.f32 v7, v8;
	v9 =	vld [tilespmem:s12+$0xFFFFFF90]  }
0x28b: {  	[tilespmem:s12+$0xFFFFFF30] =	vst v6;
	v6 =	vmul.f32 v13, v8;
	v13 =	vld [tilespmem:s12+$0xFFFFFFA0]  }
0x28c: {  	[tilespmem:s12+$0xFFFFFF40] =	vst v7;
	v7 =	vmul.f32 v10, v8;
	v10 =	vld [tilespmem:s12+$0xFFFFFFB0]  }
0x28d: {  	[tilespmem:s12+$0xFFFFFF50] =	vst v6;
	v6 =	vmul.f32 v11, v8;
	v8 =	vld [tilespmem:s12+$0xFFFFFFC0]  }
0x28e: {  	[tilespmem:s12+$0xFFFFFF60] =	vst v7;
	v7 =	vmul.f32 v12, v5;
	v11 =	vld [tilespmem:s12+$0xFFFFFFD0]  }
0x28f: {  	[tilespmem:s12+$0xFFFFFF70] =	vst v6;
	v6 =	vmul.f32 v9, v5;
	v9 =	vld [tilespmem:s12+$0xFFFFFFE0]  }
0x290: {  	[tilespmem:s12+$0xFFFFFF80] =	vst v7;
	v7 =	vmul.f32 v13, v5;
	v12 =	vld [tilespmem:s12+$0xFFFFFFF0]  }
0x291: {  	[tilespmem:s12+$0xFFFFFF90] =	vst v6;
	v6 =	vmul.f32 v10, v5;
	v10 =	vld [tilespmem:s12+$0x0]  }
0x292: {  	[tilespmem:s12+$0xFFFFFFA0] =	vst v7;
	v7 =	vmul.f32 v8, v5;
	v8 =	vld [tilespmem:s12+$0x10]  }
0x293: {  	[tilespmem:s12+$0xFFFFFFB0] =	vst v6;
	v6 =	vmul.f32 v11, v5;
	v11 =	vld [tilespmem:s12+$0x20]  }
0x294: {  	[tilespmem:s12+$0xFFFFFFC0] =	vst v7;
	v7 =	vmul.f32 v9, v5;
	v9 =	vld [tilespmem:s12+$0x30]  }
0x295: {  	[tilespmem:s12+$0xFFFFFFD0] =	vst v6;
	v5 =	vmul.f32 v12, v5;
	v6 =	vld [tilespmem:s12+$0x40]  }
0x296: {  	[tilespmem:s12+$0xFFFFFFE0] =	vst v7;
	v7 =	vmul.f32 v10, v4;
	v10 =	vld [tilespmem:s12+$0x50]  }
0x297: {  	[tilespmem:s12+$0xFFFFFFF0] =	vst v5;
	v5 =	vmul.f32 v8, v4;
	v8 =	vld [tilespmem:s12+$0x60]  }
0x298: {  	[tilespmem:s12+$0x0] =	vst v7;
	v7 =	vmul.f32 v11, v4;
	v11 =	vld [tilespmem:s12+$0x70]  }
0x299: {  	[tilespmem:s12+$0x10] =	vst v5;
	v5 =	vmul.f32 v9, v4;
	v9 =	vld [tilespmem:s12+$0x80]  }
0x29a: {  	[tilespmem:s12+$0x20] =	vst v7;
	v6 =	vmul.f32 v6, v4;
	v7 =	vld [tilespmem:s12+$0x90]  }
0x29b: {  	[tilespmem:s12+$0x30] =	vst v5;
	v5 =	vmul.f32 v10, v4;
	v10 =	vld [tilespmem:s12+$0xA0]  }
0x29c: {  	[tilespmem:s12+$0x40] =	vst v6;
	v6 =	vmul.f32 v8, v4;
	v8 =	vld [tilespmem:s12+$0xB0]  }
0x29d: {  	[tilespmem:s12+$0x50] =	vst v5;
	v4 =	vmul.f32 v11, v4;
	v5 =	vld [tilespmem:s12+$0xC0]  }
0x29e: {  	[tilespmem:s12+$0x60] =	vst v6;
	v6 =	vmul.f32 v9, v3;
	v9 =	vld [tilespmem:s12+$0xD0]  }
0x29f: {  	[tilespmem:s12+$0x70] =	vst v4;
	v4 =	vmul.f32 v7, v3;
	v7 =	vld [tilespmem:s12+$0xE0]  }
0x2a0: {  	[tilespmem:s12+$0x80] =	vst v6;
	v6 =	vmul.f32 v10, v3;
	v10 =	vld [tilespmem:s12+$0xF0]  }
0x2a1: {  	[tilespmem:s12+$0x90] =	vst v4;
	v4 =	vmul.f32 v8, v3;
	v8 =	vld [tilespmem:s12+$0x100]  }
0x2a2: {  	[tilespmem:s12+$0xA0] =	vst v6;
	v5 =	vmul.f32 v5, v3;
	v6 =	vld [tilespmem:s12+$0x110]  }
0x2a3: {  	[tilespmem:s12+$0xB0] =	vst v4;
	v4 =	vmul.f32 v9, v3;
	v9 =	vld [tilespmem:s12+$0x120]  }
0x2a4: {  	[tilespmem:s12+$0xC0] =	vst v5;
	v5 =	vmul.f32 v7, v3;
	v7 =	vld [tilespmem:s12+$0x130]  }
0x2a5: {  	[tilespmem:s12+$0xD0] =	vst v4;
	v4 =	vmul.f32 v10, v3;
	v10 =	vld [tilespmem:s12+$0x140]  }
0x2a6: {  	s4 =	sadd.s32 $0x7, s3;
	v3 =	vmov s3;
	[tilespmem:s12+$0xE0] =	vst v5;
	v5 =	vmul.f32 v8, v2;
	v8 =	vld [tilespmem:s12+$0x150]  }
0x2a7: {  	s13 =	sadd.s32 $0x1, s3;
	s21 =	sadd.s32 $0x2, s3;
	v11 =	vand.u32 $0xFFFFFFF8, v3;
	v3 =	vmov s4;
	[tilespmem:s12+$0xF0] =	vst v4;
	v4 =	vmul.f32 v6, v2;
	v12 =	vld [tilespmem:s12+$0x160]  }
0x2a8: {  	v14 =	vmov s21;
	v13 =	vmov s13;
	s13 =	sadd.s32 $0x4, s3;
	s4 =	sadd.s32 $0x3, s3;
	[tilespmem:s12+$0x100] =	vst v5;
	v5 =	vmul.f32 v9, v2;
	v9 =	vld [tilespmem:s12+$0x180]  }
0x2a9: {  	v16 =	vmov s13;
	v15 =	vmov s4;
	s4 =	sadd.s32 $0x5, s3;
	[tilespmem:s12+$0x110] =	vst v4;
	v7 =	vmul.f32 v7, v2;
	v17 =	vld [tilespmem:s12+$0x190]  }
.Ltmp12:
0x2aa: {  	v4 =	vbroadcast v11, $0x0;
	v11 =	vmov s4;
	[tilespmem:s12+$0x120] =	vst v5;
	v10 =	vmul.f32 v10, v2;
	v6 =	vld [tilespmem:s12+$0x1A0];
	(pc) =	sbr.rel @p5 .LBB2_18-.Ltmp12, $4  }
0x2ab: {  	v5 =	vand.u32 $0xFFFFFFF9, v13;
	v13 =	vand.u32 $0xFFFFFFFA, v14;
	[tilespmem:s12+$0x130] =	vst v7;
	v14 =	vmul.f32 v8, v2;
	v7 =	vld [tilespmem:s12+$0x1B0]  }
0x2ac: {  	v18 =	vand.u32 $0xFFFFFFFB, v15;
	v5 =	vbroadcast v5, $0x0;
	[tilespmem:s12+$0x140] =	vst v10;
	v19 =	vmul.f32 v12, v2;
	v8 =	vld [tilespmem:s12+$0x1C0]  }
0x2ad: {  	v10 =	vbroadcast v13, $0x0;
	v2 =	vand.u32 $0xFFFFFFFC, v16;
	[tilespmem:s12+$0x150] =	vst v14;
	v15 =	vmul.f32 v9, v1;
	v9 =	vld [tilespmem:s12+$0x1D0]  }
0x2ae: {  	s4 =	sadd.s32 $0x6, s3;
	s3 =	sadd.s32 $0x8, s3;
	v12 =	vbroadcast v18, $0x0;
	v14 =	vand.u32 $0xFFFFFFFD, v11;
	[tilespmem:s12+$0x160] =	vst v19;
	v13 =	vmul.f32 v17, v1;
	v11 =	vld [tilespmem:s12+$0x1E0]  }
0x2af: {  	_ =	sdelay $0x2  }
0x2b0: {  	v16 =	vld [tilespmem:s12+$0x1F0]  }
0x2b1: {  	v18 =	vld.idx.msk [tilespmem:v4+s16+$0x0], $0xffff  }
0x2b2: {  	v23 =	vld.idx.msk [tilespmem:v5+s16+$0x0], $0xffff  }
0x2b3: {  	v22 =	vbroadcast v2, $0x0;
	v2 =	vmov s4;
	v10 =	vld.idx.msk [tilespmem:v10+s16+$0x0], $0xffff  }
0x2b4: {  	v17 =	vand.u32 $0xFFFFFFFE, v2;
	v2 =	vld.idx.msk [tilespmem:v3+s16+$0x0], $0xffff  }
0x2b5: {  	s3 =	sadd.s32 $0x400, s12;
	v12 =	vld.idx.msk [tilespmem:v12+s16+$0x0], $0xffff  }
0x2b6: {  	v24 =	vld [tilespmem:s3+$0x170]  }
0x2b7: {  	v26 =	vld [tilespmem:s3+$0xFFFFFE00]  }
0x2b8: {  	v28 =	vld [tilespmem:s3+$0xFFFFFE10]  }
0x2b9: {  	[tilespmem:s12+$0x180] =	vst v15;
	v6 =	vmul.f32 v6, v1;
	v30 =	vld [tilespmem:s3+$0xFFFFFE20]  }
0x2ba: {  	[tilespmem:s12+$0x190] =	vst v13;
	v7 =	vmul.f32 v7, v1;
	v31 =	vld [tilespmem:s3+$0xFFFFFE30]  }
0x2bb: {  	v32 =	vld [tilespmem:s3+$0xFFFFFE40];
	[tilespmem:s12+$0x1A0] =	vst v6;
	v25 =	vmul.f32 v8, v1  }
0x2bc: {  	v33 =	vld [tilespmem:s3+$0xFFFFFE50];
	[tilespmem:s12+$0x1B0] =	vst v7;
	v27 =	vmul.f32 v9, v1  }
0x2bd: {  	v34 =	vld [tilespmem:s3+$0xFFFFFE60];
	[tilespmem:s12+$0x1C0] =	vst v25;
	v29 =	vmul.f32 v11, v1  }
0x2be: {  	v35 =	vld [tilespmem:s3+$0xFFFFFE70];
	[tilespmem:s12+$0x1D0] =	vst v27;
	v1 =	vmul.f32 v16, v1  }
0x2bf: {  	v36 =	vld [tilespmem:s3+$0xFFFFFE80];
	[tilespmem:s12+$0x1E0] =	vst v29;
	v9 =	vmul.f32 v28, v18  }
0x2c0: {  	v37 =	vld [tilespmem:s3+$0xFFFFFE90];
	[tilespmem:s12+$0x1F0] =	vst v1;
	v1 =	vmul.f32 v26, v18  }
0x2c1: {  	v39 =	vld [tilespmem:s3+$0xFFFFFEA0];
	v7 =	vmul.f32 v31, v18;
	[tilespmem:s3+$0xFFFFFE10] =	vst v9  }
0x2c2: {  	v40 =	vld [tilespmem:s3+$0xFFFFFEB0];
	[tilespmem:s3+$0xFFFFFE00] =	vst v1;
	v1 =	vmul.f32 v30, v18  }
0x2c3: {  	v42 =	vld [tilespmem:s3+$0xFFFFFEC0];
	v38 =	vmul.f32 v33, v18;
	[tilespmem:s3+$0xFFFFFE30] =	vst v7  }
0x2c4: {  	v43 =	vld [tilespmem:s3+$0xFFFFFED0];
	[tilespmem:s3+$0xFFFFFE20] =	vst v1;
	v1 =	vmul.f32 v32, v18  }
0x2c5: {  	v44 =	vld [tilespmem:s3+$0xFFFFFEE0];
	v41 =	vmul.f32 v35, v18;
	[tilespmem:s3+$0xFFFFFE50] =	vst v38  }
0x2c6: {  	v45 =	vld [tilespmem:s3+$0xFFFFFEF0];
	[tilespmem:s3+$0xFFFFFE40] =	vst v1;
	v1 =	vmul.f32 v34, v18  }
0x2c7: {  	v47 =	vld [tilespmem:s3+$0xFFFFFF00];
	v6 =	vmul.f32 v37, v23;
	[tilespmem:s3+$0xFFFFFE70] =	vst v41  }
0x2c8: {  	v48 =	vld [tilespmem:s3+$0xFFFFFF10];
	[tilespmem:s3+$0xFFFFFE60] =	vst v1;
	v1 =	vmul.f32 v36, v23  }
0x2c9: {  	v50 =	vld [tilespmem:s3+$0xFFFFFF20];
	v46 =	vmul.f32 v40, v23;
	[tilespmem:s3+$0xFFFFFE90] =	vst v6  }
0x2ca: {  	v51 =	vld [tilespmem:s3+$0xFFFFFF30];
	[tilespmem:s3+$0xFFFFFE80] =	vst v1;
	v1 =	vmul.f32 v39, v23  }
0x2cb: {  	v53 =	vld [tilespmem:s3+$0xFFFFFF40];
	v49 =	vmul.f32 v43, v23;
	[tilespmem:s3+$0xFFFFFEB0] =	vst v46  }
0x2cc: {  	v54 =	vld [tilespmem:s3+$0xFFFFFF50];
	[tilespmem:s3+$0xFFFFFEA0] =	vst v1;
	v1 =	vmul.f32 v42, v23  }
0x2cd: {  	v56 =	vld [tilespmem:s3+$0xFFFFFF60];
	v52 =	vmul.f32 v45, v23;
	[tilespmem:s3+$0xFFFFFED0] =	vst v49  }
0x2ce: {  	v57 =	vld [tilespmem:s3+$0xFFFFFF70];
	[tilespmem:s3+$0xFFFFFEC0] =	vst v1;
	v1 =	vmul.f32 v44, v23  }
0x2cf: {  	v14 =	vbroadcast v14, $0x0;
	v59 =	vld [tilespmem:s3+$0xFFFFFF80];
	v55 =	vmul.f32 v48, v10;
	[tilespmem:s3+$0xFFFFFEF0] =	vst v52  }
0x2d0: {  	v60 =	vld [tilespmem:s3+$0xFFFFFF90];
	[tilespmem:s3+$0xFFFFFEE0] =	vst v1;
	v1 =	vmul.f32 v47, v10  }
0x2d1: {  	v62 =	vld [tilespmem:s3+$0xFFFFFFA0];
	v58 =	vmul.f32 v51, v10;
	[tilespmem:s3+$0xFFFFFF10] =	vst v55  }
0x2d2: {  	v63 =	vld [tilespmem:s3+$0xFFFFFFB0];
	v3 =	vbroadcast v17, $0x0;
	[tilespmem:s3+$0xFFFFFF00] =	vst v1;
	v1 =	vmul.f32 v50, v10  }
0x2d3: {  	v15 =	vld [tilespmem:s3+$0xFFFFFFC0];
	v61 =	vmul.f32 v54, v10;
	[tilespmem:s3+$0xFFFFFF30] =	vst v58  }
0x2d4: {  	v19 =	vld [tilespmem:s3+$0xFFFFFFF0];
	[tilespmem:s3+$0xFFFFFF20] =	vst v1;
	v1 =	vmul.f32 v53, v10  }
0x2d5: {  	v4 =	vld.idx.msk [tilespmem:v14+s16+$0x0], $0xffff;
	v14 =	vmul.f32 v57, v10;
	[tilespmem:s3+$0xFFFFFF50] =	vst v61  }
0x2d6: {  	v5 =	vld.idx.msk [tilespmem:v22+s16+$0x0], $0xffff;
	[tilespmem:s3+$0xFFFFFF40] =	vst v1;
	v1 =	vmul.f32 v56, v10  }
0x2d7: {  	v17 =	vmul.f32 v60, v12;
	v22 =	vld [tilespmem:s3+$0x10];
	[tilespmem:s3+$0xFFFFFF70] =	vst v14  }
0x2d8: {  	v3 =	vld.idx.msk [tilespmem:v3+s16+$0x0], $0xffff;
	[tilespmem:s3+$0xFFFFFF60] =	vst v1;
	v1 =	vmul.f32 v59, v12  }
0x2d9: {  	v20 =	vmul.f32 v63, v12;
	[tilespmem:s3+$0xFFFFFF90] =	vst v17;
	v18 =	vld [tilespmem:s3+$0xFFFFFFE0]  }
0x2da: {  	v25 =	vld [tilespmem:s3+$0x30];
	[tilespmem:s3+$0xFFFFFF80] =	vst v1;
	v1 =	vmul.f32 v62, v12  }
0x2db: {  	v21 =	vld [tilespmem:s3+$0x0];
	v26 =	vmul.f32 v19, v12;
	[tilespmem:s3+$0xFFFFFFB0] =	vst v20  }
0x2dc: {  	v28 =	vld [tilespmem:s3+$0x50];
	[tilespmem:s3+$0xFFFFFFA0] =	vst v1;
	v1 =	vmul.f32 v15, v12  }
0x2dd: {  	[tilespmem:s3+$0xFFFFFFF0] =	vst v26;
	v29 =	vmul.f32 v22, v5;
	v13 =	vmul.f32 v24, v3;
	v24 =	vld [tilespmem:s3+$0x20]  }
0x2de: {  	v37 =	vld [tilespmem:s3+$0xB0];
	[tilespmem:s3+$0xFFFFFFC0] =	vst v1;
	v1 =	vmul.f32 v18, v12  }
0x2df: {  	v27 =	vld [tilespmem:s3+$0x40];
	v32 =	vmul.f32 v25, v5;
	[tilespmem:s3+$0x10] =	vst v29  }
0x2e0: {  	[tilespmem:s3+$0xFFFFFFE0] =	vst v1;
	v1 =	vmul.f32 v21, v5  }
0x2e1: {  	v30 =	vld [tilespmem:s3+$0x60];
	v35 =	vmul.f32 v28, v5;
	[tilespmem:s3+$0x30] =	vst v32  }
0x2e2: {  	v45 =	vld [tilespmem:s3+$0x110];
	[tilespmem:s3+$0x0] =	vst v1;
	v1 =	vmul.f32 v24, v5  }
0x2e3: {  	v33 =	vld [tilespmem:s3+$0x80];
	v43 =	vmul.f32 v37, v4;
	[tilespmem:s3+$0x50] =	vst v35  }
0x2e4: {  	v48 =	vld [tilespmem:s3+$0x130];
	[tilespmem:s3+$0x20] =	vst v1;
	v1 =	vmul.f32 v27, v5  }
0x2e5: {  	[tilespmem:s3+$0xB0] =	vst v43;
	v36 =	vld [tilespmem:s3+$0xA0]  }
0x2e6: {  	v34 =	vld [tilespmem:s3+$0x90];
	[tilespmem:s3+$0x40] =	vst v1;
	v1 =	vmul.f32 v30, v5  }
0x2e7: {  	v38 =	vld [tilespmem:s3+$0xC0];
	v51 =	vmul.f32 v45, v3;
	[tilespmem:s3+$0x170] =	vst v13  }
0x2e8: {  	v16 =	vld [tilespmem:s3+$0xFFFFFFD0];
	[tilespmem:s3+$0x60] =	vst v1;
	v1 =	vmul.f32 v33, v4  }
0x2e9: {  	v41 =	vld [tilespmem:s3+$0xE0];
	v54 =	vmul.f32 v48, v3;
	[tilespmem:s3+$0x110] =	vst v51  }
0x2ea: {  	v39 =	vld [tilespmem:s3+$0xD0];
	[tilespmem:s3+$0x80] =	vst v1;
	v1 =	vmul.f32 v36, v4  }
0x2eb: {  	[tilespmem:s3+$0x130] =	vst v54;
	v40 =	vmul.f32 v34, v4;
	v44 =	vld [tilespmem:s3+$0x100]  }
0x2ec: {  	v50 =	vld [tilespmem:s3+$0x150];
	[tilespmem:s3+$0xA0] =	vst v1;
	v1 =	vmul.f32 v38, v4  }
0x2ed: {  	[tilespmem:s3+$0x90] =	vst v40;
	v23 =	vmul.f32 v16, v12;
	v47 =	vld [tilespmem:s3+$0x120]  }
0x2ee: {  	v53 =	vld [tilespmem:s3+$0x180];
	[tilespmem:s3+$0xC0] =	vst v1;
	v1 =	vmul.f32 v41, v4  }
0x2ef: {  	v49 =	vld [tilespmem:s3+$0x140];
	v46 =	vmul.f32 v39, v4;
	[tilespmem:s3+$0xFFFFFFD0] =	vst v23  }
0x2f0: {  	v56 =	vld [tilespmem:s3+$0x1A0];
	[tilespmem:s3+$0xE0] =	vst v1;
	v1 =	vmul.f32 v44, v3  }
0x2f1: {  	v52 =	vld [tilespmem:s3+$0x160];
	[tilespmem:s3+$0xD0] =	vst v46;
	v57 =	vmul.f32 v50, v3  }
0x2f2: {  	v31 =	vld [tilespmem:s3+$0x70];
	[tilespmem:s3+$0x100] =	vst v1;
	v1 =	vmul.f32 v47, v3  }
0x2f3: {  	v55 =	vld [tilespmem:s3+$0x190];
	[tilespmem:s3+$0x150] =	vst v57;
	v59 =	vmul.f32 v53, v2  }
0x2f4: {  	v42 =	vld [tilespmem:s3+$0xF0];
	[tilespmem:s3+$0x120] =	vst v1;
	v1 =	vmul.f32 v49, v3  }
0x2f5: {  	v58 =	vld [tilespmem:s3+$0x1B0];
	[tilespmem:s3+$0x180] =	vst v59;
	v62 =	vmul.f32 v56, v2  }
0x2f6: {  	[tilespmem:s3+$0x140] =	vst v1;
	v1 =	vmul.f32 v52, v3;
	v3 =	vld [tilespmem:s3+$0x1C0]  }
0x2f7: {  	v60 =	vld [tilespmem:s3+$0x1D0];
	[tilespmem:s3+$0x1A0] =	vst v62;
	v5 =	vmul.f32 v31, v5  }
0x2f8: {  	v61 =	vld [tilespmem:s3+$0x1E0];
	[tilespmem:s3+$0x160] =	vst v1;
	v1 =	vmul.f32 v55, v2  }
0x2f9: {  	v63 =	vld [tilespmem:s3+$0x1F0];
	[tilespmem:s3+$0x70] =	vst v5;
	v4 =	vmul.f32 v42, v4  }
0x2fa: {  	[tilespmem:s3+$0x190] =	vst v1;
	v1 =	vmul.f32 v58, v2  }
0x2fb: {  	[tilespmem:s3+$0xF0] =	vst v4;
	v3 =	vmul.f32 v3, v2  }
0x2fc: {  	[tilespmem:s3+$0x1B0] =	vst v1;
	v1 =	vmul.f32 v60, v2  }
.Ltmp13:
0x2fd: {  	[tilespmem:s3+$0x1C0] =	vst v3;
	v3 =	vmul.f32 v61, v2;
	(pc) =	sbr.rel .LBB2_20-.Ltmp13, $4  }
0x2fe: {  	[tilespmem:s3+$0x1D0] =	vst v1;
	v1 =	vmul.f32 v63, v2  }
0x2ff: {  	[tilespmem:s3+$0x1E0] =	vst v3  }
0x300: {  	[tilespmem:s3+$0x1F0] =	vst v1  }
0x301: {  	[spmem:s1] =	stream.indirect.scatter.add.f32 [tilespmem:s11], [sflag:$0x4], $0x80, s14, s29, $0xb8;
	[tilespmem:$0x1DE78] =	vst v63  }
.LBB2_22:
0x302: {  	_ =	sfence.sel $0x180000  }
0x303: {  	[bflag:$0x0] =	sbarrier.arrive $0xFFFF  }
0x304: {  	_ =	strace $0x90000047  }
0x305: {  	[bflag:$0x2] =	sbarrier.arrive $0xFFFF  }
0x306: {  	p0 =	sne.s32 s22, $0x0;
	s0 =	rddreg [dreg:$0x3]  }
0x307: {  	s0 =	sadd.s32 @!p0 $0x100000, s0  }
0x308: {  	[sflag:s0] =	ssyncadd.tile.s32 @!p0 $0x1;
	_ =	shalt  }
.Lfunc_end2:
_tile_overlayer_lowered:
.L_overlay_start_2:
0x309: {  	(tag) =	ssettag $0x2  }
0x30a: {  	s0 =	rddreg [dreg:$0x0];
	s2 =	stileid.u32  }
0x30b: {  	s1 =	rddreg [dreg:$0x1];
	p0 =	sne.s32 s2, $0x0  }
0x30c: {  	s3 =	rddreg [dreg:$0x2];
	[bflag:$0x3] =	sbarrier.arrive $0xFFFF;
	s2 =	simm.s32 @!p0 $0x1C07  }
0x30d: {  	[timem:s3], [sflag:s2] =	dma.local @!p0 [hbm:s0], s1  }
0x30e: {  	s0 =	simm.s32 @!p0 $0x7  }
0x30f: {  	_ =	swait.ge @!p0 [sflag:s0], s1  }
0x310: {  	s1 =	ssub.s32 @!p0 $0x0, s1;
	[sflag:s0] =	ssyncset.done @!p0 $0x0  }
0x311: {  	[sflag:s0] =	ssyncadd.s32 @!p0 s1  }
0x312: {  	[bflag:$0x3] =	sbarrier.arrive $0xFFFF  }
0x313: {  	_ =	shalt  }

</sc_bundles>
